<compile_context>
chip_gen: v7x
topology: tpu7x:2x2x1
jax: 0.10.2.dev20260603
libtpu: 0.0.44.dev20260713+nightly
codegen_flags: <defaults>
</compile_context>

<pallas_src>
import functools

import jax
import jax.numpy as jnp
from jax import lax
from jax.experimental import pallas as pl
from jax.experimental.pallas import tpu as pltpu
from jax.experimental.pallas import tpu_sc as plsc

T = 16384
D = 64
NCORES = 2
NSUB = 16
NW = NCORES * NSUB
TPW = T // NW
CHUNK = 128
NCHUNK = TPW // CHUNK


def _sc_gather(x_domain, a_head, a_tail, a_pids, constant_table,
               predicate_table):
  mesh = plsc.VectorSubcoreMesh(core_axis_name="c", subcore_axis_name="s")

  @functools.partial(
      pl.kernel,
      out_type=(
          jax.ShapeDtypeStruct((T, D), jnp.float32),
          jax.ShapeDtypeStruct((T, D), jnp.float32),
          jax.ShapeDtypeStruct((T, D), jnp.float32),
      ),
      mesh=mesh,
      compiler_params=pltpu.CompilerParams(needs_layout_passes=False),
      scratch_types=[
          pltpu.VMEM((TPW,), jnp.int32),
          pltpu.VMEM((TPW,), jnp.int32),
          pltpu.VMEM((TPW,), jnp.int32),
          pltpu.VMEM((TPW,), jnp.int32),
          pltpu.VMEM((TPW,), jnp.int32),
          pltpu.VMEM((CHUNK, D), jnp.float32),
          pltpu.VMEM((CHUNK, D), jnp.float32),
          pltpu.VMEM((CHUNK, D), jnp.float32),
          pltpu.VMEM((CHUNK, D), jnp.float32),
          pltpu.VMEM((CHUNK, D), jnp.float32),
          pltpu.VMEM((CHUNK, D), jnp.float32),
          pltpu.SemaphoreType.DMA,
          pltpu.SemaphoreType.DMA,
          pltpu.SemaphoreType.DMA,
      ],
  )
  def k(xdom_hbm, ah_hbm, at_hbm, ap_hbm, ctab_hbm, ptab_hbm,
        p_out, h_out, t_out,
        hidx_v, tidx_v, pidx_v, chidx_v, ctidx_v,
        hrows0_v, trows0_v, prows0_v, hrows1_v, trows1_v, prows1_v,
        sem_g, sem_r0, sem_r1):
    wid = lax.axis_index("s") * NCORES + lax.axis_index("c")
    base0 = wid * TPW
    rows = ((hrows0_v, trows0_v, prows0_v), (hrows1_v, trows1_v, prows1_v))
    sems = (sem_r0, sem_r1)
    pltpu.sync_copy(ah_hbm.at[pl.ds(base0, TPW)], hidx_v)
    pltpu.sync_copy(at_hbm.at[pl.ds(base0, TPW)], tidx_v)
    pltpu.sync_copy(ap_hbm.at[pl.ds(base0, TPW)], pidx_v)
    composes = []
    for c in range(NCHUNK):
      sl = pl.ds(c * CHUNK, CHUNK)
      composes.append(
          pltpu.async_copy(xdom_hbm.at[hidx_v.at[sl]], chidx_v.at[sl], sem_g))
      composes.append(
          pltpu.async_copy(xdom_hbm.at[tidx_v.at[sl]], ctidx_v.at[sl], sem_g))
    for cp in composes:
      cp.wait()

    def fire(c, buf):
      hrows_v, trows_v, prows_v = rows[buf]
      sem = sems[buf]

      def fire_group(j, _):
        g = c * CHUNK + j * 16
        o = j * 16
        ch16 = chidx_v[pl.ds(g, 16)]
        ct16 = ctidx_v[pl.ds(g, 16)]
        pi16 = pidx_v[pl.ds(g, 16)]
        for l in range(16):
          pltpu.async_copy(ctab_hbm.at[pl.ds(ch16[l], 1), :],
                           hrows_v.at[pl.ds(o + l, 1), :], sem)
          pltpu.async_copy(ctab_hbm.at[pl.ds(ct16[l], 1), :],
                           trows_v.at[pl.ds(o + l, 1), :], sem)
          pltpu.async_copy(ptab_hbm.at[pl.ds(pi16[l], 1), :],
                           prows_v.at[pl.ds(o + l, 1), :], sem)
        return _

      lax.fori_loop(0, CHUNK // 16, fire_group, None)

    def drain_and_store(c, buf):
      hrows_v, trows_v, prows_v = rows[buf]
      sem = sems[buf]

      def drain(i, _):
        pltpu.make_async_copy(ctab_hbm.at[pl.ds(0, 1), :],
                              hrows_v.at[pl.ds(0, 1), :], sem).wait()
        pltpu.make_async_copy(ctab_hbm.at[pl.ds(0, 1), :],
                              trows_v.at[pl.ds(0, 1), :], sem).wait()
        pltpu.make_async_copy(ptab_hbm.at[pl.ds(0, 1), :],
                              prows_v.at[pl.ds(0, 1), :], sem).wait()
        return _

      lax.fori_loop(0, CHUNK, drain, None)
      base = base0 + c * CHUNK
      pltpu.sync_copy(hrows_v, h_out.at[pl.ds(base, CHUNK)])
      pltpu.sync_copy(trows_v, t_out.at[pl.ds(base, CHUNK)])
      pltpu.sync_copy(prows_v, p_out.at[pl.ds(base, CHUNK)])

    fire(0, 0)
    for c in range(1, NCHUNK):
      fire(c, c % 2)
      drain_and_store(c - 1, (c - 1) % 2)
    drain_and_store(NCHUNK - 1, (NCHUNK - 1) % 2)

  return k(x_domain, a_head, a_tail, a_pids, constant_table, predicate_table)


VOCAB = 1000000
TBLK = 40960


def _tc_transpose(ct_t):
  grid = (VOCAB + TBLK - 1) // TBLK
  return pl.pallas_call(
      lambda x_ref, o_ref: o_ref.__setitem__(
          (slice(None), slice(None)), x_ref[...].T),
      grid=(grid,),
      in_specs=[pl.BlockSpec((D, TBLK), lambda i: (0, i))],
      out_specs=pl.BlockSpec((TBLK, D), lambda i: (i, 0)),
      out_shape=jax.ShapeDtypeStruct((VOCAB, D), jnp.float32),
      compiler_params=pltpu.CompilerParams(
          vmem_limit_bytes=110 * 1024 * 1024),
  )(ct_t)


BT = 4096


def _tc_mlp_body(p_ref, h_ref, t_ref, w1_ref, b1_ref, wot_ref, bo_ref,
                 embt_ref, out_ref):
  atom_in = jnp.concatenate([p_ref[...], h_ref[...], t_ref[...]], axis=1)
  acc = jnp.dot(atom_in, w1_ref[...], preferred_element_type=jnp.float32)
  emb_t = jnp.tanh(acc + b1_ref[...]).T
  embt_ref[...] = emb_t
  logit = jnp.dot(wot_ref[...], emb_t, preferred_element_type=jnp.float32)
  out_ref[...] = jax.nn.sigmoid(logit + bo_ref[...])


def _tc_mlp(p_emb, h_emb, t_emb, W1, b1, Wout_t, b_out):
  b1_2d = b1.reshape(1, D)
  bo_2d = b_out.reshape(1, 1)
  row_spec = pl.BlockSpec((BT, D), lambda i: (i, 0))
  full = lambda shape: pl.BlockSpec(shape, lambda i: (0,) * len(shape))
  emb_t, out_t = pl.pallas_call(
      _tc_mlp_body,
      grid=(T // BT,),
      in_specs=[
          row_spec, row_spec, row_spec,
          full((3 * D, D)), full((1, D)), full((1, D)), full((1, 1)),
      ],
      out_specs=[pl.BlockSpec((D, BT), lambda i: (0, i)),
                 pl.BlockSpec((1, BT), lambda i: (0, i))],
      out_shape=[
          jax.ShapeDtypeStruct((D, T), jnp.float32),
          jax.ShapeDtypeStruct((1, T), jnp.float32),
      ],
  )(p_emb, h_emb, t_emb, W1, b1_2d, Wout_t, bo_2d)
  return emb_t, out_t


def kernel(X_domain, A_idx, A_pids, constant_table, predicate_table, W1, b1,
           W_out, b_out):
  a_head = A_idx[:, 0]
  a_tail = A_idx[:, 1]
  ct_row = _tc_transpose(constant_table.T)
  p_emb, h_emb, t_emb = _sc_gather(
      X_domain, a_head, a_tail, A_pids, ct_row, predicate_table)
  emb_t, out_t = _tc_mlp(p_emb, h_emb, t_emb, W1, b1, W_out.T, b_out)
  return out_t.T[:, :, None], emb_t.T

# --- scband reference (transcript-rebuilt; emitter-appended) ---
"""Pipeline reference for scband-kgemodel-72112500900097 (READ-ONLY COPY).

The authoritative reference and input builder live on the scoring server;
editing this copy changes nothing except your own understanding.
"""

import jax, jax.numpy as jnp
import numpy as np

VOCAB = 1000000
P = 100
D_C = 64
D_P = 64
D_A = 64
NC = 16384
T = 16384

def setup_inputs(seed: int = 0) -> dict:
    key = jax.random.key(seed)
    ks = jax.random.split(key, 10)
    inp = {}
    # forward index inputs (int32 for portability on CPU jax without x64)
    inp['X_domain'] = jax.random.randint(ks[0], (NC,), 0, VOCAB, dtype=jnp.int32)
    inp['A_idx'] = jax.random.randint(ks[1], (T, 2), 0, NC, dtype=jnp.int32)
    inp['A_pids'] = jax.random.randint(ks[2], (T,), 0, P, dtype=jnp.int32)
    # learned parameters
    inp['constant_table'] = jax.random.normal(ks[3], (VOCAB, D_C), dtype=jnp.float32) * 0.05
    inp['predicate_table'] = jax.random.normal(ks[4], (P, D_P), dtype=jnp.float32) * 0.05
    inp['W1'] = jax.random.normal(ks[5], (D_P + 2 * D_C, D_A), dtype=jnp.float32) * (1.0 / np.sqrt(D_P + 2 * D_C))
    inp['b1'] = jnp.zeros((D_A,), dtype=jnp.float32)
    inp['W_out'] = jax.random.normal(ks[6], (D_A, 1), dtype=jnp.float32) * (1.0 / np.sqrt(D_A))
    inp['b_out'] = jnp.zeros((1,), dtype=jnp.float32)
    return inp


def reference(X_domain, A_idx, A_pids, constant_table, predicate_table, W1, b1, W_out, b_out):
    # ConstantEmbeddings: gather constant embeddings for the serialized constants in this batch
    const_emb = jnp.take(constant_table, X_domain, axis=0)            # [NC, D_C]
    # PredicateEmbeddings over all predicates, then per-triplet repeat == gather by predicate id
    pred_emb_all = predicate_table                                     # [P, D_P]
    p_emb = jnp.take(pred_emb_all, A_pids, axis=0)                     # [T, D_P]
    # create_triplets: gather constant embeddings for each triplet position (arity 2)
    c_emb = jnp.take(const_emb, A_idx, axis=0)                         # [T, 2, D_C]
    t = c_emb.shape[0]
    # kge_embedder: dense atom embedding over concat(pred, head, tail)
    atom_in = jnp.concatenate([p_emb, c_emb.reshape(t, -1)], axis=-1)  # [T, D_P + 2*D_C]
    atom_embeddings = jnp.tanh(atom_in @ W1 + b1)                      # [T, D_A]
    # output_layer: sigmoid truth-value head, then expand_dims(-1)
    atom_outputs = jax.nn.sigmoid(atom_embeddings @ W_out + b_out)     # [T, 1]
    atom_outputs = jnp.expand_dims(atom_outputs, -1)                   # [T, 1, 1]
    return (atom_outputs, atom_embeddings)

if __name__ == "__main__":
    import jax
    _d = setup_inputs()
    print(jax.jit(kernel)(*tuple(_d.values())))

</pallas_src>

<mosaic_0001>
#map = affine_map<(d0, d1) -> (0)>
#map1 = affine_map<(d0, d1) -> (0, 0)>
module attributes {stable_mosaic.version = 14 : i64} {
  func.func @k(%arg0: i32, %arg1: i32, %arg2: memref<16384xi32, #tpu.memory_space<hbm>>, %arg3: memref<16384xi32, #tpu.memory_space<hbm>>, %arg4: memref<16384xi32, #tpu.memory_space<hbm>>, %arg5: memref<16384xi32, #tpu.memory_space<hbm>>, %arg6: memref<1000000x64xf32, #tpu.memory_space<hbm>>, %arg7: memref<100x64xf32, #tpu.memory_space<hbm>>, %arg8: memref<16384x64xf32, #tpu.memory_space<hbm>>, %arg9: memref<16384x64xf32, #tpu.memory_space<hbm>>, %arg10: memref<16384x64xf32, #tpu.memory_space<hbm>>, %arg11: memref<512xi32, #tpu.memory_space<vmem>>, %arg12: memref<512xi32, #tpu.memory_space<vmem>>, %arg13: memref<512xi32, #tpu.memory_space<vmem>>, %arg14: memref<512xi32, #tpu.memory_space<vmem>>, %arg15: memref<512xi32, #tpu.memory_space<vmem>>, %arg16: memref<128x64xf32, #tpu.memory_space<vmem>>, %arg17: memref<128x64xf32, #tpu.memory_space<vmem>>, %arg18: memref<128x64xf32, #tpu.memory_space<vmem>>, %arg19: memref<128x64xf32, #tpu.memory_space<vmem>>, %arg20: memref<128x64xf32, #tpu.memory_space<vmem>>, %arg21: memref<128x64xf32, #tpu.memory_space<vmem>>, %arg22: memref<!tpu.dma_semaphore, #tpu.memory_space<semaphore_mem>>, %arg23: memref<!tpu.dma_semaphore, #tpu.memory_space<semaphore_mem>>, %arg24: memref<!tpu.dma_semaphore, #tpu.memory_space<semaphore_mem>>) attributes {dimension_semantics = [#tpu.dimension_semantics<core_parallel>, #tpu.dimension_semantics<subcore_parallel>], iteration_bounds = array<i64: 2, 16>, scalar_prefetch = 0 : i64, scratch_operands = 14 : i64, tpu.core_type = #tpu.core_type<sc_vector_subcore>, window_params = [{transform_indices = #map}, {transform_indices = #map}, {transform_indices = #map}, {transform_indices = #map}, {transform_indices = #map1}, {transform_indices = #map1}, {transform_indices = #map1}, {transform_indices = #map1}, {transform_indices = #map1}]} {
    %mul3A = arith.constant 2 : i32
    %mul3A_0 = arith.muli %arg1, %mul3A : i32
    %add3A = arith.addi %mul3A_0, %arg0 : i32
    %mul3A_1 = arith.constant 512 : i32
    %mul3A_2 = arith.muli %add3A, %mul3A_1 : i32
    "tpu.region"() ({
      %run_scoped3A = tpu.sem_alloc : memref<!tpu.dma_semaphore, #tpu.memory_space<semaphore_mem>>
      %dma_start3A_144 = tpu.memref_slice %arg3[%mul3A_2] : memref<16384xi32, #tpu.memory_space<hbm>> -> memref<512xi32, #tpu.memory_space<hbm>>
      %dma_start3A_145 = tpu.memref_slice %arg3[%mul3A_2] : memref<16384xi32, #tpu.memory_space<hbm>> -> memref<512xi32, #tpu.memory_space<hbm>>
      tpu.enqueue_dma source(%dma_start3A_145 : memref<512xi32, #tpu.memory_space<hbm>>) target(%arg11 : memref<512xi32, #tpu.memory_space<vmem>>) target_semaphore(%run_scoped3A : memref<!tpu.dma_semaphore, #tpu.memory_space<semaphore_mem>>)
      %dma_wait3A_146 = tpu.memref_slice %arg3[%mul3A_2] : memref<16384xi32, #tpu.memory_space<hbm>> -> memref<512xi32, #tpu.memory_space<hbm>>
      %dma_wait3A_147 = tpu.memref_slice %arg3[%mul3A_2] : memref<16384xi32, #tpu.memory_space<hbm>> -> memref<512xi32, #tpu.memory_space<hbm>>
      tpu.wait_dma2 semaphore(%run_scoped3A : memref<!tpu.dma_semaphore, #tpu.memory_space<semaphore_mem>>) src(%dma_wait3A_147 : memref<512xi32, #tpu.memory_space<hbm>>) dst(%arg11 : memref<512xi32, #tpu.memory_space<vmem>>)
      tpu.yield
    }) : () -> ()
    "tpu.region"() ({
      %run_scoped3A = tpu.sem_alloc : memref<!tpu.dma_semaphore, #tpu.memory_space<semaphore_mem>>
      %dma_start3A_144 = tpu.memref_slice %arg4[%mul3A_2] : memref<16384xi32, #tpu.memory_space<hbm>> -> memref<512xi32, #tpu.memory_space<hbm>>
      %dma_start3A_145 = tpu.memref_slice %arg4[%mul3A_2] : memref<16384xi32, #tpu.memory_space<hbm>> -> memref<512xi32, #tpu.memory_space<hbm>>
      tpu.enqueue_dma source(%dma_start3A_145 : memref<512xi32, #tpu.memory_space<hbm>>) target(%arg12 : memref<512xi32, #tpu.memory_space<vmem>>) target_semaphore(%run_scoped3A : memref<!tpu.dma_semaphore, #tpu.memory_space<semaphore_mem>>)
      %dma_wait3A_146 = tpu.memref_slice %arg4[%mul3A_2] : memref<16384xi32, #tpu.memory_space<hbm>> -> memref<512xi32, #tpu.memory_space<hbm>>
      %dma_wait3A_147 = tpu.memref_slice %arg4[%mul3A_2] : memref<16384xi32, #tpu.memory_space<hbm>> -> memref<512xi32, #tpu.memory_space<hbm>>
      tpu.wait_dma2 semaphore(%run_scoped3A : memref<!tpu.dma_semaphore, #tpu.memory_space<semaphore_mem>>) src(%dma_wait3A_147 : memref<512xi32, #tpu.memory_space<hbm>>) dst(%arg12 : memref<512xi32, #tpu.memory_space<vmem>>)
      tpu.yield
    }) : () -> ()
    "tpu.region"() ({
      %run_scoped3A = tpu.sem_alloc : memref<!tpu.dma_semaphore, #tpu.memory_space<semaphore_mem>>
      %dma_start3A_144 = tpu.memref_slice %arg5[%mul3A_2] : memref<16384xi32, #tpu.memory_space<hbm>> -> memref<512xi32, #tpu.memory_space<hbm>>
      %dma_start3A_145 = tpu.memref_slice %arg5[%mul3A_2] : memref<16384xi32, #tpu.memory_space<hbm>> -> memref<512xi32, #tpu.memory_space<hbm>>
      tpu.enqueue_dma source(%dma_start3A_145 : memref<512xi32, #tpu.memory_space<hbm>>) target(%arg13 : memref<512xi32, #tpu.memory_space<vmem>>) target_semaphore(%run_scoped3A : memref<!tpu.dma_semaphore, #tpu.memory_space<semaphore_mem>>)
      %dma_wait3A_146 = tpu.memref_slice %arg5[%mul3A_2] : memref<16384xi32, #tpu.memory_space<hbm>> -> memref<512xi32, #tpu.memory_space<hbm>>
      %dma_wait3A_147 = tpu.memref_slice %arg5[%mul3A_2] : memref<16384xi32, #tpu.memory_space<hbm>> -> memref<512xi32, #tpu.memory_space<hbm>>
      tpu.wait_dma2 semaphore(%run_scoped3A : memref<!tpu.dma_semaphore, #tpu.memory_space<semaphore_mem>>) src(%dma_wait3A_147 : memref<512xi32, #tpu.memory_space<hbm>>) dst(%arg13 : memref<512xi32, #tpu.memory_space<vmem>>)
      tpu.yield
    }) : () -> ()
    %dma_start3A = arith.constant 0 : i32
    %dma_start3A_3 = tpu.memref_slice %arg14[%dma_start3A] : memref<512xi32, #tpu.memory_space<vmem>> -> memref<128xi32, #tpu.memory_space<vmem>>
    %dma_start3A_4 = arith.constant 0 : i32
    %dma_start3A_5 = tpu.memref_slice %arg11[%dma_start3A_4] : memref<512xi32, #tpu.memory_space<vmem>> -> memref<128xi32, #tpu.memory_space<vmem>>
    %dma_start3A_6 = arith.constant 0 : i32
    %dma_start3A_7 = tpu.memref_slice %arg2[%dma_start3A_6] : memref<16384xi32, #tpu.memory_space<hbm>> -> memref<16384xi32, #tpu.memory_space<hbm>>
    tpu.enqueue_indirect_dma source(%dma_start3A_7 : memref<16384xi32, #tpu.memory_space<hbm>>) target(%dma_start3A_3 : memref<128xi32, #tpu.memory_space<vmem>>) offsets(%dma_start3A_5 : memref<128xi32, #tpu.memory_space<vmem>>) semaphore(%arg22 : memref<!tpu.dma_semaphore, #tpu.memory_space<semaphore_mem>>)
    %dma_start3A_8 = arith.constant 0 : i32
    %dma_start3A_9 = tpu.memref_slice %arg15[%dma_start3A_8] : memref<512xi32, #tpu.memory_space<vmem>> -> memref<128xi32, #tpu.memory_space<vmem>>
    %dma_start3A_10 = arith.constant 0 : i32
    %dma_start3A_11 = tpu.memref_slice %arg12[%dma_start3A_10] : memref<512xi32, #tpu.memory_space<vmem>> -> memref<128xi32, #tpu.memory_space<vmem>>
    %dma_start3A_12 = arith.constant 0 : i32
    %dma_start3A_13 = tpu.memref_slice %arg2[%dma_start3A_12] : memref<16384xi32, #tpu.memory_space<hbm>> -> memref<16384xi32, #tpu.memory_space<hbm>>
    tpu.enqueue_indirect_dma source(%dma_start3A_13 : memref<16384xi32, #tpu.memory_space<hbm>>) target(%dma_start3A_9 : memref<128xi32, #tpu.memory_space<vmem>>) offsets(%dma_start3A_11 : memref<128xi32, #tpu.memory_space<vmem>>) semaphore(%arg22 : memref<!tpu.dma_semaphore, #tpu.memory_space<semaphore_mem>>)
    %dma_start3A_14 = arith.constant 128 : i32
    %dma_start3A_15 = tpu.memref_slice %arg14[%dma_start3A_14] : memref<512xi32, #tpu.memory_space<vmem>> -> memref<128xi32, #tpu.memory_space<vmem>>
    %dma_start3A_16 = arith.constant 128 : i32
    %dma_start3A_17 = tpu.memref_slice %arg11[%dma_start3A_16] : memref<512xi32, #tpu.memory_space<vmem>> -> memref<128xi32, #tpu.memory_space<vmem>>
    %dma_start3A_18 = arith.constant 0 : i32
    %dma_start3A_19 = tpu.memref_slice %arg2[%dma_start3A_18] : memref<16384xi32, #tpu.memory_space<hbm>> -> memref<16384xi32, #tpu.memory_space<hbm>>
    tpu.enqueue_indirect_dma source(%dma_start3A_19 : memref<16384xi32, #tpu.memory_space<hbm>>) target(%dma_start3A_15 : memref<128xi32, #tpu.memory_space<vmem>>) offsets(%dma_start3A_17 : memref<128xi32, #tpu.memory_space<vmem>>) semaphore(%arg22 : memref<!tpu.dma_semaphore, #tpu.memory_space<semaphore_mem>>)
    %dma_start3A_20 = arith.constant 128 : i32
    %dma_start3A_21 = tpu.memref_slice %arg15[%dma_start3A_20] : memref<512xi32, #tpu.memory_space<vmem>> -> memref<128xi32, #tpu.memory_space<vmem>>
    %dma_start3A_22 = arith.constant 128 : i32
    %dma_start3A_23 = tpu.memref_slice %arg12[%dma_start3A_22] : memref<512xi32, #tpu.memory_space<vmem>> -> memref<128xi32, #tpu.memory_space<vmem>>
    %dma_start3A_24 = arith.constant 0 : i32
    %dma_start3A_25 = tpu.memref_slice %arg2[%dma_start3A_24] : memref<16384xi32, #tpu.memory_space<hbm>> -> memref<16384xi32, #tpu.memory_space<hbm>>
    tpu.enqueue_indirect_dma source(%dma_start3A_25 : memref<16384xi32, #tpu.memory_space<hbm>>) target(%dma_start3A_21 : memref<128xi32, #tpu.memory_space<vmem>>) offsets(%dma_start3A_23 : memref<128xi32, #tpu.memory_space<vmem>>) semaphore(%arg22 : memref<!tpu.dma_semaphore, #tpu.memory_space<semaphore_mem>>)
    %dma_start3A_26 = arith.constant 256 : i32
    %dma_start3A_27 = tpu.memref_slice %arg14[%dma_start3A_26] : memref<512xi32, #tpu.memory_space<vmem>> -> memref<128xi32, #tpu.memory_space<vmem>>
    %dma_start3A_28 = arith.constant 256 : i32
    %dma_start3A_29 = tpu.memref_slice %arg11[%dma_start3A_28] : memref<512xi32, #tpu.memory_space<vmem>> -> memref<128xi32, #tpu.memory_space<vmem>>
    %dma_start3A_30 = arith.constant 0 : i32
    %dma_start3A_31 = tpu.memref_slice %arg2[%dma_start3A_30] : memref<16384xi32, #tpu.memory_space<hbm>> -> memref<16384xi32, #tpu.memory_space<hbm>>
    tpu.enqueue_indirect_dma source(%dma_start3A_31 : memref<16384xi32, #tpu.memory_space<hbm>>) target(%dma_start3A_27 : memref<128xi32, #tpu.memory_space<vmem>>) offsets(%dma_start3A_29 : memref<128xi32, #tpu.memory_space<vmem>>) semaphore(%arg22 : memref<!tpu.dma_semaphore, #tpu.memory_space<semaphore_mem>>)
    %dma_start3A_32 = arith.constant 256 : i32
    %dma_start3A_33 = tpu.memref_slice %arg15[%dma_start3A_32] : memref<512xi32, #tpu.memory_space<vmem>> -> memref<128xi32, #tpu.memory_space<vmem>>
    %dma_start3A_34 = arith.constant 256 : i32
    %dma_start3A_35 = tpu.memref_slice %arg12[%dma_start3A_34] : memref<512xi32, #tpu.memory_space<vmem>> -> memref<128xi32, #tpu.memory_space<vmem>>
    %dma_start3A_36 = arith.constant 0 : i32
    %dma_start3A_37 = tpu.memref_slice %arg2[%dma_start3A_36] : memref<16384xi32, #tpu.memory_space<hbm>> -> memref<16384xi32, #tpu.memory_space<hbm>>
    tpu.enqueue_indirect_dma source(%dma_start3A_37 : memref<16384xi32, #tpu.memory_space<hbm>>) target(%dma_start3A_33 : memref<128xi32, #tpu.memory_space<vmem>>) offsets(%dma_start3A_35 : memref<128xi32, #tpu.memory_space<vmem>>) semaphore(%arg22 : memref<!tpu.dma_semaphore, #tpu.memory_space<semaphore_mem>>)
    %dma_start3A_38 = arith.constant 384 : i32
    %dma_start3A_39 = tpu.memref_slice %arg14[%dma_start3A_38] : memref<512xi32, #tpu.memory_space<vmem>> -> memref<128xi32, #tpu.memory_space<vmem>>
    %dma_start3A_40 = arith.constant 384 : i32
    %dma_start3A_41 = tpu.memref_slice %arg11[%dma_start3A_40] : memref<512xi32, #tpu.memory_space<vmem>> -> memref<128xi32, #tpu.memory_space<vmem>>
    %dma_start3A_42 = arith.constant 0 : i32
    %dma_start3A_43 = tpu.memref_slice %arg2[%dma_start3A_42] : memref<16384xi32, #tpu.memory_space<hbm>> -> memref<16384xi32, #tpu.memory_space<hbm>>
    tpu.enqueue_indirect_dma source(%dma_start3A_43 : memref<16384xi32, #tpu.memory_space<hbm>>) target(%dma_start3A_39 : memref<128xi32, #tpu.memory_space<vmem>>) offsets(%dma_start3A_41 : memref<128xi32, #tpu.memory_space<vmem>>) semaphore(%arg22 : memref<!tpu.dma_semaphore, #tpu.memory_space<semaphore_mem>>)
    %dma_start3A_44 = arith.constant 384 : i32
    %dma_start3A_45 = tpu.memref_slice %arg15[%dma_start3A_44] : memref<512xi32, #tpu.memory_space<vmem>> -> memref<128xi32, #tpu.memory_space<vmem>>
    %dma_start3A_46 = arith.constant 384 : i32
    %dma_start3A_47 = tpu.memref_slice %arg12[%dma_start3A_46] : memref<512xi32, #tpu.memory_space<vmem>> -> memref<128xi32, #tpu.memory_space<vmem>>
    %dma_start3A_48 = arith.constant 0 : i32
    %dma_start3A_49 = tpu.memref_slice %arg2[%dma_start3A_48] : memref<16384xi32, #tpu.memory_space<hbm>> -> memref<16384xi32, #tpu.memory_space<hbm>>
    tpu.enqueue_indirect_dma source(%dma_start3A_49 : memref<16384xi32, #tpu.memory_space<hbm>>) target(%dma_start3A_45 : memref<128xi32, #tpu.memory_space<vmem>>) offsets(%dma_start3A_47 : memref<128xi32, #tpu.memory_space<vmem>>) semaphore(%arg22 : memref<!tpu.dma_semaphore, #tpu.memory_space<semaphore_mem>>)
    %dma_wait3A = arith.constant 0 : i32
    %dma_wait3A_50 = tpu.memref_slice %arg14[%dma_wait3A] : memref<512xi32, #tpu.memory_space<vmem>> -> memref<128xi32, #tpu.memory_space<vmem>>
    %dma_wait3A_51 = arith.constant 0 : i32
    %dma_wait3A_52 = tpu.memref_slice %arg11[%dma_wait3A_51] : memref<512xi32, #tpu.memory_space<vmem>> -> memref<128xi32, #tpu.memory_space<vmem>>
    %dma_wait3A_53 = arith.constant 0 : i32
    %dma_wait3A_54 = tpu.memref_slice %arg2[%dma_wait3A_53] : memref<16384xi32, #tpu.memory_space<hbm>> -> memref<16384xi32, #tpu.memory_space<hbm>>
    tpu.wait_indirect_dma semaphore(%arg22 : memref<!tpu.dma_semaphore, #tpu.memory_space<semaphore_mem>>) src(%dma_wait3A_54 : memref<16384xi32, #tpu.memory_space<hbm>>) dst(%dma_wait3A_50 : memref<128xi32, #tpu.memory_space<vmem>>)
    %dma_wait3A_55 = arith.constant 0 : i32
    %dma_wait3A_56 = tpu.memref_slice %arg15[%dma_wait3A_55] : memref<512xi32, #tpu.memory_space<vmem>> -> memref<128xi32, #tpu.memory_space<vmem>>
    %dma_wait3A_57 = arith.constant 0 : i32
    %dma_wait3A_58 = tpu.memref_slice %arg12[%dma_wait3A_57] : memref<512xi32, #tpu.memory_space<vmem>> -> memref<128xi32, #tpu.memory_space<vmem>>
    %dma_wait3A_59 = arith.constant 0 : i32
    %dma_wait3A_60 = tpu.memref_slice %arg2[%dma_wait3A_59] : memref<16384xi32, #tpu.memory_space<hbm>> -> memref<16384xi32, #tpu.memory_space<hbm>>
    tpu.wait_indirect_dma semaphore(%arg22 : memref<!tpu.dma_semaphore, #tpu.memory_space<semaphore_mem>>) src(%dma_wait3A_60 : memref<16384xi32, #tpu.memory_space<hbm>>) dst(%dma_wait3A_56 : memref<128xi32, #tpu.memory_space<vmem>>)
    %dma_wait3A_61 = arith.constant 128 : i32
    %dma_wait3A_62 = tpu.memref_slice %arg14[%dma_wait3A_61] : memref<512xi32, #tpu.memory_space<vmem>> -> memref<128xi32, #tpu.memory_space<vmem>>
    %dma_wait3A_63 = arith.constant 128 : i32
    %dma_wait3A_64 = tpu.memref_slice %arg11[%dma_wait3A_63] : memref<512xi32, #tpu.memory_space<vmem>> -> memref<128xi32, #tpu.memory_space<vmem>>
    %dma_wait3A_65 = arith.constant 0 : i32
    %dma_wait3A_66 = tpu.memref_slice %arg2[%dma_wait3A_65] : memref<16384xi32, #tpu.memory_space<hbm>> -> memref<16384xi32, #tpu.memory_space<hbm>>
    tpu.wait_indirect_dma semaphore(%arg22 : memref<!tpu.dma_semaphore, #tpu.memory_space<semaphore_mem>>) src(%dma_wait3A_66 : memref<16384xi32, #tpu.memory_space<hbm>>) dst(%dma_wait3A_62 : memref<128xi32, #tpu.memory_space<vmem>>)
    %dma_wait3A_67 = arith.constant 128 : i32
    %dma_wait3A_68 = tpu.memref_slice %arg15[%dma_wait3A_67] : memref<512xi32, #tpu.memory_space<vmem>> -> memref<128xi32, #tpu.memory_space<vmem>>
    %dma_wait3A_69 = arith.constant 128 : i32
    %dma_wait3A_70 = tpu.memref_slice %arg12[%dma_wait3A_69] : memref<512xi32, #tpu.memory_space<vmem>> -> memref<128xi32, #tpu.memory_space<vmem>>
    %dma_wait3A_71 = arith.constant 0 : i32
    %dma_wait3A_72 = tpu.memref_slice %arg2[%dma_wait3A_71] : memref<16384xi32, #tpu.memory_space<hbm>> -> memref<16384xi32, #tpu.memory_space<hbm>>
    tpu.wait_indirect_dma semaphore(%arg22 : memref<!tpu.dma_semaphore, #tpu.memory_space<semaphore_mem>>) src(%dma_wait3A_72 : memref<16384xi32, #tpu.memory_space<hbm>>) dst(%dma_wait3A_68 : memref<128xi32, #tpu.memory_space<vmem>>)
    %dma_wait3A_73 = arith.constant 256 : i32
    %dma_wait3A_74 = tpu.memref_slice %arg14[%dma_wait3A_73] : memref<512xi32, #tpu.memory_space<vmem>> -> memref<128xi32, #tpu.memory_space<vmem>>
    %dma_wait3A_75 = arith.constant 256 : i32
    %dma_wait3A_76 = tpu.memref_slice %arg11[%dma_wait3A_75] : memref<512xi32, #tpu.memory_space<vmem>> -> memref<128xi32, #tpu.memory_space<vmem>>
    %dma_wait3A_77 = arith.constant 0 : i32
    %dma_wait3A_78 = tpu.memref_slice %arg2[%dma_wait3A_77] : memref<16384xi32, #tpu.memory_space<hbm>> -> memref<16384xi32, #tpu.memory_space<hbm>>
    tpu.wait_indirect_dma semaphore(%arg22 : memref<!tpu.dma_semaphore, #tpu.memory_space<semaphore_mem>>) src(%dma_wait3A_78 : memref<16384xi32, #tpu.memory_space<hbm>>) dst(%dma_wait3A_74 : memref<128xi32, #tpu.memory_space<vmem>>)
    %dma_wait3A_79 = arith.constant 256 : i32
    %dma_wait3A_80 = tpu.memref_slice %arg15[%dma_wait3A_79] : memref<512xi32, #tpu.memory_space<vmem>> -> memref<128xi32, #tpu.memory_space<vmem>>
    %dma_wait3A_81 = arith.constant 256 : i32
    %dma_wait3A_82 = tpu.memref_slice %arg12[%dma_wait3A_81] : memref<512xi32, #tpu.memory_space<vmem>> -> memref<128xi32, #tpu.memory_space<vmem>>
    %dma_wait3A_83 = arith.constant 0 : i32
    %dma_wait3A_84 = tpu.memref_slice %arg2[%dma_wait3A_83] : memref<16384xi32, #tpu.memory_space<hbm>> -> memref<16384xi32, #tpu.memory_space<hbm>>
    tpu.wait_indirect_dma semaphore(%arg22 : memref<!tpu.dma_semaphore, #tpu.memory_space<semaphore_mem>>) src(%dma_wait3A_84 : memref<16384xi32, #tpu.memory_space<hbm>>) dst(%dma_wait3A_80 : memref<128xi32, #tpu.memory_space<vmem>>)
    %dma_wait3A_85 = arith.constant 384 : i32
    %dma_wait3A_86 = tpu.memref_slice %arg14[%dma_wait3A_85] : memref<512xi32, #tpu.memory_space<vmem>> -> memref<128xi32, #tpu.memory_space<vmem>>
    %dma_wait3A_87 = arith.constant 384 : i32
    %dma_wait3A_88 = tpu.memref_slice %arg11[%dma_wait3A_87] : memref<512xi32, #tpu.memory_space<vmem>> -> memref<128xi32, #tpu.memory_space<vmem>>
    %dma_wait3A_89 = arith.constant 0 : i32
    %dma_wait3A_90 = tpu.memref_slice %arg2[%dma_wait3A_89] : memref<16384xi32, #tpu.memory_space<hbm>> -> memref<16384xi32, #tpu.memory_space<hbm>>
    tpu.wait_indirect_dma semaphore(%arg22 : memref<!tpu.dma_semaphore, #tpu.memory_space<semaphore_mem>>) src(%dma_wait3A_90 : memref<16384xi32, #tpu.memory_space<hbm>>) dst(%dma_wait3A_86 : memref<128xi32, #tpu.memory_space<vmem>>)
    %dma_wait3A_91 = arith.constant 384 : i32
    %dma_wait3A_92 = tpu.memref_slice %arg15[%dma_wait3A_91] : memref<512xi32, #tpu.memory_space<vmem>> -> memref<128xi32, #tpu.memory_space<vmem>>
    %dma_wait3A_93 = arith.constant 384 : i32
    %dma_wait3A_94 = tpu.memref_slice %arg12[%dma_wait3A_93] : memref<512xi32, #tpu.memory_space<vmem>> -> memref<128xi32, #tpu.memory_space<vmem>>
    %dma_wait3A_95 = arith.constant 0 : i32
    %dma_wait3A_96 = tpu.memref_slice %arg2[%dma_wait3A_95] : memref<16384xi32, #tpu.memory_space<hbm>> -> memref<16384xi32, #tpu.memory_space<hbm>>
    tpu.wait_indirect_dma semaphore(%arg22 : memref<!tpu.dma_semaphore, #tpu.memory_space<semaphore_mem>>) src(%dma_wait3A_96 : memref<16384xi32, #tpu.memory_space<hbm>>) dst(%dma_wait3A_92 : memref<128xi32, #tpu.memory_space<vmem>>)
    %scan3A = arith.constant 0 : i32
    %scan3A_97 = arith.constant 8 : i32
    %scan3A_98 = arith.addi %scan3A, %scan3A_97 : i32
    %scan3A_99 = arith.constant 1 : i32
    scf.for %scan3A_144 = %scan3A to %scan3A_98 step %scan3A_99  : i32 {
      %mul3A_145 = arith.constant 16 : i32
      %mul3A_146 = arith.muli %scan3A_144, %mul3A_145 : i32
      %add3A_147 = arith.constant 0 : i32
      %add3A_148 = arith.addi %add3A_147, %mul3A_146 : i32
      %mul3A_149 = arith.constant 16 : i32
      %mul3A_150 = arith.muli %scan3A_144, %mul3A_149 : i32
      %get3A = arith.index_cast %add3A_148 : i32 to index
      %get3A_151 = tpu.vector_load %arg14[%get3A] {strides = array<i32>} : memref<512xi32, #tpu.memory_space<vmem>>, vector<16xi32>,
      %get3A_152 = arith.index_cast %add3A_148 : i32 to index
      %get3A_153 = tpu.vector_load %arg15[%get3A_152] {strides = array<i32>} : memref<512xi32, #tpu.memory_space<vmem>>, vector<16xi32>,
      %get3A_154 = arith.index_cast %add3A_148 : i32 to index
      %get3A_155 = tpu.vector_load %arg13[%get3A_154] {strides = array<i32>} : memref<512xi32, #tpu.memory_space<vmem>>, vector<16xi32>,
      %slice3A = vector.extract_strided_slice %get3A_151 {offsets = [0], sizes = [1], strides = [1]} : vector<16xi32> to vector<1xi32>
      %squeeze3A = vector.extract %slice3A[0] : i32 from vector<1xi32>
      %add3A_156 = arith.constant 0 : i32
      %add3A_157 = arith.addi %mul3A_150, %add3A_156 : i32
      %dma_start3A_158 = arith.constant 0 : i32
      %dma_start3A_159 = tpu.memref_slice %arg16[%add3A_157, %dma_start3A_158] : memref<128x64xf32, #tpu.memory_space<vmem>> -> memref<1x64xf32, #tpu.memory_space<vmem>>
      %dma_start3A_160 = arith.constant 0 : i32
      %dma_start3A_161 = tpu.memref_slice %arg6[%squeeze3A, %dma_start3A_160] : memref<1000000x64xf32, #tpu.memory_space<hbm>> -> memref<1x64xf32, #tpu.memory_space<hbm>>
      %dma_start3A_162 = arith.constant 0 : i32
      %dma_start3A_163 = tpu.memref_slice %arg16[%add3A_157, %dma_start3A_162] : memref<128x64xf32, #tpu.memory_space<vmem>> -> memref<1x64xf32, #tpu.memory_space<vmem>>
      %dma_start3A_164 = arith.constant 0 : i32
      %dma_start3A_165 = tpu.memref_slice %arg6[%squeeze3A, %dma_start3A_164] : memref<1000000x64xf32, #tpu.memory_space<hbm>> -> memref<1x64xf32, #tpu.memory_space<hbm>>
      tpu.enqueue_dma source(%dma_start3A_165 : memref<1x64xf32, #tpu.memory_space<hbm>>) target(%dma_start3A_163 : memref<1x64xf32, #tpu.memory_space<vmem>>) target_semaphore(%arg23 : memref<!tpu.dma_semaphore, #tpu.memory_space<semaphore_mem>>)
      %slice3A_166 = vector.extract_strided_slice %get3A_153 {offsets = [0], sizes = [1], strides = [1]} : vector<16xi32> to vector<1xi32>
      %squeeze3A_167 = vector.extract %slice3A_166[0] : i32 from vector<1xi32>
      %add3A_168 = arith.constant 0 : i32
      %add3A_169 = arith.addi %mul3A_150, %add3A_168 : i32
      %dma_start3A_170 = arith.constant 0 : i32
      %dma_start3A_171 = tpu.memref_slice %arg17[%add3A_169, %dma_start3A_170] : memref<128x64xf32, #tpu.memory_space<vmem>> -> memref<1x64xf32, #tpu.memory_space<vmem>>
      %dma_start3A_172 = arith.constant 0 : i32
      %dma_start3A_173 = tpu.memref_slice %arg6[%squeeze3A_167, %dma_start3A_172] : memref<1000000x64xf32, #tpu.memory_space<hbm>> -> memref<1x64xf32, #tpu.memory_space<hbm>>
      %dma_start3A_174 = arith.constant 0 : i32
      %dma_start3A_175 = tpu.memref_slice %arg17[%add3A_169, %dma_start3A_174] : memref<128x64xf32, #tpu.memory_space<vmem>> -> memref<1x64xf32, #tpu.memory_space<vmem>>
      %dma_start3A_176 = arith.constant 0 : i32
      %dma_start3A_177 = tpu.memref_slice %arg6[%squeeze3A_167, %dma_start3A_176] : memref<1000000x64xf32, #tpu.memory_space<hbm>> -> memref<1x64xf32, #tpu.memory_space<hbm>>
      tpu.enqueue_dma source(%dma_start3A_177 : memref<1x64xf32, #tpu.memory_space<hbm>>) target(%dma_start3A_175 : memref<1x64xf32, #tpu.memory_space<vmem>>) target_semaphore(%arg23 : memref<!tpu.dma_semaphore, #tpu.memory_space<semaphore_mem>>)
      %slice3A_178 = vector.extract_strided_slice %get3A_155 {offsets = [0], sizes = [1], strides = [1]} : vector<16xi32> to vector<1xi32>
      %squeeze3A_179 = vector.extract %slice3A_178[0] : i32 from vector<1xi32>
      %add3A_180 = arith.constant 0 : i32
      %add3A_181 = arith.addi %mul3A_150, %add3A_180 : i32
      %dma_start3A_182 = arith.constant 0 : i32
      %dma_start3A_183 = tpu.memref_slice %arg18[%add3A_181, %dma_start3A_182] : memref<128x64xf32, #tpu.memory_space<vmem>> -> memref<1x64xf32, #tpu.memory_space<vmem>>
      %dma_start3A_184 = arith.constant 0 : i32
      %dma_start3A_185 = tpu.memref_slice %arg7[%squeeze3A_179, %dma_start3A_184] : memref<100x64xf32, #tpu.memory_space<hbm>> -> memref<1x64xf32, #tpu.memory_space<hbm>>
      %dma_start3A_186 = arith.constant 0 : i32
      %dma_start3A_187 = tpu.memref_slice %arg18[%add3A_181, %dma_start3A_186] : memref<128x64xf32, #tpu.memory_space<vmem>> -> memref<1x64xf32, #tpu.memory_space<vmem>>
      %dma_start3A_188 = arith.constant 0 : i32
      %dma_start3A_189 = tpu.memref_slice %arg7[%squeeze3A_179, %dma_start3A_188] : memref<100x64xf32, #tpu.memory_space<hbm>> -> memref<1x64xf32, #tpu.memory_space<hbm>>
      tpu.enqueue_dma source(%dma_start3A_189 : memref<1x64xf32, #tpu.memory_space<hbm>>) target(%dma_start3A_187 : memref<1x64xf32, #tpu.memory_space<vmem>>) target_semaphore(%arg23 : memref<!tpu.dma_semaphore, #tpu.memory_space<semaphore_mem>>)
      %slice3A_190 = vector.extract_strided_slice %get3A_151 {offsets = [1], sizes = [1], strides = [1]} : vector<16xi32> to vector<1xi32>
      %squeeze3A_191 = vector.extract %slice3A_190[0] : i32 from vector<1xi32>
      %add3A_192 = arith.constant 1 : i32
      %add3A_193 = arith.addi %mul3A_150, %add3A_192 : i32
      %dma_start3A_194 = arith.constant 0 : i32
      %dma_start3A_195 = tpu.memref_slice %arg16[%add3A_193, %dma_start3A_194] : memref<128x64xf32, #tpu.memory_space<vmem>> -> memref<1x64xf32, #tpu.memory_space<vmem>>
      %dma_start3A_196 = arith.constant 0 : i32
      %dma_start3A_197 = tpu.memref_slice %arg6[%squeeze3A_191, %dma_start3A_196] : memref<1000000x64xf32, #tpu.memory_space<hbm>> -> memref<1x64xf32, #tpu.memory_space<hbm>>
      %dma_start3A_198 = arith.constant 0 : i32
      %dma_start3A_199 = tpu.memref_slice %arg16[%add3A_193, %dma_start3A_198] : memref<128x64xf32, #tpu.memory_space<vmem>> -> memref<1x64xf32, #tpu.memory_space<vmem>>
      %dma_start3A_200 = arith.constant 0 : i32
      %dma_start3A_201 = tpu.memref_slice %arg6[%squeeze3A_191, %dma_start3A_200] : memref<1000000x64xf32, #tpu.memory_space<hbm>> -> memref<1x64xf32, #tpu.memory_space<hbm>>
      tpu.enqueue_dma source(%dma_start3A_201 : memref<1x64xf32, #tpu.memory_space<hbm>>) target(%dma_start3A_199 : memref<1x64xf32, #tpu.memory_space<vmem>>) target_semaphore(%arg23 : memref<!tpu.dma_semaphore, #tpu.memory_space<semaphore_mem>>)
      %slice3A_202 = vector.extract_strided_slice %get3A_153 {offsets = [1], sizes = [1], strides = [1]} : vector<16xi32> to vector<1xi32>
      %squeeze3A_203 = vector.extract %slice3A_202[0] : i32 from vector<1xi32>
      %add3A_204 = arith.constant 1 : i32
      %add3A_205 = arith.addi %mul3A_150, %add3A_204 : i32
      %dma_start3A_206 = arith.constant 0 : i32
      %dma_start3A_207 = tpu.memref_slice %arg17[%add3A_205, %dma_start3A_206] : memref<128x64xf32, #tpu.memory_space<vmem>> -> memref<1x64xf32, #tpu.memory_space<vmem>>
      %dma_start3A_208 = arith.constant 0 : i32
      %dma_start3A_209 = tpu.memref_slice %arg6[%squeeze3A_203, %dma_start3A_208] : memref<1000000x64xf32, #tpu.memory_space<hbm>> -> memref<1x64xf32, #tpu.memory_space<hbm>>
      %dma_start3A_210 = arith.constant 0 : i32
      %dma_start3A_211 = tpu.memref_slice %arg17[%add3A_205, %dma_start3A_210] : memref<128x64xf32, #tpu.memory_space<vmem>> -> memref<1x64xf32, #tpu.memory_space<vmem>>
      %dma_start3A_212 = arith.constant 0 : i32
      %dma_start3A_213 = tpu.memref_slice %arg6[%squeeze3A_203, %dma_start3A_212] : memref<1000000x64xf32, #tpu.memory_space<hbm>> -> memref<1x64xf32, #tpu.memory_space<hbm>>
      tpu.enqueue_dma source(%dma_start3A_213 : memref<1x64xf32, #tpu.memory_space<hbm>>) target(%dma_start3A_211 : memref<1x64xf32, #tpu.memory_space<vmem>>) target_semaphore(%arg23 : memref<!tpu.dma_semaphore, #tpu.memory_space<semaphore_mem>>)
      %slice3A_214 = vector.extract_strided_slice %get3A_155 {offsets = [1], sizes = [1], strides = [1]} : vector<16xi32> to vector<1xi32>
      %squeeze3A_215 = vector.extract %slice3A_214[0] : i32 from vector<1xi32>
      %add3A_216 = arith.constant 1 : i32
      %add3A_217 = arith.addi %mul3A_150, %add3A_216 : i32
      %dma_start3A_218 = arith.constant 0 : i32
      %dma_start3A_219 = tpu.memref_slice %arg18[%add3A_217, %dma_start3A_218] : memref<128x64xf32, #tpu.memory_space<vmem>> -> memref<1x64xf32, #tpu.memory_space<vmem>>
      %dma_start3A_220 = arith.constant 0 : i32
      %dma_start3A_221 = tpu.memref_slice %arg7[%squeeze3A_215, %dma_start3A_220] : memref<100x64xf32, #tpu.memory_space<hbm>> -> memref<1x64xf32, #tpu.memory_space<hbm>>
      %dma_start3A_222 = arith.constant 0 : i32
      %dma_start3A_223 = tpu.memref_slice %arg18[%add3A_217, %dma_start3A_222] : memref<128x64xf32, #tpu.memory_space<vmem>> -> memref<1x64xf32, #tpu.memory_space<vmem>>
      %dma_start3A_224 = arith.constant 0 : i32
      %dma_start3A_225 = tpu.memref_slice %arg7[%squeeze3A_215, %dma_start3A_224] : memref<100x64xf32, #tpu.memory_space<hbm>> -> memref<1x64xf32, #tpu.memory_space<hbm>>
      tpu.enqueue_dma source(%dma_start3A_225 : memref<1x64xf32, #tpu.memory_space<hbm>>) target(%dma_start3A_223 : memref<1x64xf32, #tpu.memory_space<vmem>>) target_semaphore(%arg23 : memref<!tpu.dma_semaphore, #tpu.memory_space<semaphore_mem>>)
      %slice3A_226 = vector.extract_strided_slice %get3A_151 {offsets = [2], sizes = [1], strides = [1]} : vector<16xi32> to vector<1xi32>
      %squeeze3A_227 = vector.extract %slice3A_226[0] : i32 from vector<1xi32>
      %add3A_228 = arith.constant 2 : i32
      %add3A_229 = arith.addi %mul3A_150, %add3A_228 : i32
      %dma_start3A_230 = arith.constant 0 : i32
      %dma_start3A_231 = tpu.memref_slice %arg16[%add3A_229, %dma_start3A_230] : memref<128x64xf32, #tpu.memory_space<vmem>> -> memref<1x64xf32, #tpu.memory_space<vmem>>
      %dma_start3A_232 = arith.constant 0 : i32
      %dma_start3A_233 = tpu.memref_slice %arg6[%squeeze3A_227, %dma_start3A_232] : memref<1000000x64xf32, #tpu.memory_space<hbm>> -> memref<1x64xf32, #tpu.memory_space<hbm>>
      %dma_start3A_234 = arith.constant 0 : i32
      %dma_start3A_235 = tpu.memref_slice %arg16[%add3A_229, %dma_start3A_234] : memref<128x64xf32, #tpu.memory_space<vmem>> -> memref<1x64xf32, #tpu.memory_space<vmem>>
      %dma_start3A_236 = arith.constant 0 : i32
      %dma_start3A_237 = tpu.memref_slice %arg6[%squeeze3A_227, %dma_start3A_236] : memref<1000000x64xf32, #tpu.memory_space<hbm>> -> memref<1x64xf32, #tpu.memory_space<hbm>>
      tpu.enqueue_dma source(%dma_start3A_237 : memref<1x64xf32, #tpu.memory_space<hbm>>) target(%dma_start3A_235 : memref<1x64xf32, #tpu.memory_space<vmem>>) target_semaphore(%arg23 : memref<!tpu.dma_semaphore, #tpu.memory_space<semaphore_mem>>)
      %slice3A_238 = vector.extract_strided_slice %get3A_153 {offsets = [2], sizes = [1], strides = [1]} : vector<16xi32> to vector<1xi32>
      %squeeze3A_239 = vector.extract %slice3A_238[0] : i32 from vector<1xi32>
      %add3A_240 = arith.constant 2 : i32
      %add3A_241 = arith.addi %mul3A_150, %add3A_240 : i32
      %dma_start3A_242 = arith.constant 0 : i32
      %dma_start3A_243 = tpu.memref_slice %arg17[%add3A_241, %dma_start3A_242] : memref<128x64xf32, #tpu.memory_space<vmem>> -> memref<1x64xf32, #tpu.memory_space<vmem>>
      %dma_start3A_244 = arith.constant 0 : i32
      %dma_start3A_245 = tpu.memref_slice %arg6[%squeeze3A_239, %dma_start3A_244] : memref<1000000x64xf32, #tpu.memory_space<hbm>> -> memref<1x64xf32, #tpu.memory_space<hbm>>
      %dma_start3A_246 = arith.constant 0 : i32
      %dma_start3A_247 = tpu.memref_slice %arg17[%add3A_241, %dma_start3A_246] : memref<128x64xf32, #tpu.memory_space<vmem>> -> memref<1x64xf32, #tpu.memory_space<vmem>>
      %dma_start3A_248 = arith.constant 0 : i32
      %dma_start3A_249 = tpu.memref_slice %arg6[%squeeze3A_239, %dma_start3A_248] : memref<1000000x64xf32, #tpu.memory_space<hbm>> -> memref<1x64xf32, #tpu.memory_space<hbm>>
      tpu.enqueue_dma source(%dma_start3A_249 : memref<1x64xf32, #tpu.memory_space<hbm>>) target(%dma_start3A_247 : memref<1x64xf32, #tpu.memory_space<vmem>>) target_semaphore(%arg23 : memref<!tpu.dma_semaphore, #tpu.memory_space<semaphore_mem>>)
      %slice3A_250 = vector.extract_strided_slice %get3A_155 {offsets = [2], sizes = [1], strides = [1]} : vector<16xi32> to vector<1xi32>
      %squeeze3A_251 = vector.extract %slice3A_250[0] : i32 from vector<1xi32>
      %add3A_252 = arith.constant 2 : i32
      %add3A_253 = arith.addi %mul3A_150, %add3A_252 : i32
      %dma_start3A_254 = arith.constant 0 : i32
      %dma_start3A_255 = tpu.memref_slice %arg18[%add3A_253, %dma_start3A_254] : memref<128x64xf32, #tpu.memory_space<vmem>> -> memref<1x64xf32, #tpu.memory_space<vmem>>
      %dma_start3A_256 = arith.constant 0 : i32
      %dma_start3A_257 = tpu.memref_slice %arg7[%squeeze3A_251, %dma_start3A_256] : memref<100x64xf32, #tpu.memory_space<hbm>> -> memref<1x64xf32, #tpu.memory_space<hbm>>
      %dma_start3A_258 = arith.constant 0 : i32
      %dma_start3A_259 = tpu.memref_slice %arg18[%add3A_253, %dma_start3A_258] : memref<128x64xf32, #tpu.memory_space<vmem>> -> memref<1x64xf32, #tpu.memory_space<vmem>>
      %dma_start3A_260 = arith.constant 0 : i32
      %dma_start3A_261 = tpu.memref_slice %arg7[%squeeze3A_251, %dma_start3A_260] : memref<100x64xf32, #tpu.memory_space<hbm>> -> memref<1x64xf32, #tpu.memory_space<hbm>>
      tpu.enqueue_dma source(%dma_start3A_261 : memref<1x64xf32, #tpu.memory_space<hbm>>) target(%dma_start3A_259 : memref<1x64xf32, #tpu.memory_space<vmem>>) target_semaphore(%arg23 : memref<!tpu.dma_semaphore, #tpu.memory_space<semaphore_mem>>)
      %slice3A_262 = vector.extract_strided_slice %get3A_151 {offsets = [3], sizes = [1], strides = [1]} : vector<16xi32> to vector<1xi32>
      %squeeze3A_263 = vector.extract %slice3A_262[0] : i32 from vector<1xi32>
      %add3A_264 = arith.constant 3 : i32
      %add3A_265 = arith.addi %mul3A_150, %add3A_264 : i32
      %dma_start3A_266 = arith.constant 0 : i32
      %dma_start3A_267 = tpu.memref_slice %arg16[%add3A_265, %dma_start3A_266] : memref<128x64xf32, #tpu.memory_space<vmem>> -> memref<1x64xf32, #tpu.memory_space<vmem>>
      %dma_start3A_268 = arith.constant 0 : i32
      %dma_start3A_269 = tpu.memref_slice %arg6[%squeeze3A_263, %dma_start3A_268] : memref<1000000x64xf32, #tpu.memory_space<hbm>> -> memref<1x64xf32, #tpu.memory_space<hbm>>
      %dma_start3A_270 = arith.constant 0 : i32
      %dma_start3A_271 = tpu.memref_slice %arg16[%add3A_265, %dma_start3A_270] : memref<128x64xf32, #tpu.memory_space<vmem>> -> memref<1x64xf32, #tpu.memory_space<vmem>>
      %dma_start3A_272 = arith.constant 0 : i32
      %dma_start3A_273 = tpu.memref_slice %arg6[%squeeze3A_263, %dma_start3A_272] : memref<1000000x64xf32, #tpu.memory_space<hbm>> -> memref<1x64xf32, #tpu.memory_space<hbm>>
      tpu.enqueue_dma source(%dma_start3A_273 : memref<1x64xf32, #tpu.memory_space<hbm>>) target(%dma_start3A_271 : memref<1x64xf32, #tpu.memory_space<vmem>>) target_semaphore(%arg23 : memref<!tpu.dma_semaphore, #tpu.memory_space<semaphore_mem>>)
      %slice3A_274 = vector.extract_strided_slice %get3A_153 {offsets = [3], sizes = [1], strides = [1]} : vector<16xi32> to vector<1xi32>
      %squeeze3A_275 = vector.extract %slice3A_274[0] : i32 from vector<1xi32>
      %add3A_276 = arith.constant 3 : i32
      %add3A_277 = arith.addi %mul3A_150, %add3A_276 : i32
      %dma_start3A_278 = arith.constant 0 : i32
      %dma_start3A_279 = tpu.memref_slice %arg17[%add3A_277, %dma_start3A_278] : memref<128x64xf32, #tpu.memory_space<vmem>> -> memref<1x64xf32, #tpu.memory_space<vmem>>
      %dma_start3A_280 = arith.constant 0 : i32
      %dma_start3A_281 = tpu.memref_slice %arg6[%squeeze3A_275, %dma_start3A_280] : memref<1000000x64xf32, #tpu.memory_space<hbm>> -> memref<1x64xf32, #tpu.memory_space<hbm>>
      %dma_start3A_282 = arith.constant 0 : i32
      %dma_start3A_283 = tpu.memref_slice %arg17[%add3A_277, %dma_start3A_282] : memref<128x64xf32, #tpu.memory_space<vmem>> -> memref<1x64xf32, #tpu.memory_space<vmem>>
      %dma_start3A_284 = arith.constant 0 : i32
      %dma_start3A_285 = tpu.memref_slice %arg6[%squeeze3A_275, %dma_start3A_284] : memref<1000000x64xf32, #tpu.memory_space<hbm>> -> memref<1x64xf32, #tpu.memory_space<hbm>>
      tpu.enqueue_dma source(%dma_start3A_285 : memref<1x64xf32, #tpu.memory_space<hbm>>) target(%dma_start3A_283 : memref<1x64xf32, #tpu.memory_space<vmem>>) target_semaphore(%arg23 : memref<!tpu.dma_semaphore, #tpu.memory_space<semaphore_mem>>)
      %slice3A_286 = vector.extract_strided_slice %get3A_155 {offsets = [3], sizes = [1], strides = [1]} : vector<16xi32> to vector<1xi32>
      %squeeze3A_287 = vector.extract %slice3A_286[0] : i32 from vector<1xi32>
      %add3A_288 = arith.constant 3 : i32
      %add3A_289 = arith.addi %mul3A_150, %add3A_288 : i32
      %dma_start3A_290 = arith.constant 0 : i32
      %dma_start3A_291 = tpu.memref_slice %arg18[%add3A_289, %dma_start3A_290] : memref<128x64xf32, #tpu.memory_space<vmem>> -> memref<1x64xf32, #tpu.memory_space<vmem>>
      %dma_start3A_292 = arith.constant 0 : i32
      %dma_start3A_293 = tpu.memref_slice %arg7[%squeeze3A_287, %dma_start3A_292] : memref<100x64xf32, #tpu.memory_space<hbm>> -> memref<1x64xf32, #tpu.memory_space<hbm>>
      %dma_start3A_294 = arith.constant 0 : i32
      %dma_start3A_295 = tpu.memref_slice %arg18[%add3A_289, %dma_start3A_294] : memref<128x64xf32, #tpu.memory_space<vmem>> -> memref<1x64xf32, #tpu.memory_space<vmem>>
      %dma_start3A_296 = arith.constant 0 : i32
      %dma_start3A_297 = tpu.memref_slice %arg7[%squeeze3A_287, %dma_start3A_296] : memref<100x64xf32, #tpu.memory_space<hbm>> -> memref<1x64xf32, #tpu.memory_space<hbm>>
      tpu.enqueue_dma source(%dma_start3A_297 : memref<1x64xf32, #tpu.memory_space<hbm>>) target(%dma_start3A_295 : memref<1x64xf32, #tpu.memory_space<vmem>>) target_semaphore(%arg23 : memref<!tpu.dma_semaphore, #tpu.memory_space<semaphore_mem>>)
      %slice3A_298 = vector.extract_strided_slice %get3A_151 {offsets = [4], sizes = [1], strides = [1]} : vector<16xi32> to vector<1xi32>
      %squeeze3A_299 = vector.extract %slice3A_298[0] : i32 from vector<1xi32>
      %add3A_300 = arith.constant 4 : i32
      %add3A_301 = arith.addi %mul3A_150, %add3A_300 : i32
      %dma_start3A_302 = arith.constant 0 : i32
      %dma_start3A_303 = tpu.memref_slice %arg16[%add3A_301, %dma_start3A_302] : memref<128x64xf32, #tpu.memory_space<vmem>> -> memref<1x64xf32, #tpu.memory_space<vmem>>
      %dma_start3A_304 = arith.constant 0 : i32
      %dma_start3A_305 = tpu.memref_slice %arg6[%squeeze3A_299, %dma_start3A_304] : memref<1000000x64xf32, #tpu.memory_space<hbm>> -> memref<1x64xf32, #tpu.memory_space<hbm>>
      %dma_start3A_306 = arith.constant 0 : i32
      %dma_start3A_307 = tpu.memref_slice %arg16[%add3A_301, %dma_start3A_306] : memref<128x64xf32, #tpu.memory_space<vmem>> -> memref<1x64xf32, #tpu.memory_space<vmem>>
      %dma_start3A_308 = arith.constant 0 : i32
      %dma_start3A_309 = tpu.memref_slice %arg6[%squeeze3A_299, %dma_start3A_308] : memref<1000000x64xf32, #tpu.memory_space<hbm>> -> memref<1x64xf32, #tpu.memory_space<hbm>>
      tpu.enqueue_dma source(%dma_start3A_309 : memref<1x64xf32, #tpu.memory_space<hbm>>) target(%dma_start3A_307 : memref<1x64xf32, #tpu.memory_space<vmem>>) target_semaphore(%arg23 : memref<!tpu.dma_semaphore, #tpu.memory_space<semaphore_mem>>)
      %slice3A_310 = vector.extract_strided_slice %get3A_153 {offsets = [4], sizes = [1], strides = [1]} : vector<16xi32> to vector<1xi32>
      %squeeze3A_311 = vector.extract %slice3A_310[0] : i32 from vector<1xi32>
      %add3A_312 = arith.constant 4 : i32
      %add3A_313 = arith.addi %mul3A_150, %add3A_312 : i32
      %dma_start3A_314 = arith.constant 0 : i32
      %dma_start3A_315 = tpu.memref_slice %arg17[%add3A_313, %dma_start3A_314] : memref<128x64xf32, #tpu.memory_space<vmem>> -> memref<1x64xf32, #tpu.memory_space<vmem>>
      %dma_start3A_316 = arith.constant 0 : i32
      %dma_start3A_317 = tpu.memref_slice %arg6[%squeeze3A_311, %dma_start3A_316] : memref<1000000x64xf32, #tpu.memory_space<hbm>> -> memref<1x64xf32, #tpu.memory_space<hbm>>
      %dma_start3A_318 = arith.constant 0 : i32
      %dma_start3A_319 = tpu.memref_slice %arg17[%add3A_313, %dma_start3A_318] : memref<128x64xf32, #tpu.memory_space<vmem>> -> memref<1x64xf32, #tpu.memory_space<vmem>>
      %dma_start3A_320 = arith.constant 0 : i32
      %dma_start3A_321 = tpu.memref_slice %arg6[%squeeze3A_311, %dma_start3A_320] : memref<1000000x64xf32, #tpu.memory_space<hbm>> -> memref<1x64xf32, #tpu.memory_space<hbm>>
      tpu.enqueue_dma source(%dma_start3A_321 : memref<1x64xf32, #tpu.memory_space<hbm>>) target(%dma_start3A_319 : memref<1x64xf32, #tpu.memory_space<vmem>>) target_semaphore(%arg23 : memref<!tpu.dma_semaphore, #tpu.memory_space<semaphore_mem>>)
      %slice3A_322 = vector.extract_strided_slice %get3A_155 {offsets = [4], sizes = [1], strides = [1]} : vector<16xi32> to vector<1xi32>
      %squeeze3A_323 = vector.extract %slice3A_322[0] : i32 from vector<1xi32>
      %add3A_324 = arith.constant 4 : i32
      %add3A_325 = arith.addi %mul3A_150, %add3A_324 : i32
      %dma_start3A_326 = arith.constant 0 : i32
      %dma_start3A_327 = tpu.memref_slice %arg18[%add3A_325, %dma_start3A_326] : memref<128x64xf32, #tpu.memory_space<vmem>> -> memref<1x64xf32, #tpu.memory_space<vmem>>
      %dma_start3A_328 = arith.constant 0 : i32
      %dma_start3A_329 = tpu.memref_slice %arg7[%squeeze3A_323, %dma_start3A_328] : memref<100x64xf32, #tpu.memory_space<hbm>> -> memref<1x64xf32, #tpu.memory_space<hbm>>
      %dma_start3A_330 = arith.constant 0 : i32
      %dma_start3A_331 = tpu.memref_slice %arg18[%add3A_325, %dma_start3A_330] : memref<128x64xf32, #tpu.memory_space<vmem>> -> memref<1x64xf32, #tpu.memory_space<vmem>>
      %dma_start3A_332 = arith.constant 0 : i32
      %dma_start3A_333 = tpu.memref_slice %arg7[%squeeze3A_323, %dma_start3A_332] : memref<100x64xf32, #tpu.memory_space<hbm>> -> memref<1x64xf32, #tpu.memory_space<hbm>>
      tpu.enqueue_dma source(%dma_start3A_333 : memref<1x64xf32, #tpu.memory_space<hbm>>) target(%dma_start3A_331 : memref<1x64xf32, #tpu.memory_space<vmem>>) target_semaphore(%arg23 : memref<!tpu.dma_semaphore, #tpu.memory_space<semaphore_mem>>)
      %slice3A_334 = vector.extract_strided_slice %get3A_151 {offsets = [5], sizes = [1], strides = [1]} : vector<16xi32> to vector<1xi32>
      %squeeze3A_335 = vector.extract %slice3A_334[0] : i32 from vector<1xi32>
      %add3A_336 = arith.constant 5 : i32
      %add3A_337 = arith.addi %mul3A_150, %add3A_336 : i32
      %dma_start3A_338 = arith.constant 0 : i32
      %dma_start3A_339 = tpu.memref_slice %arg16[%add3A_337, %dma_start3A_338] : memref<128x64xf32, #tpu.memory_space<vmem>> -> memref<1x64xf32, #tpu.memory_space<vmem>>
      %dma_start3A_340 = arith.constant 0 : i32
      %dma_start3A_341 = tpu.memref_slice %arg6[%squeeze3A_335, %dma_start3A_340] : memref<1000000x64xf32, #tpu.memory_space<hbm>> -> memref<1x64xf32, #tpu.memory_space<hbm>>
      %dma_start3A_342 = arith.constant 0 : i32
      %dma_start3A_343 = tpu.memref_slice %arg16[%add3A_337, %dma_start3A_342] : memref<128x64xf32, #tpu.memory_space<vmem>> -> memref<1x64xf32, #tpu.memory_space<vmem>>
      %dma_start3A_344 = arith.constant 0 : i32
      %dma_start3A_345 = tpu.memref_slice %arg6[%squeeze3A_335, %dma_start3A_344] : memref<1000000x64xf32, #tpu.memory_space<hbm>> -> memref<1x64xf32, #tpu.memory_space<hbm>>
      tpu.enqueue_dma source(%dma_start3A_345 : memref<1x64xf32, #tpu.memory_space<hbm>>) target(%dma_start3A_343 : memref<1x64xf32, #tpu.memory_space<vmem>>) target_semaphore(%arg23 : memref<!tpu.dma_semaphore, #tpu.memory_space<semaphore_mem>>)
      %slice3A_346 = vector.extract_strided_slice %get3A_153 {offsets = [5], sizes = [1], strides = [1]} : vector<16xi32> to vector<1xi32>
      %squeeze3A_347 = vector.extract %slice3A_346[0] : i32 from vector<1xi32>
      %add3A_348 = arith.constant 5 : i32
      %add3A_349 = arith.addi %mul3A_150, %add3A_348 : i32
      %dma_start3A_350 = arith.constant 0 : i32
      %dma_start3A_351 = tpu.memref_slice %arg17[%add3A_349, %dma_start3A_350] : memref<128x64xf32, #tpu.memory_space<vmem>> -> memref<1x64xf32, #tpu.memory_space<vmem>>
      %dma_start3A_352 = arith.constant 0 : i32
      %dma_start3A_353 = tpu.memref_slice %arg6[%squeeze3A_347, %dma_start3A_352] : memref<1000000x64xf32, #tpu.memory_space<hbm>> -> memref<1x64xf32, #tpu.memory_space<hbm>>
      %dma_start3A_354 = arith.constant 0 : i32
      %dma_start3A_355 = tpu.memref_slice %arg17[%add3A_349, %dma_start3A_354] : memref<128x64xf32, #tpu.memory_space<vmem>> -> memref<1x64xf32, #tpu.memory_space<vmem>>
      %dma_start3A_356 = arith.constant 0 : i32
      %dma_start3A_357 = tpu.memref_slice %arg6[%squeeze3A_347, %dma_start3A_356] : memref<1000000x64xf32, #tpu.memory_space<hbm>> -> memref<1x64xf32, #tpu.memory_space<hbm>>
      tpu.enqueue_dma source(%dma_start3A_357 : memref<1x64xf32, #tpu.memory_space<hbm>>) target(%dma_start3A_355 : memref<1x64xf32, #tpu.memory_space<vmem>>) target_semaphore(%arg23 : memref<!tpu.dma_semaphore, #tpu.memory_space<semaphore_mem>>)
      %slice3A_358 = vector.extract_strided_slice %get3A_155 {offsets = [5], sizes = [1], strides = [1]} : vector<16xi32> to vector<1xi32>
      %squeeze3A_359 = vector.extract %slice3A_358[0] : i32 from vector<1xi32>
      %add3A_360 = arith.constant 5 : i32
      %add3A_361 = arith.addi %mul3A_150, %add3A_360 : i32
      %dma_start3A_362 = arith.constant 0 : i32
      %dma_start3A_363 = tpu.memref_slice %arg18[%add3A_361, %dma_start3A_362] : memref<128x64xf32, #tpu.memory_space<vmem>> -> memref<1x64xf32, #tpu.memory_space<vmem>>
      %dma_start3A_364 = arith.constant 0 : i32
      %dma_start3A_365 = tpu.memref_slice %arg7[%squeeze3A_359, %dma_start3A_364] : memref<100x64xf32, #tpu.memory_space<hbm>> -> memref<1x64xf32, #tpu.memory_space<hbm>>
      %dma_start3A_366 = arith.constant 0 : i32
      %dma_start3A_367 = tpu.memref_slice %arg18[%add3A_361, %dma_start3A_366] : memref<128x64xf32, #tpu.memory_space<vmem>> -> memref<1x64xf32, #tpu.memory_space<vmem>>
      %dma_start3A_368 = arith.constant 0 : i32
      %dma_start3A_369 = tpu.memref_slice %arg7[%squeeze3A_359, %dma_start3A_368] : memref<100x64xf32, #tpu.memory_space<hbm>> -> memref<1x64xf32, #tpu.memory_space<hbm>>
      tpu.enqueue_dma source(%dma_start3A_369 : memref<1x64xf32, #tpu.memory_space<hbm>>) target(%dma_start3A_367 : memref<1x64xf32, #tpu.memory_space<vmem>>) target_semaphore(%arg23 : memref<!tpu.dma_semaphore, #tpu.memory_space<semaphore_mem>>)
      %slice3A_370 = vector.extract_strided_slice %get3A_151 {offsets = [6], sizes = [1], strides = [1]} : vector<16xi32> to vector<1xi32>
      %squeeze3A_371 = vector.extract %slice3A_370[0] : i32 from vector<1xi32>
      %add3A_372 = arith.constant 6 : i32
      %add3A_373 = arith.addi %mul3A_150, %add3A_372 : i32
      %dma_start3A_374 = arith.constant 0 : i32
      %dma_start3A_375 = tpu.memref_slice %arg16[%add3A_373, %dma_start3A_374] : memref<128x64xf32, #tpu.memory_space<vmem>> -> memref<1x64xf32, #tpu.memory_space<vmem>>
      %dma_start3A_376 = arith.constant 0 : i32
      %dma_start3A_377 = tpu.memref_slice %arg6[%squeeze3A_371, %dma_start3A_376] : memref<1000000x64xf32, #tpu.memory_space<hbm>> -> memref<1x64xf32, #tpu.memory_space<hbm>>
      %dma_start3A_378 = arith.constant 0 : i32
      %dma_start3A_379 = tpu.memref_slice %arg16[%add3A_373, %dma_start3A_378] : memref<128x64xf32, #tpu.memory_space<vmem>> -> memref<1x64xf32, #tpu.memory_space<vmem>>
      %dma_start3A_380 = arith.constant 0 : i32
      %dma_start3A_381 = tpu.memref_slice %arg6[%squeeze3A_371, %dma_start3A_380] : memref<1000000x64xf32, #tpu.memory_space<hbm>> -> memref<1x64xf32, #tpu.memory_space<hbm>>
      tpu.enqueue_dma source(%dma_start3A_381 : memref<1x64xf32, #tpu.memory_space<hbm>>) target(%dma_start3A_379 : memref<1x64xf32, #tpu.memory_space<vmem>>) target_semaphore(%arg23 : memref<!tpu.dma_semaphore, #tpu.memory_space<semaphore_mem>>)
      %slice3A_382 = vector.extract_strided_slice %get3A_153 {offsets = [6], sizes = [1], strides = [1]} : vector<16xi32> to vector<1xi32>
      %squeeze3A_383 = vector.extract %slice3A_382[0] : i32 from vector<1xi32>
      %add3A_384 = arith.constant 6 : i32
      %add3A_385 = arith.addi %mul3A_150, %add3A_384 : i32
      %dma_start3A_386 = arith.constant 0 : i32
      %dma_start3A_387 = tpu.memref_slice %arg17[%add3A_385, %dma_start3A_386] : memref<128x64xf32, #tpu.memory_space<vmem>> -> memref<1x64xf32, #tpu.memory_space<vmem>>
      %dma_start3A_388 = arith.constant 0 : i32
      %dma_start3A_389 = tpu.memref_slice %arg6[%squeeze3A_383, %dma_start3A_388] : memref<1000000x64xf32, #tpu.memory_space<hbm>> -> memref<1x64xf32, #tpu.memory_space<hbm>>
      %dma_start3A_390 = arith.constant 0 : i32
      %dma_start3A_391 = tpu.memref_slice %arg17[%add3A_385, %dma_start3A_390] : memref<128x64xf32, #tpu.memory_space<vmem>> -> memref<1x64xf32, #tpu.memory_space<vmem>>
      %dma_start3A_392 = arith.constant 0 : i32
      %dma_start3A_393 = tpu.memref_slice %arg6[%squeeze3A_383, %dma_start3A_392] : memref<1000000x64xf32, #tpu.memory_space<hbm>> -> memref<1x64xf32, #tpu.memory_space<hbm>>
      tpu.enqueue_dma source(%dma_start3A_393 : memref<1x64xf32, #tpu.memory_space<hbm>>) target(%dma_start3A_391 : memref<1x64xf32, #tpu.memory_space<vmem>>) target_semaphore(%arg23 : memref<!tpu.dma_semaphore, #tpu.memory_space<semaphore_mem>>)
      %slice3A_394 = vector.extract_strided_slice %get3A_155 {offsets = [6], sizes = [1], strides = [1]} : vector<16xi32> to vector<1xi32>
      %squeeze3A_395 = vector.extract %slice3A_394[0] : i32 from vector<1xi32>
      %add3A_396 = arith.constant 6 : i32
      %add3A_397 = arith.addi %mul3A_150, %add3A_396 : i32
      %dma_start3A_398 = arith.constant 0 : i32
      %dma_start3A_399 = tpu.memref_slice %arg18[%add3A_397, %dma_start3A_398] : memref<128x64xf32, #tpu.memory_space<vmem>> -> memref<1x64xf32, #tpu.memory_space<vmem>>
      %dma_start3A_400 = arith.constant 0 : i32
      %dma_start3A_401 = tpu.memref_slice %arg7[%squeeze3A_395, %dma_start3A_400] : memref<100x64xf32, #tpu.memory_space<hbm>> -> memref<1x64xf32, #tpu.memory_space<hbm>>
      %dma_start3A_402 = arith.constant 0 : i32
      %dma_start3A_403 = tpu.memref_slice %arg18[%add3A_397, %dma_start3A_402] : memref<128x64xf32, #tpu.memory_space<vmem>> -> memref<1x64xf32, #tpu.memory_space<vmem>>
      %dma_start3A_404 = arith.constant 0 : i32
      %dma_start3A_405 = tpu.memref_slice %arg7[%squeeze3A_395, %dma_start3A_404] : memref<100x64xf32, #tpu.memory_space<hbm>> -> memref<1x64xf32, #tpu.memory_space<hbm>>
      tpu.enqueue_dma source(%dma_start3A_405 : memref<1x64xf32, #tpu.memory_space<hbm>>) target(%dma_start3A_403 : memref<1x64xf32, #tpu.memory_space<vmem>>) target_semaphore(%arg23 : memref<!tpu.dma_semaphore, #tpu.memory_space<semaphore_mem>>)
      %slice3A_406 = vector.extract_strided_slice %get3A_151 {offsets = [7], sizes = [1], strides = [1]} : vector<16xi32> to vector<1xi32>
      %squeeze3A_407 = vector.extract %slice3A_406[0] : i32 from vector<1xi32>
      %add3A_408 = arith.constant 7 : i32
      %add3A_409 = arith.addi %mul3A_150, %add3A_408 : i32
      %dma_start3A_410 = arith.constant 0 : i32
      %dma_start3A_411 = tpu.memref_slice %arg16[%add3A_409, %dma_start3A_410] : memref<128x64xf32, #tpu.memory_space<vmem>> -> memref<1x64xf32, #tpu.memory_space<vmem>>
      %dma_start3A_412 = arith.constant 0 : i32
      %dma_start3A_413 = tpu.memref_slice %arg6[%squeeze3A_407, %dma_start3A_412] : memref<1000000x64xf32, #tpu.memory_space<hbm>> -> memref<1x64xf32, #tpu.memory_space<hbm>>
      %dma_start3A_414 = arith.constant 0 : i32
      %dma_start3A_415 = tpu.memref_slice %arg16[%add3A_409, %dma_start3A_414] : memref<128x64xf32, #tpu.memory_space<vmem>> -> memref<1x64xf32, #tpu.memory_space<vmem>>
      %dma_start3A_416 = arith.constant 0 : i32
      %dma_start3A_417 = tpu.memref_slice %arg6[%squeeze3A_407, %dma_start3A_416] : memref<1000000x64xf32, #tpu.memory_space<hbm>> -> memref<1x64xf32, #tpu.memory_space<hbm>>
      tpu.enqueue_dma source(%dma_start3A_417 : memref<1x64xf32, #tpu.memory_space<hbm>>) target(%dma_start3A_415 : memref<1x64xf32, #tpu.memory_space<vmem>>) target_semaphore(%arg23 : memref<!tpu.dma_semaphore, #tpu.memory_space<semaphore_mem>>)
      %slice3A_418 = vector.extract_strided_slice %get3A_153 {offsets = [7], sizes = [1], strides = [1]} : vector<16xi32> to vector<1xi32>
      %squeeze3A_419 = vector.extract %slice3A_418[0] : i32 from vector<1xi32>
      %add3A_420 = arith.constant 7 : i32
      %add3A_421 = arith.addi %mul3A_150, %add3A_420 : i32
      %dma_start3A_422 = arith.constant 0 : i32
      %dma_start3A_423 = tpu.memref_slice %arg17[%add3A_421, %dma_start3A_422] : memref<128x64xf32, #tpu.memory_space<vmem>> -> memref<1x64xf32, #tpu.memory_space<vmem>>
      %dma_start3A_424 = arith.constant 0 : i32
      %dma_start3A_425 = tpu.memref_slice %arg6[%squeeze3A_419, %dma_start3A_424] : memref<1000000x64xf32, #tpu.memory_space<hbm>> -> memref<1x64xf32, #tpu.memory_space<hbm>>
      %dma_start3A_426 = arith.constant 0 : i32
      %dma_start3A_427 = tpu.memref_slice %arg17[%add3A_421, %dma_start3A_426] : memref<128x64xf32, #tpu.memory_space<vmem>> -> memref<1x64xf32, #tpu.memory_space<vmem>>
      %dma_start3A_428 = arith.constant 0 : i32
      %dma_start3A_429 = tpu.memref_slice %arg6[%squeeze3A_419, %dma_start3A_428] : memref<1000000x64xf32, #tpu.memory_space<hbm>> -> memref<1x64xf32, #tpu.memory_space<hbm>>
      tpu.enqueue_dma source(%dma_start3A_429 : memref<1x64xf32, #tpu.memory_space<hbm>>) target(%dma_start3A_427 : memref<1x64xf32, #tpu.memory_space<vmem>>) target_semaphore(%arg23 : memref<!tpu.dma_semaphore, #tpu.memory_space<semaphore_mem>>)
      %slice3A_430 = vector.extract_strided_slice %get3A_155 {offsets = [7], sizes = [1], strides = [1]} : vector<16xi32> to vector<1xi32>
      %squeeze3A_431 = vector.extract %slice3A_430[0] : i32 from vector<1xi32>
      %add3A_432 = arith.constant 7 : i32
      %add3A_433 = arith.addi %mul3A_150, %add3A_432 : i32
      %dma_start3A_434 = arith.constant 0 : i32
      %dma_start3A_435 = tpu.memref_slice %arg18[%add3A_433, %dma_start3A_434] : memref<128x64xf32, #tpu.memory_space<vmem>> -> memref<1x64xf32, #tpu.memory_space<vmem>>
      %dma_start3A_436 = arith.constant 0 : i32
      %dma_start3A_437 = tpu.memref_slice %arg7[%squeeze3A_431, %dma_start3A_436] : memref<100x64xf32, #tpu.memory_space<hbm>> -> memref<1x64xf32, #tpu.memory_space<hbm>>
      %dma_start3A_438 = arith.constant 0 : i32
      %dma_start3A_439 = tpu.memref_slice %arg18[%add3A_433, %dma_start3A_438] : memref<128x64xf32, #tpu.memory_space<vmem>> -> memref<1x64xf32, #tpu.memory_space<vmem>>
      %dma_start3A_440 = arith.constant 0 : i32
      %dma_start3A_441 = tpu.memref_slice %arg7[%squeeze3A_431, %dma_start3A_440] : memref<100x64xf32, #tpu.memory_space<hbm>> -> memref<1x64xf32, #tpu.memory_space<hbm>>
      tpu.enqueue_dma source(%dma_start3A_441 : memref<1x64xf32, #tpu.memory_space<hbm>>) target(%dma_start3A_439 : memref<1x64xf32, #tpu.memory_space<vmem>>) target_semaphore(%arg23 : memref<!tpu.dma_semaphore, #tpu.memory_space<semaphore_mem>>)
      %slice3A_442 = vector.extract_strided_slice %get3A_151 {offsets = [8], sizes = [1], strides = [1]} : vector<16xi32> to vector<1xi32>
      %squeeze3A_443 = vector.extract %slice3A_442[0] : i32 from vector<1xi32>
      %add3A_444 = arith.constant 8 : i32
      %add3A_445 = arith.addi %mul3A_150, %add3A_444 : i32
      %dma_start3A_446 = arith.constant 0 : i32
      %dma_start3A_447 = tpu.memref_slice %arg16[%add3A_445, %dma_start3A_446] : memref<128x64xf32, #tpu.memory_space<vmem>> -> memref<1x64xf32, #tpu.memory_space<vmem>>
      %dma_start3A_448 = arith.constant 0 : i32
      %dma_start3A_449 = tpu.memref_slice %arg6[%squeeze3A_443, %dma_start3A_448] : memref<1000000x64xf32, #tpu.memory_space<hbm>> -> memref<1x64xf32, #tpu.memory_space<hbm>>
      %dma_start3A_450 = arith.constant 0 : i32
      %dma_start3A_451 = tpu.memref_slice %arg16[%add3A_445, %dma_start3A_450] : memref<128x64xf32, #tpu.memory_space<vmem>> -> memref<1x64xf32, #tpu.memory_space<vmem>>
      %dma_start3A_452 = arith.constant 0 : i32
      %dma_start3A_453 = tpu.memref_slice %arg6[%squeeze3A_443, %dma_start3A_452] : memref<1000000x64xf32, #tpu.memory_space<hbm>> -> memref<1x64xf32, #tpu.memory_space<hbm>>
      tpu.enqueue_dma source(%dma_start3A_453 : memref<1x64xf32, #tpu.memory_space<hbm>>) target(%dma_start3A_451 : memref<1x64xf32, #tpu.memory_space<vmem>>) target_semaphore(%arg23 : memref<!tpu.dma_semaphore, #tpu.memory_space<semaphore_mem>>)
      %slice3A_454 = vector.extract_strided_slice %get3A_153 {offsets = [8], sizes = [1], strides = [1]} : vector<16xi32> to vector<1xi32>
      %squeeze3A_455 = vector.extract %slice3A_454[0] : i32 from vector<1xi32>
      %add3A_456 = arith.constant 8 : i32
      %add3A_457 = arith.addi %mul3A_150, %add3A_456 : i32
      %dma_start3A_458 = arith.constant 0 : i32
      %dma_start3A_459 = tpu.memref_slice %arg17[%add3A_457, %dma_start3A_458] : memref<128x64xf32, #tpu.memory_space<vmem>> -> memref<1x64xf32, #tpu.memory_space<vmem>>
      %dma_start3A_460 = arith.constant 0 : i32
      %dma_start3A_461 = tpu.memref_slice %arg6[%squeeze3A_455, %dma_start3A_460] : memref<1000000x64xf32, #tpu.memory_space<hbm>> -> memref<1x64xf32, #tpu.memory_space<hbm>>
      %dma_start3A_462 = arith.constant 0 : i32
      %dma_start3A_463 = tpu.memref_slice %arg17[%add3A_457, %dma_start3A_462] : memref<128x64xf32, #tpu.memory_space<vmem>> -> memref<1x64xf32, #tpu.memory_space<vmem>>
      %dma_start3A_464 = arith.constant 0 : i32
      %dma_start3A_465 = tpu.memref_slice %arg6[%squeeze3A_455, %dma_start3A_464] : memref<1000000x64xf32, #tpu.memory_space<hbm>> -> memref<1x64xf32, #tpu.memory_space<hbm>>
      tpu.enqueue_dma source(%dma_start3A_465 : memref<1x64xf32, #tpu.memory_space<hbm>>) target(%dma_start3A_463 : memref<1x64xf32, #tpu.memory_space<vmem>>) target_semaphore(%arg23 : memref<!tpu.dma_semaphore, #tpu.memory_space<semaphore_mem>>)
      %slice3A_466 = vector.extract_strided_slice %get3A_155 {offsets = [8], sizes = [1], strides = [1]} : vector<16xi32> to vector<1xi32>
      %squeeze3A_467 = vector.extract %slice3A_466[0] : i32 from vector<1xi32>
      %add3A_468 = arith.constant 8 : i32
      %add3A_469 = arith.addi %mul3A_150, %add3A_468 : i32
      %dma_start3A_470 = arith.constant 0 : i32
      %dma_start3A_471 = tpu.memref_slice %arg18[%add3A_469, %dma_start3A_470] : memref<128x64xf32, #tpu.memory_space<vmem>> -> memref<1x64xf32, #tpu.memory_space<vmem>>
      %dma_start3A_472 = arith.constant 0 : i32
      %dma_start3A_473 = tpu.memref_slice %arg7[%squeeze3A_467, %dma_start3A_472] : memref<100x64xf32, #tpu.memory_space<hbm>> -> memref<1x64xf32, #tpu.memory_space<hbm>>
      %dma_start3A_474 = arith.constant 0 : i32
      %dma_start3A_475 = tpu.memref_slice %arg18[%add3A_469, %dma_start3A_474] : memref<128x64xf32, #tpu.memory_space<vmem>> -> memref<1x64xf32, #tpu.memory_space<vmem>>
      %dma_start3A_476 = arith.constant 0 : i32
      %dma_start3A_477 = tpu.memref_slice %arg7[%squeeze3A_467, %dma_start3A_476] : memref<100x64xf32, #tpu.memory_space<hbm>> -> memref<1x64xf32, #tpu.memory_space<hbm>>
      tpu.enqueue_dma source(%dma_start3A_477 : memref<1x64xf32, #tpu.memory_space<hbm>>) target(%dma_start3A_475 : memref<1x64xf32, #tpu.memory_space<vmem>>) target_semaphore(%arg23 : memref<!tpu.dma_semaphore, #tpu.memory_space<semaphore_mem>>)
      %slice3A_478 = vector.extract_strided_slice %get3A_151 {offsets = [9], sizes = [1], strides = [1]} : vector<16xi32> to vector<1xi32>
      %squeeze3A_479 = vector.extract %slice3A_478[0] : i32 from vector<1xi32>
      %add3A_480 = arith.constant 9 : i32
      %add3A_481 = arith.addi %mul3A_150, %add3A_480 : i32
      %dma_start3A_482 = arith.constant 0 : i32
      %dma_start3A_483 = tpu.memref_slice %arg16[%add3A_481, %dma_start3A_482] : memref<128x64xf32, #tpu.memory_space<vmem>> -> memref<1x64xf32, #tpu.memory_space<vmem>>
      %dma_start3A_484 = arith.constant 0 : i32
      %dma_start3A_485 = tpu.memref_slice %arg6[%squeeze3A_479, %dma_start3A_484] : memref<1000000x64xf32, #tpu.memory_space<hbm>> -> memref<1x64xf32, #tpu.memory_space<hbm>>
      %dma_start3A_486 = arith.constant 0 : i32
      %dma_start3A_487 = tpu.memref_slice %arg16[%add3A_481, %dma_start3A_486] : memref<128x64xf32, #tpu.memory_space<vmem>> -> memref<1x64xf32, #tpu.memory_space<vmem>>
      %dma_start3A_488 = arith.constant 0 : i32
      %dma_start3A_489 = tpu.memref_slice %arg6[%squeeze3A_479, %dma_start3A_488] : memref<1000000x64xf32, #tpu.memory_space<hbm>> -> memref<1x64xf32, #tpu.memory_space<hbm>>
      tpu.enqueue_dma source(%dma_start3A_489 : memref<1x64xf32, #tpu.memory_space<hbm>>) target(%dma_start3A_487 : memref<1x64xf32, #tpu.memory_space<vmem>>) target_semaphore(%arg23 : memref<!tpu.dma_semaphore, #tpu.memory_space<semaphore_mem>>)
      %slice3A_490 = vector.extract_strided_slice %get3A_153 {offsets = [9], sizes = [1], strides = [1]} : vector<16xi32> to vector<1xi32>
      %squeeze3A_491 = vector.extract %slice3A_490[0] : i32 from vector<1xi32>
      %add3A_492 = arith.constant 9 : i32
      %add3A_493 = arith.addi %mul3A_150, %add3A_492 : i32
      %dma_start3A_494 = arith.constant 0 : i32
      %dma_start3A_495 = tpu.memref_slice %arg17[%add3A_493, %dma_start3A_494] : memref<128x64xf32, #tpu.memory_space<vmem>> -> memref<1x64xf32, #tpu.memory_space<vmem>>
      %dma_start3A_496 = arith.constant 0 : i32
      %dma_start3A_497 = tpu.memref_slice %arg6[%squeeze3A_491, %dma_start3A_496] : memref<1000000x64xf32, #tpu.memory_space<hbm>> -> memref<1x64xf32, #tpu.memory_space<hbm>>
      %dma_start3A_498 = arith.constant 0 : i32
      %dma_start3A_499 = tpu.memref_slice %arg17[%add3A_493, %dma_start3A_498] : memref<128x64xf32, #tpu.memory_space<vmem>> -> memref<1x64xf32, #tpu.memory_space<vmem>>
      %dma_start3A_500 = arith.constant 0 : i32
      %dma_start3A_501 = tpu.memref_slice %arg6[%squeeze3A_491, %dma_start3A_500] : memref<1000000x64xf32, #tpu.memory_space<hbm>> -> memref<1x64xf32, #tpu.memory_space<hbm>>
      tpu.enqueue_dma source(%dma_start3A_501 : memref<1x64xf32, #tpu.memory_space<hbm>>) target(%dma_start3A_499 : memref<1x64xf32, #tpu.memory_space<vmem>>) target_semaphore(%arg23 : memref<!tpu.dma_semaphore, #tpu.memory_space<semaphore_mem>>)
      %slice3A_502 = vector.extract_strided_slice %get3A_155 {offsets = [9], sizes = [1], strides = [1]} : vector<16xi32> to vector<1xi32>
      %squeeze3A_503 = vector.extract %slice3A_502[0] : i32 from vector<1xi32>
      %add3A_504 = arith.constant 9 : i32
      %add3A_505 = arith.addi %mul3A_150, %add3A_504 : i32
      %dma_start3A_506 = arith.constant 0 : i32
      %dma_start3A_507 = tpu.memref_slice %arg18[%add3A_505, %dma_start3A_506] : memref<128x64xf32, #tpu.memory_space<vmem>> -> memref<1x64xf32, #tpu.memory_space<vmem>>
      %dma_start3A_508 = arith.constant 0 : i32
      %dma_start3A_509 = tpu.memref_slice %arg7[%squeeze3A_503, %dma_start3A_508] : memref<100x64xf32, #tpu.memory_space<hbm>> -> memref<1x64xf32, #tpu.memory_space<hbm>>
      %dma_start3A_510 = arith.constant 0 : i32
      %dma_start3A_511 = tpu.memref_slice %arg18[%add3A_505, %dma_start3A_510] : memref<128x64xf32, #tpu.memory_space<vmem>> -> memref<1x64xf32, #tpu.memory_space<vmem>>
      %dma_start3A_512 = arith.constant 0 : i32
      %dma_start3A_513 = tpu.memref_slice %arg7[%squeeze3A_503, %dma_start3A_512] : memref<100x64xf32, #tpu.memory_space<hbm>> -> memref<1x64xf32, #tpu.memory_space<hbm>>
      tpu.enqueue_dma source(%dma_start3A_513 : memref<1x64xf32, #tpu.memory_space<hbm>>) target(%dma_start3A_511 : memref<1x64xf32, #tpu.memory_space<vmem>>) target_semaphore(%arg23 : memref<!tpu.dma_semaphore, #tpu.memory_space<semaphore_mem>>)
      %slice3A_514 = vector.extract_strided_slice %get3A_151 {offsets = [10], sizes = [1], strides = [1]} : vector<16xi32> to vector<1xi32>
      %squeeze3A_515 = vector.extract %slice3A_514[0] : i32 from vector<1xi32>
      %add3A_516 = arith.constant 10 : i32
      %add3A_517 = arith.addi %mul3A_150, %add3A_516 : i32
      %dma_start3A_518 = arith.constant 0 : i32
      %dma_start3A_519 = tpu.memref_slice %arg16[%add3A_517, %dma_start3A_518] : memref<128x64xf32, #tpu.memory_space<vmem>> -> memref<1x64xf32, #tpu.memory_space<vmem>>
      %dma_start3A_520 = arith.constant 0 : i32
      %dma_start3A_521 = tpu.memref_slice %arg6[%squeeze3A_515, %dma_start3A_520] : memref<1000000x64xf32, #tpu.memory_space<hbm>> -> memref<1x64xf32, #tpu.memory_space<hbm>>
      %dma_start3A_522 = arith.constant 0 : i32
      %dma_start3A_523 = tpu.memref_slice %arg16[%add3A_517, %dma_start3A_522] : memref<128x64xf32, #tpu.memory_space<vmem>> -> memref<1x64xf32, #tpu.memory_space<vmem>>
      %dma_start3A_524 = arith.constant 0 : i32
      %dma_start3A_525 = tpu.memref_slice %arg6[%squeeze3A_515, %dma_start3A_524] : memref<1000000x64xf32, #tpu.memory_space<hbm>> -> memref<1x64xf32, #tpu.memory_space<hbm>>
      tpu.enqueue_dma source(%dma_start3A_525 : memref<1x64xf32, #tpu.memory_space<hbm>>) target(%dma_start3A_523 : memref<1x64xf32, #tpu.memory_space<vmem>>) target_semaphore(%arg23 : memref<!tpu.dma_semaphore, #tpu.memory_space<semaphore_mem>>)
      %slice3A_526 = vector.extract_strided_slice %get3A_153 {offsets = [10], sizes = [1], strides = [1]} : vector<16xi32> to vector<1xi32>
      %squeeze3A_527 = vector.extract %slice3A_526[0] : i32 from vector<1xi32>
      %add3A_528 = arith.constant 10 : i32
      %add3A_529 = arith.addi %mul3A_150, %add3A_528 : i32
      %dma_start3A_530 = arith.constant 0 : i32
      %dma_start3A_531 = tpu.memref_slice %arg17[%add3A_529, %dma_start3A_530] : memref<128x64xf32, #tpu.memory_space<vmem>> -> memref<1x64xf32, #tpu.memory_space<vmem>>
      %dma_start3A_532 = arith.constant 0 : i32
      %dma_start3A_533 = tpu.memref_slice %arg6[%squeeze3A_527, %dma_start3A_532] : memref<1000000x64xf32, #tpu.memory_space<hbm>> -> memref<1x64xf32, #tpu.memory_space<hbm>>
      %dma_start3A_534 = arith.constant 0 : i32
      %dma_start3A_535 = tpu.memref_slice %arg17[%add3A_529, %dma_start3A_534] : memref<128x64xf32, #tpu.memory_space<vmem>> -> memref<1x64xf32, #tpu.memory_space<vmem>>
      %dma_start3A_536 = arith.constant 0 : i32
      %dma_start3A_537 = tpu.memref_slice %arg6[%squeeze3A_527, %dma_start3A_536] : memref<1000000x64xf32, #tpu.memory_space<hbm>> -> memref<1x64xf32, #tpu.memory_space<hbm>>
      tpu.enqueue_dma source(%dma_start3A_537 : memref<1x64xf32, #tpu.memory_space<hbm>>) target(%dma_start3A_535 : memref<1x64xf32, #tpu.memory_space<vmem>>) target_semaphore(%arg23 : memref<!tpu.dma_semaphore, #tpu.memory_space<semaphore_mem>>)
      %slice3A_538 = vector.extract_strided_slice %get3A_155 {offsets = [10], sizes = [1], strides = [1]} : vector<16xi32> to vector<1xi32>
      %squeeze3A_539 = vector.extract %slice3A_538[0] : i32 from vector<1xi32>
      %add3A_540 = arith.constant 10 : i32
      %add3A_541 = arith.addi %mul3A_150, %add3A_540 : i32
      %dma_start3A_542 = arith.constant 0 : i32
      %dma_start3A_543 = tpu.memref_slice %arg18[%add3A_541, %dma_start3A_542] : memref<128x64xf32, #tpu.memory_space<vmem>> -> memref<1x64xf32, #tpu.memory_space<vmem>>
      %dma_start3A_544 = arith.constant 0 : i32
      %dma_start3A_545 = tpu.memref_slice %arg7[%squeeze3A_539, %dma_start3A_544] : memref<100x64xf32, #tpu.memory_space<hbm>> -> memref<1x64xf32, #tpu.memory_space<hbm>>
      %dma_start3A_546 = arith.constant 0 : i32
      %dma_start3A_547 = tpu.memref_slice %arg18[%add3A_541, %dma_start3A_546] : memref<128x64xf32, #tpu.memory_space<vmem>> -> memref<1x64xf32, #tpu.memory_space<vmem>>
      %dma_start3A_548 = arith.constant 0 : i32
      %dma_start3A_549 = tpu.memref_slice %arg7[%squeeze3A_539, %dma_start3A_548] : memref<100x64xf32, #tpu.memory_space<hbm>> -> memref<1x64xf32, #tpu.memory_space<hbm>>
      tpu.enqueue_dma source(%dma_start3A_549 : memref<1x64xf32, #tpu.memory_space<hbm>>) target(%dma_start3A_547 : memref<1x64xf32, #tpu.memory_space<vmem>>) target_semaphore(%arg23 : memref<!tpu.dma_semaphore, #tpu.memory_space<semaphore_mem>>)
      %slice3A_550 = vector.extract_strided_slice %get3A_151 {offsets = [11], sizes = [1], strides = [1]} : vector<16xi32> to vector<1xi32>
      %squeeze3A_551 = vector.extract %slice3A_550[0] : i32 from vector<1xi32>
      %add3A_552 = arith.constant 11 : i32
      %add3A_553 = arith.addi %mul3A_150, %add3A_552 : i32
      %dma_start3A_554 = arith.constant 0 : i32
      %dma_start3A_555 = tpu.memref_slice %arg16[%add3A_553, %dma_start3A_554] : memref<128x64xf32, #tpu.memory_space<vmem>> -> memref<1x64xf32, #tpu.memory_space<vmem>>
      %dma_start3A_556 = arith.constant 0 : i32
      %dma_start3A_557 = tpu.memref_slice %arg6[%squeeze3A_551, %dma_start3A_556] : memref<1000000x64xf32, #tpu.memory_space<hbm>> -> memref<1x64xf32, #tpu.memory_space<hbm>>
      %dma_start3A_558 = arith.constant 0 : i32
      %dma_start3A_559 = tpu.memref_slice %arg16[%add3A_553, %dma_start3A_558] : memref<128x64xf32, #tpu.memory_space<vmem>> -> memref<1x64xf32, #tpu.memory_space<vmem>>
      %dma_start3A_560 = arith.constant 0 : i32
      %dma_start3A_561 = tpu.memref_slice %arg6[%squeeze3A_551, %dma_start3A_560] : memref<1000000x64xf32, #tpu.memory_space<hbm>> -> memref<1x64xf32, #tpu.memory_space<hbm>>
      tpu.enqueue_dma source(%dma_start3A_561 : memref<1x64xf32, #tpu.memory_space<hbm>>) target(%dma_start3A_559 : memref<1x64xf32, #tpu.memory_space<vmem>>) target_semaphore(%arg23 : memref<!tpu.dma_semaphore, #tpu.memory_space<semaphore_mem>>)
      %slice3A_562 = vector.extract_strided_slice %get3A_153 {offsets = [11], sizes = [1], strides = [1]} : vector<16xi32> to vector<1xi32>
      %squeeze3A_563 = vector.extract %slice3A_562[0] : i32 from vector<1xi32>
      %add3A_564 = arith.constant 11 : i32
      %add3A_565 = arith.addi %mul3A_150, %add3A_564 : i32
      %dma_start3A_566 = arith.constant 0 : i32
      %dma_start3A_567 = tpu.memref_slice %arg17[%add3A_565, %dma_start3A_566] : memref<128x64xf32, #tpu.memory_space<vmem>> -> memref<1x64xf32, #tpu.memory_space<vmem>>
      %dma_start3A_568 = arith.constant 0 : i32
      %dma_start3A_569 = tpu.memref_slice %arg6[%squeeze3A_563, %dma_start3A_568] : memref<1000000x64xf32, #tpu.memory_space<hbm>> -> memref<1x64xf32, #tpu.memory_space<hbm>>
      %dma_start3A_570 = arith.constant 0 : i32
      %dma_start3A_571 = tpu.memref_slice %arg17[%add3A_565, %dma_start3A_570] : memref<128x64xf32, #tpu.memory_space<vmem>> -> memref<1x64xf32, #tpu.memory_space<vmem>>
      %dma_start3A_572 = arith.constant 0 : i32
      %dma_start3A_573 = tpu.memref_slice %arg6[%squeeze3A_563, %dma_start3A_572] : memref<1000000x64xf32, #tpu.memory_space<hbm>> -> memref<1x64xf32, #tpu.memory_space<hbm>>
      tpu.enqueue_dma source(%dma_start3A_573 : memref<1x64xf32, #tpu.memory_space<hbm>>) target(%dma_start3A_571 : memref<1x64xf32, #tpu.memory_space<vmem>>) target_semaphore(%arg23 : memref<!tpu.dma_semaphore, #tpu.memory_space<semaphore_mem>>)
      %slice3A_574 = vector.extract_strided_slice %get3A_155 {offsets = [11], sizes = [1], strides = [1]} : vector<16xi32> to vector<1xi32>
      %squeeze3A_575 = vector.extract %slice3A_574[0] : i32 from vector<1xi32>
      %add3A_576 = arith.constant 11 : i32
      %add3A_577 = arith.addi %mul3A_150, %add3A_576 : i32
      %dma_start3A_578 = arith.constant 0 : i32
      %dma_start3A_579 = tpu.memref_slice %arg18[%add3A_577, %dma_start3A_578] : memref<128x64xf32, #tpu.memory_space<vmem>> -> memref<1x64xf32, #tpu.memory_space<vmem>>
      %dma_start3A_580 = arith.constant 0 : i32
      %dma_start3A_581 = tpu.memref_slice %arg7[%squeeze3A_575, %dma_start3A_580] : memref<100x64xf32, #tpu.memory_space<hbm>> -> memref<1x64xf32, #tpu.memory_space<hbm>>
      %dma_start3A_582 = arith.constant 0 : i32
      %dma_start3A_583 = tpu.memref_slice %arg18[%add3A_577, %dma_start3A_582] : memref<128x64xf32, #tpu.memory_space<vmem>> -> memref<1x64xf32, #tpu.memory_space<vmem>>
      %dma_start3A_584 = arith.constant 0 : i32
      %dma_start3A_585 = tpu.memref_slice %arg7[%squeeze3A_575, %dma_start3A_584] : memref<100x64xf32, #tpu.memory_space<hbm>> -> memref<1x64xf32, #tpu.memory_space<hbm>>
      tpu.enqueue_dma source(%dma_start3A_585 : memref<1x64xf32, #tpu.memory_space<hbm>>) target(%dma_start3A_583 : memref<1x64xf32, #tpu.memory_space<vmem>>) target_semaphore(%arg23 : memref<!tpu.dma_semaphore, #tpu.memory_space<semaphore_mem>>)
      %slice3A_586 = vector.extract_strided_slice %get3A_151 {offsets = [12], sizes = [1], strides = [1]} : vector<16xi32> to vector<1xi32>
      %squeeze3A_587 = vector.extract %slice3A_586[0] : i32 from vector<1xi32>
      %add3A_588 = arith.constant 12 : i32
      %add3A_589 = arith.addi %mul3A_150, %add3A_588 : i32
      %dma_start3A_590 = arith.constant 0 : i32
      %dma_start3A_591 = tpu.memref_slice %arg16[%add3A_589, %dma_start3A_590] : memref<128x64xf32, #tpu.memory_space<vmem>> -> memref<1x64xf32, #tpu.memory_space<vmem>>
      %dma_start3A_592 = arith.constant 0 : i32
      %dma_start3A_593 = tpu.memref_slice %arg6[%squeeze3A_587, %dma_start3A_592] : memref<1000000x64xf32, #tpu.memory_space<hbm>> -> memref<1x64xf32, #tpu.memory_space<hbm>>
      %dma_start3A_594 = arith.constant 0 : i32
      %dma_start3A_595 = tpu.memref_slice %arg16[%add3A_589, %dma_start3A_594] : memref<128x64xf32, #tpu.memory_space<vmem>> -> memref<1x64xf32, #tpu.memory_space<vmem>>
      %dma_start3A_596 = arith.constant 0 : i32
      %dma_start3A_597 = tpu.memref_slice %arg6[%squeeze3A_587, %dma_start3A_596] : memref<1000000x64xf32, #tpu.memory_space<hbm>> -> memref<1x64xf32, #tpu.memory_space<hbm>>
      tpu.enqueue_dma source(%dma_start3A_597 : memref<1x64xf32, #tpu.memory_space<hbm>>) target(%dma_start3A_595 : memref<1x64xf32, #tpu.memory_space<vmem>>) target_semaphore(%arg23 : memref<!tpu.dma_semaphore, #tpu.memory_space<semaphore_mem>>)
      %slice3A_598 = vector.extract_strided_slice %get3A_153 {offsets = [12], sizes = [1], strides = [1]} : vector<16xi32> to vector<1xi32>
      %squeeze3A_599 = vector.extract %slice3A_598[0] : i32 from vector<1xi32>
      %add3A_600 = arith.constant 12 : i32
      %add3A_601 = arith.addi %mul3A_150, %add3A_600 : i32
      %dma_start3A_602 = arith.constant 0 : i32
      %dma_start3A_603 = tpu.memref_slice %arg17[%add3A_601, %dma_start3A_602] : memref<128x64xf32, #tpu.memory_space<vmem>> -> memref<1x64xf32, #tpu.memory_space<vmem>>
      %dma_start3A_604 = arith.constant 0 : i32
      %dma_start3A_605 = tpu.memref_slice %arg6[%squeeze3A_599, %dma_start3A_604] : memref<1000000x64xf32, #tpu.memory_space<hbm>> -> memref<1x64xf32, #tpu.memory_space<hbm>>
      %dma_start3A_606 = arith.constant 0 : i32
      %dma_start3A_607 = tpu.memref_slice %arg17[%add3A_601, %dma_start3A_606] : memref<128x64xf32, #tpu.memory_space<vmem>> -> memref<1x64xf32, #tpu.memory_space<vmem>>
      %dma_start3A_608 = arith.constant 0 : i32
      %dma_start3A_609 = tpu.memref_slice %arg6[%squeeze3A_599, %dma_start3A_608] : memref<1000000x64xf32, #tpu.memory_space<hbm>> -> memref<1x64xf32, #tpu.memory_space<hbm>>
      tpu.enqueue_dma source(%dma_start3A_609 : memref<1x64xf32, #tpu.memory_space<hbm>>) target(%dma_start3A_607 : memref<1x64xf32, #tpu.memory_space<vmem>>) target_semaphore(%arg23 : memref<!tpu.dma_semaphore, #tpu.memory_space<semaphore_mem>>)
      %slice3A_610 = vector.extract_strided_slice %get3A_155 {offsets = [12], sizes = [1], strides = [1]} : vector<16xi32> to vector<1xi32>
      %squeeze3A_611 = vector.extract %slice3A_610[0] : i32 from vector<1xi32>
      %add3A_612 = arith.constant 12 : i32
      %add3A_613 = arith.addi %mul3A_150, %add3A_612 : i32
      %dma_start3A_614 = arith.constant 0 : i32
      %dma_start3A_615 = tpu.memref_slice %arg18[%add3A_613, %dma_start3A_614] : memref<128x64xf32, #tpu.memory_space<vmem>> -> memref<1x64xf32, #tpu.memory_space<vmem>>
      %dma_start3A_616 = arith.constant 0 : i32
      %dma_start3A_617 = tpu.memref_slice %arg7[%squeeze3A_611, %dma_start3A_616] : memref<100x64xf32, #tpu.memory_space<hbm>> -> memref<1x64xf32, #tpu.memory_space<hbm>>
      %dma_start3A_618 = arith.constant 0 : i32
      %dma_start3A_619 = tpu.memref_slice %arg18[%add3A_613, %dma_start3A_618] : memref<128x64xf32, #tpu.memory_space<vmem>> -> memref<1x64xf32, #tpu.memory_space<vmem>>
      %dma_start3A_620 = arith.constant 0 : i32
      %dma_start3A_621 = tpu.memref_slice %arg7[%squeeze3A_611, %dma_start3A_620] : memref<100x64xf32, #tpu.memory_space<hbm>> -> memref<1x64xf32, #tpu.memory_space<hbm>>
      tpu.enqueue_dma source(%dma_start3A_621 : memref<1x64xf32, #tpu.memory_space<hbm>>) target(%dma_start3A_619 : memref<1x64xf32, #tpu.memory_space<vmem>>) target_semaphore(%arg23 : memref<!tpu.dma_semaphore, #tpu.memory_space<semaphore_mem>>)
      %slice3A_622 = vector.extract_strided_slice %get3A_151 {offsets = [13], sizes = [1], strides = [1]} : vector<16xi32> to vector<1xi32>
      %squeeze3A_623 = vector.extract %slice3A_622[0] : i32 from vector<1xi32>
      %add3A_624 = arith.constant 13 : i32
      %add3A_625 = arith.addi %mul3A_150, %add3A_624 : i32
      %dma_start3A_626 = arith.constant 0 : i32
      %dma_start3A_627 = tpu.memref_slice %arg16[%add3A_625, %dma_start3A_626] : memref<128x64xf32, #tpu.memory_space<vmem>> -> memref<1x64xf32, #tpu.memory_space<vmem>>
      %dma_start3A_628 = arith.constant 0 : i32
      %dma_start3A_629 = tpu.memref_slice %arg6[%squeeze3A_623, %dma_start3A_628] : memref<1000000x64xf32, #tpu.memory_space<hbm>> -> memref<1x64xf32, #tpu.memory_space<hbm>>
      %dma_start3A_630 = arith.constant 0 : i32
      %dma_start3A_631 = tpu.memref_slice %arg16[%add3A_625, %dma_start3A_630] : memref<128x64xf32, #tpu.memory_space<vmem>> -> memref<1x64xf32, #tpu.memory_space<vmem>>
      %dma_start3A_632 = arith.constant 0 : i32
      %dma_start3A_633 = tpu.memref_slice %arg6[%squeeze3A_623, %dma_start3A_632] : memref<1000000x64xf32, #tpu.memory_space<hbm>> -> memref<1x64xf32, #tpu.memory_space<hbm>>
      tpu.enqueue_dma source(%dma_start3A_633 : memref<1x64xf32, #tpu.memory_space<hbm>>) target(%dma_start3A_631 : memref<1x64xf32, #tpu.memory_space<vmem>>) target_semaphore(%arg23 : memref<!tpu.dma_semaphore, #tpu.memory_space<semaphore_mem>>)
      %slice3A_634 = vector.extract_strided_slice %get3A_153 {offsets = [13], sizes = [1], strides = [1]} : vector<16xi32> to vector<1xi32>
      %squeeze3A_635 = vector.extract %slice3A_634[0] : i32 from vector<1xi32>
      %add3A_636 = arith.constant 13 : i32
      %add3A_637 = arith.addi %mul3A_150, %add3A_636 : i32
      %dma_start3A_638 = arith.constant 0 : i32
      %dma_start3A_639 = tpu.memref_slice %arg17[%add3A_637, %dma_start3A_638] : memref<128x64xf32, #tpu.memory_space<vmem>> -> memref<1x64xf32, #tpu.memory_space<vmem>>
      %dma_start3A_640 = arith.constant 0 : i32
      %dma_start3A_641 = tpu.memref_slice %arg6[%squeeze3A_635, %dma_start3A_640] : memref<1000000x64xf32, #tpu.memory_space<hbm>> -> memref<1x64xf32, #tpu.memory_space<hbm>>
      %dma_start3A_642 = arith.constant 0 : i32
      %dma_start3A_643 = tpu.memref_slice %arg17[%add3A_637, %dma_start3A_642] : memref<128x64xf32, #tpu.memory_space<vmem>> -> memref<1x64xf32, #tpu.memory_space<vmem>>
      %dma_start3A_644 = arith.constant 0 : i32
      %dma_start3A_645 = tpu.memref_slice %arg6[%squeeze3A_635, %dma_start3A_644] : memref<1000000x64xf32, #tpu.memory_space<hbm>> -> memref<1x64xf32, #tpu.memory_space<hbm>>
      tpu.enqueue_dma source(%dma_start3A_645 : memref<1x64xf32, #tpu.memory_space<hbm>>) target(%dma_start3A_643 : memref<1x64xf32, #tpu.memory_space<vmem>>) target_semaphore(%arg23 : memref<!tpu.dma_semaphore, #tpu.memory_space<semaphore_mem>>)
      %slice3A_646 = vector.extract_strided_slice %get3A_155 {offsets = [13], sizes = [1], strides = [1]} : vector<16xi32> to vector<1xi32>
      %squeeze3A_647 = vector.extract %slice3A_646[0] : i32 from vector<1xi32>
      %add3A_648 = arith.constant 13 : i32
      %add3A_649 = arith.addi %mul3A_150, %add3A_648 : i32
      %dma_start3A_650 = arith.constant 0 : i32
      %dma_start3A_651 = tpu.memref_slice %arg18[%add3A_649, %dma_start3A_650] : memref<128x64xf32, #tpu.memory_space<vmem>> -> memref<1x64xf32, #tpu.memory_space<vmem>>
      %dma_start3A_652 = arith.constant 0 : i32
      %dma_start3A_653 = tpu.memref_slice %arg7[%squeeze3A_647, %dma_start3A_652] : memref<100x64xf32, #tpu.memory_space<hbm>> -> memref<1x64xf32, #tpu.memory_space<hbm>>
      %dma_start3A_654 = arith.constant 0 : i32
      %dma_start3A_655 = tpu.memref_slice %arg18[%add3A_649, %dma_start3A_654] : memref<128x64xf32, #tpu.memory_space<vmem>> -> memref<1x64xf32, #tpu.memory_space<vmem>>
      %dma_start3A_656 = arith.constant 0 : i32
      %dma_start3A_657 = tpu.memref_slice %arg7[%squeeze3A_647, %dma_start3A_656] : memref<100x64xf32, #tpu.memory_space<hbm>> -> memref<1x64xf32, #tpu.memory_space<hbm>>
      tpu.enqueue_dma source(%dma_start3A_657 : memref<1x64xf32, #tpu.memory_space<hbm>>) target(%dma_start3A_655 : memref<1x64xf32, #tpu.memory_space<vmem>>) target_semaphore(%arg23 : memref<!tpu.dma_semaphore, #tpu.memory_space<semaphore_mem>>)
      %slice3A_658 = vector.extract_strided_slice %get3A_151 {offsets = [14], sizes = [1], strides = [1]} : vector<16xi32> to vector<1xi32>
      %squeeze3A_659 = vector.extract %slice3A_658[0] : i32 from vector<1xi32>
      %add3A_660 = arith.constant 14 : i32
      %add3A_661 = arith.addi %mul3A_150, %add3A_660 : i32
      %dma_start3A_662 = arith.constant 0 : i32
      %dma_start3A_663 = tpu.memref_slice %arg16[%add3A_661, %dma_start3A_662] : memref<128x64xf32, #tpu.memory_space<vmem>> -> memref<1x64xf32, #tpu.memory_space<vmem>>
      %dma_start3A_664 = arith.constant 0 : i32
      %dma_start3A_665 = tpu.memref_slice %arg6[%squeeze3A_659, %dma_start3A_664] : memref<1000000x64xf32, #tpu.memory_space<hbm>> -> memref<1x64xf32, #tpu.memory_space<hbm>>
      %dma_start3A_666 = arith.constant 0 : i32
      %dma_start3A_667 = tpu.memref_slice %arg16[%add3A_661, %dma_start3A_666] : memref<128x64xf32, #tpu.memory_space<vmem>> -> memref<1x64xf32, #tpu.memory_space<vmem>>
      %dma_start3A_668 = arith.constant 0 : i32
      %dma_start3A_669 = tpu.memref_slice %arg6[%squeeze3A_659, %dma_start3A_668] : memref<1000000x64xf32, #tpu.memory_space<hbm>> -> memref<1x64xf32, #tpu.memory_space<hbm>>
      tpu.enqueue_dma source(%dma_start3A_669 : memref<1x64xf32, #tpu.memory_space<hbm>>) target(%dma_start3A_667 : memref<1x64xf32, #tpu.memory_space<vmem>>) target_semaphore(%arg23 : memref<!tpu.dma_semaphore, #tpu.memory_space<semaphore_mem>>)
      %slice3A_670 = vector.extract_strided_slice %get3A_153 {offsets = [14], sizes = [1], strides = [1]} : vector<16xi32> to vector<1xi32>
      %squeeze3A_671 = vector.extract %slice3A_670[0] : i32 from vector<1xi32>
      %add3A_672 = arith.constant 14 : i32
      %add3A_673 = arith.addi %mul3A_150, %add3A_672 : i32
      %dma_start3A_674 = arith.constant 0 : i32
      %dma_start3A_675 = tpu.memref_slice %arg17[%add3A_673, %dma_start3A_674] : memref<128x64xf32, #tpu.memory_space<vmem>> -> memref<1x64xf32, #tpu.memory_space<vmem>>
      %dma_start3A_676 = arith.constant 0 : i32
      %dma_start3A_677 = tpu.memref_slice %arg6[%squeeze3A_671, %dma_start3A_676] : memref<1000000x64xf32, #tpu.memory_space<hbm>> -> memref<1x64xf32, #tpu.memory_space<hbm>>
      %dma_start3A_678 = arith.constant 0 : i32
      %dma_start3A_679 = tpu.memref_slice %arg17[%add3A_673, %dma_start3A_678] : memref<128x64xf32, #tpu.memory_space<vmem>> -> memref<1x64xf32, #tpu.memory_space<vmem>>
      %dma_start3A_680 = arith.constant 0 : i32
      %dma_start3A_681 = tpu.memref_slice %arg6[%squeeze3A_671, %dma_start3A_680] : memref<1000000x64xf32, #tpu.memory_space<hbm>> -> memref<1x64xf32, #tpu.memory_space<hbm>>
      tpu.enqueue_dma source(%dma_start3A_681 : memref<1x64xf32, #tpu.memory_space<hbm>>) target(%dma_start3A_679 : memref<1x64xf32, #tpu.memory_space<vmem>>) target_semaphore(%arg23 : memref<!tpu.dma_semaphore, #tpu.memory_space<semaphore_mem>>)
      %slice3A_682 = vector.extract_strided_slice %get3A_155 {offsets = [14], sizes = [1], strides = [1]} : vector<16xi32> to vector<1xi32>
      %squeeze3A_683 = vector.extract %slice3A_682[0] : i32 from vector<1xi32>
      %add3A_684 = arith.constant 14 : i32
      %add3A_685 = arith.addi %mul3A_150, %add3A_684 : i32
      %dma_start3A_686 = arith.constant 0 : i32
      %dma_start3A_687 = tpu.memref_slice %arg18[%add3A_685, %dma_start3A_686] : memref<128x64xf32, #tpu.memory_space<vmem>> -> memref<1x64xf32, #tpu.memory_space<vmem>>
      %dma_start3A_688 = arith.constant 0 : i32
      %dma_start3A_689 = tpu.memref_slice %arg7[%squeeze3A_683, %dma_start3A_688] : memref<100x64xf32, #tpu.memory_space<hbm>> -> memref<1x64xf32, #tpu.memory_space<hbm>>
      %dma_start3A_690 = arith.constant 0 : i32
      %dma_start3A_691 = tpu.memref_slice %arg18[%add3A_685, %dma_start3A_690] : memref<128x64xf32, #tpu.memory_space<vmem>> -> memref<1x64xf32, #tpu.memory_space<vmem>>
      %dma_start3A_692 = arith.constant 0 : i32
      %dma_start3A_693 = tpu.memref_slice %arg7[%squeeze3A_683, %dma_start3A_692] : memref<100x64xf32, #tpu.memory_space<hbm>> -> memref<1x64xf32, #tpu.memory_space<hbm>>
      tpu.enqueue_dma source(%dma_start3A_693 : memref<1x64xf32, #tpu.memory_space<hbm>>) target(%dma_start3A_691 : memref<1x64xf32, #tpu.memory_space<vmem>>) target_semaphore(%arg23 : memref<!tpu.dma_semaphore, #tpu.memory_space<semaphore_mem>>)
      %slice3A_694 = vector.extract_strided_slice %get3A_151 {offsets = [15], sizes = [1], strides = [1]} : vector<16xi32> to vector<1xi32>
      %squeeze3A_695 = vector.extract %slice3A_694[0] : i32 from vector<1xi32>
      %add3A_696 = arith.constant 15 : i32
      %add3A_697 = arith.addi %mul3A_150, %add3A_696 : i32
      %dma_start3A_698 = arith.constant 0 : i32
      %dma_start3A_699 = tpu.memref_slice %arg16[%add3A_697, %dma_start3A_698] : memref<128x64xf32, #tpu.memory_space<vmem>> -> memref<1x64xf32, #tpu.memory_space<vmem>>
      %dma_start3A_700 = arith.constant 0 : i32
      %dma_start3A_701 = tpu.memref_slice %arg6[%squeeze3A_695, %dma_start3A_700] : memref<1000000x64xf32, #tpu.memory_space<hbm>> -> memref<1x64xf32, #tpu.memory_space<hbm>>
      %dma_start3A_702 = arith.constant 0 : i32
      %dma_start3A_703 = tpu.memref_slice %arg16[%add3A_697, %dma_start3A_702] : memref<128x64xf32, #tpu.memory_space<vmem>> -> memref<1x64xf32, #tpu.memory_space<vmem>>
      %dma_start3A_704 = arith.constant 0 : i32
      %dma_start3A_705 = tpu.memref_slice %arg6[%squeeze3A_695, %dma_start3A_704] : memref<1000000x64xf32, #tpu.memory_space<hbm>> -> memref<1x64xf32, #tpu.memory_space<hbm>>
      tpu.enqueue_dma source(%dma_start3A_705 : memref<1x64xf32, #tpu.memory_space<hbm>>) target(%dma_start3A_703 : memref<1x64xf32, #tpu.memory_space<vmem>>) target_semaphore(%arg23 : memref<!tpu.dma_semaphore, #tpu.memory_space<semaphore_mem>>)
      %slice3A_706 = vector.extract_strided_slice %get3A_153 {offsets = [15], sizes = [1], strides = [1]} : vector<16xi32> to vector<1xi32>
      %squeeze3A_707 = vector.extract %slice3A_706[0] : i32 from vector<1xi32>
      %add3A_708 = arith.constant 15 : i32
      %add3A_709 = arith.addi %mul3A_150, %add3A_708 : i32
      %dma_start3A_710 = arith.constant 0 : i32
      %dma_start3A_711 = tpu.memref_slice %arg17[%add3A_709, %dma_start3A_710] : memref<128x64xf32, #tpu.memory_space<vmem>> -> memref<1x64xf32, #tpu.memory_space<vmem>>
      %dma_start3A_712 = arith.constant 0 : i32
      %dma_start3A_713 = tpu.memref_slice %arg6[%squeeze3A_707, %dma_start3A_712] : memref<1000000x64xf32, #tpu.memory_space<hbm>> -> memref<1x64xf32, #tpu.memory_space<hbm>>
      %dma_start3A_714 = arith.constant 0 : i32
      %dma_start3A_715 = tpu.memref_slice %arg17[%add3A_709, %dma_start3A_714] : memref<128x64xf32, #tpu.memory_space<vmem>> -> memref<1x64xf32, #tpu.memory_space<vmem>>
      %dma_start3A_716 = arith.constant 0 : i32
      %dma_start3A_717 = tpu.memref_slice %arg6[%squeeze3A_707, %dma_start3A_716] : memref<1000000x64xf32, #tpu.memory_space<hbm>> -> memref<1x64xf32, #tpu.memory_space<hbm>>
      tpu.enqueue_dma source(%dma_start3A_717 : memref<1x64xf32, #tpu.memory_space<hbm>>) target(%dma_start3A_715 : memref<1x64xf32, #tpu.memory_space<vmem>>) target_semaphore(%arg23 : memref<!tpu.dma_semaphore, #tpu.memory_space<semaphore_mem>>)
      %slice3A_718 = vector.extract_strided_slice %get3A_155 {offsets = [15], sizes = [1], strides = [1]} : vector<16xi32> to vector<1xi32>
      %squeeze3A_719 = vector.extract %slice3A_718[0] : i32 from vector<1xi32>
      %add3A_720 = arith.constant 15 : i32
      %add3A_721 = arith.addi %mul3A_150, %add3A_720 : i32
      %dma_start3A_722 = arith.constant 0 : i32
      %dma_start3A_723 = tpu.memref_slice %arg18[%add3A_721, %dma_start3A_722] : memref<128x64xf32, #tpu.memory_space<vmem>> -> memref<1x64xf32, #tpu.memory_space<vmem>>
      %dma_start3A_724 = arith.constant 0 : i32
      %dma_start3A_725 = tpu.memref_slice %arg7[%squeeze3A_719, %dma_start3A_724] : memref<100x64xf32, #tpu.memory_space<hbm>> -> memref<1x64xf32, #tpu.memory_space<hbm>>
      %dma_start3A_726 = arith.constant 0 : i32
      %dma_start3A_727 = tpu.memref_slice %arg18[%add3A_721, %dma_start3A_726] : memref<128x64xf32, #tpu.memory_space<vmem>> -> memref<1x64xf32, #tpu.memory_space<vmem>>
      %dma_start3A_728 = arith.constant 0 : i32
      %dma_start3A_729 = tpu.memref_slice %arg7[%squeeze3A_719, %dma_start3A_728] : memref<100x64xf32, #tpu.memory_space<hbm>> -> memref<1x64xf32, #tpu.memory_space<hbm>>
      tpu.enqueue_dma source(%dma_start3A_729 : memref<1x64xf32, #tpu.memory_space<hbm>>) target(%dma_start3A_727 : memref<1x64xf32, #tpu.memory_space<vmem>>) target_semaphore(%arg23 : memref<!tpu.dma_semaphore, #tpu.memory_space<semaphore_mem>>)
    }
    %scan3A_100 = arith.constant 8 : i32
    %scan3A_101 = arith.constant 0 : i32
    %scan3A_102 = arith.constant 8 : i32
    %scan3A_103 = arith.addi %scan3A_101, %scan3A_102 : i32
    %scan3A_104 = arith.constant 1 : i32
    scf.for %scan3A_144 = %scan3A_101 to %scan3A_103 step %scan3A_104  : i32 {
      %mul3A_145 = arith.constant 16 : i32
      %mul3A_146 = arith.muli %scan3A_144, %mul3A_145 : i32
      %add3A_147 = arith.constant 128 : i32
      %add3A_148 = arith.addi %add3A_147, %mul3A_146 : i32
      %mul3A_149 = arith.constant 16 : i32
      %mul3A_150 = arith.muli %scan3A_144, %mul3A_149 : i32
      %get3A = arith.index_cast %add3A_148 : i32 to index
      %get3A_151 = tpu.vector_load %arg14[%get3A] {strides = array<i32>} : memref<512xi32, #tpu.memory_space<vmem>>, vector<16xi32>,
      %get3A_152 = arith.index_cast %add3A_148 : i32 to index
      %get3A_153 = tpu.vector_load %arg15[%get3A_152] {strides = array<i32>} : memref<512xi32, #tpu.memory_space<vmem>>, vector<16xi32>,
      %get3A_154 = arith.index_cast %add3A_148 : i32 to index
      %get3A_155 = tpu.vector_load %arg13[%get3A_154] {strides = array<i32>} : memref<512xi32, #tpu.memory_space<vmem>>, vector<16xi32>,
      %slice3A = vector.extract_strided_slice %get3A_151 {offsets = [0], sizes = [1], strides = [1]} : vector<16xi32> to vector<1xi32>
      %squeeze3A = vector.extract %slice3A[0] : i32 from vector<1xi32>
      %add3A_156 = arith.constant 0 : i32
      %add3A_157 = arith.addi %mul3A_150, %add3A_156 : i32
      %dma_start3A_158 = arith.constant 0 : i32
      %dma_start3A_159 = tpu.memref_slice %arg19[%add3A_157, %dma_start3A_158] : memref<128x64xf32, #tpu.memory_space<vmem>> -> memref<1x64xf32, #tpu.memory_space<vmem>>
      %dma_start3A_160 = arith.constant 0 : i32
      %dma_start3A_161 = tpu.memref_slice %arg6[%squeeze3A, %dma_start3A_160] : memref<1000000x64xf32, #tpu.memory_space<hbm>> -> memref<1x64xf32, #tpu.memory_space<hbm>>
      %dma_start3A_162 = arith.constant 0 : i32
      %dma_start3A_163 = tpu.memref_slice %arg19[%add3A_157, %dma_start3A_162] : memref<128x64xf32, #tpu.memory_space<vmem>> -> memref<1x64xf32, #tpu.memory_space<vmem>>
      %dma_start3A_164 = arith.constant 0 : i32
      %dma_start3A_165 = tpu.memref_slice %arg6[%squeeze3A, %dma_start3A_164] : memref<1000000x64xf32, #tpu.memory_space<hbm>> -> memref<1x64xf32, #tpu.memory_space<hbm>>
      tpu.enqueue_dma source(%dma_start3A_165 : memref<1x64xf32, #tpu.memory_space<hbm>>) target(%dma_start3A_163 : memref<1x64xf32, #tpu.memory_space<vmem>>) target_semaphore(%arg24 : memref<!tpu.dma_semaphore, #tpu.memory_space<semaphore_mem>>)
      %slice3A_166 = vector.extract_strided_slice %get3A_153 {offsets = [0], sizes = [1], strides = [1]} : vector<16xi32> to vector<1xi32>
      %squeeze3A_167 = vector.extract %slice3A_166[0] : i32 from vector<1xi32>
      %add3A_168 = arith.constant 0 : i32
      %add3A_169 = arith.addi %mul3A_150, %add3A_168 : i32
      %dma_start3A_170 = arith.constant 0 : i32
      %dma_start3A_171 = tpu.memref_slice %arg20[%add3A_169, %dma_start3A_170] : memref<128x64xf32, #tpu.memory_space<vmem>> -> memref<1x64xf32, #tpu.memory_space<vmem>>
      %dma_start3A_172 = arith.constant 0 : i32
      %dma_start3A_173 = tpu.memref_slice %arg6[%squeeze3A_167, %dma_start3A_172] : memref<1000000x64xf32, #tpu.memory_space<hbm>> -> memref<1x64xf32, #tpu.memory_space<hbm>>
      %dma_start3A_174 = arith.constant 0 : i32
      %dma_start3A_175 = tpu.memref_slice %arg20[%add3A_169, %dma_start3A_174] : memref<128x64xf32, #tpu.memory_space<vmem>> -> memref<1x64xf32, #tpu.memory_space<vmem>>
      %dma_start3A_176 = arith.constant 0 : i32
      %dma_start3A_177 = tpu.memref_slice %arg6[%squeeze3A_167, %dma_start3A_176] : memref<1000000x64xf32, #tpu.memory_space<hbm>> -> memref<1x64xf32, #tpu.memory_space<hbm>>
      tpu.enqueue_dma source(%dma_start3A_177 : memref<1x64xf32, #tpu.memory_space<hbm>>) target(%dma_start3A_175 : memref<1x64xf32, #tpu.memory_space<vmem>>) target_semaphore(%arg24 : memref<!tpu.dma_semaphore, #tpu.memory_space<semaphore_mem>>)
      %slice3A_178 = vector.extract_strided_slice %get3A_155 {offsets = [0], sizes = [1], strides = [1]} : vector<16xi32> to vector<1xi32>
      %squeeze3A_179 = vector.extract %slice3A_178[0] : i32 from vector<1xi32>
      %add3A_180 = arith.constant 0 : i32
      %add3A_181 = arith.addi %mul3A_150, %add3A_180 : i32
      %dma_start3A_182 = arith.constant 0 : i32
      %dma_start3A_183 = tpu.memref_slice %arg21[%add3A_181, %dma_start3A_182] : memref<128x64xf32, #tpu.memory_space<vmem>> -> memref<1x64xf32, #tpu.memory_space<vmem>>
      %dma_start3A_184 = arith.constant 0 : i32
      %dma_start3A_185 = tpu.memref_slice %arg7[%squeeze3A_179, %dma_start3A_184] : memref<100x64xf32, #tpu.memory_space<hbm>> -> memref<1x64xf32, #tpu.memory_space<hbm>>
      %dma_start3A_186 = arith.constant 0 : i32
      %dma_start3A_187 = tpu.memref_slice %arg21[%add3A_181, %dma_start3A_186] : memref<128x64xf32, #tpu.memory_space<vmem>> -> memref<1x64xf32, #tpu.memory_space<vmem>>
      %dma_start3A_188 = arith.constant 0 : i32
      %dma_start3A_189 = tpu.memref_slice %arg7[%squeeze3A_179, %dma_start3A_188] : memref<100x64xf32, #tpu.memory_space<hbm>> -> memref<1x64xf32, #tpu.memory_space<hbm>>
      tpu.enqueue_dma source(%dma_start3A_189 : memref<1x64xf32, #tpu.memory_space<hbm>>) target(%dma_start3A_187 : memref<1x64xf32, #tpu.memory_space<vmem>>) target_semaphore(%arg24 : memref<!tpu.dma_semaphore, #tpu.memory_space<semaphore_mem>>)
      %slice3A_190 = vector.extract_strided_slice %get3A_151 {offsets = [1], sizes = [1], strides = [1]} : vector<16xi32> to vector<1xi32>
      %squeeze3A_191 = vector.extract %slice3A_190[0] : i32 from vector<1xi32>
      %add3A_192 = arith.constant 1 : i32
      %add3A_193 = arith.addi %mul3A_150, %add3A_192 : i32
      %dma_start3A_194 = arith.constant 0 : i32
      %dma_start3A_195 = tpu.memref_slice %arg19[%add3A_193, %dma_start3A_194] : memref<128x64xf32, #tpu.memory_space<vmem>> -> memref<1x64xf32, #tpu.memory_space<vmem>>
      %dma_start3A_196 = arith.constant 0 : i32
      %dma_start3A_197 = tpu.memref_slice %arg6[%squeeze3A_191, %dma_start3A_196] : memref<1000000x64xf32, #tpu.memory_space<hbm>> -> memref<1x64xf32, #tpu.memory_space<hbm>>
      %dma_start3A_198 = arith.constant 0 : i32
      %dma_start3A_199 = tpu.memref_slice %arg19[%add3A_193, %dma_start3A_198] : memref<128x64xf32, #tpu.memory_space<vmem>> -> memref<1x64xf32, #tpu.memory_space<vmem>>
      %dma_start3A_200 = arith.constant 0 : i32
      %dma_start3A_201 = tpu.memref_slice %arg6[%squeeze3A_191, %dma_start3A_200] : memref<1000000x64xf32, #tpu.memory_space<hbm>> -> memref<1x64xf32, #tpu.memory_space<hbm>>
      tpu.enqueue_dma source(%dma_start3A_201 : memref<1x64xf32, #tpu.memory_space<hbm>>) target(%dma_start3A_199 : memref<1x64xf32, #tpu.memory_space<vmem>>) target_semaphore(%arg24 : memref<!tpu.dma_semaphore, #tpu.memory_space<semaphore_mem>>)
      %slice3A_202 = vector.extract_strided_slice %get3A_153 {offsets = [1], sizes = [1], strides = [1]} : vector<16xi32> to vector<1xi32>
      %squeeze3A_203 = vector.extract %slice3A_202[0] : i32 from vector<1xi32>
      %add3A_204 = arith.constant 1 : i32
      %add3A_205 = arith.addi %mul3A_150, %add3A_204 : i32
      %dma_start3A_206 = arith.constant 0 : i32
      %dma_start3A_207 = tpu.memref_slice %arg20[%add3A_205, %dma_start3A_206] : memref<128x64xf32, #tpu.memory_space<vmem>> -> memref<1x64xf32, #tpu.memory_space<vmem>>
      %dma_start3A_208 = arith.constant 0 : i32
      %dma_start3A_209 = tpu.memref_slice %arg6[%squeeze3A_203, %dma_start3A_208] : memref<1000000x64xf32, #tpu.memory_space<hbm>> -> memref<1x64xf32, #tpu.memory_space<hbm>>
      %dma_start3A_210 = arith.constant 0 : i32
      %dma_start3A_211 = tpu.memref_slice %arg20[%add3A_205, %dma_start3A_210] : memref<128x64xf32, #tpu.memory_space<vmem>> -> memref<1x64xf32, #tpu.memory_space<vmem>>
      %dma_start3A_212 = arith.constant 0 : i32
      %dma_start3A_213 = tpu.memref_slice %arg6[%squeeze3A_203, %dma_start3A_212] : memref<1000000x64xf32, #tpu.memory_space<hbm>> -> memref<1x64xf32, #tpu.memory_space<hbm>>
      tpu.enqueue_dma source(%dma_start3A_213 : memref<1x64xf32, #tpu.memory_space<hbm>>) target(%dma_start3A_211 : memref<1x64xf32, #tpu.memory_space<vmem>>) target_semaphore(%arg24 : memref<!tpu.dma_semaphore, #tpu.memory_space<semaphore_mem>>)
      %slice3A_214 = vector.extract_strided_slice %get3A_155 {offsets = [1], sizes = [1], strides = [1]} : vector<16xi32> to vector<1xi32>
      %squeeze3A_215 = vector.extract %slice3A_214[0] : i32 from vector<1xi32>
      %add3A_216 = arith.constant 1 : i32
      %add3A_217 = arith.addi %mul3A_150, %add3A_216 : i32
      %dma_start3A_218 = arith.constant 0 : i32
      %dma_start3A_219 = tpu.memref_slice %arg21[%add3A_217, %dma_start3A_218] : memref<128x64xf32, #tpu.memory_space<vmem>> -> memref<1x64xf32, #tpu.memory_space<vmem>>
      %dma_start3A_220 = arith.constant 0 : i32
      %dma_start3A_221 = tpu.memref_slice %arg7[%squeeze3A_215, %dma_start3A_220] : memref<100x64xf32, #tpu.memory_space<hbm>> -> memref<1x64xf32, #tpu.memory_space<hbm>>
      %dma_start3A_222 = arith.constant 0 : i32
      %dma_start3A_223 = tpu.memref_slice %arg21[%add3A_217, %dma_start3A_222] : memref<128x64xf32, #tpu.memory_space<vmem>> -> memref<1x64xf32, #tpu.memory_space<vmem>>
      %dma_start3A_224 = arith.constant 0 : i32
      %dma_start3A_225 = tpu.memref_slice %arg7[%squeeze3A_215, %dma_start3A_224] : memref<100x64xf32, #tpu.memory_space<hbm>> -> memref<1x64xf32, #tpu.memory_space<hbm>>
      tpu.enqueue_dma source(%dma_start3A_225 : memref<1x64xf32, #tpu.memory_space<hbm>>) target(%dma_start3A_223 : memref<1x64xf32, #tpu.memory_space<vmem>>) target_semaphore(%arg24 : memref<!tpu.dma_semaphore, #tpu.memory_space<semaphore_mem>>)
      %slice3A_226 = vector.extract_strided_slice %get3A_151 {offsets = [2], sizes = [1], strides = [1]} : vector<16xi32> to vector<1xi32>
      %squeeze3A_227 = vector.extract %slice3A_226[0] : i32 from vector<1xi32>
      %add3A_228 = arith.constant 2 : i32
      %add3A_229 = arith.addi %mul3A_150, %add3A_228 : i32
      %dma_start3A_230 = arith.constant 0 : i32
      %dma_start3A_231 = tpu.memref_slice %arg19[%add3A_229, %dma_start3A_230] : memref<128x64xf32, #tpu.memory_space<vmem>> -> memref<1x64xf32, #tpu.memory_space<vmem>>
      %dma_start3A_232 = arith.constant 0 : i32
      %dma_start3A_233 = tpu.memref_slice %arg6[%squeeze3A_227, %dma_start3A_232] : memref<1000000x64xf32, #tpu.memory_space<hbm>> -> memref<1x64xf32, #tpu.memory_space<hbm>>
      %dma_start3A_234 = arith.constant 0 : i32
      %dma_start3A_235 = tpu.memref_slice %arg19[%add3A_229, %dma_start3A_234] : memref<128x64xf32, #tpu.memory_space<vmem>> -> memref<1x64xf32, #tpu.memory_space<vmem>>
      %dma_start3A_236 = arith.constant 0 : i32
      %dma_start3A_237 = tpu.memref_slice %arg6[%squeeze3A_227, %dma_start3A_236] : memref<1000000x64xf32, #tpu.memory_space<hbm>> -> memref<1x64xf32, #tpu.memory_space<hbm>>
      tpu.enqueue_dma source(%dma_start3A_237 : memref<1x64xf32, #tpu.memory_space<hbm>>) target(%dma_start3A_235 : memref<1x64xf32, #tpu.memory_space<vmem>>) target_semaphore(%arg24 : memref<!tpu.dma_semaphore, #tpu.memory_space<semaphore_mem>>)
      %slice3A_238 = vector.extract_strided_slice %get3A_153 {offsets = [2], sizes = [1], strides = [1]} : vector<16xi32> to vector<1xi32>
      %squeeze3A_239 = vector.extract %slice3A_238[0] : i32 from vector<1xi32>
      %add3A_240 = arith.constant 2 : i32
      %add3A_241 = arith.addi %mul3A_150, %add3A_240 : i32
      %dma_start3A_242 = arith.constant 0 : i32
      %dma_start3A_243 = tpu.memref_slice %arg20[%add3A_241, %dma_start3A_242] : memref<128x64xf32, #tpu.memory_space<vmem>> -> memref<1x64xf32, #tpu.memory_space<vmem>>
      %dma_start3A_244 = arith.constant 0 : i32
      %dma_start3A_245 = tpu.memref_slice %arg6[%squeeze3A_239, %dma_start3A_244] : memref<1000000x64xf32, #tpu.memory_space<hbm>> -> memref<1x64xf32, #tpu.memory_space<hbm>>
      %dma_start3A_246 = arith.constant 0 : i32
      %dma_start3A_247 = tpu.memref_slice %arg20[%add3A_241, %dma_start3A_246] : memref<128x64xf32, #tpu.memory_space<vmem>> -> memref<1x64xf32, #tpu.memory_space<vmem>>
      %dma_start3A_248 = arith.constant 0 : i32
      %dma_start3A_249 = tpu.memref_slice %arg6[%squeeze3A_239, %dma_start3A_248] : memref<1000000x64xf32, #tpu.memory_space<hbm>> -> memref<1x64xf32, #tpu.memory_space<hbm>>
      tpu.enqueue_dma source(%dma_start3A_249 : memref<1x64xf32, #tpu.memory_space<hbm>>) target(%dma_start3A_247 : memref<1x64xf32, #tpu.memory_space<vmem>>) target_semaphore(%arg24 : memref<!tpu.dma_semaphore, #tpu.memory_space<semaphore_mem>>)
      %slice3A_250 = vector.extract_strided_slice %get3A_155 {offsets = [2], sizes = [1], strides = [1]} : vector<16xi32> to vector<1xi32>
      %squeeze3A_251 = vector.extract %slice3A_250[0] : i32 from vector<1xi32>
      %add3A_252 = arith.constant 2 : i32
      %add3A_253 = arith.addi %mul3A_150, %add3A_252 : i32
      %dma_start3A_254 = arith.constant 0 : i32
      %dma_start3A_255 = tpu.memref_slice %arg21[%add3A_253, %dma_start3A_254] : memref<128x64xf32, #tpu.memory_space<vmem>> -> memref<1x64xf32, #tpu.memory_space<vmem>>
      %dma_start3A_256 = arith.constant 0 : i32
      %dma_start3A_257 = tpu.memref_slice %arg7[%squeeze3A_251, %dma_start3A_256] : memref<100x64xf32, #tpu.memory_space<hbm>> -> memref<1x64xf32, #tpu.memory_space<hbm>>
      %dma_start3A_258 = arith.constant 0 : i32
      %dma_start3A_259 = tpu.memref_slice %arg21[%add3A_253, %dma_start3A_258] : memref<128x64xf32, #tpu.memory_space<vmem>> -> memref<1x64xf32, #tpu.memory_space<vmem>>
      %dma_start3A_260 = arith.constant 0 : i32
      %dma_start3A_261 = tpu.memref_slice %arg7[%squeeze3A_251, %dma_start3A_260] : memref<100x64xf32, #tpu.memory_space<hbm>> -> memref<1x64xf32, #tpu.memory_space<hbm>>
      tpu.enqueue_dma source(%dma_start3A_261 : memref<1x64xf32, #tpu.memory_space<hbm>>) target(%dma_start3A_259 : memref<1x64xf32, #tpu.memory_space<vmem>>) target_semaphore(%arg24 : memref<!tpu.dma_semaphore, #tpu.memory_space<semaphore_mem>>)
      %slice3A_262 = vector.extract_strided_slice %get3A_151 {offsets = [3], sizes = [1], strides = [1]} : vector<16xi32> to vector<1xi32>
      %squeeze3A_263 = vector.extract %slice3A_262[0] : i32 from vector<1xi32>
      %add3A_264 = arith.constant 3 : i32
      %add3A_265 = arith.addi %mul3A_150, %add3A_264 : i32
      %dma_start3A_266 = arith.constant 0 : i32
      %dma_start3A_267 = tpu.memref_slice %arg19[%add3A_265, %dma_start3A_266] : memref<128x64xf32, #tpu.memory_space<vmem>> -> memref<1x64xf32, #tpu.memory_space<vmem>>
      %dma_start3A_268 = arith.constant 0 : i32
      %dma_start3A_269 = tpu.memref_slice %arg6[%squeeze3A_263, %dma_start3A_268] : memref<1000000x64xf32, #tpu.memory_space<hbm>> -> memref<1x64xf32, #tpu.memory_space<hbm>>
      %dma_start3A_270 = arith.constant 0 : i32
      %dma_start3A_271 = tpu.memref_slice %arg19[%add3A_265, %dma_start3A_270] : memref<128x64xf32, #tpu.memory_space<vmem>> -> memref<1x64xf32, #tpu.memory_space<vmem>>
      %dma_start3A_272 = arith.constant 0 : i32
      %dma_start3A_273 = tpu.memref_slice %arg6[%squeeze3A_263, %dma_start3A_272] : memref<1000000x64xf32, #tpu.memory_space<hbm>> -> memref<1x64xf32, #tpu.memory_space<hbm>>
      tpu.enqueue_dma source(%dma_start3A_273 : memref<1x64xf32, #tpu.memory_space<hbm>>) target(%dma_start3A_271 : memref<1x64xf32, #tpu.memory_space<vmem>>) target_semaphore(%arg24 : memref<!tpu.dma_semaphore, #tpu.memory_space<semaphore_mem>>)
      %slice3A_274 = vector.extract_strided_slice %get3A_153 {offsets = [3], sizes = [1], strides = [1]} : vector<16xi32> to vector<1xi32>
      %squeeze3A_275 = vector.extract %slice3A_274[0] : i32 from vector<1xi32>
      %add3A_276 = arith.constant 3 : i32
      %add3A_277 = arith.addi %mul3A_150, %add3A_276 : i32
      %dma_start3A_278 = arith.constant 0 : i32
      %dma_start3A_279 = tpu.memref_slice %arg20[%add3A_277, %dma_start3A_278] : memref<128x64xf32, #tpu.memory_space<vmem>> -> memref<1x64xf32, #tpu.memory_space<vmem>>
      %dma_start3A_280 = arith.constant 0 : i32
      %dma_start3A_281 = tpu.memref_slice %arg6[%squeeze3A_275, %dma_start3A_280] : memref<1000000x64xf32, #tpu.memory_space<hbm>> -> memref<1x64xf32, #tpu.memory_space<hbm>>
      %dma_start3A_282 = arith.constant 0 : i32
      %dma_start3A_283 = tpu.memref_slice %arg20[%add3A_277, %dma_start3A_282] : memref<128x64xf32, #tpu.memory_space<vmem>> -> memref<1x64xf32, #tpu.memory_space<vmem>>
      %dma_start3A_284 = arith.constant 0 : i32
      %dma_start3A_285 = tpu.memref_slice %arg6[%squeeze3A_275, %dma_start3A_284] : memref<1000000x64xf32, #tpu.memory_space<hbm>> -> memref<1x64xf32, #tpu.memory_space<hbm>>
      tpu.enqueue_dma source(%dma_start3A_285 : memref<1x64xf32, #tpu.memory_space<hbm>>) target(%dma_start3A_283 : memref<1x64xf32, #tpu.memory_space<vmem>>) target_semaphore(%arg24 : memref<!tpu.dma_semaphore, #tpu.memory_space<semaphore_mem>>)
      %slice3A_286 = vector.extract_strided_slice %get3A_155 {offsets = [3], sizes = [1], strides = [1]} : vector<16xi32> to vector<1xi32>
      %squeeze3A_287 = vector.extract %slice3A_286[0] : i32 from vector<1xi32>
      %add3A_288 = arith.constant 3 : i32
      %add3A_289 = arith.addi %mul3A_150, %add3A_288 : i32
      %dma_start3A_290 = arith.constant 0 : i32
      %dma_start3A_291 = tpu.memref_slice %arg21[%add3A_289, %dma_start3A_290] : memref<128x64xf32, #tpu.memory_space<vmem>> -> memref<1x64xf32, #tpu.memory_space<vmem>>
      %dma_start3A_292 = arith.constant 0 : i32
      %dma_start3A_293 = tpu.memref_slice %arg7[%squeeze3A_287, %dma_start3A_292] : memref<100x64xf32, #tpu.memory_space<hbm>> -> memref<1x64xf32, #tpu.memory_space<hbm>>
      %dma_start3A_294 = arith.constant 0 : i32
      %dma_start3A_295 = tpu.memref_slice %arg21[%add3A_289, %dma_start3A_294] : memref<128x64xf32, #tpu.memory_space<vmem>> -> memref<1x64xf32, #tpu.memory_space<vmem>>
      %dma_start3A_296 = arith.constant 0 : i32
      %dma_start3A_297 = tpu.memref_slice %arg7[%squeeze3A_287, %dma_start3A_296] : memref<100x64xf32, #tpu.memory_space<hbm>> -> memref<1x64xf32, #tpu.memory_space<hbm>>
      tpu.enqueue_dma source(%dma_start3A_297 : memref<1x64xf32, #tpu.memory_space<hbm>>) target(%dma_start3A_295 : memref<1x64xf32, #tpu.memory_space<vmem>>) target_semaphore(%arg24 : memref<!tpu.dma_semaphore, #tpu.memory_space<semaphore_mem>>)
      %slice3A_298 = vector.extract_strided_slice %get3A_151 {offsets = [4], sizes = [1], strides = [1]} : vector<16xi32> to vector<1xi32>
      %squeeze3A_299 = vector.extract %slice3A_298[0] : i32 from vector<1xi32>
      %add3A_300 = arith.constant 4 : i32
      %add3A_301 = arith.addi %mul3A_150, %add3A_300 : i32
      %dma_start3A_302 = arith.constant 0 : i32
      %dma_start3A_303 = tpu.memref_slice %arg19[%add3A_301, %dma_start3A_302] : memref<128x64xf32, #tpu.memory_space<vmem>> -> memref<1x64xf32, #tpu.memory_space<vmem>>
      %dma_start3A_304 = arith.constant 0 : i32
      %dma_start3A_305 = tpu.memref_slice %arg6[%squeeze3A_299, %dma_start3A_304] : memref<1000000x64xf32, #tpu.memory_space<hbm>> -> memref<1x64xf32, #tpu.memory_space<hbm>>
      %dma_start3A_306 = arith.constant 0 : i32
      %dma_start3A_307 = tpu.memref_slice %arg19[%add3A_301, %dma_start3A_306] : memref<128x64xf32, #tpu.memory_space<vmem>> -> memref<1x64xf32, #tpu.memory_space<vmem>>
      %dma_start3A_308 = arith.constant 0 : i32
      %dma_start3A_309 = tpu.memref_slice %arg6[%squeeze3A_299, %dma_start3A_308] : memref<1000000x64xf32, #tpu.memory_space<hbm>> -> memref<1x64xf32, #tpu.memory_space<hbm>>
      tpu.enqueue_dma source(%dma_start3A_309 : memref<1x64xf32, #tpu.memory_space<hbm>>) target(%dma_start3A_307 : memref<1x64xf32, #tpu.memory_space<vmem>>) target_semaphore(%arg24 : memref<!tpu.dma_semaphore, #tpu.memory_space<semaphore_mem>>)
      %slice3A_310 = vector.extract_strided_slice %get3A_153 {offsets = [4], sizes = [1], strides = [1]} : vector<16xi32> to vector<1xi32>
      %squeeze3A_311 = vector.extract %slice3A_310[0] : i32 from vector<1xi32>
      %add3A_312 = arith.constant 4 : i32
      %add3A_313 = arith.addi %mul3A_150, %add3A_312 : i32
      %dma_start3A_314 = arith.constant 0 : i32
      %dma_start3A_315 = tpu.memref_slice %arg20[%add3A_313, %dma_start3A_314] : memref<128x64xf32, #tpu.memory_space<vmem>> -> memref<1x64xf32, #tpu.memory_space<vmem>>
      %dma_start3A_316 = arith.constant 0 : i32
      %dma_start3A_317 = tpu.memref_slice %arg6[%squeeze3A_311, %dma_start3A_316] : memref<1000000x64xf32, #tpu.memory_space<hbm>> -> memref<1x64xf32, #tpu.memory_space<hbm>>
      %dma_start3A_318 = arith.constant 0 : i32
      %dma_start3A_319 = tpu.memref_slice %arg20[%add3A_313, %dma_start3A_318] : memref<128x64xf32, #tpu.memory_space<vmem>> -> memref<1x64xf32, #tpu.memory_space<vmem>>
      %dma_start3A_320 = arith.constant 0 : i32
      %dma_start3A_321 = tpu.memref_slice %arg6[%squeeze3A_311, %dma_start3A_320] : memref<1000000x64xf32, #tpu.memory_space<hbm>> -> memref<1x64xf32, #tpu.memory_space<hbm>>
      tpu.enqueue_dma source(%dma_start3A_321 : memref<1x64xf32, #tpu.memory_space<hbm>>) target(%dma_start3A_319 : memref<1x64xf32, #tpu.memory_space<vmem>>) target_semaphore(%arg24 : memref<!tpu.dma_semaphore, #tpu.memory_space<semaphore_mem>>)
      %slice3A_322 = vector.extract_strided_slice %get3A_155 {offsets = [4], sizes = [1], strides = [1]} : vector<16xi32> to vector<1xi32>
      %squeeze3A_323 = vector.extract %slice3A_322[0] : i32 from vector<1xi32>
      %add3A_324 = arith.constant 4 : i32
      %add3A_325 = arith.addi %mul3A_150, %add3A_324 : i32
      %dma_start3A_326 = arith.constant 0 : i32
      %dma_start3A_327 = tpu.memref_slice %arg21[%add3A_325, %dma_start3A_326] : memref<128x64xf32, #tpu.memory_space<vmem>> -> memref<1x64xf32, #tpu.memory_space<vmem>>
      %dma_start3A_328 = arith.constant 0 : i32
      %dma_start3A_329 = tpu.memref_slice %arg7[%squeeze3A_323, %dma_start3A_328] : memref<100x64xf32, #tpu.memory_space<hbm>> -> memref<1x64xf32, #tpu.memory_space<hbm>>
      %dma_start3A_330 = arith.constant 0 : i32
      %dma_start3A_331 = tpu.memref_slice %arg21[%add3A_325, %dma_start3A_330] : memref<128x64xf32, #tpu.memory_space<vmem>> -> memref<1x64xf32, #tpu.memory_space<vmem>>
      %dma_start3A_332 = arith.constant 0 : i32
      %dma_start3A_333 = tpu.memref_slice %arg7[%squeeze3A_323, %dma_start3A_332] : memref<100x64xf32, #tpu.memory_space<hbm>> -> memref<1x64xf32, #tpu.memory_space<hbm>>
      tpu.enqueue_dma source(%dma_start3A_333 : memref<1x64xf32, #tpu.memory_space<hbm>>) target(%dma_start3A_331 : memref<1x64xf32, #tpu.memory_space<vmem>>) target_semaphore(%arg24 : memref<!tpu.dma_semaphore, #tpu.memory_space<semaphore_mem>>)
      %slice3A_334 = vector.extract_strided_slice %get3A_151 {offsets = [5], sizes = [1], strides = [1]} : vector<16xi32> to vector<1xi32>
      %squeeze3A_335 = vector.extract %slice3A_334[0] : i32 from vector<1xi32>
      %add3A_336 = arith.constant 5 : i32
      %add3A_337 = arith.addi %mul3A_150, %add3A_336 : i32
      %dma_start3A_338 = arith.constant 0 : i32
      %dma_start3A_339 = tpu.memref_slice %arg19[%add3A_337, %dma_start3A_338] : memref<128x64xf32, #tpu.memory_space<vmem>> -> memref<1x64xf32, #tpu.memory_space<vmem>>
      %dma_start3A_340 = arith.constant 0 : i32
      %dma_start3A_341 = tpu.memref_slice %arg6[%squeeze3A_335, %dma_start3A_340] : memref<1000000x64xf32, #tpu.memory_space<hbm>> -> memref<1x64xf32, #tpu.memory_space<hbm>>
      %dma_start3A_342 = arith.constant 0 : i32
      %dma_start3A_343 = tpu.memref_slice %arg19[%add3A_337, %dma_start3A_342] : memref<128x64xf32, #tpu.memory_space<vmem>> -> memref<1x64xf32, #tpu.memory_space<vmem>>
      %dma_start3A_344 = arith.constant 0 : i32
      %dma_start3A_345 = tpu.memref_slice %arg6[%squeeze3A_335, %dma_start3A_344] : memref<1000000x64xf32, #tpu.memory_space<hbm>> -> memref<1x64xf32, #tpu.memory_space<hbm>>
      tpu.enqueue_dma source(%dma_start3A_345 : memref<1x64xf32, #tpu.memory_space<hbm>>) target(%dma_start3A_343 : memref<1x64xf32, #tpu.memory_space<vmem>>) target_semaphore(%arg24 : memref<!tpu.dma_semaphore, #tpu.memory_space<semaphore_mem>>)
      %slice3A_346 = vector.extract_strided_slice %get3A_153 {offsets = [5], sizes = [1], strides = [1]} : vector<16xi32> to vector<1xi32>
      %squeeze3A_347 = vector.extract %slice3A_346[0] : i32 from vector<1xi32>
      %add3A_348 = arith.constant 5 : i32
      %add3A_349 = arith.addi %mul3A_150, %add3A_348 : i32
      %dma_start3A_350 = arith.constant 0 : i32
      %dma_start3A_351 = tpu.memref_slice %arg20[%add3A_349, %dma_start3A_350] : memref<128x64xf32, #tpu.memory_space<vmem>> -> memref<1x64xf32, #tpu.memory_space<vmem>>
      %dma_start3A_352 = arith.constant 0 : i32
      %dma_start3A_353 = tpu.memref_slice %arg6[%squeeze3A_347, %dma_start3A_352] : memref<1000000x64xf32, #tpu.memory_space<hbm>> -> memref<1x64xf32, #tpu.memory_space<hbm>>
      %dma_start3A_354 = arith.constant 0 : i32
      %dma_start3A_355 = tpu.memref_slice %arg20[%add3A_349, %dma_start3A_354] : memref<128x64xf32, #tpu.memory_space<vmem>> -> memref<1x64xf32, #tpu.memory_space<vmem>>
      %dma_start3A_356 = arith.constant 0 : i32
      %dma_start3A_357 = tpu.memref_slice %arg6[%squeeze3A_347, %dma_start3A_356] : memref<1000000x64xf32, #tpu.memory_space<hbm>> -> memref<1x64xf32, #tpu.memory_space<hbm>>
      tpu.enqueue_dma source(%dma_start3A_357 : memref<1x64xf32, #tpu.memory_space<hbm>>) target(%dma_start3A_355 : memref<1x64xf32, #tpu.memory_space<vmem>>) target_semaphore(%arg24 : memref<!tpu.dma_semaphore, #tpu.memory_space<semaphore_mem>>)
      %slice3A_358 = vector.extract_strided_slice %get3A_155 {offsets = [5], sizes = [1], strides = [1]} : vector<16xi32> to vector<1xi32>
      %squeeze3A_359 = vector.extract %slice3A_358[0] : i32 from vector<1xi32>
      %add3A_360 = arith.constant 5 : i32
      %add3A_361 = arith.addi %mul3A_150, %add3A_360 : i32
      %dma_start3A_362 = arith.constant 0 : i32
      %dma_start3A_363 = tpu.memref_slice %arg21[%add3A_361, %dma_start3A_362] : memref<128x64xf32, #tpu.memory_space<vmem>> -> memref<1x64xf32, #tpu.memory_space<vmem>>
      %dma_start3A_364 = arith.constant 0 : i32
      %dma_start3A_365 = tpu.memref_slice %arg7[%squeeze3A_359, %dma_start3A_364] : memref<100x64xf32, #tpu.memory_space<hbm>> -> memref<1x64xf32, #tpu.memory_space<hbm>>
      %dma_start3A_366 = arith.constant 0 : i32
      %dma_start3A_367 = tpu.memref_slice %arg21[%add3A_361, %dma_start3A_366] : memref<128x64xf32, #tpu.memory_space<vmem>> -> memref<1x64xf32, #tpu.memory_space<vmem>>
      %dma_start3A_368 = arith.constant 0 : i32
      %dma_start3A_369 = tpu.memref_slice %arg7[%squeeze3A_359, %dma_start3A_368] : memref<100x64xf32, #tpu.memory_space<hbm>> -> memref<1x64xf32, #tpu.memory_space<hbm>>
      tpu.enqueue_dma source(%dma_start3A_369 : memref<1x64xf32, #tpu.memory_space<hbm>>) target(%dma_start3A_367 : memref<1x64xf32, #tpu.memory_space<vmem>>) target_semaphore(%arg24 : memref<!tpu.dma_semaphore, #tpu.memory_space<semaphore_mem>>)
      %slice3A_370 = vector.extract_strided_slice %get3A_151 {offsets = [6], sizes = [1], strides = [1]} : vector<16xi32> to vector<1xi32>
      %squeeze3A_371 = vector.extract %slice3A_370[0] : i32 from vector<1xi32>
      %add3A_372 = arith.constant 6 : i32
      %add3A_373 = arith.addi %mul3A_150, %add3A_372 : i32
      %dma_start3A_374 = arith.constant 0 : i32
      %dma_start3A_375 = tpu.memref_slice %arg19[%add3A_373, %dma_start3A_374] : memref<128x64xf32, #tpu.memory_space<vmem>> -> memref<1x64xf32, #tpu.memory_space<vmem>>
      %dma_start3A_376 = arith.constant 0 : i32
      %dma_start3A_377 = tpu.memref_slice %arg6[%squeeze3A_371, %dma_start3A_376] : memref<1000000x64xf32, #tpu.memory_space<hbm>> -> memref<1x64xf32, #tpu.memory_space<hbm>>
      %dma_start3A_378 = arith.constant 0 : i32
      %dma_start3A_379 = tpu.memref_slice %arg19[%add3A_373, %dma_start3A_378] : memref<128x64xf32, #tpu.memory_space<vmem>> -> memref<1x64xf32, #tpu.memory_space<vmem>>
      %dma_start3A_380 = arith.constant 0 : i32
      %dma_start3A_381 = tpu.memref_slice %arg6[%squeeze3A_371, %dma_start3A_380] : memref<1000000x64xf32, #tpu.memory_space<hbm>> -> memref<1x64xf32, #tpu.memory_space<hbm>>
      tpu.enqueue_dma source(%dma_start3A_381 : memref<1x64xf32, #tpu.memory_space<hbm>>) target(%dma_start3A_379 : memref<1x64xf32, #tpu.memory_space<vmem>>) target_semaphore(%arg24 : memref<!tpu.dma_semaphore, #tpu.memory_space<semaphore_mem>>)
      %slice3A_382 = vector.extract_strided_slice %get3A_153 {offsets = [6], sizes = [1], strides = [1]} : vector<16xi32> to vector<1xi32>
      %squeeze3A_383 = vector.extract %slice3A_382[0] : i32 from vector<1xi32>
      %add3A_384 = arith.constant 6 : i32
      %add3A_385 = arith.addi %mul3A_150, %add3A_384 : i32
      %dma_start3A_386 = arith.constant 0 : i32
      %dma_start3A_387 = tpu.memref_slice %arg20[%add3A_385, %dma_start3A_386] : memref<128x64xf32, #tpu.memory_space<vmem>> -> memref<1x64xf32, #tpu.memory_space<vmem>>
      %dma_start3A_388 = arith.constant 0 : i32
      %dma_start3A_389 = tpu.memref_slice %arg6[%squeeze3A_383, %dma_start3A_388] : memref<1000000x64xf32, #tpu.memory_space<hbm>> -> memref<1x64xf32, #tpu.memory_space<hbm>>
      %dma_start3A_390 = arith.constant 0 : i32
      %dma_start3A_391 = tpu.memref_slice %arg20[%add3A_385, %dma_start3A_390] : memref<128x64xf32, #tpu.memory_space<vmem>> -> memref<1x64xf32, #tpu.memory_space<vmem>>
      %dma_start3A_392 = arith.constant 0 : i32
      %dma_start3A_393 = tpu.memref_slice %arg6[%squeeze3A_383, %dma_start3A_392] : memref<1000000x64xf32, #tpu.memory_space<hbm>> -> memref<1x64xf32, #tpu.memory_space<hbm>>
      tpu.enqueue_dma source(%dma_start3A_393 : memref<1x64xf32, #tpu.memory_space<hbm>>) target(%dma_start3A_391 : memref<1x64xf32, #tpu.memory_space<vmem>>) target_semaphore(%arg24 : memref<!tpu.dma_semaphore, #tpu.memory_space<semaphore_mem>>)
      %slice3A_394 = vector.extract_strided_slice %get3A_155 {offsets = [6], sizes = [1], strides = [1]} : vector<16xi32> to vector<1xi32>
      %squeeze3A_395 = vector.extract %slice3A_394[0] : i32 from vector<1xi32>
      %add3A_396 = arith.constant 6 : i32
      %add3A_397 = arith.addi %mul3A_150, %add3A_396 : i32
      %dma_start3A_398 = arith.constant 0 : i32
      %dma_start3A_399 = tpu.memref_slice %arg21[%add3A_397, %dma_start3A_398] : memref<128x64xf32, #tpu.memory_space<vmem>> -> memref<1x64xf32, #tpu.memory_space<vmem>>
      %dma_start3A_400 = arith.constant 0 : i32
      %dma_start3A_401 = tpu.memref_slice %arg7[%squeeze3A_395, %dma_start3A_400] : memref<100x64xf32, #tpu.memory_space<hbm>> -> memref<1x64xf32, #tpu.memory_space<hbm>>
      %dma_start3A_402 = arith.constant 0 : i32
      %dma_start3A_403 = tpu.memref_slice %arg21[%add3A_397, %dma_start3A_402] : memref<128x64xf32, #tpu.memory_space<vmem>> -> memref<1x64xf32, #tpu.memory_space<vmem>>
      %dma_start3A_404 = arith.constant 0 : i32
      %dma_start3A_405 = tpu.memref_slice %arg7[%squeeze3A_395, %dma_start3A_404] : memref<100x64xf32, #tpu.memory_space<hbm>> -> memref<1x64xf32, #tpu.memory_space<hbm>>
      tpu.enqueue_dma source(%dma_start3A_405 : memref<1x64xf32, #tpu.memory_space<hbm>>) target(%dma_start3A_403 : memref<1x64xf32, #tpu.memory_space<vmem>>) target_semaphore(%arg24 : memref<!tpu.dma_semaphore, #tpu.memory_space<semaphore_mem>>)
      %slice3A_406 = vector.extract_strided_slice %get3A_151 {offsets = [7], sizes = [1], strides = [1]} : vector<16xi32> to vector<1xi32>
      %squeeze3A_407 = vector.extract %slice3A_406[0] : i32 from vector<1xi32>
      %add3A_408 = arith.constant 7 : i32
      %add3A_409 = arith.addi %mul3A_150, %add3A_408 : i32
      %dma_start3A_410 = arith.constant 0 : i32
      %dma_start3A_411 = tpu.memref_slice %arg19[%add3A_409, %dma_start3A_410] : memref<128x64xf32, #tpu.memory_space<vmem>> -> memref<1x64xf32, #tpu.memory_space<vmem>>
      %dma_start3A_412 = arith.constant 0 : i32
      %dma_start3A_413 = tpu.memref_slice %arg6[%squeeze3A_407, %dma_start3A_412] : memref<1000000x64xf32, #tpu.memory_space<hbm>> -> memref<1x64xf32, #tpu.memory_space<hbm>>
      %dma_start3A_414 = arith.constant 0 : i32
      %dma_start3A_415 = tpu.memref_slice %arg19[%add3A_409, %dma_start3A_414] : memref<128x64xf32, #tpu.memory_space<vmem>> -> memref<1x64xf32, #tpu.memory_space<vmem>>
      %dma_start3A_416 = arith.constant 0 : i32
      %dma_start3A_417 = tpu.memref_slice %arg6[%squeeze3A_407, %dma_start3A_416] : memref<1000000x64xf32, #tpu.memory_space<hbm>> -> memref<1x64xf32, #tpu.memory_space<hbm>>
      tpu.enqueue_dma source(%dma_start3A_417 : memref<1x64xf32, #tpu.memory_space<hbm>>) target(%dma_start3A_415 : memref<1x64xf32, #tpu.memory_space<vmem>>) target_semaphore(%arg24 : memref<!tpu.dma_semaphore, #tpu.memory_space<semaphore_mem>>)
      %slice3A_418 = vector.extract_strided_slice %get3A_153 {offsets = [7], sizes = [1], strides = [1]} : vector<16xi32> to vector<1xi32>
      %squeeze3A_419 = vector.extract %slice3A_418[0] : i32 from vector<1xi32>
      %add3A_420 = arith.constant 7 : i32
      %add3A_421 = arith.addi %mul3A_150, %add3A_420 : i32
      %dma_start3A_422 = arith.constant 0 : i32
      %dma_start3A_423 = tpu.memref_slice %arg20[%add3A_421, %dma_start3A_422] : memref<128x64xf32, #tpu.memory_space<vmem>> -> memref<1x64xf32, #tpu.memory_space<vmem>>
      %dma_start3A_424 = arith.constant 0 : i32
      %dma_start3A_425 = tpu.memref_slice %arg6[%squeeze3A_419, %dma_start3A_424] : memref<1000000x64xf32, #tpu.memory_space<hbm>> -> memref<1x64xf32, #tpu.memory_space<hbm>>
      %dma_start3A_426 = arith.constant 0 : i32
      %dma_start3A_427 = tpu.memref_slice %arg20[%add3A_421, %dma_start3A_426] : memref<128x64xf32, #tpu.memory_space<vmem>> -> memref<1x64xf32, #tpu.memory_space<vmem>>
      %dma_start3A_428 = arith.constant 0 : i32
      %dma_start3A_429 = tpu.memref_slice %arg6[%squeeze3A_419, %dma_start3A_428] : memref<1000000x64xf32, #tpu.memory_space<hbm>> -> memref<1x64xf32, #tpu.memory_space<hbm>>
      tpu.enqueue_dma source(%dma_start3A_429 : memref<1x64xf32, #tpu.memory_space<hbm>>) target(%dma_start3A_427 : memref<1x64xf32, #tpu.memory_space<vmem>>) target_semaphore(%arg24 : memref<!tpu.dma_semaphore, #tpu.memory_space<semaphore_mem>>)
      %slice3A_430 = vector.extract_strided_slice %get3A_155 {offsets = [7], sizes = [1], strides = [1]} : vector<16xi32> to vector<1xi32>
      %squeeze3A_431 = vector.extract %slice3A_430[0] : i32 from vector<1xi32>
      %add3A_432 = arith.constant 7 : i32
      %add3A_433 = arith.addi %mul3A_150, %add3A_432 : i32
      %dma_start3A_434 = arith.constant 0 : i32
      %dma_start3A_435 = tpu.memref_slice %arg21[%add3A_433, %dma_start3A_434] : memref<128x64xf32, #tpu.memory_space<vmem>> -> memref<1x64xf32, #tpu.memory_space<vmem>>
      %dma_start3A_436 = arith.constant 0 : i32
      %dma_start3A_437 = tpu.memref_slice %arg7[%squeeze3A_431, %dma_start3A_436] : memref<100x64xf32, #tpu.memory_space<hbm>> -> memref<1x64xf32, #tpu.memory_space<hbm>>
      %dma_start3A_438 = arith.constant 0 : i32
      %dma_start3A_439 = tpu.memref_slice %arg21[%add3A_433, %dma_start3A_438] : memref<128x64xf32, #tpu.memory_space<vmem>> -> memref<1x64xf32, #tpu.memory_space<vmem>>
      %dma_start3A_440 = arith.constant 0 : i32
      %dma_start3A_441 = tpu.memref_slice %arg7[%squeeze3A_431, %dma_start3A_440] : memref<100x64xf32, #tpu.memory_space<hbm>> -> memref<1x64xf32, #tpu.memory_space<hbm>>
      tpu.enqueue_dma source(%dma_start3A_441 : memref<1x64xf32, #tpu.memory_space<hbm>>) target(%dma_start3A_439 : memref<1x64xf32, #tpu.memory_space<vmem>>) target_semaphore(%arg24 : memref<!tpu.dma_semaphore, #tpu.memory_space<semaphore_mem>>)
      %slice3A_442 = vector.extract_strided_slice %get3A_151 {offsets = [8], sizes = [1], strides = [1]} : vector<16xi32> to vector<1xi32>
      %squeeze3A_443 = vector.extract %slice3A_442[0] : i32 from vector<1xi32>
      %add3A_444 = arith.constant 8 : i32
      %add3A_445 = arith.addi %mul3A_150, %add3A_444 : i32
      %dma_start3A_446 = arith.constant 0 : i32
      %dma_start3A_447 = tpu.memref_slice %arg19[%add3A_445, %dma_start3A_446] : memref<128x64xf32, #tpu.memory_space<vmem>> -> memref<1x64xf32, #tpu.memory_space<vmem>>
      %dma_start3A_448 = arith.constant 0 : i32
      %dma_start3A_449 = tpu.memref_slice %arg6[%squeeze3A_443, %dma_start3A_448] : memref<1000000x64xf32, #tpu.memory_space<hbm>> -> memref<1x64xf32, #tpu.memory_space<hbm>>
      %dma_start3A_450 = arith.constant 0 : i32
      %dma_start3A_451 = tpu.memref_slice %arg19[%add3A_445, %dma_start3A_450] : memref<128x64xf32, #tpu.memory_space<vmem>> -> memref<1x64xf32, #tpu.memory_space<vmem>>
      %dma_start3A_452 = arith.constant 0 : i32
      %dma_start3A_453 = tpu.memref_slice %arg6[%squeeze3A_443, %dma_start3A_452] : memref<1000000x64xf32, #tpu.memory_space<hbm>> -> memref<1x64xf32, #tpu.memory_space<hbm>>
      tpu.enqueue_dma source(%dma_start3A_453 : memref<1x64xf32, #tpu.memory_space<hbm>>) target(%dma_start3A_451 : memref<1x64xf32, #tpu.memory_space<vmem>>) target_semaphore(%arg24 : memref<!tpu.dma_semaphore, #tpu.memory_space<semaphore_mem>>)
      %slice3A_454 = vector.extract_strided_slice %get3A_153 {offsets = [8], sizes = [1], strides = [1]} : vector<16xi32> to vector<1xi32>
      %squeeze3A_455 = vector.extract %slice3A_454[0] : i32 from vector<1xi32>
      %add3A_456 = arith.constant 8 : i32
      %add3A_457 = arith.addi %mul3A_150, %add3A_456 : i32
      %dma_start3A_458 = arith.constant 0 : i32
      %dma_start3A_459 = tpu.memref_slice %arg20[%add3A_457, %dma_start3A_458] : memref<128x64xf32, #tpu.memory_space<vmem>> -> memref<1x64xf32, #tpu.memory_space<vmem>>
      %dma_start3A_460 = arith.constant 0 : i32
      %dma_start3A_461 = tpu.memref_slice %arg6[%squeeze3A_455, %dma_start3A_460] : memref<1000000x64xf32, #tpu.memory_space<hbm>> -> memref<1x64xf32, #tpu.memory_space<hbm>>
      %dma_start3A_462 = arith.constant 0 : i32
      %dma_start3A_463 = tpu.memref_slice %arg20[%add3A_457, %dma_start3A_462] : memref<128x64xf32, #tpu.memory_space<vmem>> -> memref<1x64xf32, #tpu.memory_space<vmem>>
      %dma_start3A_464 = arith.constant 0 : i32
      %dma_start3A_465 = tpu.memref_slice %arg6[%squeeze3A_455, %dma_start3A_464] : memref<1000000x64xf32, #tpu.memory_space<hbm>> -> memref<1x64xf32, #tpu.memory_space<hbm>>
      tpu.enqueue_dma source(%dma_start3A_465 : memref<1x64xf32, #tpu.memory_space<hbm>>) target(%dma_start3A_463 : memref<1x64xf32, #tpu.memory_space<vmem>>) target_semaphore(%arg24 : memref<!tpu.dma_semaphore, #tpu.memory_space<semaphore_mem>>)
      %slice3A_466 = vector.extract_strided_slice %get3A_155 {offsets = [8], sizes = [1], strides = [1]} : vector<16xi32> to vector<1xi32>
      %squeeze3A_467 = vector.extract %slice3A_466[0] : i32 from vector<1xi32>
      %add3A_468 = arith.constant 8 : i32
      %add3A_469 = arith.addi %mul3A_150, %add3A_468 : i32
      %dma_start3A_470 = arith.constant 0 : i32
      %dma_start3A_471 = tpu.memref_slice %arg21[%add3A_469, %dma_start3A_470] : memref<128x64xf32, #tpu.memory_space<vmem>> -> memref<1x64xf32, #tpu.memory_space<vmem>>
      %dma_start3A_472 = arith.constant 0 : i32
      %dma_start3A_473 = tpu.memref_slice %arg7[%squeeze3A_467, %dma_start3A_472] : memref<100x64xf32, #tpu.memory_space<hbm>> -> memref<1x64xf32, #tpu.memory_space<hbm>>
      %dma_start3A_474 = arith.constant 0 : i32
      %dma_start3A_475 = tpu.memref_slice %arg21[%add3A_469, %dma_start3A_474] : memref<128x64xf32, #tpu.memory_space<vmem>> -> memref<1x64xf32, #tpu.memory_space<vmem>>
      %dma_start3A_476 = arith.constant 0 : i32
      %dma_start3A_477 = tpu.memref_slice %arg7[%squeeze3A_467, %dma_start3A_476] : memref<100x64xf32, #tpu.memory_space<hbm>> -> memref<1x64xf32, #tpu.memory_space<hbm>>
      tpu.enqueue_dma source(%dma_start3A_477 : memref<1x64xf32, #tpu.memory_space<hbm>>) target(%dma_start3A_475 : memref<1x64xf32, #tpu.memory_space<vmem>>) target_semaphore(%arg24 : memref<!tpu.dma_semaphore, #tpu.memory_space<semaphore_mem>>)
      %slice3A_478 = vector.extract_strided_slice %get3A_151 {offsets = [9], sizes = [1], strides = [1]} : vector<16xi32> to vector<1xi32>
      %squeeze3A_479 = vector.extract %slice3A_478[0] : i32 from vector<1xi32>
      %add3A_480 = arith.constant 9 : i32
      %add3A_481 = arith.addi %mul3A_150, %add3A_480 : i32
      %dma_start3A_482 = arith.constant 0 : i32
      %dma_start3A_483 = tpu.memref_slice %arg19[%add3A_481, %dma_start3A_482] : memref<128x64xf32, #tpu.memory_space<vmem>> -> memref<1x64xf32, #tpu.memory_space<vmem>>
      %dma_start3A_484 = arith.constant 0 : i32
      %dma_start3A_485 = tpu.memref_slice %arg6[%squeeze3A_479, %dma_start3A_484] : memref<1000000x64xf32, #tpu.memory_space<hbm>> -> memref<1x64xf32, #tpu.memory_space<hbm>>
      %dma_start3A_486 = arith.constant 0 : i32
      %dma_start3A_487 = tpu.memref_slice %arg19[%add3A_481, %dma_start3A_486] : memref<128x64xf32, #tpu.memory_space<vmem>> -> memref<1x64xf32, #tpu.memory_space<vmem>>
      %dma_start3A_488 = arith.constant 0 : i32
      %dma_start3A_489 = tpu.memref_slice %arg6[%squeeze3A_479, %dma_start3A_488] : memref<1000000x64xf32, #tpu.memory_space<hbm>> -> memref<1x64xf32, #tpu.memory_space<hbm>>
      tpu.enqueue_dma source(%dma_start3A_489 : memref<1x64xf32, #tpu.memory_space<hbm>>) target(%dma_start3A_487 : memref<1x64xf32, #tpu.memory_space<vmem>>) target_semaphore(%arg24 : memref<!tpu.dma_semaphore, #tpu.memory_space<semaphore_mem>>)
      %slice3A_490 = vector.extract_strided_slice %get3A_153 {offsets = [9], sizes = [1], strides = [1]} : vector<16xi32> to vector<1xi32>
      %squeeze3A_491 = vector.extract %slice3A_490[0] : i32 from vector<1xi32>
      %add3A_492 = arith.constant 9 : i32
      %add3A_493 = arith.addi %mul3A_150, %add3A_492 : i32
      %dma_start3A_494 = arith.constant 0 : i32
      %dma_start3A_495 = tpu.memref_slice %arg20[%add3A_493, %dma_start3A_494] : memref<128x64xf32, #tpu.memory_space<vmem>> -> memref<1x64xf32, #tpu.memory_space<vmem>>
      %dma_start3A_496 = arith.constant 0 : i32
      %dma_start3A_497 = tpu.memref_slice %arg6[%squeeze3A_491, %dma_start3A_496] : memref<1000000x64xf32, #tpu.memory_space<hbm>> -> memref<1x64xf32, #tpu.memory_space<hbm>>
      %dma_start3A_498 = arith.constant 0 : i32
      %dma_start3A_499 = tpu.memref_slice %arg20[%add3A_493, %dma_start3A_498] : memref<128x64xf32, #tpu.memory_space<vmem>> -> memref<1x64xf32, #tpu.memory_space<vmem>>
      %dma_start3A_500 = arith.constant 0 : i32
      %dma_start3A_501 = tpu.memref_slice %arg6[%squeeze3A_491, %dma_start3A_500] : memref<1000000x64xf32, #tpu.memory_space<hbm>> -> memref<1x64xf32, #tpu.memory_space<hbm>>
      tpu.enqueue_dma source(%dma_start3A_501 : memref<1x64xf32, #tpu.memory_space<hbm>>) target(%dma_start3A_499 : memref<1x64xf32, #tpu.memory_space<vmem>>) target_semaphore(%arg24 : memref<!tpu.dma_semaphore, #tpu.memory_space<semaphore_mem>>)
      %slice3A_502 = vector.extract_strided_slice %get3A_155 {offsets = [9], sizes = [1], strides = [1]} : vector<16xi32> to vector<1xi32>
      %squeeze3A_503 = vector.extract %slice3A_502[0] : i32 from vector<1xi32>
      %add3A_504 = arith.constant 9 : i32
      %add3A_505 = arith.addi %mul3A_150, %add3A_504 : i32
      %dma_start3A_506 = arith.constant 0 : i32
      %dma_start3A_507 = tpu.memref_slice %arg21[%add3A_505, %dma_start3A_506] : memref<128x64xf32, #tpu.memory_space<vmem>> -> memref<1x64xf32, #tpu.memory_space<vmem>>
      %dma_start3A_508 = arith.constant 0 : i32
      %dma_start3A_509 = tpu.memref_slice %arg7[%squeeze3A_503, %dma_start3A_508] : memref<100x64xf32, #tpu.memory_space<hbm>> -> memref<1x64xf32, #tpu.memory_space<hbm>>
      %dma_start3A_510 = arith.constant 0 : i32
      %dma_start3A_511 = tpu.memref_slice %arg21[%add3A_505, %dma_start3A_510] : memref<128x64xf32, #tpu.memory_space<vmem>> -> memref<1x64xf32, #tpu.memory_space<vmem>>
      %dma_start3A_512 = arith.constant 0 : i32
      %dma_start3A_513 = tpu.memref_slice %arg7[%squeeze3A_503, %dma_start3A_512] : memref<100x64xf32, #tpu.memory_space<hbm>> -> memref<1x64xf32, #tpu.memory_space<hbm>>
      tpu.enqueue_dma source(%dma_start3A_513 : memref<1x64xf32, #tpu.memory_space<hbm>>) target(%dma_start3A_511 : memref<1x64xf32, #tpu.memory_space<vmem>>) target_semaphore(%arg24 : memref<!tpu.dma_semaphore, #tpu.memory_space<semaphore_mem>>)
      %slice3A_514 = vector.extract_strided_slice %get3A_151 {offsets = [10], sizes = [1], strides = [1]} : vector<16xi32> to vector<1xi32>
      %squeeze3A_515 = vector.extract %slice3A_514[0] : i32 from vector<1xi32>
      %add3A_516 = arith.constant 10 : i32
      %add3A_517 = arith.addi %mul3A_150, %add3A_516 : i32
      %dma_start3A_518 = arith.constant 0 : i32
      %dma_start3A_519 = tpu.memref_slice %arg19[%add3A_517, %dma_start3A_518] : memref<128x64xf32, #tpu.memory_space<vmem>> -> memref<1x64xf32, #tpu.memory_space<vmem>>
      %dma_start3A_520 = arith.constant 0 : i32
      %dma_start3A_521 = tpu.memref_slice %arg6[%squeeze3A_515, %dma_start3A_520] : memref<1000000x64xf32, #tpu.memory_space<hbm>> -> memref<1x64xf32, #tpu.memory_space<hbm>>
      %dma_start3A_522 = arith.constant 0 : i32
      %dma_start3A_523 = tpu.memref_slice %arg19[%add3A_517, %dma_start3A_522] : memref<128x64xf32, #tpu.memory_space<vmem>> -> memref<1x64xf32, #tpu.memory_space<vmem>>
      %dma_start3A_524 = arith.constant 0 : i32
      %dma_start3A_525 = tpu.memref_slice %arg6[%squeeze3A_515, %dma_start3A_524] : memref<1000000x64xf32, #tpu.memory_space<hbm>> -> memref<1x64xf32, #tpu.memory_space<hbm>>
      tpu.enqueue_dma source(%dma_start3A_525 : memref<1x64xf32, #tpu.memory_space<hbm>>) target(%dma_start3A_523 : memref<1x64xf32, #tpu.memory_space<vmem>>) target_semaphore(%arg24 : memref<!tpu.dma_semaphore, #tpu.memory_space<semaphore_mem>>)
      %slice3A_526 = vector.extract_strided_slice %get3A_153 {offsets = [10], sizes = [1], strides = [1]} : vector<16xi32> to vector<1xi32>
      %squeeze3A_527 = vector.extract %slice3A_526[0] : i32 from vector<1xi32>
      %add3A_528 = arith.constant 10 : i32
      %add3A_529 = arith.addi %mul3A_150, %add3A_528 : i32
      %dma_start3A_530 = arith.constant 0 : i32
      %dma_start3A_531 = tpu.memref_slice %arg20[%add3A_529, %dma_start3A_530] : memref<128x64xf32, #tpu.memory_space<vmem>> -> memref<1x64xf32, #tpu.memory_space<vmem>>
      %dma_start3A_532 = arith.constant 0 : i32
      %dma_start3A_533 = tpu.memref_slice %arg6[%squeeze3A_527, %dma_start3A_532] : memref<1000000x64xf32, #tpu.memory_space<hbm>> -> memref<1x64xf32, #tpu.memory_space<hbm>>
      %dma_start3A_534 = arith.constant 0 : i32
      %dma_start3A_535 = tpu.memref_slice %arg20[%add3A_529, %dma_start3A_534] : memref<128x64xf32, #tpu.memory_space<vmem>> -> memref<1x64xf32, #tpu.memory_space<vmem>>
      %dma_start3A_536 = arith.constant 0 : i32
      %dma_start3A_537 = tpu.memref_slice %arg6[%squeeze3A_527, %dma_start3A_536] : memref<1000000x64xf32, #tpu.memory_space<hbm>> -> memref<1x64xf32, #tpu.memory_space<hbm>>
      tpu.enqueue_dma source(%dma_start3A_537 : memref<1x64xf32, #tpu.memory_space<hbm>>) target(%dma_start3A_535 : memref<1x64xf32, #tpu.memory_space<vmem>>) target_semaphore(%arg24 : memref<!tpu.dma_semaphore, #tpu.memory_space<semaphore_mem>>)
      %slice3A_538 = vector.extract_strided_slice %get3A_155 {offsets = [10], sizes = [1], strides = [1]} : vector<16xi32> to vector<1xi32>
      %squeeze3A_539 = vector.extract %slice3A_538[0] : i32 from vector<1xi32>
      %add3A_540 = arith.constant 10 : i32
      %add3A_541 = arith.addi %mul3A_150, %add3A_540 : i32
      %dma_start3A_542 = arith.constant 0 : i32
      %dma_start3A_543 = tpu.memref_slice %arg21[%add3A_541, %dma_start3A_542] : memref<128x64xf32, #tpu.memory_space<vmem>> -> memref<1x64xf32, #tpu.memory_space<vmem>>
      %dma_start3A_544 = arith.constant 0 : i32
      %dma_start3A_545 = tpu.memref_slice %arg7[%squeeze3A_539, %dma_start3A_544] : memref<100x64xf32, #tpu.memory_space<hbm>> -> memref<1x64xf32, #tpu.memory_space<hbm>>
      %dma_start3A_546 = arith.constant 0 : i32
      %dma_start3A_547 = tpu.memref_slice %arg21[%add3A_541, %dma_start3A_546] : memref<128x64xf32, #tpu.memory_space<vmem>> -> memref<1x64xf32, #tpu.memory_space<vmem>>
      %dma_start3A_548 = arith.constant 0 : i32
      %dma_start3A_549 = tpu.memref_slice %arg7[%squeeze3A_539, %dma_start3A_548] : memref<100x64xf32, #tpu.memory_space<hbm>> -> memref<1x64xf32, #tpu.memory_space<hbm>>
      tpu.enqueue_dma source(%dma_start3A_549 : memref<1x64xf32, #tpu.memory_space<hbm>>) target(%dma_start3A_547 : memref<1x64xf32, #tpu.memory_space<vmem>>) target_semaphore(%arg24 : memref<!tpu.dma_semaphore, #tpu.memory_space<semaphore_mem>>)
      %slice3A_550 = vector.extract_strided_slice %get3A_151 {offsets = [11], sizes = [1], strides = [1]} : vector<16xi32> to vector<1xi32>
      %squeeze3A_551 = vector.extract %slice3A_550[0] : i32 from vector<1xi32>
      %add3A_552 = arith.constant 11 : i32
      %add3A_553 = arith.addi %mul3A_150, %add3A_552 : i32
      %dma_start3A_554 = arith.constant 0 : i32
      %dma_start3A_555 = tpu.memref_slice %arg19[%add3A_553, %dma_start3A_554] : memref<128x64xf32, #tpu.memory_space<vmem>> -> memref<1x64xf32, #tpu.memory_space<vmem>>
      %dma_start3A_556 = arith.constant 0 : i32
      %dma_start3A_557 = tpu.memref_slice %arg6[%squeeze3A_551, %dma_start3A_556] : memref<1000000x64xf32, #tpu.memory_space<hbm>> -> memref<1x64xf32, #tpu.memory_space<hbm>>
      %dma_start3A_558 = arith.constant 0 : i32
      %dma_start3A_559 = tpu.memref_slice %arg19[%add3A_553, %dma_start3A_558] : memref<128x64xf32, #tpu.memory_space<vmem>> -> memref<1x64xf32, #tpu.memory_space<vmem>>
      %dma_start3A_560 = arith.constant 0 : i32
      %dma_start3A_561 = tpu.memref_slice %arg6[%squeeze3A_551, %dma_start3A_560] : memref<1000000x64xf32, #tpu.memory_space<hbm>> -> memref<1x64xf32, #tpu.memory_space<hbm>>
      tpu.enqueue_dma source(%dma_start3A_561 : memref<1x64xf32, #tpu.memory_space<hbm>>) target(%dma_start3A_559 : memref<1x64xf32, #tpu.memory_space<vmem>>) target_semaphore(%arg24 : memref<!tpu.dma_semaphore, #tpu.memory_space<semaphore_mem>>)
      %slice3A_562 = vector.extract_strided_slice %get3A_153 {offsets = [11], sizes = [1], strides = [1]} : vector<16xi32> to vector<1xi32>
      %squeeze3A_563 = vector.extract %slice3A_562[0] : i32 from vector<1xi32>
      %add3A_564 = arith.constant 11 : i32
      %add3A_565 = arith.addi %mul3A_150, %add3A_564 : i32
      %dma_start3A_566 = arith.constant 0 : i32
      %dma_start3A_567 = tpu.memref_slice %arg20[%add3A_565, %dma_start3A_566] : memref<128x64xf32, #tpu.memory_space<vmem>> -> memref<1x64xf32, #tpu.memory_space<vmem>>
      %dma_start3A_568 = arith.constant 0 : i32
      %dma_start3A_569 = tpu.memref_slice %arg6[%squeeze3A_563, %dma_start3A_568] : memref<1000000x64xf32, #tpu.memory_space<hbm>> -> memref<1x64xf32, #tpu.memory_space<hbm>>
      %dma_start3A_570 = arith.constant 0 : i32
      %dma_start3A_571 = tpu.memref_slice %arg20[%add3A_565, %dma_start3A_570] : memref<128x64xf32, #tpu.memory_space<vmem>> -> memref<1x64xf32, #tpu.memory_space<vmem>>
      %dma_start3A_572 = arith.constant 0 : i32
      %dma_start3A_573 = tpu.memref_slice %arg6[%squeeze3A_563, %dma_start3A_572] : memref<1000000x64xf32, #tpu.memory_space<hbm>> -> memref<1x64xf32, #tpu.memory_space<hbm>>
      tpu.enqueue_dma source(%dma_start3A_573 : memref<1x64xf32, #tpu.memory_space<hbm>>) target(%dma_start3A_571 : memref<1x64xf32, #tpu.memory_space<vmem>>) target_semaphore(%arg24 : memref<!tpu.dma_semaphore, #tpu.memory_space<semaphore_mem>>)
      %slice3A_574 = vector.extract_strided_slice %get3A_155 {offsets = [11], sizes = [1], strides = [1]} : vector<16xi32> to vector<1xi32>
      %squeeze3A_575 = vector.extract %slice3A_574[0] : i32 from vector<1xi32>
      %add3A_576 = arith.constant 11 : i32
      %add3A_577 = arith.addi %mul3A_150, %add3A_576 : i32
      %dma_start3A_578 = arith.constant 0 : i32
      %dma_start3A_579 = tpu.memref_slice %arg21[%add3A_577, %dma_start3A_578] : memref<128x64xf32, #tpu.memory_space<vmem>> -> memref<1x64xf32, #tpu.memory_space<vmem>>
      %dma_start3A_580 = arith.constant 0 : i32
      %dma_start3A_581 = tpu.memref_slice %arg7[%squeeze3A_575, %dma_start3A_580] : memref<100x64xf32, #tpu.memory_space<hbm>> -> memref<1x64xf32, #tpu.memory_space<hbm>>
      %dma_start3A_582 = arith.constant 0 : i32
      %dma_start3A_583 = tpu.memref_slice %arg21[%add3A_577, %dma_start3A_582] : memref<128x64xf32, #tpu.memory_space<vmem>> -> memref<1x64xf32, #tpu.memory_space<vmem>>
      %dma_start3A_584 = arith.constant 0 : i32
      %dma_start3A_585 = tpu.memref_slice %arg7[%squeeze3A_575, %dma_start3A_584] : memref<100x64xf32, #tpu.memory_space<hbm>> -> memref<1x64xf32, #tpu.memory_space<hbm>>
      tpu.enqueue_dma source(%dma_start3A_585 : memref<1x64xf32, #tpu.memory_space<hbm>>) target(%dma_start3A_583 : memref<1x64xf32, #tpu.memory_space<vmem>>) target_semaphore(%arg24 : memref<!tpu.dma_semaphore, #tpu.memory_space<semaphore_mem>>)
      %slice3A_586 = vector.extract_strided_slice %get3A_151 {offsets = [12], sizes = [1], strides = [1]} : vector<16xi32> to vector<1xi32>
      %squeeze3A_587 = vector.extract %slice3A_586[0] : i32 from vector<1xi32>
      %add3A_588 = arith.constant 12 : i32
      %add3A_589 = arith.addi %mul3A_150, %add3A_588 : i32
      %dma_start3A_590 = arith.constant 0 : i32
      %dma_start3A_591 = tpu.memref_slice %arg19[%add3A_589, %dma_start3A_590] : memref<128x64xf32, #tpu.memory_space<vmem>> -> memref<1x64xf32, #tpu.memory_space<vmem>>
      %dma_start3A_592 = arith.constant 0 : i32
      %dma_start3A_593 = tpu.memref_slice %arg6[%squeeze3A_587, %dma_start3A_592] : memref<1000000x64xf32, #tpu.memory_space<hbm>> -> memref<1x64xf32, #tpu.memory_space<hbm>>
      %dma_start3A_594 = arith.constant 0 : i32
      %dma_start3A_595 = tpu.memref_slice %arg19[%add3A_589, %dma_start3A_594] : memref<128x64xf32, #tpu.memory_space<vmem>> -> memref<1x64xf32, #tpu.memory_space<vmem>>
      %dma_start3A_596 = arith.constant 0 : i32
      %dma_start3A_597 = tpu.memref_slice %arg6[%squeeze3A_587, %dma_start3A_596] : memref<1000000x64xf32, #tpu.memory_space<hbm>> -> memref<1x64xf32, #tpu.memory_space<hbm>>
      tpu.enqueue_dma source(%dma_start3A_597 : memref<1x64xf32, #tpu.memory_space<hbm>>) target(%dma_start3A_595 : memref<1x64xf32, #tpu.memory_space<vmem>>) target_semaphore(%arg24 : memref<!tpu.dma_semaphore, #tpu.memory_space<semaphore_mem>>)
      %slice3A_598 = vector.extract_strided_slice %get3A_153 {offsets = [12], sizes = [1], strides = [1]} : vector<16xi32> to vector<1xi32>
      %squeeze3A_599 = vector.extract %slice3A_598[0] : i32 from vector<1xi32>
      %add3A_600 = arith.constant 12 : i32
      %add3A_601 = arith.addi %mul3A_150, %add3A_600 : i32
      %dma_start3A_602 = arith.constant 0 : i32
      %dma_start3A_603 = tpu.memref_slice %arg20[%add3A_601, %dma_start3A_602] : memref<128x64xf32, #tpu.memory_space<vmem>> -> memref<1x64xf32, #tpu.memory_space<vmem>>
      %dma_start3A_604 = arith.constant 0 : i32
      %dma_start3A_605 = tpu.memref_slice %arg6[%squeeze3A_599, %dma_start3A_604] : memref<1000000x64xf32, #tpu.memory_space<hbm>> -> memref<1x64xf32, #tpu.memory_space<hbm>>
      %dma_start3A_606 = arith.constant 0 : i32
      %dma_start3A_607 = tpu.memref_slice %arg20[%add3A_601, %dma_start3A_606] : memref<128x64xf32, #tpu.memory_space<vmem>> -> memref<1x64xf32, #tpu.memory_space<vmem>>
      %dma_start3A_608 = arith.constant 0 : i32
      %dma_start3A_609 = tpu.memref_slice %arg6[%squeeze3A_599, %dma_start3A_608] : memref<1000000x64xf32, #tpu.memory_space<hbm>> -> memref<1x64xf32, #tpu.memory_space<hbm>>
      tpu.enqueue_dma source(%dma_start3A_609 : memref<1x64xf32, #tpu.memory_space<hbm>>) target(%dma_start3A_607 : memref<1x64xf32, #tpu.memory_space<vmem>>) target_semaphore(%arg24 : memref<!tpu.dma_semaphore, #tpu.memory_space<semaphore_mem>>)
      %slice3A_610 = vector.extract_strided_slice %get3A_155 {offsets = [12], sizes = [1], strides = [1]} : vector<16xi32> to vector<1xi32>
      %squeeze3A_611 = vector.extract %slice3A_610[0] : i32 from vector<1xi32>
      %add3A_612 = arith.constant 12 : i32
      %add3A_613 = arith.addi %mul3A_150, %add3A_612 : i32
      %dma_start3A_614 = arith.constant 0 : i32
      %dma_start3A_615 = tpu.memref_slice %arg21[%add3A_613, %dma_start3A_614] : memref<128x64xf32, #tpu.memory_space<vmem>> -> memref<1x64xf32, #tpu.memory_space<vmem>>
      %dma_start3A_616 = arith.constant 0 : i32
      %dma_start3A_617 = tpu.memref_slice %arg7[%squeeze3A_611, %dma_start3A_616] : memref<100x64xf32, #tpu.memory_space<hbm>> -> memref<1x64xf32, #tpu.memory_space<hbm>>
      %dma_start3A_618 = arith.constant 0 : i32
      %dma_start3A_619 = tpu.memref_slice %arg21[%add3A_613, %dma_start3A_618] : memref<128x64xf32, #tpu.memory_space<vmem>> -> memref<1x64xf32, #tpu.memory_space<vmem>>
      %dma_start3A_620 = arith.constant 0 : i32
      %dma_start3A_621 = tpu.memref_slice %arg7[%squeeze3A_611, %dma_start3A_620] : memref<100x64xf32, #tpu.memory_space<hbm>> -> memref<1x64xf32, #tpu.memory_space<hbm>>
      tpu.enqueue_dma source(%dma_start3A_621 : memref<1x64xf32, #tpu.memory_space<hbm>>) target(%dma_start3A_619 : memref<1x64xf32, #tpu.memory_space<vmem>>) target_semaphore(%arg24 : memref<!tpu.dma_semaphore, #tpu.memory_space<semaphore_mem>>)
      %slice3A_622 = vector.extract_strided_slice %get3A_151 {offsets = [13], sizes = [1], strides = [1]} : vector<16xi32> to vector<1xi32>
      %squeeze3A_623 = vector.extract %slice3A_622[0] : i32 from vector<1xi32>
      %add3A_624 = arith.constant 13 : i32
      %add3A_625 = arith.addi %mul3A_150, %add3A_624 : i32
      %dma_start3A_626 = arith.constant 0 : i32
      %dma_start3A_627 = tpu.memref_slice %arg19[%add3A_625, %dma_start3A_626] : memref<128x64xf32, #tpu.memory_space<vmem>> -> memref<1x64xf32, #tpu.memory_space<vmem>>
      %dma_start3A_628 = arith.constant 0 : i32
      %dma_start3A_629 = tpu.memref_slice %arg6[%squeeze3A_623, %dma_start3A_628] : memref<1000000x64xf32, #tpu.memory_space<hbm>> -> memref<1x64xf32, #tpu.memory_space<hbm>>
      %dma_start3A_630 = arith.constant 0 : i32
      %dma_start3A_631 = tpu.memref_slice %arg19[%add3A_625, %dma_start3A_630] : memref<128x64xf32, #tpu.memory_space<vmem>> -> memref<1x64xf32, #tpu.memory_space<vmem>>
      %dma_start3A_632 = arith.constant 0 : i32
      %dma_start3A_633 = tpu.memref_slice %arg6[%squeeze3A_623, %dma_start3A_632] : memref<1000000x64xf32, #tpu.memory_space<hbm>> -> memref<1x64xf32, #tpu.memory_space<hbm>>
      tpu.enqueue_dma source(%dma_start3A_633 : memref<1x64xf32, #tpu.memory_space<hbm>>) target(%dma_start3A_631 : memref<1x64xf32, #tpu.memory_space<vmem>>) target_semaphore(%arg24 : memref<!tpu.dma_semaphore, #tpu.memory_space<semaphore_mem>>)
      %slice3A_634 = vector.extract_strided_slice %get3A_153 {offsets = [13], sizes = [1], strides = [1]} : vector<16xi32> to vector<1xi32>
      %squeeze3A_635 = vector.extract %slice3A_634[0] : i32 from vector<1xi32>
      %add3A_636 = arith.constant 13 : i32
      %add3A_637 = arith.addi %mul3A_150, %add3A_636 : i32
      %dma_start3A_638 = arith.constant 0 : i32
      %dma_start3A_639 = tpu.memref_slice %arg20[%add3A_637, %dma_start3A_638] : memref<128x64xf32, #tpu.memory_space<vmem>> -> memref<1x64xf32, #tpu.memory_space<vmem>>
      %dma_start3A_640 = arith.constant 0 : i32
      %dma_start3A_641 = tpu.memref_slice %arg6[%squeeze3A_635, %dma_start3A_640] : memref<1000000x64xf32, #tpu.memory_space<hbm>> -> memref<1x64xf32, #tpu.memory_space<hbm>>
      %dma_start3A_642 = arith.constant 0 : i32
      %dma_start3A_643 = tpu.memref_slice %arg20[%add3A_637, %dma_start3A_642] : memref<128x64xf32, #tpu.memory_space<vmem>> -> memref<1x64xf32, #tpu.memory_space<vmem>>
      %dma_start3A_644 = arith.constant 0 : i32
      %dma_start3A_645 = tpu.memref_slice %arg6[%squeeze3A_635, %dma_start3A_644] : memref<1000000x64xf32, #tpu.memory_space<hbm>> -> memref<1x64xf32, #tpu.memory_space<hbm>>
      tpu.enqueue_dma source(%dma_start3A_645 : memref<1x64xf32, #tpu.memory_space<hbm>>) target(%dma_start3A_643 : memref<1x64xf32, #tpu.memory_space<vmem>>) target_semaphore(%arg24 : memref<!tpu.dma_semaphore, #tpu.memory_space<semaphore_mem>>)
      %slice3A_646 = vector.extract_strided_slice %get3A_155 {offsets = [13], sizes = [1], strides = [1]} : vector<16xi32> to vector<1xi32>
      %squeeze3A_647 = vector.extract %slice3A_646[0] : i32 from vector<1xi32>
      %add3A_648 = arith.constant 13 : i32
      %add3A_649 = arith.addi %mul3A_150, %add3A_648 : i32
      %dma_start3A_650 = arith.constant 0 : i32
      %dma_start3A_651 = tpu.memref_slice %arg21[%add3A_649, %dma_start3A_650] : memref<128x64xf32, #tpu.memory_space<vmem>> -> memref<1x64xf32, #tpu.memory_space<vmem>>
      %dma_start3A_652 = arith.constant 0 : i32
      %dma_start3A_653 = tpu.memref_slice %arg7[%squeeze3A_647, %dma_start3A_652] : memref<100x64xf32, #tpu.memory_space<hbm>> -> memref<1x64xf32, #tpu.memory_space<hbm>>
      %dma_start3A_654 = arith.constant 0 : i32
      %dma_start3A_655 = tpu.memref_slice %arg21[%add3A_649, %dma_start3A_654] : memref<128x64xf32, #tpu.memory_space<vmem>> -> memref<1x64xf32, #tpu.memory_space<vmem>>
      %dma_start3A_656 = arith.constant 0 : i32
      %dma_start3A_657 = tpu.memref_slice %arg7[%squeeze3A_647, %dma_start3A_656] : memref<100x64xf32, #tpu.memory_space<hbm>> -> memref<1x64xf32, #tpu.memory_space<hbm>>
      tpu.enqueue_dma source(%dma_start3A_657 : memref<1x64xf32, #tpu.memory_space<hbm>>) target(%dma_start3A_655 : memref<1x64xf32, #tpu.memory_space<vmem>>) target_semaphore(%arg24 : memref<!tpu.dma_semaphore, #tpu.memory_space<semaphore_mem>>)
      %slice3A_658 = vector.extract_strided_slice %get3A_151 {offsets = [14], sizes = [1], strides = [1]} : vector<16xi32> to vector<1xi32>
      %squeeze3A_659 = vector.extract %slice3A_658[0] : i32 from vector<1xi32>
      %add3A_660 = arith.constant 14 : i32
      %add3A_661 = arith.addi %mul3A_150, %add3A_660 : i32
      %dma_start3A_662 = arith.constant 0 : i32
      %dma_start3A_663 = tpu.memref_slice %arg19[%add3A_661, %dma_start3A_662] : memref<128x64xf32, #tpu.memory_space<vmem>> -> memref<1x64xf32, #tpu.memory_space<vmem>>
      %dma_start3A_664 = arith.constant 0 : i32
      %dma_start3A_665 = tpu.memref_slice %arg6[%squeeze3A_659, %dma_start3A_664] : memref<1000000x64xf32, #tpu.memory_space<hbm>> -> memref<1x64xf32, #tpu.memory_space<hbm>>
      %dma_start3A_666 = arith.constant 0 : i32
      %dma_start3A_667 = tpu.memref_slice %arg19[%add3A_661, %dma_start3A_666] : memref<128x64xf32, #tpu.memory_space<vmem>> -> memref<1x64xf32, #tpu.memory_space<vmem>>
      %dma_start3A_668 = arith.constant 0 : i32
      %dma_start3A_669 = tpu.memref_slice %arg6[%squeeze3A_659, %dma_start3A_668] : memref<1000000x64xf32, #tpu.memory_space<hbm>> -> memref<1x64xf32, #tpu.memory_space<hbm>>
      tpu.enqueue_dma source(%dma_start3A_669 : memref<1x64xf32, #tpu.memory_space<hbm>>) target(%dma_start3A_667 : memref<1x64xf32, #tpu.memory_space<vmem>>) target_semaphore(%arg24 : memref<!tpu.dma_semaphore, #tpu.memory_space<semaphore_mem>>)
      %slice3A_670 = vector.extract_strided_slice %get3A_153 {offsets = [14], sizes = [1], strides = [1]} : vector<16xi32> to vector<1xi32>
      %squeeze3A_671 = vector.extract %slice3A_670[0] : i32 from vector<1xi32>
      %add3A_672 = arith.constant 14 : i32
      %add3A_673 = arith.addi %mul3A_150, %add3A_672 : i32
      %dma_start3A_674 = arith.constant 0 : i32
      %dma_start3A_675 = tpu.memref_slice %arg20[%add3A_673, %dma_start3A_674] : memref<128x64xf32, #tpu.memory_space<vmem>> -> memref<1x64xf32, #tpu.memory_space<vmem>>
      %dma_start3A_676 = arith.constant 0 : i32
      %dma_start3A_677 = tpu.memref_slice %arg6[%squeeze3A_671, %dma_start3A_676] : memref<1000000x64xf32, #tpu.memory_space<hbm>> -> memref<1x64xf32, #tpu.memory_space<hbm>>
      %dma_start3A_678 = arith.constant 0 : i32
      %dma_start3A_679 = tpu.memref_slice %arg20[%add3A_673, %dma_start3A_678] : memref<128x64xf32, #tpu.memory_space<vmem>> -> memref<1x64xf32, #tpu.memory_space<vmem>>
      %dma_start3A_680 = arith.constant 0 : i32
      %dma_start3A_681 = tpu.memref_slice %arg6[%squeeze3A_671, %dma_start3A_680] : memref<1000000x64xf32, #tpu.memory_space<hbm>> -> memref<1x64xf32, #tpu.memory_space<hbm>>
      tpu.enqueue_dma source(%dma_start3A_681 : memref<1x64xf32, #tpu.memory_space<hbm>>) target(%dma_start3A_679 : memref<1x64xf32, #tpu.memory_space<vmem>>) target_semaphore(%arg24 : memref<!tpu.dma_semaphore, #tpu.memory_space<semaphore_mem>>)
      %slice3A_682 = vector.extract_strided_slice %get3A_155 {offsets = [14], sizes = [1], strides = [1]} : vector<16xi32> to vector<1xi32>
      %squeeze3A_683 = vector.extract %slice3A_682[0] : i32 from vector<1xi32>
      %add3A_684 = arith.constant 14 : i32
      %add3A_685 = arith.addi %mul3A_150, %add3A_684 : i32
      %dma_start3A_686 = arith.constant 0 : i32
      %dma_start3A_687 = tpu.memref_slice %arg21[%add3A_685, %dma_start3A_686] : memref<128x64xf32, #tpu.memory_space<vmem>> -> memref<1x64xf32, #tpu.memory_space<vmem>>
      %dma_start3A_688 = arith.constant 0 : i32
      %dma_start3A_689 = tpu.memref_slice %arg7[%squeeze3A_683, %dma_start3A_688] : memref<100x64xf32, #tpu.memory_space<hbm>> -> memref<1x64xf32, #tpu.memory_space<hbm>>
      %dma_start3A_690 = arith.constant 0 : i32
      %dma_start3A_691 = tpu.memref_slice %arg21[%add3A_685, %dma_start3A_690] : memref<128x64xf32, #tpu.memory_space<vmem>> -> memref<1x64xf32, #tpu.memory_space<vmem>>
      %dma_start3A_692 = arith.constant 0 : i32
      %dma_start3A_693 = tpu.memref_slice %arg7[%squeeze3A_683, %dma_start3A_692] : memref<100x64xf32, #tpu.memory_space<hbm>> -> memref<1x64xf32, #tpu.memory_space<hbm>>
      tpu.enqueue_dma source(%dma_start3A_693 : memref<1x64xf32, #tpu.memory_space<hbm>>) target(%dma_start3A_691 : memref<1x64xf32, #tpu.memory_space<vmem>>) target_semaphore(%arg24 : memref<!tpu.dma_semaphore, #tpu.memory_space<semaphore_mem>>)
      %slice3A_694 = vector.extract_strided_slice %get3A_151 {offsets = [15], sizes = [1], strides = [1]} : vector<16xi32> to vector<1xi32>
      %squeeze3A_695 = vector.extract %slice3A_694[0] : i32 from vector<1xi32>
      %add3A_696 = arith.constant 15 : i32
      %add3A_697 = arith.addi %mul3A_150, %add3A_696 : i32
      %dma_start3A_698 = arith.constant 0 : i32
      %dma_start3A_699 = tpu.memref_slice %arg19[%add3A_697, %dma_start3A_698] : memref<128x64xf32, #tpu.memory_space<vmem>> -> memref<1x64xf32, #tpu.memory_space<vmem>>
      %dma_start3A_700 = arith.constant 0 : i32
      %dma_start3A_701 = tpu.memref_slice %arg6[%squeeze3A_695, %dma_start3A_700] : memref<1000000x64xf32, #tpu.memory_space<hbm>> -> memref<1x64xf32, #tpu.memory_space<hbm>>
      %dma_start3A_702 = arith.constant 0 : i32
      %dma_start3A_703 = tpu.memref_slice %arg19[%add3A_697, %dma_start3A_702] : memref<128x64xf32, #tpu.memory_space<vmem>> -> memref<1x64xf32, #tpu.memory_space<vmem>>
      %dma_start3A_704 = arith.constant 0 : i32
      %dma_start3A_705 = tpu.memref_slice %arg6[%squeeze3A_695, %dma_start3A_704] : memref<1000000x64xf32, #tpu.memory_space<hbm>> -> memref<1x64xf32, #tpu.memory_space<hbm>>
      tpu.enqueue_dma source(%dma_start3A_705 : memref<1x64xf32, #tpu.memory_space<hbm>>) target(%dma_start3A_703 : memref<1x64xf32, #tpu.memory_space<vmem>>) target_semaphore(%arg24 : memref<!tpu.dma_semaphore, #tpu.memory_space<semaphore_mem>>)
      %slice3A_706 = vector.extract_strided_slice %get3A_153 {offsets = [15], sizes = [1], strides = [1]} : vector<16xi32> to vector<1xi32>
      %squeeze3A_707 = vector.extract %slice3A_706[0] : i32 from vector<1xi32>
      %add3A_708 = arith.constant 15 : i32
      %add3A_709 = arith.addi %mul3A_150, %add3A_708 : i32
      %dma_start3A_710 = arith.constant 0 : i32
      %dma_start3A_711 = tpu.memref_slice %arg20[%add3A_709, %dma_start3A_710] : memref<128x64xf32, #tpu.memory_space<vmem>> -> memref<1x64xf32, #tpu.memory_space<vmem>>
      %dma_start3A_712 = arith.constant 0 : i32
      %dma_start3A_713 = tpu.memref_slice %arg6[%squeeze3A_707, %dma_start3A_712] : memref<1000000x64xf32, #tpu.memory_space<hbm>> -> memref<1x64xf32, #tpu.memory_space<hbm>>
      %dma_start3A_714 = arith.constant 0 : i32
      %dma_start3A_715 = tpu.memref_slice %arg20[%add3A_709, %dma_start3A_714] : memref<128x64xf32, #tpu.memory_space<vmem>> -> memref<1x64xf32, #tpu.memory_space<vmem>>
      %dma_start3A_716 = arith.constant 0 : i32
      %dma_start3A_717 = tpu.memref_slice %arg6[%squeeze3A_707, %dma_start3A_716] : memref<1000000x64xf32, #tpu.memory_space<hbm>> -> memref<1x64xf32, #tpu.memory_space<hbm>>
      tpu.enqueue_dma source(%dma_start3A_717 : memref<1x64xf32, #tpu.memory_space<hbm>>) target(%dma_start3A_715 : memref<1x64xf32, #tpu.memory_space<vmem>>) target_semaphore(%arg24 : memref<!tpu.dma_semaphore, #tpu.memory_space<semaphore_mem>>)
      %slice3A_718 = vector.extract_strided_slice %get3A_155 {offsets = [15], sizes = [1], strides = [1]} : vector<16xi32> to vector<1xi32>
      %squeeze3A_719 = vector.extract %slice3A_718[0] : i32 from vector<1xi32>
      %add3A_720 = arith.constant 15 : i32
      %add3A_721 = arith.addi %mul3A_150, %add3A_720 : i32
      %dma_start3A_722 = arith.constant 0 : i32
      %dma_start3A_723 = tpu.memref_slice %arg21[%add3A_721, %dma_start3A_722] : memref<128x64xf32, #tpu.memory_space<vmem>> -> memref<1x64xf32, #tpu.memory_space<vmem>>
      %dma_start3A_724 = arith.constant 0 : i32
      %dma_start3A_725 = tpu.memref_slice %arg7[%squeeze3A_719, %dma_start3A_724] : memref<100x64xf32, #tpu.memory_space<hbm>> -> memref<1x64xf32, #tpu.memory_space<hbm>>
      %dma_start3A_726 = arith.constant 0 : i32
      %dma_start3A_727 = tpu.memref_slice %arg21[%add3A_721, %dma_start3A_726] : memref<128x64xf32, #tpu.memory_space<vmem>> -> memref<1x64xf32, #tpu.memory_space<vmem>>
      %dma_start3A_728 = arith.constant 0 : i32
      %dma_start3A_729 = tpu.memref_slice %arg7[%squeeze3A_719, %dma_start3A_728] : memref<100x64xf32, #tpu.memory_space<hbm>> -> memref<1x64xf32, #tpu.memory_space<hbm>>
      tpu.enqueue_dma source(%dma_start3A_729 : memref<1x64xf32, #tpu.memory_space<hbm>>) target(%dma_start3A_727 : memref<1x64xf32, #tpu.memory_space<vmem>>) target_semaphore(%arg24 : memref<!tpu.dma_semaphore, #tpu.memory_space<semaphore_mem>>)
    }
    %scan3A_105 = arith.constant 8 : i32
    %scan3A_106 = arith.constant 0 : i32
    %scan3A_107 = arith.constant 128 : i32
    %scan3A_108 = arith.addi %scan3A_106, %scan3A_107 : i32
    %scan3A_109 = arith.constant 1 : i32
    scf.for %scan3A_144 = %scan3A_106 to %scan3A_108 step %scan3A_109  : i32 {
      %dma_wait3A_145 = arith.constant 0 : i32
      %dma_wait3A_146 = arith.constant 0 : i32
      %dma_wait3A_147 = tpu.memref_slice %arg16[%dma_wait3A_145, %dma_wait3A_146] : memref<128x64xf32, #tpu.memory_space<vmem>> -> memref<1x64xf32, #tpu.memory_space<vmem>>
      %dma_wait3A_148 = arith.constant 0 : i32
      %dma_wait3A_149 = arith.constant 0 : i32
      %dma_wait3A_150 = tpu.memref_slice %arg6[%dma_wait3A_148, %dma_wait3A_149] : memref<1000000x64xf32, #tpu.memory_space<hbm>> -> memref<1x64xf32, #tpu.memory_space<hbm>>
      %dma_wait3A_151 = arith.constant 0 : i32
      %dma_wait3A_152 = arith.constant 0 : i32
      %dma_wait3A_153 = tpu.memref_slice %arg16[%dma_wait3A_151, %dma_wait3A_152] : memref<128x64xf32, #tpu.memory_space<vmem>> -> memref<1x64xf32, #tpu.memory_space<vmem>>
      %dma_wait3A_154 = arith.constant 0 : i32
      %dma_wait3A_155 = arith.constant 0 : i32
      %dma_wait3A_156 = tpu.memref_slice %arg6[%dma_wait3A_154, %dma_wait3A_155] : memref<1000000x64xf32, #tpu.memory_space<hbm>> -> memref<1x64xf32, #tpu.memory_space<hbm>>
      tpu.wait_dma2 semaphore(%arg23 : memref<!tpu.dma_semaphore, #tpu.memory_space<semaphore_mem>>) src(%dma_wait3A_156 : memref<1x64xf32, #tpu.memory_space<hbm>>) dst(%dma_wait3A_153 : memref<1x64xf32, #tpu.memory_space<vmem>>)
      %dma_wait3A_157 = arith.constant 0 : i32
      %dma_wait3A_158 = arith.constant 0 : i32
      %dma_wait3A_159 = tpu.memref_slice %arg17[%dma_wait3A_157, %dma_wait3A_158] : memref<128x64xf32, #tpu.memory_space<vmem>> -> memref<1x64xf32, #tpu.memory_space<vmem>>
      %dma_wait3A_160 = arith.constant 0 : i32
      %dma_wait3A_161 = arith.constant 0 : i32
      %dma_wait3A_162 = tpu.memref_slice %arg6[%dma_wait3A_160, %dma_wait3A_161] : memref<1000000x64xf32, #tpu.memory_space<hbm>> -> memref<1x64xf32, #tpu.memory_space<hbm>>
      %dma_wait3A_163 = arith.constant 0 : i32
      %dma_wait3A_164 = arith.constant 0 : i32
      %dma_wait3A_165 = tpu.memref_slice %arg17[%dma_wait3A_163, %dma_wait3A_164] : memref<128x64xf32, #tpu.memory_space<vmem>> -> memref<1x64xf32, #tpu.memory_space<vmem>>
      %dma_wait3A_166 = arith.constant 0 : i32
      %dma_wait3A_167 = arith.constant 0 : i32
      %dma_wait3A_168 = tpu.memref_slice %arg6[%dma_wait3A_166, %dma_wait3A_167] : memref<1000000x64xf32, #tpu.memory_space<hbm>> -> memref<1x64xf32, #tpu.memory_space<hbm>>
      tpu.wait_dma2 semaphore(%arg23 : memref<!tpu.dma_semaphore, #tpu.memory_space<semaphore_mem>>) src(%dma_wait3A_168 : memref<1x64xf32, #tpu.memory_space<hbm>>) dst(%dma_wait3A_165 : memref<1x64xf32, #tpu.memory_space<vmem>>)
      %dma_wait3A_169 = arith.constant 0 : i32
      %dma_wait3A_170 = arith.constant 0 : i32
      %dma_wait3A_171 = tpu.memref_slice %arg18[%dma_wait3A_169, %dma_wait3A_170] : memref<128x64xf32, #tpu.memory_space<vmem>> -> memref<1x64xf32, #tpu.memory_space<vmem>>
      %dma_wait3A_172 = arith.constant 0 : i32
      %dma_wait3A_173 = arith.constant 0 : i32
      %dma_wait3A_174 = tpu.memref_slice %arg7[%dma_wait3A_172, %dma_wait3A_173] : memref<100x64xf32, #tpu.memory_space<hbm>> -> memref<1x64xf32, #tpu.memory_space<hbm>>
      %dma_wait3A_175 = arith.constant 0 : i32
      %dma_wait3A_176 = arith.constant 0 : i32
      %dma_wait3A_177 = tpu.memref_slice %arg18[%dma_wait3A_175, %dma_wait3A_176] : memref<128x64xf32, #tpu.memory_space<vmem>> -> memref<1x64xf32, #tpu.memory_space<vmem>>
      %dma_wait3A_178 = arith.constant 0 : i32
      %dma_wait3A_179 = arith.constant 0 : i32
      %dma_wait3A_180 = tpu.memref_slice %arg7[%dma_wait3A_178, %dma_wait3A_179] : memref<100x64xf32, #tpu.memory_space<hbm>> -> memref<1x64xf32, #tpu.memory_space<hbm>>
      tpu.wait_dma2 semaphore(%arg23 : memref<!tpu.dma_semaphore, #tpu.memory_space<semaphore_mem>>) src(%dma_wait3A_180 : memref<1x64xf32, #tpu.memory_space<hbm>>) dst(%dma_wait3A_177 : memref<1x64xf32, #tpu.memory_space<vmem>>)
    }
    %scan3A_110 = arith.constant 128 : i32
    %add3A_111 = arith.constant 0 : i32
    %add3A_112 = arith.addi %mul3A_2, %add3A_111 : i32
    "tpu.region"() ({
      %run_scoped3A = tpu.sem_alloc : memref<!tpu.dma_semaphore, #tpu.memory_space<semaphore_mem>>
      %dma_start3A_144 = arith.constant 0 : i32
      %dma_start3A_145 = tpu.memref_slice %arg9[%add3A_112, %dma_start3A_144] : memref<16384x64xf32, #tpu.memory_space<hbm>> -> memref<128x64xf32, #tpu.memory_space<hbm>>
      %dma_start3A_146 = arith.constant 0 : i32
      %dma_start3A_147 = tpu.memref_slice %arg9[%add3A_112, %dma_start3A_146] : memref<16384x64xf32, #tpu.memory_space<hbm>> -> memref<128x64xf32, #tpu.memory_space<hbm>>
      tpu.enqueue_dma source(%arg16 : memref<128x64xf32, #tpu.memory_space<vmem>>) target(%dma_start3A_147 : memref<128x64xf32, #tpu.memory_space<hbm>>) target_semaphore(%run_scoped3A : memref<!tpu.dma_semaphore, #tpu.memory_space<semaphore_mem>>)
      %dma_wait3A_148 = arith.constant 0 : i32
      %dma_wait3A_149 = tpu.memref_slice %arg9[%add3A_112, %dma_wait3A_148] : memref<16384x64xf32, #tpu.memory_space<hbm>> -> memref<128x64xf32, #tpu.memory_space<hbm>>
      %dma_wait3A_150 = arith.constant 0 : i32
      %dma_wait3A_151 = tpu.memref_slice %arg9[%add3A_112, %dma_wait3A_150] : memref<16384x64xf32, #tpu.memory_space<hbm>> -> memref<128x64xf32, #tpu.memory_space<hbm>>
      tpu.wait_dma2 semaphore(%run_scoped3A : memref<!tpu.dma_semaphore, #tpu.memory_space<semaphore_mem>>) src(%arg16 : memref<128x64xf32, #tpu.memory_space<vmem>>) dst(%dma_wait3A_151 : memref<128x64xf32, #tpu.memory_space<hbm>>)
      tpu.yield
    }) : () -> ()
    "tpu.region"() ({
      %run_scoped3A = tpu.sem_alloc : memref<!tpu.dma_semaphore, #tpu.memory_space<semaphore_mem>>
      %dma_start3A_144 = arith.constant 0 : i32
      %dma_start3A_145 = tpu.memref_slice %arg10[%add3A_112, %dma_start3A_144] : memref<16384x64xf32, #tpu.memory_space<hbm>> -> memref<128x64xf32, #tpu.memory_space<hbm>>
      %dma_start3A_146 = arith.constant 0 : i32
      %dma_start3A_147 = tpu.memref_slice %arg10[%add3A_112, %dma_start3A_146] : memref<16384x64xf32, #tpu.memory_space<hbm>> -> memref<128x64xf32, #tpu.memory_space<hbm>>
      tpu.enqueue_dma source(%arg17 : memref<128x64xf32, #tpu.memory_space<vmem>>) target(%dma_start3A_147 : memref<128x64xf32, #tpu.memory_space<hbm>>) target_semaphore(%run_scoped3A : memref<!tpu.dma_semaphore, #tpu.memory_space<semaphore_mem>>)
      %dma_wait3A_148 = arith.constant 0 : i32
      %dma_wait3A_149 = tpu.memref_slice %arg10[%add3A_112, %dma_wait3A_148] : memref<16384x64xf32, #tpu.memory_space<hbm>> -> memref<128x64xf32, #tpu.memory_space<hbm>>
      %dma_wait3A_150 = arith.constant 0 : i32
      %dma_wait3A_151 = tpu.memref_slice %arg10[%add3A_112, %dma_wait3A_150] : memref<16384x64xf32, #tpu.memory_space<hbm>> -> memref<128x64xf32, #tpu.memory_space<hbm>>
      tpu.wait_dma2 semaphore(%run_scoped3A : memref<!tpu.dma_semaphore, #tpu.memory_space<semaphore_mem>>) src(%arg17 : memref<128x64xf32, #tpu.memory_space<vmem>>) dst(%dma_wait3A_151 : memref<128x64xf32, #tpu.memory_space<hbm>>)
      tpu.yield
    }) : () -> ()
    "tpu.region"() ({
      %run_scoped3A = tpu.sem_alloc : memref<!tpu.dma_semaphore, #tpu.memory_space<semaphore_mem>>
      %dma_start3A_144 = arith.constant 0 : i32
      %dma_start3A_145 = tpu.memref_slice %arg8[%add3A_112, %dma_start3A_144] : memref<16384x64xf32, #tpu.memory_space<hbm>> -> memref<128x64xf32, #tpu.memory_space<hbm>>
      %dma_start3A_146 = arith.constant 0 : i32
      %dma_start3A_147 = tpu.memref_slice %arg8[%add3A_112, %dma_start3A_146] : memref<16384x64xf32, #tpu.memory_space<hbm>> -> memref<128x64xf32, #tpu.memory_space<hbm>>
      tpu.enqueue_dma source(%arg18 : memref<128x64xf32, #tpu.memory_space<vmem>>) target(%dma_start3A_147 : memref<128x64xf32, #tpu.memory_space<hbm>>) target_semaphore(%run_scoped3A : memref<!tpu.dma_semaphore, #tpu.memory_space<semaphore_mem>>)
      %dma_wait3A_148 = arith.constant 0 : i32
      %dma_wait3A_149 = tpu.memref_slice %arg8[%add3A_112, %dma_wait3A_148] : memref<16384x64xf32, #tpu.memory_space<hbm>> -> memref<128x64xf32, #tpu.memory_space<hbm>>
      %dma_wait3A_150 = arith.constant 0 : i32
      %dma_wait3A_151 = tpu.memref_slice %arg8[%add3A_112, %dma_wait3A_150] : memref<16384x64xf32, #tpu.memory_space<hbm>> -> memref<128x64xf32, #tpu.memory_space<hbm>>
      tpu.wait_dma2 semaphore(%run_scoped3A : memref<!tpu.dma_semaphore, #tpu.memory_space<semaphore_mem>>) src(%arg18 : memref<128x64xf32, #tpu.memory_space<vmem>>) dst(%dma_wait3A_151 : memref<128x64xf32, #tpu.memory_space<hbm>>)
      tpu.yield
    }) : () -> ()
    %scan3A_113 = arith.constant 0 : i32
    %scan3A_114 = arith.constant 8 : i32
    %scan3A_115 = arith.addi %scan3A_113, %scan3A_114 : i32
    %scan3A_116 = arith.constant 1 : i32
    scf.for %scan3A_144 = %scan3A_113 to %scan3A_115 step %scan3A_116  : i32 {
      %mul3A_145 = arith.constant 16 : i32
      %mul3A_146 = arith.muli %scan3A_144, %mul3A_145 : i32
      %add3A_147 = arith.constant 256 : i32
      %add3A_148 = arith.addi %add3A_147, %mul3A_146 : i32
      %mul3A_149 = arith.constant 16 : i32
      %mul3A_150 = arith.muli %scan3A_144, %mul3A_149 : i32
      %get3A = arith.index_cast %add3A_148 : i32 to index
      %get3A_151 = tpu.vector_load %arg14[%get3A] {strides = array<i32>} : memref<512xi32, #tpu.memory_space<vmem>>, vector<16xi32>,
      %get3A_152 = arith.index_cast %add3A_148 : i32 to index
      %get3A_153 = tpu.vector_load %arg15[%get3A_152] {strides = array<i32>} : memref<512xi32, #tpu.memory_space<vmem>>, vector<16xi32>,
      %get3A_154 = arith.index_cast %add3A_148 : i32 to index
      %get3A_155 = tpu.vector_load %arg13[%get3A_154] {strides = array<i32>} : memref<512xi32, #tpu.memory_space<vmem>>, vector<16xi32>,
      %slice3A = vector.extract_strided_slice %get3A_151 {offsets = [0], sizes = [1], strides = [1]} : vector<16xi32> to vector<1xi32>
      %squeeze3A = vector.extract %slice3A[0] : i32 from vector<1xi32>
      %add3A_156 = arith.constant 0 : i32
      %add3A_157 = arith.addi %mul3A_150, %add3A_156 : i32
      %dma_start3A_158 = arith.constant 0 : i32
      %dma_start3A_159 = tpu.memref_slice %arg16[%add3A_157, %dma_start3A_158] : memref<128x64xf32, #tpu.memory_space<vmem>> -> memref<1x64xf32, #tpu.memory_space<vmem>>
      %dma_start3A_160 = arith.constant 0 : i32
      %dma_start3A_161 = tpu.memref_slice %arg6[%squeeze3A, %dma_start3A_160] : memref<1000000x64xf32, #tpu.memory_space<hbm>> -> memref<1x64xf32, #tpu.memory_space<hbm>>
      %dma_start3A_162 = arith.constant 0 : i32
      %dma_start3A_163 = tpu.memref_slice %arg16[%add3A_157, %dma_start3A_162] : memref<128x64xf32, #tpu.memory_space<vmem>> -> memref<1x64xf32, #tpu.memory_space<vmem>>
      %dma_start3A_164 = arith.constant 0 : i32
      %dma_start3A_165 = tpu.memref_slice %arg6[%squeeze3A, %dma_start3A_164] : memref<1000000x64xf32, #tpu.memory_space<hbm>> -> memref<1x64xf32, #tpu.memory_space<hbm>>
      tpu.enqueue_dma source(%dma_start3A_165 : memref<1x64xf32, #tpu.memory_space<hbm>>) target(%dma_start3A_163 : memref<1x64xf32, #tpu.memory_space<vmem>>) target_semaphore(%arg23 : memref<!tpu.dma_semaphore, #tpu.memory_space<semaphore_mem>>)
      %slice3A_166 = vector.extract_strided_slice %get3A_153 {offsets = [0], sizes = [1], strides = [1]} : vector<16xi32> to vector<1xi32>
      %squeeze3A_167 = vector.extract %slice3A_166[0] : i32 from vector<1xi32>
      %add3A_168 = arith.constant 0 : i32
      %add3A_169 = arith.addi %mul3A_150, %add3A_168 : i32
      %dma_start3A_170 = arith.constant 0 : i32
      %dma_start3A_171 = tpu.memref_slice %arg17[%add3A_169, %dma_start3A_170] : memref<128x64xf32, #tpu.memory_space<vmem>> -> memref<1x64xf32, #tpu.memory_space<vmem>>
      %dma_start3A_172 = arith.constant 0 : i32
      %dma_start3A_173 = tpu.memref_slice %arg6[%squeeze3A_167, %dma_start3A_172] : memref<1000000x64xf32, #tpu.memory_space<hbm>> -> memref<1x64xf32, #tpu.memory_space<hbm>>
      %dma_start3A_174 = arith.constant 0 : i32
      %dma_start3A_175 = tpu.memref_slice %arg17[%add3A_169, %dma_start3A_174] : memref<128x64xf32, #tpu.memory_space<vmem>> -> memref<1x64xf32, #tpu.memory_space<vmem>>
      %dma_start3A_176 = arith.constant 0 : i32
      %dma_start3A_177 = tpu.memref_slice %arg6[%squeeze3A_167, %dma_start3A_176] : memref<1000000x64xf32, #tpu.memory_space<hbm>> -> memref<1x64xf32, #tpu.memory_space<hbm>>
      tpu.enqueue_dma source(%dma_start3A_177 : memref<1x64xf32, #tpu.memory_space<hbm>>) target(%dma_start3A_175 : memref<1x64xf32, #tpu.memory_space<vmem>>) target_semaphore(%arg23 : memref<!tpu.dma_semaphore, #tpu.memory_space<semaphore_mem>>)
      %slice3A_178 = vector.extract_strided_slice %get3A_155 {offsets = [0], sizes = [1], strides = [1]} : vector<16xi32> to vector<1xi32>
      %squeeze3A_179 = vector.extract %slice3A_178[0] : i32 from vector<1xi32>
      %add3A_180 = arith.constant 0 : i32
      %add3A_181 = arith.addi %mul3A_150, %add3A_180 : i32
      %dma_start3A_182 = arith.constant 0 : i32
      %dma_start3A_183 = tpu.memref_slice %arg18[%add3A_181, %dma_start3A_182] : memref<128x64xf32, #tpu.memory_space<vmem>> -> memref<1x64xf32, #tpu.memory_space<vmem>>
      %dma_start3A_184 = arith.constant 0 : i32
      %dma_start3A_185 = tpu.memref_slice %arg7[%squeeze3A_179, %dma_start3A_184] : memref<100x64xf32, #tpu.memory_space<hbm>> -> memref<1x64xf32, #tpu.memory_space<hbm>>
      %dma_start3A_186 = arith.constant 0 : i32
      %dma_start3A_187 = tpu.memref_slice %arg18[%add3A_181, %dma_start3A_186] : memref<128x64xf32, #tpu.memory_space<vmem>> -> memref<1x64xf32, #tpu.memory_space<vmem>>
      %dma_start3A_188 = arith.constant 0 : i32
      %dma_start3A_189 = tpu.memref_slice %arg7[%squeeze3A_179, %dma_start3A_188] : memref<100x64xf32, #tpu.memory_space<hbm>> -> memref<1x64xf32, #tpu.memory_space<hbm>>
      tpu.enqueue_dma source(%dma_start3A_189 : memref<1x64xf32, #tpu.memory_space<hbm>>) target(%dma_start3A_187 : memref<1x64xf32, #tpu.memory_space<vmem>>) target_semaphore(%arg23 : memref<!tpu.dma_semaphore, #tpu.memory_space<semaphore_mem>>)
      %slice3A_190 = vector.extract_strided_slice %get3A_151 {offsets = [1], sizes = [1], strides = [1]} : vector<16xi32> to vector<1xi32>
      %squeeze3A_191 = vector.extract %slice3A_190[0] : i32 from vector<1xi32>
      %add3A_192 = arith.constant 1 : i32
      %add3A_193 = arith.addi %mul3A_150, %add3A_192 : i32
      %dma_start3A_194 = arith.constant 0 : i32
      %dma_start3A_195 = tpu.memref_slice %arg16[%add3A_193, %dma_start3A_194] : memref<128x64xf32, #tpu.memory_space<vmem>> -> memref<1x64xf32, #tpu.memory_space<vmem>>
      %dma_start3A_196 = arith.constant 0 : i32
      %dma_start3A_197 = tpu.memref_slice %arg6[%squeeze3A_191, %dma_start3A_196] : memref<1000000x64xf32, #tpu.memory_space<hbm>> -> memref<1x64xf32, #tpu.memory_space<hbm>>
      %dma_start3A_198 = arith.constant 0 : i32
      %dma_start3A_199 = tpu.memref_slice %arg16[%add3A_193, %dma_start3A_198] : memref<128x64xf32, #tpu.memory_space<vmem>> -> memref<1x64xf32, #tpu.memory_space<vmem>>
      %dma_start3A_200 = arith.constant 0 : i32
      %dma_start3A_201 = tpu.memref_slice %arg6[%squeeze3A_191, %dma_start3A_200] : memref<1000000x64xf32, #tpu.memory_space<hbm>> -> memref<1x64xf32, #tpu.memory_space<hbm>>
      tpu.enqueue_dma source(%dma_start3A_201 : memref<1x64xf32, #tpu.memory_space<hbm>>) target(%dma_start3A_199 : memref<1x64xf32, #tpu.memory_space<vmem>>) target_semaphore(%arg23 : memref<!tpu.dma_semaphore, #tpu.memory_space<semaphore_mem>>)
      %slice3A_202 = vector.extract_strided_slice %get3A_153 {offsets = [1], sizes = [1], strides = [1]} : vector<16xi32> to vector<1xi32>
      %squeeze3A_203 = vector.extract %slice3A_202[0] : i32 from vector<1xi32>
      %add3A_204 = arith.constant 1 : i32
      %add3A_205 = arith.addi %mul3A_150, %add3A_204 : i32
      %dma_start3A_206 = arith.constant 0 : i32
      %dma_start3A_207 = tpu.memref_slice %arg17[%add3A_205, %dma_start3A_206] : memref<128x64xf32, #tpu.memory_space<vmem>> -> memref<1x64xf32, #tpu.memory_space<vmem>>
      %dma_start3A_208 = arith.constant 0 : i32
      %dma_start3A_209 = tpu.memref_slice %arg6[%squeeze3A_203, %dma_start3A_208] : memref<1000000x64xf32, #tpu.memory_space<hbm>> -> memref<1x64xf32, #tpu.memory_space<hbm>>
      %dma_start3A_210 = arith.constant 0 : i32
      %dma_start3A_211 = tpu.memref_slice %arg17[%add3A_205, %dma_start3A_210] : memref<128x64xf32, #tpu.memory_space<vmem>> -> memref<1x64xf32, #tpu.memory_space<vmem>>
      %dma_start3A_212 = arith.constant 0 : i32
      %dma_start3A_213 = tpu.memref_slice %arg6[%squeeze3A_203, %dma_start3A_212] : memref<1000000x64xf32, #tpu.memory_space<hbm>> -> memref<1x64xf32, #tpu.memory_space<hbm>>
      tpu.enqueue_dma source(%dma_start3A_213 : memref<1x64xf32, #tpu.memory_space<hbm>>) target(%dma_start3A_211 : memref<1x64xf32, #tpu.memory_space<vmem>>) target_semaphore(%arg23 : memref<!tpu.dma_semaphore, #tpu.memory_space<semaphore_mem>>)
      %slice3A_214 = vector.extract_strided_slice %get3A_155 {offsets = [1], sizes = [1], strides = [1]} : vector<16xi32> to vector<1xi32>
      %squeeze3A_215 = vector.extract %slice3A_214[0] : i32 from vector<1xi32>
      %add3A_216 = arith.constant 1 : i32
      %add3A_217 = arith.addi %mul3A_150, %add3A_216 : i32
      %dma_start3A_218 = arith.constant 0 : i32
      %dma_start3A_219 = tpu.memref_slice %arg18[%add3A_217, %dma_start3A_218] : memref<128x64xf32, #tpu.memory_space<vmem>> -> memref<1x64xf32, #tpu.memory_space<vmem>>
      %dma_start3A_220 = arith.constant 0 : i32
      %dma_start3A_221 = tpu.memref_slice %arg7[%squeeze3A_215, %dma_start3A_220] : memref<100x64xf32, #tpu.memory_space<hbm>> -> memref<1x64xf32, #tpu.memory_space<hbm>>
      %dma_start3A_222 = arith.constant 0 : i32
      %dma_start3A_223 = tpu.memref_slice %arg18[%add3A_217, %dma_start3A_222] : memref<128x64xf32, #tpu.memory_space<vmem>> -> memref<1x64xf32, #tpu.memory_space<vmem>>
      %dma_start3A_224 = arith.constant 0 : i32
      %dma_start3A_225 = tpu.memref_slice %arg7[%squeeze3A_215, %dma_start3A_224] : memref<100x64xf32, #tpu.memory_space<hbm>> -> memref<1x64xf32, #tpu.memory_space<hbm>>
      tpu.enqueue_dma source(%dma_start3A_225 : memref<1x64xf32, #tpu.memory_space<hbm>>) target(%dma_start3A_223 : memref<1x64xf32, #tpu.memory_space<vmem>>) target_semaphore(%arg23 : memref<!tpu.dma_semaphore, #tpu.memory_space<semaphore_mem>>)
      %slice3A_226 = vector.extract_strided_slice %get3A_151 {offsets = [2], sizes = [1], strides = [1]} : vector<16xi32> to vector<1xi32>
      %squeeze3A_227 = vector.extract %slice3A_226[0] : i32 from vector<1xi32>
      %add3A_228 = arith.constant 2 : i32
      %add3A_229 = arith.addi %mul3A_150, %add3A_228 : i32
      %dma_start3A_230 = arith.constant 0 : i32
      %dma_start3A_231 = tpu.memref_slice %arg16[%add3A_229, %dma_start3A_230] : memref<128x64xf32, #tpu.memory_space<vmem>> -> memref<1x64xf32, #tpu.memory_space<vmem>>
      %dma_start3A_232 = arith.constant 0 : i32
      %dma_start3A_233 = tpu.memref_slice %arg6[%squeeze3A_227, %dma_start3A_232] : memref<1000000x64xf32, #tpu.memory_space<hbm>> -> memref<1x64xf32, #tpu.memory_space<hbm>>
      %dma_start3A_234 = arith.constant 0 : i32
      %dma_start3A_235 = tpu.memref_slice %arg16[%add3A_229, %dma_start3A_234] : memref<128x64xf32, #tpu.memory_space<vmem>> -> memref<1x64xf32, #tpu.memory_space<vmem>>
      %dma_start3A_236 = arith.constant 0 : i32
      %dma_start3A_237 = tpu.memref_slice %arg6[%squeeze3A_227, %dma_start3A_236] : memref<1000000x64xf32, #tpu.memory_space<hbm>> -> memref<1x64xf32, #tpu.memory_space<hbm>>
      tpu.enqueue_dma source(%dma_start3A_237 : memref<1x64xf32, #tpu.memory_space<hbm>>) target(%dma_start3A_235 : memref<1x64xf32, #tpu.memory_space<vmem>>) target_semaphore(%arg23 : memref<!tpu.dma_semaphore, #tpu.memory_space<semaphore_mem>>)
      %slice3A_238 = vector.extract_strided_slice %get3A_153 {offsets = [2], sizes = [1], strides = [1]} : vector<16xi32> to vector<1xi32>
      %squeeze3A_239 = vector.extract %slice3A_238[0] : i32 from vector<1xi32>
      %add3A_240 = arith.constant 2 : i32
      %add3A_241 = arith.addi %mul3A_150, %add3A_240 : i32
      %dma_start3A_242 = arith.constant 0 : i32
      %dma_start3A_243 = tpu.memref_slice %arg17[%add3A_241, %dma_start3A_242] : memref<128x64xf32, #tpu.memory_space<vmem>> -> memref<1x64xf32, #tpu.memory_space<vmem>>
      %dma_start3A_244 = arith.constant 0 : i32
      %dma_start3A_245 = tpu.memref_slice %arg6[%squeeze3A_239, %dma_start3A_244] : memref<1000000x64xf32, #tpu.memory_space<hbm>> -> memref<1x64xf32, #tpu.memory_space<hbm>>
      %dma_start3A_246 = arith.constant 0 : i32
      %dma_start3A_247 = tpu.memref_slice %arg17[%add3A_241, %dma_start3A_246] : memref<128x64xf32, #tpu.memory_space<vmem>> -> memref<1x64xf32, #tpu.memory_space<vmem>>
      %dma_start3A_248 = arith.constant 0 : i32
      %dma_start3A_249 = tpu.memref_slice %arg6[%squeeze3A_239, %dma_start3A_248] : memref<1000000x64xf32, #tpu.memory_space<hbm>> -> memref<1x64xf32, #tpu.memory_space<hbm>>
      tpu.enqueue_dma source(%dma_start3A_249 : memref<1x64xf32, #tpu.memory_space<hbm>>) target(%dma_start3A_247 : memref<1x64xf32, #tpu.memory_space<vmem>>) target_semaphore(%arg23 : memref<!tpu.dma_semaphore, #tpu.memory_space<semaphore_mem>>)
      %slice3A_250 = vector.extract_strided_slice %get3A_155 {offsets = [2], sizes = [1], strides = [1]} : vector<16xi32> to vector<1xi32>
      %squeeze3A_251 = vector.extract %slice3A_250[0] : i32 from vector<1xi32>
      %add3A_252 = arith.constant 2 : i32
      %add3A_253 = arith.addi %mul3A_150, %add3A_252 : i32
      %dma_start3A_254 = arith.constant 0 : i32
      %dma_start3A_255 = tpu.memref_slice %arg18[%add3A_253, %dma_start3A_254] : memref<128x64xf32, #tpu.memory_space<vmem>> -> memref<1x64xf32, #tpu.memory_space<vmem>>
      %dma_start3A_256 = arith.constant 0 : i32
      %dma_start3A_257 = tpu.memref_slice %arg7[%squeeze3A_251, %dma_start3A_256] : memref<100x64xf32, #tpu.memory_space<hbm>> -> memref<1x64xf32, #tpu.memory_space<hbm>>
      %dma_start3A_258 = arith.constant 0 : i32
      %dma_start3A_259 = tpu.memref_slice %arg18[%add3A_253, %dma_start3A_258] : memref<128x64xf32, #tpu.memory_space<vmem>> -> memref<1x64xf32, #tpu.memory_space<vmem>>
      %dma_start3A_260 = arith.constant 0 : i32
      %dma_start3A_261 = tpu.memref_slice %arg7[%squeeze3A_251, %dma_start3A_260] : memref<100x64xf32, #tpu.memory_space<hbm>> -> memref<1x64xf32, #tpu.memory_space<hbm>>
      tpu.enqueue_dma source(%dma_start3A_261 : memref<1x64xf32, #tpu.memory_space<hbm>>) target(%dma_start3A_259 : memref<1x64xf32, #tpu.memory_space<vmem>>) target_semaphore(%arg23 : memref<!tpu.dma_semaphore, #tpu.memory_space<semaphore_mem>>)
      %slice3A_262 = vector.extract_strided_slice %get3A_151 {offsets = [3], sizes = [1], strides = [1]} : vector<16xi32> to vector<1xi32>
      %squeeze3A_263 = vector.extract %slice3A_262[0] : i32 from vector<1xi32>
      %add3A_264 = arith.constant 3 : i32
      %add3A_265 = arith.addi %mul3A_150, %add3A_264 : i32
      %dma_start3A_266 = arith.constant 0 : i32
      %dma_start3A_267 = tpu.memref_slice %arg16[%add3A_265, %dma_start3A_266] : memref<128x64xf32, #tpu.memory_space<vmem>> -> memref<1x64xf32, #tpu.memory_space<vmem>>
      %dma_start3A_268 = arith.constant 0 : i32
      %dma_start3A_269 = tpu.memref_slice %arg6[%squeeze3A_263, %dma_start3A_268] : memref<1000000x64xf32, #tpu.memory_space<hbm>> -> memref<1x64xf32, #tpu.memory_space<hbm>>
      %dma_start3A_270 = arith.constant 0 : i32
      %dma_start3A_271 = tpu.memref_slice %arg16[%add3A_265, %dma_start3A_270] : memref<128x64xf32, #tpu.memory_space<vmem>> -> memref<1x64xf32, #tpu.memory_space<vmem>>
      %dma_start3A_272 = arith.constant 0 : i32
      %dma_start3A_273 = tpu.memref_slice %arg6[%squeeze3A_263, %dma_start3A_272] : memref<1000000x64xf32, #tpu.memory_space<hbm>> -> memref<1x64xf32, #tpu.memory_space<hbm>>
      tpu.enqueue_dma source(%dma_start3A_273 : memref<1x64xf32, #tpu.memory_space<hbm>>) target(%dma_start3A_271 : memref<1x64xf32, #tpu.memory_space<vmem>>) target_semaphore(%arg23 : memref<!tpu.dma_semaphore, #tpu.memory_space<semaphore_mem>>)
      %slice3A_274 = vector.extract_strided_slice %get3A_153 {offsets = [3], sizes = [1], strides = [1]} : vector<16xi32> to vector<1xi32>
      %squeeze3A_275 = vector.extract %slice3A_274[0] : i32 from vector<1xi32>
      %add3A_276 = arith.constant 3 : i32
      %add3A_277 = arith.addi %mul3A_150, %add3A_276 : i32
      %dma_start3A_278 = arith.constant 0 : i32
      %dma_start3A_279 = tpu.memref_slice %arg17[%add3A_277, %dma_start3A_278] : memref<128x64xf32, #tpu.memory_space<vmem>> -> memref<1x64xf32, #tpu.memory_space<vmem>>
      %dma_start3A_280 = arith.constant 0 : i32
      %dma_start3A_281 = tpu.memref_slice %arg6[%squeeze3A_275, %dma_start3A_280] : memref<1000000x64xf32, #tpu.memory_space<hbm>> -> memref<1x64xf32, #tpu.memory_space<hbm>>
      %dma_start3A_282 = arith.constant 0 : i32
      %dma_start3A_283 = tpu.memref_slice %arg17[%add3A_277, %dma_start3A_282] : memref<128x64xf32, #tpu.memory_space<vmem>> -> memref<1x64xf32, #tpu.memory_space<vmem>>
      %dma_start3A_284 = arith.constant 0 : i32
      %dma_start3A_285 = tpu.memref_slice %arg6[%squeeze3A_275, %dma_start3A_284] : memref<1000000x64xf32, #tpu.memory_space<hbm>> -> memref<1x64xf32, #tpu.memory_space<hbm>>
      tpu.enqueue_dma source(%dma_start3A_285 : memref<1x64xf32, #tpu.memory_space<hbm>>) target(%dma_start3A_283 : memref<1x64xf32, #tpu.memory_space<vmem>>) target_semaphore(%arg23 : memref<!tpu.dma_semaphore, #tpu.memory_space<semaphore_mem>>)
      %slice3A_286 = vector.extract_strided_slice %get3A_155 {offsets = [3], sizes = [1], strides = [1]} : vector<16xi32> to vector<1xi32>
      %squeeze3A_287 = vector.extract %slice3A_286[0] : i32 from vector<1xi32>
      %add3A_288 = arith.constant 3 : i32
      %add3A_289 = arith.addi %mul3A_150, %add3A_288 : i32
      %dma_start3A_290 = arith.constant 0 : i32
      %dma_start3A_291 = tpu.memref_slice %arg18[%add3A_289, %dma_start3A_290] : memref<128x64xf32, #tpu.memory_space<vmem>> -> memref<1x64xf32, #tpu.memory_space<vmem>>
      %dma_start3A_292 = arith.constant 0 : i32
      %dma_start3A_293 = tpu.memref_slice %arg7[%squeeze3A_287, %dma_start3A_292] : memref<100x64xf32, #tpu.memory_space<hbm>> -> memref<1x64xf32, #tpu.memory_space<hbm>>
      %dma_start3A_294 = arith.constant 0 : i32
      %dma_start3A_295 = tpu.memref_slice %arg18[%add3A_289, %dma_start3A_294] : memref<128x64xf32, #tpu.memory_space<vmem>> -> memref<1x64xf32, #tpu.memory_space<vmem>>
      %dma_start3A_296 = arith.constant 0 : i32
      %dma_start3A_297 = tpu.memref_slice %arg7[%squeeze3A_287, %dma_start3A_296] : memref<100x64xf32, #tpu.memory_space<hbm>> -> memref<1x64xf32, #tpu.memory_space<hbm>>
      tpu.enqueue_dma source(%dma_start3A_297 : memref<1x64xf32, #tpu.memory_space<hbm>>) target(%dma_start3A_295 : memref<1x64xf32, #tpu.memory_space<vmem>>) target_semaphore(%arg23 : memref<!tpu.dma_semaphore, #tpu.memory_space<semaphore_mem>>)
      %slice3A_298 = vector.extract_strided_slice %get3A_151 {offsets = [4], sizes = [1], strides = [1]} : vector<16xi32> to vector<1xi32>
      %squeeze3A_299 = vector.extract %slice3A_298[0] : i32 from vector<1xi32>
      %add3A_300 = arith.constant 4 : i32
      %add3A_301 = arith.addi %mul3A_150, %add3A_300 : i32
      %dma_start3A_302 = arith.constant 0 : i32
      %dma_start3A_303 = tpu.memref_slice %arg16[%add3A_301, %dma_start3A_302] : memref<128x64xf32, #tpu.memory_space<vmem>> -> memref<1x64xf32, #tpu.memory_space<vmem>>
      %dma_start3A_304 = arith.constant 0 : i32
      %dma_start3A_305 = tpu.memref_slice %arg6[%squeeze3A_299, %dma_start3A_304] : memref<1000000x64xf32, #tpu.memory_space<hbm>> -> memref<1x64xf32, #tpu.memory_space<hbm>>
      %dma_start3A_306 = arith.constant 0 : i32
      %dma_start3A_307 = tpu.memref_slice %arg16[%add3A_301, %dma_start3A_306] : memref<128x64xf32, #tpu.memory_space<vmem>> -> memref<1x64xf32, #tpu.memory_space<vmem>>
      %dma_start3A_308 = arith.constant 0 : i32
      %dma_start3A_309 = tpu.memref_slice %arg6[%squeeze3A_299, %dma_start3A_308] : memref<1000000x64xf32, #tpu.memory_space<hbm>> -> memref<1x64xf32, #tpu.memory_space<hbm>>
      tpu.enqueue_dma source(%dma_start3A_309 : memref<1x64xf32, #tpu.memory_space<hbm>>) target(%dma_start3A_307 : memref<1x64xf32, #tpu.memory_space<vmem>>) target_semaphore(%arg23 : memref<!tpu.dma_semaphore, #tpu.memory_space<semaphore_mem>>)
      %slice3A_310 = vector.extract_strided_slice %get3A_153 {offsets = [4], sizes = [1], strides = [1]} : vector<16xi32> to vector<1xi32>
      %squeeze3A_311 = vector.extract %slice3A_310[0] : i32 from vector<1xi32>
      %add3A_312 = arith.constant 4 : i32
      %add3A_313 = arith.addi %mul3A_150, %add3A_312 : i32
      %dma_start3A_314 = arith.constant 0 : i32
      %dma_start3A_315 = tpu.memref_slice %arg17[%add3A_313, %dma_start3A_314] : memref<128x64xf32, #tpu.memory_space<vmem>> -> memref<1x64xf32, #tpu.memory_space<vmem>>
      %dma_start3A_316 = arith.constant 0 : i32
      %dma_start3A_317 = tpu.memref_slice %arg6[%squeeze3A_311, %dma_start3A_316] : memref<1000000x64xf32, #tpu.memory_space<hbm>> -> memref<1x64xf32, #tpu.memory_space<hbm>>
      %dma_start3A_318 = arith.constant 0 : i32
      %dma_start3A_319 = tpu.memref_slice %arg17[%add3A_313, %dma_start3A_318] : memref<128x64xf32, #tpu.memory_space<vmem>> -> memref<1x64xf32, #tpu.memory_space<vmem>>
      %dma_start3A_320 = arith.constant 0 : i32
      %dma_start3A_321 = tpu.memref_slice %arg6[%squeeze3A_311, %dma_start3A_320] : memref<1000000x64xf32, #tpu.memory_space<hbm>> -> memref<1x64xf32, #tpu.memory_space<hbm>>
      tpu.enqueue_dma source(%dma_start3A_321 : memref<1x64xf32, #tpu.memory_space<hbm>>) target(%dma_start3A_319 : memref<1x64xf32, #tpu.memory_space<vmem>>) target_semaphore(%arg23 : memref<!tpu.dma_semaphore, #tpu.memory_space<semaphore_mem>>)
      %slice3A_322 = vector.extract_strided_slice %get3A_155 {offsets = [4], sizes = [1], strides = [1]} : vector<16xi32> to vector<1xi32>
      %squeeze3A_323 = vector.extract %slice3A_322[0] : i32 from vector<1xi32>
      %add3A_324 = arith.constant 4 : i32
      %add3A_325 = arith.addi %mul3A_150, %add3A_324 : i32
      %dma_start3A_326 = arith.constant 0 : i32
      %dma_start3A_327 = tpu.memref_slice %arg18[%add3A_325, %dma_start3A_326] : memref<128x64xf32, #tpu.memory_space<vmem>> -> memref<1x64xf32, #tpu.memory_space<vmem>>
      %dma_start3A_328 = arith.constant 0 : i32
      %dma_start3A_329 = tpu.memref_slice %arg7[%squeeze3A_323, %dma_start3A_328] : memref<100x64xf32, #tpu.memory_space<hbm>> -> memref<1x64xf32, #tpu.memory_space<hbm>>
      %dma_start3A_330 = arith.constant 0 : i32
      %dma_start3A_331 = tpu.memref_slice %arg18[%add3A_325, %dma_start3A_330] : memref<128x64xf32, #tpu.memory_space<vmem>> -> memref<1x64xf32, #tpu.memory_space<vmem>>
      %dma_start3A_332 = arith.constant 0 : i32
      %dma_start3A_333 = tpu.memref_slice %arg7[%squeeze3A_323, %dma_start3A_332] : memref<100x64xf32, #tpu.memory_space<hbm>> -> memref<1x64xf32, #tpu.memory_space<hbm>>
      tpu.enqueue_dma source(%dma_start3A_333 : memref<1x64xf32, #tpu.memory_space<hbm>>) target(%dma_start3A_331 : memref<1x64xf32, #tpu.memory_space<vmem>>) target_semaphore(%arg23 : memref<!tpu.dma_semaphore, #tpu.memory_space<semaphore_mem>>)
      %slice3A_334 = vector.extract_strided_slice %get3A_151 {offsets = [5], sizes = [1], strides = [1]} : vector<16xi32> to vector<1xi32>
      %squeeze3A_335 = vector.extract %slice3A_334[0] : i32 from vector<1xi32>
      %add3A_336 = arith.constant 5 : i32
      %add3A_337 = arith.addi %mul3A_150, %add3A_336 : i32
      %dma_start3A_338 = arith.constant 0 : i32
      %dma_start3A_339 = tpu.memref_slice %arg16[%add3A_337, %dma_start3A_338] : memref<128x64xf32, #tpu.memory_space<vmem>> -> memref<1x64xf32, #tpu.memory_space<vmem>>
      %dma_start3A_340 = arith.constant 0 : i32
      %dma_start3A_341 = tpu.memref_slice %arg6[%squeeze3A_335, %dma_start3A_340] : memref<1000000x64xf32, #tpu.memory_space<hbm>> -> memref<1x64xf32, #tpu.memory_space<hbm>>
      %dma_start3A_342 = arith.constant 0 : i32
      %dma_start3A_343 = tpu.memref_slice %arg16[%add3A_337, %dma_start3A_342] : memref<128x64xf32, #tpu.memory_space<vmem>> -> memref<1x64xf32, #tpu.memory_space<vmem>>
      %dma_start3A_344 = arith.constant 0 : i32
      %dma_start3A_345 = tpu.memref_slice %arg6[%squeeze3A_335, %dma_start3A_344] : memref<1000000x64xf32, #tpu.memory_space<hbm>> -> memref<1x64xf32, #tpu.memory_space<hbm>>
      tpu.enqueue_dma source(%dma_start3A_345 : memref<1x64xf32, #tpu.memory_space<hbm>>) target(%dma_start3A_343 : memref<1x64xf32, #tpu.memory_space<vmem>>) target_semaphore(%arg23 : memref<!tpu.dma_semaphore, #tpu.memory_space<semaphore_mem>>)
      %slice3A_346 = vector.extract_strided_slice %get3A_153 {offsets = [5], sizes = [1], strides = [1]} : vector<16xi32> to vector<1xi32>
      %squeeze3A_347 = vector.extract %slice3A_346[0] : i32 from vector<1xi32>
      %add3A_348 = arith.constant 5 : i32
      %add3A_349 = arith.addi %mul3A_150, %add3A_348 : i32
      %dma_start3A_350 = arith.constant 0 : i32
      %dma_start3A_351 = tpu.memref_slice %arg17[%add3A_349, %dma_start3A_350] : memref<128x64xf32, #tpu.memory_space<vmem>> -> memref<1x64xf32, #tpu.memory_space<vmem>>
      %dma_start3A_352 = arith.constant 0 : i32
      %dma_start3A_353 = tpu.memref_slice %arg6[%squeeze3A_347, %dma_start3A_352] : memref<1000000x64xf32, #tpu.memory_space<hbm>> -> memref<1x64xf32, #tpu.memory_space<hbm>>
      %dma_start3A_354 = arith.constant 0 : i32
      %dma_start3A_355 = tpu.memref_slice %arg17[%add3A_349, %dma_start3A_354] : memref<128x64xf32, #tpu.memory_space<vmem>> -> memref<1x64xf32, #tpu.memory_space<vmem>>
      %dma_start3A_356 = arith.constant 0 : i32
      %dma_start3A_357 = tpu.memref_slice %arg6[%squeeze3A_347, %dma_start3A_356] : memref<1000000x64xf32, #tpu.memory_space<hbm>> -> memref<1x64xf32, #tpu.memory_space<hbm>>
      tpu.enqueue_dma source(%dma_start3A_357 : memref<1x64xf32, #tpu.memory_space<hbm>>) target(%dma_start3A_355 : memref<1x64xf32, #tpu.memory_space<vmem>>) target_semaphore(%arg23 : memref<!tpu.dma_semaphore, #tpu.memory_space<semaphore_mem>>)
      %slice3A_358 = vector.extract_strided_slice %get3A_155 {offsets = [5], sizes = [1], strides = [1]} : vector<16xi32> to vector<1xi32>
      %squeeze3A_359 = vector.extract %slice3A_358[0] : i32 from vector<1xi32>
      %add3A_360 = arith.constant 5 : i32
      %add3A_361 = arith.addi %mul3A_150, %add3A_360 : i32
      %dma_start3A_362 = arith.constant 0 : i32
      %dma_start3A_363 = tpu.memref_slice %arg18[%add3A_361, %dma_start3A_362] : memref<128x64xf32, #tpu.memory_space<vmem>> -> memref<1x64xf32, #tpu.memory_space<vmem>>
      %dma_start3A_364 = arith.constant 0 : i32
      %dma_start3A_365 = tpu.memref_slice %arg7[%squeeze3A_359, %dma_start3A_364] : memref<100x64xf32, #tpu.memory_space<hbm>> -> memref<1x64xf32, #tpu.memory_space<hbm>>
      %dma_start3A_366 = arith.constant 0 : i32
      %dma_start3A_367 = tpu.memref_slice %arg18[%add3A_361, %dma_start3A_366] : memref<128x64xf32, #tpu.memory_space<vmem>> -> memref<1x64xf32, #tpu.memory_space<vmem>>
      %dma_start3A_368 = arith.constant 0 : i32
      %dma_start3A_369 = tpu.memref_slice %arg7[%squeeze3A_359, %dma_start3A_368] : memref<100x64xf32, #tpu.memory_space<hbm>> -> memref<1x64xf32, #tpu.memory_space<hbm>>
      tpu.enqueue_dma source(%dma_start3A_369 : memref<1x64xf32, #tpu.memory_space<hbm>>) target(%dma_start3A_367 : memref<1x64xf32, #tpu.memory_space<vmem>>) target_semaphore(%arg23 : memref<!tpu.dma_semaphore, #tpu.memory_space<semaphore_mem>>)
      %slice3A_370 = vector.extract_strided_slice %get3A_151 {offsets = [6], sizes = [1], strides = [1]} : vector<16xi32> to vector<1xi32>
      %squeeze3A_371 = vector.extract %slice3A_370[0] : i32 from vector<1xi32>
      %add3A_372 = arith.constant 6 : i32
      %add3A_373 = arith.addi %mul3A_150, %add3A_372 : i32
      %dma_start3A_374 = arith.constant 0 : i32
      %dma_start3A_375 = tpu.memref_slice %arg16[%add3A_373, %dma_start3A_374] : memref<128x64xf32, #tpu.memory_space<vmem>> -> memref<1x64xf32, #tpu.memory_space<vmem>>
      %dma_start3A_376 = arith.constant 0 : i32
      %dma_start3A_377 = tpu.memref_slice %arg6[%squeeze3A_371, %dma_start3A_376] : memref<1000000x64xf32, #tpu.memory_space<hbm>> -> memref<1x64xf32, #tpu.memory_space<hbm>>
      %dma_start3A_378 = arith.constant 0 : i32
      %dma_start3A_379 = tpu.memref_slice %arg16[%add3A_373, %dma_start3A_378] : memref<128x64xf32, #tpu.memory_space<vmem>> -> memref<1x64xf32, #tpu.memory_space<vmem>>
      %dma_start3A_380 = arith.constant 0 : i32
      %dma_start3A_381 = tpu.memref_slice %arg6[%squeeze3A_371, %dma_start3A_380] : memref<1000000x64xf32, #tpu.memory_space<hbm>> -> memref<1x64xf32, #tpu.memory_space<hbm>>
      tpu.enqueue_dma source(%dma_start3A_381 : memref<1x64xf32, #tpu.memory_space<hbm>>) target(%dma_start3A_379 : memref<1x64xf32, #tpu.memory_space<vmem>>) target_semaphore(%arg23 : memref<!tpu.dma_semaphore, #tpu.memory_space<semaphore_mem>>)
      %slice3A_382 = vector.extract_strided_slice %get3A_153 {offsets = [6], sizes = [1], strides = [1]} : vector<16xi32> to vector<1xi32>
      %squeeze3A_383 = vector.extract %slice3A_382[0] : i32 from vector<1xi32>
      %add3A_384 = arith.constant 6 : i32
      %add3A_385 = arith.addi %mul3A_150, %add3A_384 : i32
      %dma_start3A_386 = arith.constant 0 : i32
      %dma_start3A_387 = tpu.memref_slice %arg17[%add3A_385, %dma_start3A_386] : memref<128x64xf32, #tpu.memory_space<vmem>> -> memref<1x64xf32, #tpu.memory_space<vmem>>
      %dma_start3A_388 = arith.constant 0 : i32
      %dma_start3A_389 = tpu.memref_slice %arg6[%squeeze3A_383, %dma_start3A_388] : memref<1000000x64xf32, #tpu.memory_space<hbm>> -> memref<1x64xf32, #tpu.memory_space<hbm>>
      %dma_start3A_390 = arith.constant 0 : i32
      %dma_start3A_391 = tpu.memref_slice %arg17[%add3A_385, %dma_start3A_390] : memref<128x64xf32, #tpu.memory_space<vmem>> -> memref<1x64xf32, #tpu.memory_space<vmem>>
      %dma_start3A_392 = arith.constant 0 : i32
      %dma_start3A_393 = tpu.memref_slice %arg6[%squeeze3A_383, %dma_start3A_392] : memref<1000000x64xf32, #tpu.memory_space<hbm>> -> memref<1x64xf32, #tpu.memory_space<hbm>>
      tpu.enqueue_dma source(%dma_start3A_393 : memref<1x64xf32, #tpu.memory_space<hbm>>) target(%dma_start3A_391 : memref<1x64xf32, #tpu.memory_space<vmem>>) target_semaphore(%arg23 : memref<!tpu.dma_semaphore, #tpu.memory_space<semaphore_mem>>)
      %slice3A_394 = vector.extract_strided_slice %get3A_155 {offsets = [6], sizes = [1], strides = [1]} : vector<16xi32> to vector<1xi32>
      %squeeze3A_395 = vector.extract %slice3A_394[0] : i32 from vector<1xi32>
      %add3A_396 = arith.constant 6 : i32
      %add3A_397 = arith.addi %mul3A_150, %add3A_396 : i32
      %dma_start3A_398 = arith.constant 0 : i32
      %dma_start3A_399 = tpu.memref_slice %arg18[%add3A_397, %dma_start3A_398] : memref<128x64xf32, #tpu.memory_space<vmem>> -> memref<1x64xf32, #tpu.memory_space<vmem>>
      %dma_start3A_400 = arith.constant 0 : i32
      %dma_start3A_401 = tpu.memref_slice %arg7[%squeeze3A_395, %dma_start3A_400] : memref<100x64xf32, #tpu.memory_space<hbm>> -> memref<1x64xf32, #tpu.memory_space<hbm>>
      %dma_start3A_402 = arith.constant 0 : i32
      %dma_start3A_403 = tpu.memref_slice %arg18[%add3A_397, %dma_start3A_402] : memref<128x64xf32, #tpu.memory_space<vmem>> -> memref<1x64xf32, #tpu.memory_space<vmem>>
      %dma_start3A_404 = arith.constant 0 : i32
      %dma_start3A_405 = tpu.memref_slice %arg7[%squeeze3A_395, %dma_start3A_404] : memref<100x64xf32, #tpu.memory_space<hbm>> -> memref<1x64xf32, #tpu.memory_space<hbm>>
      tpu.enqueue_dma source(%dma_start3A_405 : memref<1x64xf32, #tpu.memory_space<hbm>>) target(%dma_start3A_403 : memref<1x64xf32, #tpu.memory_space<vmem>>) target_semaphore(%arg23 : memref<!tpu.dma_semaphore, #tpu.memory_space<semaphore_mem>>)
      %slice3A_406 = vector.extract_strided_slice %get3A_151 {offsets = [7], sizes = [1], strides = [1]} : vector<16xi32> to vector<1xi32>
      %squeeze3A_407 = vector.extract %slice3A_406[0] : i32 from vector<1xi32>
      %add3A_408 = arith.constant 7 : i32
      %add3A_409 = arith.addi %mul3A_150, %add3A_408 : i32
      %dma_start3A_410 = arith.constant 0 : i32
      %dma_start3A_411 = tpu.memref_slice %arg16[%add3A_409, %dma_start3A_410] : memref<128x64xf32, #tpu.memory_space<vmem>> -> memref<1x64xf32, #tpu.memory_space<vmem>>
      %dma_start3A_412 = arith.constant 0 : i32
      %dma_start3A_413 = tpu.memref_slice %arg6[%squeeze3A_407, %dma_start3A_412] : memref<1000000x64xf32, #tpu.memory_space<hbm>> -> memref<1x64xf32, #tpu.memory_space<hbm>>
      %dma_start3A_414 = arith.constant 0 : i32
      %dma_start3A_415 = tpu.memref_slice %arg16[%add3A_409, %dma_start3A_414] : memref<128x64xf32, #tpu.memory_space<vmem>> -> memref<1x64xf32, #tpu.memory_space<vmem>>
      %dma_start3A_416 = arith.constant 0 : i32
      %dma_start3A_417 = tpu.memref_slice %arg6[%squeeze3A_407, %dma_start3A_416] : memref<1000000x64xf32, #tpu.memory_space<hbm>> -> memref<1x64xf32, #tpu.memory_space<hbm>>
      tpu.enqueue_dma source(%dma_start3A_417 : memref<1x64xf32, #tpu.memory_space<hbm>>) target(%dma_start3A_415 : memref<1x64xf32, #tpu.memory_space<vmem>>) target_semaphore(%arg23 : memref<!tpu.dma_semaphore, #tpu.memory_space<semaphore_mem>>)
      %slice3A_418 = vector.extract_strided_slice %get3A_153 {offsets = [7], sizes = [1], strides = [1]} : vector<16xi32> to vector<1xi32>
      %squeeze3A_419 = vector.extract %slice3A_418[0] : i32 from vector<1xi32>
      %add3A_420 = arith.constant 7 : i32
      %add3A_421 = arith.addi %mul3A_150, %add3A_420 : i32
      %dma_start3A_422 = arith.constant 0 : i32
      %dma_start3A_423 = tpu.memref_slice %arg17[%add3A_421, %dma_start3A_422] : memref<128x64xf32, #tpu.memory_space<vmem>> -> memref<1x64xf32, #tpu.memory_space<vmem>>
      %dma_start3A_424 = arith.constant 0 : i32
      %dma_start3A_425 = tpu.memref_slice %arg6[%squeeze3A_419, %dma_start3A_424] : memref<1000000x64xf32, #tpu.memory_space<hbm>> -> memref<1x64xf32, #tpu.memory_space<hbm>>
      %dma_start3A_426 = arith.constant 0 : i32
      %dma_start3A_427 = tpu.memref_slice %arg17[%add3A_421, %dma_start3A_426] : memref<128x64xf32, #tpu.memory_space<vmem>> -> memref<1x64xf32, #tpu.memory_space<vmem>>
      %dma_start3A_428 = arith.constant 0 : i32
      %dma_start3A_429 = tpu.memref_slice %arg6[%squeeze3A_419, %dma_start3A_428] : memref<1000000x64xf32, #tpu.memory_space<hbm>> -> memref<1x64xf32, #tpu.memory_space<hbm>>
      tpu.enqueue_dma source(%dma_start3A_429 : memref<1x64xf32, #tpu.memory_space<hbm>>) target(%dma_start3A_427 : memref<1x64xf32, #tpu.memory_space<vmem>>) target_semaphore(%arg23 : memref<!tpu.dma_semaphore, #tpu.memory_space<semaphore_mem>>)
      %slice3A_430 = vector.extract_strided_slice %get3A_155 {offsets = [7], sizes = [1], strides = [1]} : vector<16xi32> to vector<1xi32>
      %squeeze3A_431 = vector.extract %slice3A_430[0] : i32 from vector<1xi32>
      %add3A_432 = arith.constant 7 : i32
      %add3A_433 = arith.addi %mul3A_150, %add3A_432 : i32
      %dma_start3A_434 = arith.constant 0 : i32
      %dma_start3A_435 = tpu.memref_slice %arg18[%add3A_433, %dma_start3A_434] : memref<128x64xf32, #tpu.memory_space<vmem>> -> memref<1x64xf32, #tpu.memory_space<vmem>>
      %dma_start3A_436 = arith.constant 0 : i32
      %dma_start3A_437 = tpu.memref_slice %arg7[%squeeze3A_431, %dma_start3A_436] : memref<100x64xf32, #tpu.memory_space<hbm>> -> memref<1x64xf32, #tpu.memory_space<hbm>>
      %dma_start3A_438 = arith.constant 0 : i32
      %dma_start3A_439 = tpu.memref_slice %arg18[%add3A_433, %dma_start3A_438] : memref<128x64xf32, #tpu.memory_space<vmem>> -> memref<1x64xf32, #tpu.memory_space<vmem>>
      %dma_start3A_440 = arith.constant 0 : i32
      %dma_start3A_441 = tpu.memref_slice %arg7[%squeeze3A_431, %dma_start3A_440] : memref<100x64xf32, #tpu.memory_space<hbm>> -> memref<1x64xf32, #tpu.memory_space<hbm>>
      tpu.enqueue_dma source(%dma_start3A_441 : memref<1x64xf32, #tpu.memory_space<hbm>>) target(%dma_start3A_439 : memref<1x64xf32, #tpu.memory_space<vmem>>) target_semaphore(%arg23 : memref<!tpu.dma_semaphore, #tpu.memory_space<semaphore_mem>>)
      %slice3A_442 = vector.extract_strided_slice %get3A_151 {offsets = [8], sizes = [1], strides = [1]} : vector<16xi32> to vector<1xi32>
      %squeeze3A_443 = vector.extract %slice3A_442[0] : i32 from vector<1xi32>
      %add3A_444 = arith.constant 8 : i32
      %add3A_445 = arith.addi %mul3A_150, %add3A_444 : i32
      %dma_start3A_446 = arith.constant 0 : i32
      %dma_start3A_447 = tpu.memref_slice %arg16[%add3A_445, %dma_start3A_446] : memref<128x64xf32, #tpu.memory_space<vmem>> -> memref<1x64xf32, #tpu.memory_space<vmem>>
      %dma_start3A_448 = arith.constant 0 : i32
      %dma_start3A_449 = tpu.memref_slice %arg6[%squeeze3A_443, %dma_start3A_448] : memref<1000000x64xf32, #tpu.memory_space<hbm>> -> memref<1x64xf32, #tpu.memory_space<hbm>>
      %dma_start3A_450 = arith.constant 0 : i32
      %dma_start3A_451 = tpu.memref_slice %arg16[%add3A_445, %dma_start3A_450] : memref<128x64xf32, #tpu.memory_space<vmem>> -> memref<1x64xf32, #tpu.memory_space<vmem>>
      %dma_start3A_452 = arith.constant 0 : i32
      %dma_start3A_453 = tpu.memref_slice %arg6[%squeeze3A_443, %dma_start3A_452] : memref<1000000x64xf32, #tpu.memory_space<hbm>> -> memref<1x64xf32, #tpu.memory_space<hbm>>
      tpu.enqueue_dma source(%dma_start3A_453 : memref<1x64xf32, #tpu.memory_space<hbm>>) target(%dma_start3A_451 : memref<1x64xf32, #tpu.memory_space<vmem>>) target_semaphore(%arg23 : memref<!tpu.dma_semaphore, #tpu.memory_space<semaphore_mem>>)
      %slice3A_454 = vector.extract_strided_slice %get3A_153 {offsets = [8], sizes = [1], strides = [1]} : vector<16xi32> to vector<1xi32>
      %squeeze3A_455 = vector.extract %slice3A_454[0] : i32 from vector<1xi32>
      %add3A_456 = arith.constant 8 : i32
      %add3A_457 = arith.addi %mul3A_150, %add3A_456 : i32
      %dma_start3A_458 = arith.constant 0 : i32
      %dma_start3A_459 = tpu.memref_slice %arg17[%add3A_457, %dma_start3A_458] : memref<128x64xf32, #tpu.memory_space<vmem>> -> memref<1x64xf32, #tpu.memory_space<vmem>>
      %dma_start3A_460 = arith.constant 0 : i32
      %dma_start3A_461 = tpu.memref_slice %arg6[%squeeze3A_455, %dma_start3A_460] : memref<1000000x64xf32, #tpu.memory_space<hbm>> -> memref<1x64xf32, #tpu.memory_space<hbm>>
      %dma_start3A_462 = arith.constant 0 : i32
      %dma_start3A_463 = tpu.memref_slice %arg17[%add3A_457, %dma_start3A_462] : memref<128x64xf32, #tpu.memory_space<vmem>> -> memref<1x64xf32, #tpu.memory_space<vmem>>
      %dma_start3A_464 = arith.constant 0 : i32
      %dma_start3A_465 = tpu.memref_slice %arg6[%squeeze3A_455, %dma_start3A_464] : memref<1000000x64xf32, #tpu.memory_space<hbm>> -> memref<1x64xf32, #tpu.memory_space<hbm>>
      tpu.enqueue_dma source(%dma_start3A_465 : memref<1x64xf32, #tpu.memory_space<hbm>>) target(%dma_start3A_463 : memref<1x64xf32, #tpu.memory_space<vmem>>) target_semaphore(%arg23 : memref<!tpu.dma_semaphore, #tpu.memory_space<semaphore_mem>>)
      %slice3A_466 = vector.extract_strided_slice %get3A_155 {offsets = [8], sizes = [1], strides = [1]} : vector<16xi32> to vector<1xi32>
      %squeeze3A_467 = vector.extract %slice3A_466[0] : i32 from vector<1xi32>
      %add3A_468 = arith.constant 8 : i32
      %add3A_469 = arith.addi %mul3A_150, %add3A_468 : i32
      %dma_start3A_470 = arith.constant 0 : i32
      %dma_start3A_471 = tpu.memref_slice %arg18[%add3A_469, %dma_start3A_470] : memref<128x64xf32, #tpu.memory_space<vmem>> -> memref<1x64xf32, #tpu.memory_space<vmem>>
      %dma_start3A_472 = arith.constant 0 : i32
      %dma_start3A_473 = tpu.memref_slice %arg7[%squeeze3A_467, %dma_start3A_472] : memref<100x64xf32, #tpu.memory_space<hbm>> -> memref<1x64xf32, #tpu.memory_space<hbm>>
      %dma_start3A_474 = arith.constant 0 : i32
      %dma_start3A_475 = tpu.memref_slice %arg18[%add3A_469, %dma_start3A_474] : memref<128x64xf32, #tpu.memory_space<vmem>> -> memref<1x64xf32, #tpu.memory_space<vmem>>
      %dma_start3A_476 = arith.constant 0 : i32
      %dma_start3A_477 = tpu.memref_slice %arg7[%squeeze3A_467, %dma_start3A_476] : memref<100x64xf32, #tpu.memory_space<hbm>> -> memref<1x64xf32, #tpu.memory_space<hbm>>
      tpu.enqueue_dma source(%dma_start3A_477 : memref<1x64xf32, #tpu.memory_space<hbm>>) target(%dma_start3A_475 : memref<1x64xf32, #tpu.memory_space<vmem>>) target_semaphore(%arg23 : memref<!tpu.dma_semaphore, #tpu.memory_space<semaphore_mem>>)
      %slice3A_478 = vector.extract_strided_slice %get3A_151 {offsets = [9], sizes = [1], strides = [1]} : vector<16xi32> to vector<1xi32>
      %squeeze3A_479 = vector.extract %slice3A_478[0] : i32 from vector<1xi32>
      %add3A_480 = arith.constant 9 : i32
      %add3A_481 = arith.addi %mul3A_150, %add3A_480 : i32
      %dma_start3A_482 = arith.constant 0 : i32
      %dma_start3A_483 = tpu.memref_slice %arg16[%add3A_481, %dma_start3A_482] : memref<128x64xf32, #tpu.memory_space<vmem>> -> memref<1x64xf32, #tpu.memory_space<vmem>>
      %dma_start3A_484 = arith.constant 0 : i32
      %dma_start3A_485 = tpu.memref_slice %arg6[%squeeze3A_479, %dma_start3A_484] : memref<1000000x64xf32, #tpu.memory_space<hbm>> -> memref<1x64xf32, #tpu.memory_space<hbm>>
      %dma_start3A_486 = arith.constant 0 : i32
      %dma_start3A_487 = tpu.memref_slice %arg16[%add3A_481, %dma_start3A_486] : memref<128x64xf32, #tpu.memory_space<vmem>> -> memref<1x64xf32, #tpu.memory_space<vmem>>
      %dma_start3A_488 = arith.constant 0 : i32
      %dma_start3A_489 = tpu.memref_slice %arg6[%squeeze3A_479, %dma_start3A_488] : memref<1000000x64xf32, #tpu.memory_space<hbm>> -> memref<1x64xf32, #tpu.memory_space<hbm>>
      tpu.enqueue_dma source(%dma_start3A_489 : memref<1x64xf32, #tpu.memory_space<hbm>>) target(%dma_start3A_487 : memref<1x64xf32, #tpu.memory_space<vmem>>) target_semaphore(%arg23 : memref<!tpu.dma_semaphore, #tpu.memory_space<semaphore_mem>>)
      %slice3A_490 = vector.extract_strided_slice %get3A_153 {offsets = [9], sizes = [1], strides = [1]} : vector<16xi32> to vector<1xi32>
      %squeeze3A_491 = vector.extract %slice3A_490[0] : i32 from vector<1xi32>
      %add3A_492 = arith.constant 9 : i32
      %add3A_493 = arith.addi %mul3A_150, %add3A_492 : i32
      %dma_start3A_494 = arith.constant 0 : i32
      %dma_start3A_495 = tpu.memref_slice %arg17[%add3A_493, %dma_start3A_494] : memref<128x64xf32, #tpu.memory_space<vmem>> -> memref<1x64xf32, #tpu.memory_space<vmem>>
      %dma_start3A_496 = arith.constant 0 : i32
      %dma_start3A_497 = tpu.memref_slice %arg6[%squeeze3A_491, %dma_start3A_496] : memref<1000000x64xf32, #tpu.memory_space<hbm>> -> memref<1x64xf32, #tpu.memory_space<hbm>>
      %dma_start3A_498 = arith.constant 0 : i32
      %dma_start3A_499 = tpu.memref_slice %arg17[%add3A_493, %dma_start3A_498] : memref<128x64xf32, #tpu.memory_space<vmem>> -> memref<1x64xf32, #tpu.memory_space<vmem>>
      %dma_start3A_500 = arith.constant 0 : i32
      %dma_start3A_501 = tpu.memref_slice %arg6[%squeeze3A_491, %dma_start3A_500] : memref<1000000x64xf32, #tpu.memory_space<hbm>> -> memref<1x64xf32, #tpu.memory_space<hbm>>
      tpu.enqueue_dma source(%dma_start3A_501 : memref<1x64xf32, #tpu.memory_space<hbm>>) target(%dma_start3A_499 : memref<1x64xf32, #tpu.memory_space<vmem>>) target_semaphore(%arg23 : memref<!tpu.dma_semaphore, #tpu.memory_space<semaphore_mem>>)
      %slice3A_502 = vector.extract_strided_slice %get3A_155 {offsets = [9], sizes = [1], strides = [1]} : vector<16xi32> to vector<1xi32>
      %squeeze3A_503 = vector.extract %slice3A_502[0] : i32 from vector<1xi32>
      %add3A_504 = arith.constant 9 : i32
      %add3A_505 = arith.addi %mul3A_150, %add3A_504 : i32
      %dma_start3A_506 = arith.constant 0 : i32
      %dma_start3A_507 = tpu.memref_slice %arg18[%add3A_505, %dma_start3A_506] : memref<128x64xf32, #tpu.memory_space<vmem>> -> memref<1x64xf32, #tpu.memory_space<vmem>>
      %dma_start3A_508 = arith.constant 0 : i32
      %dma_start3A_509 = tpu.memref_slice %arg7[%squeeze3A_503, %dma_start3A_508] : memref<100x64xf32, #tpu.memory_space<hbm>> -> memref<1x64xf32, #tpu.memory_space<hbm>>
      %dma_start3A_510 = arith.constant 0 : i32
      %dma_start3A_511 = tpu.memref_slice %arg18[%add3A_505, %dma_start3A_510] : memref<128x64xf32, #tpu.memory_space<vmem>> -> memref<1x64xf32, #tpu.memory_space<vmem>>
      %dma_start3A_512 = arith.constant 0 : i32
      %dma_start3A_513 = tpu.memref_slice %arg7[%squeeze3A_503, %dma_start3A_512] : memref<100x64xf32, #tpu.memory_space<hbm>> -> memref<1x64xf32, #tpu.memory_space<hbm>>
      tpu.enqueue_dma source(%dma_start3A_513 : memref<1x64xf32, #tpu.memory_space<hbm>>) target(%dma_start3A_511 : memref<1x64xf32, #tpu.memory_space<vmem>>) target_semaphore(%arg23 : memref<!tpu.dma_semaphore, #tpu.memory_space<semaphore_mem>>)
      %slice3A_514 = vector.extract_strided_slice %get3A_151 {offsets = [10], sizes = [1], strides = [1]} : vector<16xi32> to vector<1xi32>
      %squeeze3A_515 = vector.extract %slice3A_514[0] : i32 from vector<1xi32>
      %add3A_516 = arith.constant 10 : i32
      %add3A_517 = arith.addi %mul3A_150, %add3A_516 : i32
      %dma_start3A_518 = arith.constant 0 : i32
      %dma_start3A_519 = tpu.memref_slice %arg16[%add3A_517, %dma_start3A_518] : memref<128x64xf32, #tpu.memory_space<vmem>> -> memref<1x64xf32, #tpu.memory_space<vmem>>
      %dma_start3A_520 = arith.constant 0 : i32
      %dma_start3A_521 = tpu.memref_slice %arg6[%squeeze3A_515, %dma_start3A_520] : memref<1000000x64xf32, #tpu.memory_space<hbm>> -> memref<1x64xf32, #tpu.memory_space<hbm>>
      %dma_start3A_522 = arith.constant 0 : i32
      %dma_start3A_523 = tpu.memref_slice %arg16[%add3A_517, %dma_start3A_522] : memref<128x64xf32, #tpu.memory_space<vmem>> -> memref<1x64xf32, #tpu.memory_space<vmem>>
      %dma_start3A_524 = arith.constant 0 : i32
      %dma_start3A_525 = tpu.memref_slice %arg6[%squeeze3A_515, %dma_start3A_524] : memref<1000000x64xf32, #tpu.memory_space<hbm>> -> memref<1x64xf32, #tpu.memory_space<hbm>>
      tpu.enqueue_dma source(%dma_start3A_525 : memref<1x64xf32, #tpu.memory_space<hbm>>) target(%dma_start3A_523 : memref<1x64xf32, #tpu.memory_space<vmem>>) target_semaphore(%arg23 : memref<!tpu.dma_semaphore, #tpu.memory_space<semaphore_mem>>)
      %slice3A_526 = vector.extract_strided_slice %get3A_153 {offsets = [10], sizes = [1], strides = [1]} : vector<16xi32> to vector<1xi32>
      %squeeze3A_527 = vector.extract %slice3A_526[0] : i32 from vector<1xi32>
      %add3A_528 = arith.constant 10 : i32
      %add3A_529 = arith.addi %mul3A_150, %add3A_528 : i32
      %dma_start3A_530 = arith.constant 0 : i32
      %dma_start3A_531 = tpu.memref_slice %arg17[%add3A_529, %dma_start3A_530] : memref<128x64xf32, #tpu.memory_space<vmem>> -> memref<1x64xf32, #tpu.memory_space<vmem>>
      %dma_start3A_532 = arith.constant 0 : i32
      %dma_start3A_533 = tpu.memref_slice %arg6[%squeeze3A_527, %dma_start3A_532] : memref<1000000x64xf32, #tpu.memory_space<hbm>> -> memref<1x64xf32, #tpu.memory_space<hbm>>
      %dma_start3A_534 = arith.constant 0 : i32
      %dma_start3A_535 = tpu.memref_slice %arg17[%add3A_529, %dma_start3A_534] : memref<128x64xf32, #tpu.memory_space<vmem>> -> memref<1x64xf32, #tpu.memory_space<vmem>>
      %dma_start3A_536 = arith.constant 0 : i32
      %dma_start3A_537 = tpu.memref_slice %arg6[%squeeze3A_527, %dma_start3A_536] : memref<1000000x64xf32, #tpu.memory_space<hbm>> -> memref<1x64xf32, #tpu.memory_space<hbm>>
      tpu.enqueue_dma source(%dma_start3A_537 : memref<1x64xf32, #tpu.memory_space<hbm>>) target(%dma_start3A_535 : memref<1x64xf32, #tpu.memory_space<vmem>>) target_semaphore(%arg23 : memref<!tpu.dma_semaphore, #tpu.memory_space<semaphore_mem>>)
      %slice3A_538 = vector.extract_strided_slice %get3A_155 {offsets = [10], sizes = [1], strides = [1]} : vector<16xi32> to vector<1xi32>
      %squeeze3A_539 = vector.extract %slice3A_538[0] : i32 from vector<1xi32>
      %add3A_540 = arith.constant 10 : i32
      %add3A_541 = arith.addi %mul3A_150, %add3A_540 : i32
      %dma_start3A_542 = arith.constant 0 : i32
      %dma_start3A_543 = tpu.memref_slice %arg18[%add3A_541, %dma_start3A_542] : memref<128x64xf32, #tpu.memory_space<vmem>> -> memref<1x64xf32, #tpu.memory_space<vmem>>
      %dma_start3A_544 = arith.constant 0 : i32
      %dma_start3A_545 = tpu.memref_slice %arg7[%squeeze3A_539, %dma_start3A_544] : memref<100x64xf32, #tpu.memory_space<hbm>> -> memref<1x64xf32, #tpu.memory_space<hbm>>
      %dma_start3A_546 = arith.constant 0 : i32
      %dma_start3A_547 = tpu.memref_slice %arg18[%add3A_541, %dma_start3A_546] : memref<128x64xf32, #tpu.memory_space<vmem>> -> memref<1x64xf32, #tpu.memory_space<vmem>>
      %dma_start3A_548 = arith.constant 0 : i32
      %dma_start3A_549 = tpu.memref_slice %arg7[%squeeze3A_539, %dma_start3A_548] : memref<100x64xf32, #tpu.memory_space<hbm>> -> memref<1x64xf32, #tpu.memory_space<hbm>>
      tpu.enqueue_dma source(%dma_start3A_549 : memref<1x64xf32, #tpu.memory_space<hbm>>) target(%dma_start3A_547 : memref<1x64xf32, #tpu.memory_space<vmem>>) target_semaphore(%arg23 : memref<!tpu.dma_semaphore, #tpu.memory_space<semaphore_mem>>)
      %slice3A_550 = vector.extract_strided_slice %get3A_151 {offsets = [11], sizes = [1], strides = [1]} : vector<16xi32> to vector<1xi32>
      %squeeze3A_551 = vector.extract %slice3A_550[0] : i32 from vector<1xi32>
      %add3A_552 = arith.constant 11 : i32
      %add3A_553 = arith.addi %mul3A_150, %add3A_552 : i32
      %dma_start3A_554 = arith.constant 0 : i32
      %dma_start3A_555 = tpu.memref_slice %arg16[%add3A_553, %dma_start3A_554] : memref<128x64xf32, #tpu.memory_space<vmem>> -> memref<1x64xf32, #tpu.memory_space<vmem>>
      %dma_start3A_556 = arith.constant 0 : i32
      %dma_start3A_557 = tpu.memref_slice %arg6[%squeeze3A_551, %dma_start3A_556] : memref<1000000x64xf32, #tpu.memory_space<hbm>> -> memref<1x64xf32, #tpu.memory_space<hbm>>
      %dma_start3A_558 = arith.constant 0 : i32
      %dma_start3A_559 = tpu.memref_slice %arg16[%add3A_553, %dma_start3A_558] : memref<128x64xf32, #tpu.memory_space<vmem>> -> memref<1x64xf32, #tpu.memory_space<vmem>>
      %dma_start3A_560 = arith.constant 0 : i32
      %dma_start3A_561 = tpu.memref_slice %arg6[%squeeze3A_551, %dma_start3A_560] : memref<1000000x64xf32, #tpu.memory_space<hbm>> -> memref<1x64xf32, #tpu.memory_space<hbm>>
      tpu.enqueue_dma source(%dma_start3A_561 : memref<1x64xf32, #tpu.memory_space<hbm>>) target(%dma_start3A_559 : memref<1x64xf32, #tpu.memory_space<vmem>>) target_semaphore(%arg23 : memref<!tpu.dma_semaphore, #tpu.memory_space<semaphore_mem>>)
      %slice3A_562 = vector.extract_strided_slice %get3A_153 {offsets = [11], sizes = [1], strides = [1]} : vector<16xi32> to vector<1xi32>
      %squeeze3A_563 = vector.extract %slice3A_562[0] : i32 from vector<1xi32>
      %add3A_564 = arith.constant 11 : i32
      %add3A_565 = arith.addi %mul3A_150, %add3A_564 : i32
      %dma_start3A_566 = arith.constant 0 : i32
      %dma_start3A_567 = tpu.memref_slice %arg17[%add3A_565, %dma_start3A_566] : memref<128x64xf32, #tpu.memory_space<vmem>> -> memref<1x64xf32, #tpu.memory_space<vmem>>
      %dma_start3A_568 = arith.constant 0 : i32
      %dma_start3A_569 = tpu.memref_slice %arg6[%squeeze3A_563, %dma_start3A_568] : memref<1000000x64xf32, #tpu.memory_space<hbm>> -> memref<1x64xf32, #tpu.memory_space<hbm>>
      %dma_start3A_570 = arith.constant 0 : i32
      %dma_start3A_571 = tpu.memref_slice %arg17[%add3A_565, %dma_start3A_570] : memref<128x64xf32, #tpu.memory_space<vmem>> -> memref<1x64xf32, #tpu.memory_space<vmem>>
      %dma_start3A_572 = arith.constant 0 : i32
      %dma_start3A_573 = tpu.memref_slice %arg6[%squeeze3A_563, %dma_start3A_572] : memref<1000000x64xf32, #tpu.memory_space<hbm>> -> memref<1x64xf32, #tpu.memory_space<hbm>>
      tpu.enqueue_dma source(%dma_start3A_573 : memref<1x64xf32, #tpu.memory_space<hbm>>) target(%dma_start3A_571 : memref<1x64xf32, #tpu.memory_space<vmem>>) target_semaphore(%arg23 : memref<!tpu.dma_semaphore, #tpu.memory_space<semaphore_mem>>)
      %slice3A_574 = vector.extract_strided_slice %get3A_155 {offsets = [11], sizes = [1], strides = [1]} : vector<16xi32> to vector<1xi32>
      %squeeze3A_575 = vector.extract %slice3A_574[0] : i32 from vector<1xi32>
      %add3A_576 = arith.constant 11 : i32
      %add3A_577 = arith.addi %mul3A_150, %add3A_576 : i32
      %dma_start3A_578 = arith.constant 0 : i32
      %dma_start3A_579 = tpu.memref_slice %arg18[%add3A_577, %dma_start3A_578] : memref<128x64xf32, #tpu.memory_space<vmem>> -> memref<1x64xf32, #tpu.memory_space<vmem>>
      %dma_start3A_580 = arith.constant 0 : i32
      %dma_start3A_581 = tpu.memref_slice %arg7[%squeeze3A_575, %dma_start3A_580] : memref<100x64xf32, #tpu.memory_space<hbm>> -> memref<1x64xf32, #tpu.memory_space<hbm>>
      %dma_start3A_582 = arith.constant 0 : i32
      %dma_start3A_583 = tpu.memref_slice %arg18[%add3A_577, %dma_start3A_582] : memref<128x64xf32, #tpu.memory_space<vmem>> -> memref<1x64xf32, #tpu.memory_space<vmem>>
      %dma_start3A_584 = arith.constant 0 : i32
      %dma_start3A_585 = tpu.memref_slice %arg7[%squeeze3A_575, %dma_start3A_584] : memref<100x64xf32, #tpu.memory_space<hbm>> -> memref<1x64xf32, #tpu.memory_space<hbm>>
      tpu.enqueue_dma source(%dma_start3A_585 : memref<1x64xf32, #tpu.memory_space<hbm>>) target(%dma_start3A_583 : memref<1x64xf32, #tpu.memory_space<vmem>>) target_semaphore(%arg23 : memref<!tpu.dma_semaphore, #tpu.memory_space<semaphore_mem>>)
      %slice3A_586 = vector.extract_strided_slice %get3A_151 {offsets = [12], sizes = [1], strides = [1]} : vector<16xi32> to vector<1xi32>
      %squeeze3A_587 = vector.extract %slice3A_586[0] : i32 from vector<1xi32>
      %add3A_588 = arith.constant 12 : i32
      %add3A_589 = arith.addi %mul3A_150, %add3A_588 : i32
      %dma_start3A_590 = arith.constant 0 : i32
      %dma_start3A_591 = tpu.memref_slice %arg16[%add3A_589, %dma_start3A_590] : memref<128x64xf32, #tpu.memory_space<vmem>> -> memref<1x64xf32, #tpu.memory_space<vmem>>
      %dma_start3A_592 = arith.constant 0 : i32
      %dma_start3A_593 = tpu.memref_slice %arg6[%squeeze3A_587, %dma_start3A_592] : memref<1000000x64xf32, #tpu.memory_space<hbm>> -> memref<1x64xf32, #tpu.memory_space<hbm>>
      %dma_start3A_594 = arith.constant 0 : i32
      %dma_start3A_595 = tpu.memref_slice %arg16[%add3A_589, %dma_start3A_594] : memref<128x64xf32, #tpu.memory_space<vmem>> -> memref<1x64xf32, #tpu.memory_space<vmem>>
      %dma_start3A_596 = arith.constant 0 : i32
      %dma_start3A_597 = tpu.memref_slice %arg6[%squeeze3A_587, %dma_start3A_596] : memref<1000000x64xf32, #tpu.memory_space<hbm>> -> memref<1x64xf32, #tpu.memory_space<hbm>>
      tpu.enqueue_dma source(%dma_start3A_597 : memref<1x64xf32, #tpu.memory_space<hbm>>) target(%dma_start3A_595 : memref<1x64xf32, #tpu.memory_space<vmem>>) target_semaphore(%arg23 : memref<!tpu.dma_semaphore, #tpu.memory_space<semaphore_mem>>)
      %slice3A_598 = vector.extract_strided_slice %get3A_153 {offsets = [12], sizes = [1], strides = [1]} : vector<16xi32> to vector<1xi32>
      %squeeze3A_599 = vector.extract %slice3A_598[0] : i32 from vector<1xi32>
      %add3A_600 = arith.constant 12 : i32
      %add3A_601 = arith.addi %mul3A_150, %add3A_600 : i32
      %dma_start3A_602 = arith.constant 0 : i32
      %dma_start3A_603 = tpu.memref_slice %arg17[%add3A_601, %dma_start3A_602] : memref<128x64xf32, #tpu.memory_space<vmem>> -> memref<1x64xf32, #tpu.memory_space<vmem>>
      %dma_start3A_604 = arith.constant 0 : i32
      %dma_start3A_605 = tpu.memref_slice %arg6[%squeeze3A_599, %dma_start3A_604] : memref<1000000x64xf32, #tpu.memory_space<hbm>> -> memref<1x64xf32, #tpu.memory_space<hbm>>
      %dma_start3A_606 = arith.constant 0 : i32
      %dma_start3A_607 = tpu.memref_slice %arg17[%add3A_601, %dma_start3A_606] : memref<128x64xf32, #tpu.memory_space<vmem>> -> memref<1x64xf32, #tpu.memory_space<vmem>>
      %dma_start3A_608 = arith.constant 0 : i32
      %dma_start3A_609 = tpu.memref_slice %arg6[%squeeze3A_599, %dma_start3A_608] : memref<1000000x64xf32, #tpu.memory_space<hbm>> -> memref<1x64xf32, #tpu.memory_space<hbm>>
      tpu.enqueue_dma source(%dma_start3A_609 : memref<1x64xf32, #tpu.memory_space<hbm>>) target(%dma_start3A_607 : memref<1x64xf32, #tpu.memory_space<vmem>>) target_semaphore(%arg23 : memref<!tpu.dma_semaphore, #tpu.memory_space<semaphore_mem>>)
      %slice3A_610 = vector.extract_strided_slice %get3A_155 {offsets = [12], sizes = [1], strides = [1]} : vector<16xi32> to vector<1xi32>
      %squeeze3A_611 = vector.extract %slice3A_610[0] : i32 from vector<1xi32>
      %add3A_612 = arith.constant 12 : i32
      %add3A_613 = arith.addi %mul3A_150, %add3A_612 : i32
      %dma_start3A_614 = arith.constant 0 : i32
      %dma_start3A_615 = tpu.memref_slice %arg18[%add3A_613, %dma_start3A_614] : memref<128x64xf32, #tpu.memory_space<vmem>> -> memref<1x64xf32, #tpu.memory_space<vmem>>
      %dma_start3A_616 = arith.constant 0 : i32
      %dma_start3A_617 = tpu.memref_slice %arg7[%squeeze3A_611, %dma_start3A_616] : memref<100x64xf32, #tpu.memory_space<hbm>> -> memref<1x64xf32, #tpu.memory_space<hbm>>
      %dma_start3A_618 = arith.constant 0 : i32
      %dma_start3A_619 = tpu.memref_slice %arg18[%add3A_613, %dma_start3A_618] : memref<128x64xf32, #tpu.memory_space<vmem>> -> memref<1x64xf32, #tpu.memory_space<vmem>>
      %dma_start3A_620 = arith.constant 0 : i32
      %dma_start3A_621 = tpu.memref_slice %arg7[%squeeze3A_611, %dma_start3A_620] : memref<100x64xf32, #tpu.memory_space<hbm>> -> memref<1x64xf32, #tpu.memory_space<hbm>>
      tpu.enqueue_dma source(%dma_start3A_621 : memref<1x64xf32, #tpu.memory_space<hbm>>) target(%dma_start3A_619 : memref<1x64xf32, #tpu.memory_space<vmem>>) target_semaphore(%arg23 : memref<!tpu.dma_semaphore, #tpu.memory_space<semaphore_mem>>)
      %slice3A_622 = vector.extract_strided_slice %get3A_151 {offsets = [13], sizes = [1], strides = [1]} : vector<16xi32> to vector<1xi32>
      %squeeze3A_623 = vector.extract %slice3A_622[0] : i32 from vector<1xi32>
      %add3A_624 = arith.constant 13 : i32
      %add3A_625 = arith.addi %mul3A_150, %add3A_624 : i32
      %dma_start3A_626 = arith.constant 0 : i32
      %dma_start3A_627 = tpu.memref_slice %arg16[%add3A_625, %dma_start3A_626] : memref<128x64xf32, #tpu.memory_space<vmem>> -> memref<1x64xf32, #tpu.memory_space<vmem>>
      %dma_start3A_628 = arith.constant 0 : i32
      %dma_start3A_629 = tpu.memref_slice %arg6[%squeeze3A_623, %dma_start3A_628] : memref<1000000x64xf32, #tpu.memory_space<hbm>> -> memref<1x64xf32, #tpu.memory_space<hbm>>
      %dma_start3A_630 = arith.constant 0 : i32
      %dma_start3A_631 = tpu.memref_slice %arg16[%add3A_625, %dma_start3A_630] : memref<128x64xf32, #tpu.memory_space<vmem>> -> memref<1x64xf32, #tpu.memory_space<vmem>>
      %dma_start3A_632 = arith.constant 0 : i32
      %dma_start3A_633 = tpu.memref_slice %arg6[%squeeze3A_623, %dma_start3A_632] : memref<1000000x64xf32, #tpu.memory_space<hbm>> -> memref<1x64xf32, #tpu.memory_space<hbm>>
      tpu.enqueue_dma source(%dma_start3A_633 : memref<1x64xf32, #tpu.memory_space<hbm>>) target(%dma_start3A_631 : memref<1x64xf32, #tpu.memory_space<vmem>>) target_semaphore(%arg23 : memref<!tpu.dma_semaphore, #tpu.memory_space<semaphore_mem>>)
      %slice3A_634 = vector.extract_strided_slice %get3A_153 {offsets = [13], sizes = [1], strides = [1]} : vector<16xi32> to vector<1xi32>
      %squeeze3A_635 = vector.extract %slice3A_634[0] : i32 from vector<1xi32>
      %add3A_636 = arith.constant 13 : i32
      %add3A_637 = arith.addi %mul3A_150, %add3A_636 : i32
      %dma_start3A_638 = arith.constant 0 : i32
      %dma_start3A_639 = tpu.memref_slice %arg17[%add3A_637, %dma_start3A_638] : memref<128x64xf32, #tpu.memory_space<vmem>> -> memref<1x64xf32, #tpu.memory_space<vmem>>
      %dma_start3A_640 = arith.constant 0 : i32
      %dma_start3A_641 = tpu.memref_slice %arg6[%squeeze3A_635, %dma_start3A_640] : memref<1000000x64xf32, #tpu.memory_space<hbm>> -> memref<1x64xf32, #tpu.memory_space<hbm>>
      %dma_start3A_642 = arith.constant 0 : i32
      %dma_start3A_643 = tpu.memref_slice %arg17[%add3A_637, %dma_start3A_642] : memref<128x64xf32, #tpu.memory_space<vmem>> -> memref<1x64xf32, #tpu.memory_space<vmem>>
      %dma_start3A_644 = arith.constant 0 : i32
      %dma_start3A_645 = tpu.memref_slice %arg6[%squeeze3A_635, %dma_start3A_644] : memref<1000000x64xf32, #tpu.memory_space<hbm>> -> memref<1x64xf32, #tpu.memory_space<hbm>>
      tpu.enqueue_dma source(%dma_start3A_645 : memref<1x64xf32, #tpu.memory_space<hbm>>) target(%dma_start3A_643 : memref<1x64xf32, #tpu.memory_space<vmem>>) target_semaphore(%arg23 : memref<!tpu.dma_semaphore, #tpu.memory_space<semaphore_mem>>)
      %slice3A_646 = vector.extract_strided_slice %get3A_155 {offsets = [13], sizes = [1], strides = [1]} : vector<16xi32> to vector<1xi32>
      %squeeze3A_647 = vector.extract %slice3A_646[0] : i32 from vector<1xi32>
      %add3A_648 = arith.constant 13 : i32
      %add3A_649 = arith.addi %mul3A_150, %add3A_648 : i32
      %dma_start3A_650 = arith.constant 0 : i32
      %dma_start3A_651 = tpu.memref_slice %arg18[%add3A_649, %dma_start3A_650] : memref<128x64xf32, #tpu.memory_space<vmem>> -> memref<1x64xf32, #tpu.memory_space<vmem>>
      %dma_start3A_652 = arith.constant 0 : i32
      %dma_start3A_653 = tpu.memref_slice %arg7[%squeeze3A_647, %dma_start3A_652] : memref<100x64xf32, #tpu.memory_space<hbm>> -> memref<1x64xf32, #tpu.memory_space<hbm>>
      %dma_start3A_654 = arith.constant 0 : i32
      %dma_start3A_655 = tpu.memref_slice %arg18[%add3A_649, %dma_start3A_654] : memref<128x64xf32, #tpu.memory_space<vmem>> -> memref<1x64xf32, #tpu.memory_space<vmem>>
      %dma_start3A_656 = arith.constant 0 : i32
      %dma_start3A_657 = tpu.memref_slice %arg7[%squeeze3A_647, %dma_start3A_656] : memref<100x64xf32, #tpu.memory_space<hbm>> -> memref<1x64xf32, #tpu.memory_space<hbm>>
      tpu.enqueue_dma source(%dma_start3A_657 : memref<1x64xf32, #tpu.memory_space<hbm>>) target(%dma_start3A_655 : memref<1x64xf32, #tpu.memory_space<vmem>>) target_semaphore(%arg23 : memref<!tpu.dma_semaphore, #tpu.memory_space<semaphore_mem>>)
      %slice3A_658 = vector.extract_strided_slice %get3A_151 {offsets = [14], sizes = [1], strides = [1]} : vector<16xi32> to vector<1xi32>
      %squeeze3A_659 = vector.extract %slice3A_658[0] : i32 from vector<1xi32>
      %add3A_660 = arith.constant 14 : i32
      %add3A_661 = arith.addi %mul3A_150, %add3A_660 : i32
      %dma_start3A_662 = arith.constant 0 : i32
      %dma_start3A_663 = tpu.memref_slice %arg16[%add3A_661, %dma_start3A_662] : memref<128x64xf32, #tpu.memory_space<vmem>> -> memref<1x64xf32, #tpu.memory_space<vmem>>
      %dma_start3A_664 = arith.constant 0 : i32
      %dma_start3A_665 = tpu.memref_slice %arg6[%squeeze3A_659, %dma_start3A_664] : memref<1000000x64xf32, #tpu.memory_space<hbm>> -> memref<1x64xf32, #tpu.memory_space<hbm>>
      %dma_start3A_666 = arith.constant 0 : i32
      %dma_start3A_667 = tpu.memref_slice %arg16[%add3A_661, %dma_start3A_666] : memref<128x64xf32, #tpu.memory_space<vmem>> -> memref<1x64xf32, #tpu.memory_space<vmem>>
      %dma_start3A_668 = arith.constant 0 : i32
      %dma_start3A_669 = tpu.memref_slice %arg6[%squeeze3A_659, %dma_start3A_668] : memref<1000000x64xf32, #tpu.memory_space<hbm>> -> memref<1x64xf32, #tpu.memory_space<hbm>>
      tpu.enqueue_dma source(%dma_start3A_669 : memref<1x64xf32, #tpu.memory_space<hbm>>) target(%dma_start3A_667 : memref<1x64xf32, #tpu.memory_space<vmem>>) target_semaphore(%arg23 : memref<!tpu.dma_semaphore, #tpu.memory_space<semaphore_mem>>)
      %slice3A_670 = vector.extract_strided_slice %get3A_153 {offsets = [14], sizes = [1], strides = [1]} : vector<16xi32> to vector<1xi32>
      %squeeze3A_671 = vector.extract %slice3A_670[0] : i32 from vector<1xi32>
      %add3A_672 = arith.constant 14 : i32
      %add3A_673 = arith.addi %mul3A_150, %add3A_672 : i32
      %dma_start3A_674 = arith.constant 0 : i32
      %dma_start3A_675 = tpu.memref_slice %arg17[%add3A_673, %dma_start3A_674] : memref<128x64xf32, #tpu.memory_space<vmem>> -> memref<1x64xf32, #tpu.memory_space<vmem>>
      %dma_start3A_676 = arith.constant 0 : i32
      %dma_start3A_677 = tpu.memref_slice %arg6[%squeeze3A_671, %dma_start3A_676] : memref<1000000x64xf32, #tpu.memory_space<hbm>> -> memref<1x64xf32, #tpu.memory_space<hbm>>
      %dma_start3A_678 = arith.constant 0 : i32
      %dma_start3A_679 = tpu.memref_slice %arg17[%add3A_673, %dma_start3A_678] : memref<128x64xf32, #tpu.memory_space<vmem>> -> memref<1x64xf32, #tpu.memory_space<vmem>>
      %dma_start3A_680 = arith.constant 0 : i32
      %dma_start3A_681 = tpu.memref_slice %arg6[%squeeze3A_671, %dma_start3A_680] : memref<1000000x64xf32, #tpu.memory_space<hbm>> -> memref<1x64xf32, #tpu.memory_space<hbm>>
      tpu.enqueue_dma source(%dma_start3A_681 : memref<1x64xf32, #tpu.memory_space<hbm>>) target(%dma_start3A_679 : memref<1x64xf32, #tpu.memory_space<vmem>>) target_semaphore(%arg23 : memref<!tpu.dma_semaphore, #tpu.memory_space<semaphore_mem>>)
      %slice3A_682 = vector.extract_strided_slice %get3A_155 {offsets = [14], sizes = [1], strides = [1]} : vector<16xi32> to vector<1xi32>
      %squeeze3A_683 = vector.extract %slice3A_682[0] : i32 from vector<1xi32>
      %add3A_684 = arith.constant 14 : i32
      %add3A_685 = arith.addi %mul3A_150, %add3A_684 : i32
      %dma_start3A_686 = arith.constant 0 : i32
      %dma_start3A_687 = tpu.memref_slice %arg18[%add3A_685, %dma_start3A_686] : memref<128x64xf32, #tpu.memory_space<vmem>> -> memref<1x64xf32, #tpu.memory_space<vmem>>
      %dma_start3A_688 = arith.constant 0 : i32
      %dma_start3A_689 = tpu.memref_slice %arg7[%squeeze3A_683, %dma_start3A_688] : memref<100x64xf32, #tpu.memory_space<hbm>> -> memref<1x64xf32, #tpu.memory_space<hbm>>
      %dma_start3A_690 = arith.constant 0 : i32
      %dma_start3A_691 = tpu.memref_slice %arg18[%add3A_685, %dma_start3A_690] : memref<128x64xf32, #tpu.memory_space<vmem>> -> memref<1x64xf32, #tpu.memory_space<vmem>>
      %dma_start3A_692 = arith.constant 0 : i32
      %dma_start3A_693 = tpu.memref_slice %arg7[%squeeze3A_683, %dma_start3A_692] : memref<100x64xf32, #tpu.memory_space<hbm>> -> memref<1x64xf32, #tpu.memory_space<hbm>>
      tpu.enqueue_dma source(%dma_start3A_693 : memref<1x64xf32, #tpu.memory_space<hbm>>) target(%dma_start3A_691 : memref<1x64xf32, #tpu.memory_space<vmem>>) target_semaphore(%arg23 : memref<!tpu.dma_semaphore, #tpu.memory_space<semaphore_mem>>)
      %slice3A_694 = vector.extract_strided_slice %get3A_151 {offsets = [15], sizes = [1], strides = [1]} : vector<16xi32> to vector<1xi32>
      %squeeze3A_695 = vector.extract %slice3A_694[0] : i32 from vector<1xi32>
      %add3A_696 = arith.constant 15 : i32
      %add3A_697 = arith.addi %mul3A_150, %add3A_696 : i32
      %dma_start3A_698 = arith.constant 0 : i32
      %dma_start3A_699 = tpu.memref_slice %arg16[%add3A_697, %dma_start3A_698] : memref<128x64xf32, #tpu.memory_space<vmem>> -> memref<1x64xf32, #tpu.memory_space<vmem>>
      %dma_start3A_700 = arith.constant 0 : i32
      %dma_start3A_701 = tpu.memref_slice %arg6[%squeeze3A_695, %dma_start3A_700] : memref<1000000x64xf32, #tpu.memory_space<hbm>> -> memref<1x64xf32, #tpu.memory_space<hbm>>
      %dma_start3A_702 = arith.constant 0 : i32
      %dma_start3A_703 = tpu.memref_slice %arg16[%add3A_697, %dma_start3A_702] : memref<128x64xf32, #tpu.memory_space<vmem>> -> memref<1x64xf32, #tpu.memory_space<vmem>>
      %dma_start3A_704 = arith.constant 0 : i32
      %dma_start3A_705 = tpu.memref_slice %arg6[%squeeze3A_695, %dma_start3A_704] : memref<1000000x64xf32, #tpu.memory_space<hbm>> -> memref<1x64xf32, #tpu.memory_space<hbm>>
      tpu.enqueue_dma source(%dma_start3A_705 : memref<1x64xf32, #tpu.memory_space<hbm>>) target(%dma_start3A_703 : memref<1x64xf32, #tpu.memory_space<vmem>>) target_semaphore(%arg23 : memref<!tpu.dma_semaphore, #tpu.memory_space<semaphore_mem>>)
      %slice3A_706 = vector.extract_strided_slice %get3A_153 {offsets = [15], sizes = [1], strides = [1]} : vector<16xi32> to vector<1xi32>
      %squeeze3A_707 = vector.extract %slice3A_706[0] : i32 from vector<1xi32>
      %add3A_708 = arith.constant 15 : i32
      %add3A_709 = arith.addi %mul3A_150, %add3A_708 : i32
      %dma_start3A_710 = arith.constant 0 : i32
      %dma_start3A_711 = tpu.memref_slice %arg17[%add3A_709, %dma_start3A_710] : memref<128x64xf32, #tpu.memory_space<vmem>> -> memref<1x64xf32, #tpu.memory_space<vmem>>
      %dma_start3A_712 = arith.constant 0 : i32
      %dma_start3A_713 = tpu.memref_slice %arg6[%squeeze3A_707, %dma_start3A_712] : memref<1000000x64xf32, #tpu.memory_space<hbm>> -> memref<1x64xf32, #tpu.memory_space<hbm>>
      %dma_start3A_714 = arith.constant 0 : i32
      %dma_start3A_715 = tpu.memref_slice %arg17[%add3A_709, %dma_start3A_714] : memref<128x64xf32, #tpu.memory_space<vmem>> -> memref<1x64xf32, #tpu.memory_space<vmem>>
      %dma_start3A_716 = arith.constant 0 : i32
      %dma_start3A_717 = tpu.memref_slice %arg6[%squeeze3A_707, %dma_start3A_716] : memref<1000000x64xf32, #tpu.memory_space<hbm>> -> memref<1x64xf32, #tpu.memory_space<hbm>>
      tpu.enqueue_dma source(%dma_start3A_717 : memref<1x64xf32, #tpu.memory_space<hbm>>) target(%dma_start3A_715 : memref<1x64xf32, #tpu.memory_space<vmem>>) target_semaphore(%arg23 : memref<!tpu.dma_semaphore, #tpu.memory_space<semaphore_mem>>)
      %slice3A_718 = vector.extract_strided_slice %get3A_155 {offsets = [15], sizes = [1], strides = [1]} : vector<16xi32> to vector<1xi32>
      %squeeze3A_719 = vector.extract %slice3A_718[0] : i32 from vector<1xi32>
      %add3A_720 = arith.constant 15 : i32
      %add3A_721 = arith.addi %mul3A_150, %add3A_720 : i32
      %dma_start3A_722 = arith.constant 0 : i32
      %dma_start3A_723 = tpu.memref_slice %arg18[%add3A_721, %dma_start3A_722] : memref<128x64xf32, #tpu.memory_space<vmem>> -> memref<1x64xf32, #tpu.memory_space<vmem>>
      %dma_start3A_724 = arith.constant 0 : i32
      %dma_start3A_725 = tpu.memref_slice %arg7[%squeeze3A_719, %dma_start3A_724] : memref<100x64xf32, #tpu.memory_space<hbm>> -> memref<1x64xf32, #tpu.memory_space<hbm>>
      %dma_start3A_726 = arith.constant 0 : i32
      %dma_start3A_727 = tpu.memref_slice %arg18[%add3A_721, %dma_start3A_726] : memref<128x64xf32, #tpu.memory_space<vmem>> -> memref<1x64xf32, #tpu.memory_space<vmem>>
      %dma_start3A_728 = arith.constant 0 : i32
      %dma_start3A_729 = tpu.memref_slice %arg7[%squeeze3A_719, %dma_start3A_728] : memref<100x64xf32, #tpu.memory_space<hbm>> -> memref<1x64xf32, #tpu.memory_space<hbm>>
      tpu.enqueue_dma source(%dma_start3A_729 : memref<1x64xf32, #tpu.memory_space<hbm>>) target(%dma_start3A_727 : memref<1x64xf32, #tpu.memory_space<vmem>>) target_semaphore(%arg23 : memref<!tpu.dma_semaphore, #tpu.memory_space<semaphore_mem>>)
    }
    %scan3A_117 = arith.constant 8 : i32
    %scan3A_118 = arith.constant 0 : i32
    %scan3A_119 = arith.constant 128 : i32
    %scan3A_120 = arith.addi %scan3A_118, %scan3A_119 : i32
    %scan3A_121 = arith.constant 1 : i32
    scf.for %scan3A_144 = %scan3A_118 to %scan3A_120 step %scan3A_121  : i32 {
      %dma_wait3A_145 = arith.constant 0 : i32
      %dma_wait3A_146 = arith.constant 0 : i32
      %dma_wait3A_147 = tpu.memref_slice %arg19[%dma_wait3A_145, %dma_wait3A_146] : memref<128x64xf32, #tpu.memory_space<vmem>> -> memref<1x64xf32, #tpu.memory_space<vmem>>
      %dma_wait3A_148 = arith.constant 0 : i32
      %dma_wait3A_149 = arith.constant 0 : i32
      %dma_wait3A_150 = tpu.memref_slice %arg6[%dma_wait3A_148, %dma_wait3A_149] : memref<1000000x64xf32, #tpu.memory_space<hbm>> -> memref<1x64xf32, #tpu.memory_space<hbm>>
      %dma_wait3A_151 = arith.constant 0 : i32
      %dma_wait3A_152 = arith.constant 0 : i32
      %dma_wait3A_153 = tpu.memref_slice %arg19[%dma_wait3A_151, %dma_wait3A_152] : memref<128x64xf32, #tpu.memory_space<vmem>> -> memref<1x64xf32, #tpu.memory_space<vmem>>
      %dma_wait3A_154 = arith.constant 0 : i32
      %dma_wait3A_155 = arith.constant 0 : i32
      %dma_wait3A_156 = tpu.memref_slice %arg6[%dma_wait3A_154, %dma_wait3A_155] : memref<1000000x64xf32, #tpu.memory_space<hbm>> -> memref<1x64xf32, #tpu.memory_space<hbm>>
      tpu.wait_dma2 semaphore(%arg24 : memref<!tpu.dma_semaphore, #tpu.memory_space<semaphore_mem>>) src(%dma_wait3A_156 : memref<1x64xf32, #tpu.memory_space<hbm>>) dst(%dma_wait3A_153 : memref<1x64xf32, #tpu.memory_space<vmem>>)
      %dma_wait3A_157 = arith.constant 0 : i32
      %dma_wait3A_158 = arith.constant 0 : i32
      %dma_wait3A_159 = tpu.memref_slice %arg20[%dma_wait3A_157, %dma_wait3A_158] : memref<128x64xf32, #tpu.memory_space<vmem>> -> memref<1x64xf32, #tpu.memory_space<vmem>>
      %dma_wait3A_160 = arith.constant 0 : i32
      %dma_wait3A_161 = arith.constant 0 : i32
      %dma_wait3A_162 = tpu.memref_slice %arg6[%dma_wait3A_160, %dma_wait3A_161] : memref<1000000x64xf32, #tpu.memory_space<hbm>> -> memref<1x64xf32, #tpu.memory_space<hbm>>
      %dma_wait3A_163 = arith.constant 0 : i32
      %dma_wait3A_164 = arith.constant 0 : i32
      %dma_wait3A_165 = tpu.memref_slice %arg20[%dma_wait3A_163, %dma_wait3A_164] : memref<128x64xf32, #tpu.memory_space<vmem>> -> memref<1x64xf32, #tpu.memory_space<vmem>>
      %dma_wait3A_166 = arith.constant 0 : i32
      %dma_wait3A_167 = arith.constant 0 : i32
      %dma_wait3A_168 = tpu.memref_slice %arg6[%dma_wait3A_166, %dma_wait3A_167] : memref<1000000x64xf32, #tpu.memory_space<hbm>> -> memref<1x64xf32, #tpu.memory_space<hbm>>
      tpu.wait_dma2 semaphore(%arg24 : memref<!tpu.dma_semaphore, #tpu.memory_space<semaphore_mem>>) src(%dma_wait3A_168 : memref<1x64xf32, #tpu.memory_space<hbm>>) dst(%dma_wait3A_165 : memref<1x64xf32, #tpu.memory_space<vmem>>)
      %dma_wait3A_169 = arith.constant 0 : i32
      %dma_wait3A_170 = arith.constant 0 : i32
      %dma_wait3A_171 = tpu.memref_slice %arg21[%dma_wait3A_169, %dma_wait3A_170] : memref<128x64xf32, #tpu.memory_space<vmem>> -> memref<1x64xf32, #tpu.memory_space<vmem>>
      %dma_wait3A_172 = arith.constant 0 : i32
      %dma_wait3A_173 = arith.constant 0 : i32
      %dma_wait3A_174 = tpu.memref_slice %arg7[%dma_wait3A_172, %dma_wait3A_173] : memref<100x64xf32, #tpu.memory_space<hbm>> -> memref<1x64xf32, #tpu.memory_space<hbm>>
      %dma_wait3A_175 = arith.constant 0 : i32
      %dma_wait3A_176 = arith.constant 0 : i32
      %dma_wait3A_177 = tpu.memref_slice %arg21[%dma_wait3A_175, %dma_wait3A_176] : memref<128x64xf32, #tpu.memory_space<vmem>> -> memref<1x64xf32, #tpu.memory_space<vmem>>
      %dma_wait3A_178 = arith.constant 0 : i32
      %dma_wait3A_179 = arith.constant 0 : i32
      %dma_wait3A_180 = tpu.memref_slice %arg7[%dma_wait3A_178, %dma_wait3A_179] : memref<100x64xf32, #tpu.memory_space<hbm>> -> memref<1x64xf32, #tpu.memory_space<hbm>>
      tpu.wait_dma2 semaphore(%arg24 : memref<!tpu.dma_semaphore, #tpu.memory_space<semaphore_mem>>) src(%dma_wait3A_180 : memref<1x64xf32, #tpu.memory_space<hbm>>) dst(%dma_wait3A_177 : memref<1x64xf32, #tpu.memory_space<vmem>>)
    }
    %scan3A_122 = arith.constant 128 : i32
    %add3A_123 = arith.constant 128 : i32
    %add3A_124 = arith.addi %mul3A_2, %add3A_123 : i32
    "tpu.region"() ({
      %run_scoped3A = tpu.sem_alloc : memref<!tpu.dma_semaphore, #tpu.memory_space<semaphore_mem>>
      %dma_start3A_144 = arith.constant 0 : i32
      %dma_start3A_145 = tpu.memref_slice %arg9[%add3A_124, %dma_start3A_144] : memref<16384x64xf32, #tpu.memory_space<hbm>> -> memref<128x64xf32, #tpu.memory_space<hbm>>
      %dma_start3A_146 = arith.constant 0 : i32
      %dma_start3A_147 = tpu.memref_slice %arg9[%add3A_124, %dma_start3A_146] : memref<16384x64xf32, #tpu.memory_space<hbm>> -> memref<128x64xf32, #tpu.memory_space<hbm>>
      tpu.enqueue_dma source(%arg19 : memref<128x64xf32, #tpu.memory_space<vmem>>) target(%dma_start3A_147 : memref<128x64xf32, #tpu.memory_space<hbm>>) target_semaphore(%run_scoped3A : memref<!tpu.dma_semaphore, #tpu.memory_space<semaphore_mem>>)
      %dma_wait3A_148 = arith.constant 0 : i32
      %dma_wait3A_149 = tpu.memref_slice %arg9[%add3A_124, %dma_wait3A_148] : memref<16384x64xf32, #tpu.memory_space<hbm>> -> memref<128x64xf32, #tpu.memory_space<hbm>>
      %dma_wait3A_150 = arith.constant 0 : i32
      %dma_wait3A_151 = tpu.memref_slice %arg9[%add3A_124, %dma_wait3A_150] : memref<16384x64xf32, #tpu.memory_space<hbm>> -> memref<128x64xf32, #tpu.memory_space<hbm>>
      tpu.wait_dma2 semaphore(%run_scoped3A : memref<!tpu.dma_semaphore, #tpu.memory_space<semaphore_mem>>) src(%arg19 : memref<128x64xf32, #tpu.memory_space<vmem>>) dst(%dma_wait3A_151 : memref<128x64xf32, #tpu.memory_space<hbm>>)
      tpu.yield
    }) : () -> ()
    "tpu.region"() ({
      %run_scoped3A = tpu.sem_alloc : memref<!tpu.dma_semaphore, #tpu.memory_space<semaphore_mem>>
      %dma_start3A_144 = arith.constant 0 : i32
      %dma_start3A_145 = tpu.memref_slice %arg10[%add3A_124, %dma_start3A_144] : memref<16384x64xf32, #tpu.memory_space<hbm>> -> memref<128x64xf32, #tpu.memory_space<hbm>>
      %dma_start3A_146 = arith.constant 0 : i32
      %dma_start3A_147 = tpu.memref_slice %arg10[%add3A_124, %dma_start3A_146] : memref<16384x64xf32, #tpu.memory_space<hbm>> -> memref<128x64xf32, #tpu.memory_space<hbm>>
      tpu.enqueue_dma source(%arg20 : memref<128x64xf32, #tpu.memory_space<vmem>>) target(%dma_start3A_147 : memref<128x64xf32, #tpu.memory_space<hbm>>) target_semaphore(%run_scoped3A : memref<!tpu.dma_semaphore, #tpu.memory_space<semaphore_mem>>)
      %dma_wait3A_148 = arith.constant 0 : i32
      %dma_wait3A_149 = tpu.memref_slice %arg10[%add3A_124, %dma_wait3A_148] : memref<16384x64xf32, #tpu.memory_space<hbm>> -> memref<128x64xf32, #tpu.memory_space<hbm>>
      %dma_wait3A_150 = arith.constant 0 : i32
      %dma_wait3A_151 = tpu.memref_slice %arg10[%add3A_124, %dma_wait3A_150] : memref<16384x64xf32, #tpu.memory_space<hbm>> -> memref<128x64xf32, #tpu.memory_space<hbm>>
      tpu.wait_dma2 semaphore(%run_scoped3A : memref<!tpu.dma_semaphore, #tpu.memory_space<semaphore_mem>>) src(%arg20 : memref<128x64xf32, #tpu.memory_space<vmem>>) dst(%dma_wait3A_151 : memref<128x64xf32, #tpu.memory_space<hbm>>)
      tpu.yield
    }) : () -> ()
    "tpu.region"() ({
      %run_scoped3A = tpu.sem_alloc : memref<!tpu.dma_semaphore, #tpu.memory_space<semaphore_mem>>
      %dma_start3A_144 = arith.constant 0 : i32
      %dma_start3A_145 = tpu.memref_slice %arg8[%add3A_124, %dma_start3A_144] : memref<16384x64xf32, #tpu.memory_space<hbm>> -> memref<128x64xf32, #tpu.memory_space<hbm>>
      %dma_start3A_146 = arith.constant 0 : i32
      %dma_start3A_147 = tpu.memref_slice %arg8[%add3A_124, %dma_start3A_146] : memref<16384x64xf32, #tpu.memory_space<hbm>> -> memref<128x64xf32, #tpu.memory_space<hbm>>
      tpu.enqueue_dma source(%arg21 : memref<128x64xf32, #tpu.memory_space<vmem>>) target(%dma_start3A_147 : memref<128x64xf32, #tpu.memory_space<hbm>>) target_semaphore(%run_scoped3A : memref<!tpu.dma_semaphore, #tpu.memory_space<semaphore_mem>>)
      %dma_wait3A_148 = arith.constant 0 : i32
      %dma_wait3A_149 = tpu.memref_slice %arg8[%add3A_124, %dma_wait3A_148] : memref<16384x64xf32, #tpu.memory_space<hbm>> -> memref<128x64xf32, #tpu.memory_space<hbm>>
      %dma_wait3A_150 = arith.constant 0 : i32
      %dma_wait3A_151 = tpu.memref_slice %arg8[%add3A_124, %dma_wait3A_150] : memref<16384x64xf32, #tpu.memory_space<hbm>> -> memref<128x64xf32, #tpu.memory_space<hbm>>
      tpu.wait_dma2 semaphore(%run_scoped3A : memref<!tpu.dma_semaphore, #tpu.memory_space<semaphore_mem>>) src(%arg21 : memref<128x64xf32, #tpu.memory_space<vmem>>) dst(%dma_wait3A_151 : memref<128x64xf32, #tpu.memory_space<hbm>>)
      tpu.yield
    }) : () -> ()
    %scan3A_125 = arith.constant 0 : i32
    %scan3A_126 = arith.constant 8 : i32
    %scan3A_127 = arith.addi %scan3A_125, %scan3A_126 : i32
    %scan3A_128 = arith.constant 1 : i32
    scf.for %scan3A_144 = %scan3A_125 to %scan3A_127 step %scan3A_128  : i32 {
      %mul3A_145 = arith.constant 16 : i32
      %mul3A_146 = arith.muli %scan3A_144, %mul3A_145 : i32
      %add3A_147 = arith.constant 384 : i32
      %add3A_148 = arith.addi %add3A_147, %mul3A_146 : i32
      %mul3A_149 = arith.constant 16 : i32
      %mul3A_150 = arith.muli %scan3A_144, %mul3A_149 : i32
      %get3A = arith.index_cast %add3A_148 : i32 to index
      %get3A_151 = tpu.vector_load %arg14[%get3A] {strides = array<i32>} : memref<512xi32, #tpu.memory_space<vmem>>, vector<16xi32>,
      %get3A_152 = arith.index_cast %add3A_148 : i32 to index
      %get3A_153 = tpu.vector_load %arg15[%get3A_152] {strides = array<i32>} : memref<512xi32, #tpu.memory_space<vmem>>, vector<16xi32>,
      %get3A_154 = arith.index_cast %add3A_148 : i32 to index
      %get3A_155 = tpu.vector_load %arg13[%get3A_154] {strides = array<i32>} : memref<512xi32, #tpu.memory_space<vmem>>, vector<16xi32>,
      %slice3A = vector.extract_strided_slice %get3A_151 {offsets = [0], sizes = [1], strides = [1]} : vector<16xi32> to vector<1xi32>
      %squeeze3A = vector.extract %slice3A[0] : i32 from vector<1xi32>
      %add3A_156 = arith.constant 0 : i32
      %add3A_157 = arith.addi %mul3A_150, %add3A_156 : i32
      %dma_start3A_158 = arith.constant 0 : i32
      %dma_start3A_159 = tpu.memref_slice %arg19[%add3A_157, %dma_start3A_158] : memref<128x64xf32, #tpu.memory_space<vmem>> -> memref<1x64xf32, #tpu.memory_space<vmem>>
      %dma_start3A_160 = arith.constant 0 : i32
      %dma_start3A_161 = tpu.memref_slice %arg6[%squeeze3A, %dma_start3A_160] : memref<1000000x64xf32, #tpu.memory_space<hbm>> -> memref<1x64xf32, #tpu.memory_space<hbm>>
      %dma_start3A_162 = arith.constant 0 : i32
      %dma_start3A_163 = tpu.memref_slice %arg19[%add3A_157, %dma_start3A_162] : memref<128x64xf32, #tpu.memory_space<vmem>> -> memref<1x64xf32, #tpu.memory_space<vmem>>
      %dma_start3A_164 = arith.constant 0 : i32
      %dma_start3A_165 = tpu.memref_slice %arg6[%squeeze3A, %dma_start3A_164] : memref<1000000x64xf32, #tpu.memory_space<hbm>> -> memref<1x64xf32, #tpu.memory_space<hbm>>
      tpu.enqueue_dma source(%dma_start3A_165 : memref<1x64xf32, #tpu.memory_space<hbm>>) target(%dma_start3A_163 : memref<1x64xf32, #tpu.memory_space<vmem>>) target_semaphore(%arg24 : memref<!tpu.dma_semaphore, #tpu.memory_space<semaphore_mem>>)
      %slice3A_166 = vector.extract_strided_slice %get3A_153 {offsets = [0], sizes = [1], strides = [1]} : vector<16xi32> to vector<1xi32>
      %squeeze3A_167 = vector.extract %slice3A_166[0] : i32 from vector<1xi32>
      %add3A_168 = arith.constant 0 : i32
      %add3A_169 = arith.addi %mul3A_150, %add3A_168 : i32
      %dma_start3A_170 = arith.constant 0 : i32
      %dma_start3A_171 = tpu.memref_slice %arg20[%add3A_169, %dma_start3A_170] : memref<128x64xf32, #tpu.memory_space<vmem>> -> memref<1x64xf32, #tpu.memory_space<vmem>>
      %dma_start3A_172 = arith.constant 0 : i32
      %dma_start3A_173 = tpu.memref_slice %arg6[%squeeze3A_167, %dma_start3A_172] : memref<1000000x64xf32, #tpu.memory_space<hbm>> -> memref<1x64xf32, #tpu.memory_space<hbm>>
      %dma_start3A_174 = arith.constant 0 : i32
      %dma_start3A_175 = tpu.memref_slice %arg20[%add3A_169, %dma_start3A_174] : memref<128x64xf32, #tpu.memory_space<vmem>> -> memref<1x64xf32, #tpu.memory_space<vmem>>
      %dma_start3A_176 = arith.constant 0 : i32
      %dma_start3A_177 = tpu.memref_slice %arg6[%squeeze3A_167, %dma_start3A_176] : memref<1000000x64xf32, #tpu.memory_space<hbm>> -> memref<1x64xf32, #tpu.memory_space<hbm>>
      tpu.enqueue_dma source(%dma_start3A_177 : memref<1x64xf32, #tpu.memory_space<hbm>>) target(%dma_start3A_175 : memref<1x64xf32, #tpu.memory_space<vmem>>) target_semaphore(%arg24 : memref<!tpu.dma_semaphore, #tpu.memory_space<semaphore_mem>>)
      %slice3A_178 = vector.extract_strided_slice %get3A_155 {offsets = [0], sizes = [1], strides = [1]} : vector<16xi32> to vector<1xi32>
      %squeeze3A_179 = vector.extract %slice3A_178[0] : i32 from vector<1xi32>
      %add3A_180 = arith.constant 0 : i32
      %add3A_181 = arith.addi %mul3A_150, %add3A_180 : i32
      %dma_start3A_182 = arith.constant 0 : i32
      %dma_start3A_183 = tpu.memref_slice %arg21[%add3A_181, %dma_start3A_182] : memref<128x64xf32, #tpu.memory_space<vmem>> -> memref<1x64xf32, #tpu.memory_space<vmem>>
      %dma_start3A_184 = arith.constant 0 : i32
      %dma_start3A_185 = tpu.memref_slice %arg7[%squeeze3A_179, %dma_start3A_184] : memref<100x64xf32, #tpu.memory_space<hbm>> -> memref<1x64xf32, #tpu.memory_space<hbm>>
      %dma_start3A_186 = arith.constant 0 : i32
      %dma_start3A_187 = tpu.memref_slice %arg21[%add3A_181, %dma_start3A_186] : memref<128x64xf32, #tpu.memory_space<vmem>> -> memref<1x64xf32, #tpu.memory_space<vmem>>
      %dma_start3A_188 = arith.constant 0 : i32
      %dma_start3A_189 = tpu.memref_slice %arg7[%squeeze3A_179, %dma_start3A_188] : memref<100x64xf32, #tpu.memory_space<hbm>> -> memref<1x64xf32, #tpu.memory_space<hbm>>
      tpu.enqueue_dma source(%dma_start3A_189 : memref<1x64xf32, #tpu.memory_space<hbm>>) target(%dma_start3A_187 : memref<1x64xf32, #tpu.memory_space<vmem>>) target_semaphore(%arg24 : memref<!tpu.dma_semaphore, #tpu.memory_space<semaphore_mem>>)
      %slice3A_190 = vector.extract_strided_slice %get3A_151 {offsets = [1], sizes = [1], strides = [1]} : vector<16xi32> to vector<1xi32>
      %squeeze3A_191 = vector.extract %slice3A_190[0] : i32 from vector<1xi32>
      %add3A_192 = arith.constant 1 : i32
      %add3A_193 = arith.addi %mul3A_150, %add3A_192 : i32
      %dma_start3A_194 = arith.constant 0 : i32
      %dma_start3A_195 = tpu.memref_slice %arg19[%add3A_193, %dma_start3A_194] : memref<128x64xf32, #tpu.memory_space<vmem>> -> memref<1x64xf32, #tpu.memory_space<vmem>>
      %dma_start3A_196 = arith.constant 0 : i32
      %dma_start3A_197 = tpu.memref_slice %arg6[%squeeze3A_191, %dma_start3A_196] : memref<1000000x64xf32, #tpu.memory_space<hbm>> -> memref<1x64xf32, #tpu.memory_space<hbm>>
      %dma_start3A_198 = arith.constant 0 : i32
      %dma_start3A_199 = tpu.memref_slice %arg19[%add3A_193, %dma_start3A_198] : memref<128x64xf32, #tpu.memory_space<vmem>> -> memref<1x64xf32, #tpu.memory_space<vmem>>
      %dma_start3A_200 = arith.constant 0 : i32
      %dma_start3A_201 = tpu.memref_slice %arg6[%squeeze3A_191, %dma_start3A_200] : memref<1000000x64xf32, #tpu.memory_space<hbm>> -> memref<1x64xf32, #tpu.memory_space<hbm>>
      tpu.enqueue_dma source(%dma_start3A_201 : memref<1x64xf32, #tpu.memory_space<hbm>>) target(%dma_start3A_199 : memref<1x64xf32, #tpu.memory_space<vmem>>) target_semaphore(%arg24 : memref<!tpu.dma_semaphore, #tpu.memory_space<semaphore_mem>>)
      %slice3A_202 = vector.extract_strided_slice %get3A_153 {offsets = [1], sizes = [1], strides = [1]} : vector<16xi32> to vector<1xi32>
      %squeeze3A_203 = vector.extract %slice3A_202[0] : i32 from vector<1xi32>
      %add3A_204 = arith.constant 1 : i32
      %add3A_205 = arith.addi %mul3A_150, %add3A_204 : i32
      %dma_start3A_206 = arith.constant 0 : i32
      %dma_start3A_207 = tpu.memref_slice %arg20[%add3A_205, %dma_start3A_206] : memref<128x64xf32, #tpu.memory_space<vmem>> -> memref<1x64xf32, #tpu.memory_space<vmem>>
      %dma_start3A_208 = arith.constant 0 : i32
      %dma_start3A_209 = tpu.memref_slice %arg6[%squeeze3A_203, %dma_start3A_208] : memref<1000000x64xf32, #tpu.memory_space<hbm>> -> memref<1x64xf32, #tpu.memory_space<hbm>>
      %dma_start3A_210 = arith.constant 0 : i32
      %dma_start3A_211 = tpu.memref_slice %arg20[%add3A_205, %dma_start3A_210] : memref<128x64xf32, #tpu.memory_space<vmem>> -> memref<1x64xf32, #tpu.memory_space<vmem>>
      %dma_start3A_212 = arith.constant 0 : i32
      %dma_start3A_213 = tpu.memref_slice %arg6[%squeeze3A_203, %dma_start3A_212] : memref<1000000x64xf32, #tpu.memory_space<hbm>> -> memref<1x64xf32, #tpu.memory_space<hbm>>
      tpu.enqueue_dma source(%dma_start3A_213 : memref<1x64xf32, #tpu.memory_space<hbm>>) target(%dma_start3A_211 : memref<1x64xf32, #tpu.memory_space<vmem>>) target_semaphore(%arg24 : memref<!tpu.dma_semaphore, #tpu.memory_space<semaphore_mem>>)
      %slice3A_214 = vector.extract_strided_slice %get3A_155 {offsets = [1], sizes = [1], strides = [1]} : vector<16xi32> to vector<1xi32>
      %squeeze3A_215 = vector.extract %slice3A_214[0] : i32 from vector<1xi32>
      %add3A_216 = arith.constant 1 : i32
      %add3A_217 = arith.addi %mul3A_150, %add3A_216 : i32
      %dma_start3A_218 = arith.constant 0 : i32
      %dma_start3A_219 = tpu.memref_slice %arg21[%add3A_217, %dma_start3A_218] : memref<128x64xf32, #tpu.memory_space<vmem>> -> memref<1x64xf32, #tpu.memory_space<vmem>>
      %dma_start3A_220 = arith.constant 0 : i32
      %dma_start3A_221 = tpu.memref_slice %arg7[%squeeze3A_215, %dma_start3A_220] : memref<100x64xf32, #tpu.memory_space<hbm>> -> memref<1x64xf32, #tpu.memory_space<hbm>>
      %dma_start3A_222 = arith.constant 0 : i32
      %dma_start3A_223 = tpu.memref_slice %arg21[%add3A_217, %dma_start3A_222] : memref<128x64xf32, #tpu.memory_space<vmem>> -> memref<1x64xf32, #tpu.memory_space<vmem>>
      %dma_start3A_224 = arith.constant 0 : i32
      %dma_start3A_225 = tpu.memref_slice %arg7[%squeeze3A_215, %dma_start3A_224] : memref<100x64xf32, #tpu.memory_space<hbm>> -> memref<1x64xf32, #tpu.memory_space<hbm>>
      tpu.enqueue_dma source(%dma_start3A_225 : memref<1x64xf32, #tpu.memory_space<hbm>>) target(%dma_start3A_223 : memref<1x64xf32, #tpu.memory_space<vmem>>) target_semaphore(%arg24 : memref<!tpu.dma_semaphore, #tpu.memory_space<semaphore_mem>>)
      %slice3A_226 = vector.extract_strided_slice %get3A_151 {offsets = [2], sizes = [1], strides = [1]} : vector<16xi32> to vector<1xi32>
      %squeeze3A_227 = vector.extract %slice3A_226[0] : i32 from vector<1xi32>
      %add3A_228 = arith.constant 2 : i32
      %add3A_229 = arith.addi %mul3A_150, %add3A_228 : i32
      %dma_start3A_230 = arith.constant 0 : i32
      %dma_start3A_231 = tpu.memref_slice %arg19[%add3A_229, %dma_start3A_230] : memref<128x64xf32, #tpu.memory_space<vmem>> -> memref<1x64xf32, #tpu.memory_space<vmem>>
      %dma_start3A_232 = arith.constant 0 : i32
      %dma_start3A_233 = tpu.memref_slice %arg6[%squeeze3A_227, %dma_start3A_232] : memref<1000000x64xf32, #tpu.memory_space<hbm>> -> memref<1x64xf32, #tpu.memory_space<hbm>>
      %dma_start3A_234 = arith.constant 0 : i32
      %dma_start3A_235 = tpu.memref_slice %arg19[%add3A_229, %dma_start3A_234] : memref<128x64xf32, #tpu.memory_space<vmem>> -> memref<1x64xf32, #tpu.memory_space<vmem>>
      %dma_start3A_236 = arith.constant 0 : i32
      %dma_start3A_237 = tpu.memref_slice %arg6[%squeeze3A_227, %dma_start3A_236] : memref<1000000x64xf32, #tpu.memory_space<hbm>> -> memref<1x64xf32, #tpu.memory_space<hbm>>
      tpu.enqueue_dma source(%dma_start3A_237 : memref<1x64xf32, #tpu.memory_space<hbm>>) target(%dma_start3A_235 : memref<1x64xf32, #tpu.memory_space<vmem>>) target_semaphore(%arg24 : memref<!tpu.dma_semaphore, #tpu.memory_space<semaphore_mem>>)
      %slice3A_238 = vector.extract_strided_slice %get3A_153 {offsets = [2], sizes = [1], strides = [1]} : vector<16xi32> to vector<1xi32>
      %squeeze3A_239 = vector.extract %slice3A_238[0] : i32 from vector<1xi32>
      %add3A_240 = arith.constant 2 : i32
      %add3A_241 = arith.addi %mul3A_150, %add3A_240 : i32
      %dma_start3A_242 = arith.constant 0 : i32
      %dma_start3A_243 = tpu.memref_slice %arg20[%add3A_241, %dma_start3A_242] : memref<128x64xf32, #tpu.memory_space<vmem>> -> memref<1x64xf32, #tpu.memory_space<vmem>>
      %dma_start3A_244 = arith.constant 0 : i32
      %dma_start3A_245 = tpu.memref_slice %arg6[%squeeze3A_239, %dma_start3A_244] : memref<1000000x64xf32, #tpu.memory_space<hbm>> -> memref<1x64xf32, #tpu.memory_space<hbm>>
      %dma_start3A_246 = arith.constant 0 : i32
      %dma_start3A_247 = tpu.memref_slice %arg20[%add3A_241, %dma_start3A_246] : memref<128x64xf32, #tpu.memory_space<vmem>> -> memref<1x64xf32, #tpu.memory_space<vmem>>
      %dma_start3A_248 = arith.constant 0 : i32
      %dma_start3A_249 = tpu.memref_slice %arg6[%squeeze3A_239, %dma_start3A_248] : memref<1000000x64xf32, #tpu.memory_space<hbm>> -> memref<1x64xf32, #tpu.memory_space<hbm>>
      tpu.enqueue_dma source(%dma_start3A_249 : memref<1x64xf32, #tpu.memory_space<hbm>>) target(%dma_start3A_247 : memref<1x64xf32, #tpu.memory_space<vmem>>) target_semaphore(%arg24 : memref<!tpu.dma_semaphore, #tpu.memory_space<semaphore_mem>>)
      %slice3A_250 = vector.extract_strided_slice %get3A_155 {offsets = [2], sizes = [1], strides = [1]} : vector<16xi32> to vector<1xi32>
      %squeeze3A_251 = vector.extract %slice3A_250[0] : i32 from vector<1xi32>
      %add3A_252 = arith.constant 2 : i32
      %add3A_253 = arith.addi %mul3A_150, %add3A_252 : i32
      %dma_start3A_254 = arith.constant 0 : i32
      %dma_start3A_255 = tpu.memref_slice %arg21[%add3A_253, %dma_start3A_254] : memref<128x64xf32, #tpu.memory_space<vmem>> -> memref<1x64xf32, #tpu.memory_space<vmem>>
      %dma_start3A_256 = arith.constant 0 : i32
      %dma_start3A_257 = tpu.memref_slice %arg7[%squeeze3A_251, %dma_start3A_256] : memref<100x64xf32, #tpu.memory_space<hbm>> -> memref<1x64xf32, #tpu.memory_space<hbm>>
      %dma_start3A_258 = arith.constant 0 : i32
      %dma_start3A_259 = tpu.memref_slice %arg21[%add3A_253, %dma_start3A_258] : memref<128x64xf32, #tpu.memory_space<vmem>> -> memref<1x64xf32, #tpu.memory_space<vmem>>
      %dma_start3A_260 = arith.constant 0 : i32
      %dma_start3A_261 = tpu.memref_slice %arg7[%squeeze3A_251, %dma_start3A_260] : memref<100x64xf32, #tpu.memory_space<hbm>> -> memref<1x64xf32, #tpu.memory_space<hbm>>
      tpu.enqueue_dma source(%dma_start3A_261 : memref<1x64xf32, #tpu.memory_space<hbm>>) target(%dma_start3A_259 : memref<1x64xf32, #tpu.memory_space<vmem>>) target_semaphore(%arg24 : memref<!tpu.dma_semaphore, #tpu.memory_space<semaphore_mem>>)
      %slice3A_262 = vector.extract_strided_slice %get3A_151 {offsets = [3], sizes = [1], strides = [1]} : vector<16xi32> to vector<1xi32>
      %squeeze3A_263 = vector.extract %slice3A_262[0] : i32 from vector<1xi32>
      %add3A_264 = arith.constant 3 : i32
      %add3A_265 = arith.addi %mul3A_150, %add3A_264 : i32
      %dma_start3A_266 = arith.constant 0 : i32
      %dma_start3A_267 = tpu.memref_slice %arg19[%add3A_265, %dma_start3A_266] : memref<128x64xf32, #tpu.memory_space<vmem>> -> memref<1x64xf32, #tpu.memory_space<vmem>>
      %dma_start3A_268 = arith.constant 0 : i32
      %dma_start3A_269 = tpu.memref_slice %arg6[%squeeze3A_263, %dma_start3A_268] : memref<1000000x64xf32, #tpu.memory_space<hbm>> -> memref<1x64xf32, #tpu.memory_space<hbm>>
      %dma_start3A_270 = arith.constant 0 : i32
      %dma_start3A_271 = tpu.memref_slice %arg19[%add3A_265, %dma_start3A_270] : memref<128x64xf32, #tpu.memory_space<vmem>> -> memref<1x64xf32, #tpu.memory_space<vmem>>
      %dma_start3A_272 = arith.constant 0 : i32
      %dma_start3A_273 = tpu.memref_slice %arg6[%squeeze3A_263, %dma_start3A_272] : memref<1000000x64xf32, #tpu.memory_space<hbm>> -> memref<1x64xf32, #tpu.memory_space<hbm>>
      tpu.enqueue_dma source(%dma_start3A_273 : memref<1x64xf32, #tpu.memory_space<hbm>>) target(%dma_start3A_271 : memref<1x64xf32, #tpu.memory_space<vmem>>) target_semaphore(%arg24 : memref<!tpu.dma_semaphore, #tpu.memory_space<semaphore_mem>>)
      %slice3A_274 = vector.extract_strided_slice %get3A_153 {offsets = [3], sizes = [1], strides = [1]} : vector<16xi32> to vector<1xi32>
      %squeeze3A_275 = vector.extract %slice3A_274[0] : i32 from vector<1xi32>
      %add3A_276 = arith.constant 3 : i32
      %add3A_277 = arith.addi %mul3A_150, %add3A_276 : i32
      %dma_start3A_278 = arith.constant 0 : i32
      %dma_start3A_279 = tpu.memref_slice %arg20[%add3A_277, %dma_start3A_278] : memref<128x64xf32, #tpu.memory_space<vmem>> -> memref<1x64xf32, #tpu.memory_space<vmem>>
      %dma_start3A_280 = arith.constant 0 : i32
      %dma_start3A_281 = tpu.memref_slice %arg6[%squeeze3A_275, %dma_start3A_280] : memref<1000000x64xf32, #tpu.memory_space<hbm>> -> memref<1x64xf32, #tpu.memory_space<hbm>>
      %dma_start3A_282 = arith.constant 0 : i32
      %dma_start3A_283 = tpu.memref_slice %arg20[%add3A_277, %dma_start3A_282] : memref<128x64xf32, #tpu.memory_space<vmem>> -> memref<1x64xf32, #tpu.memory_space<vmem>>
      %dma_start3A_284 = arith.constant 0 : i32
      %dma_start3A_285 = tpu.memref_slice %arg6[%squeeze3A_275, %dma_start3A_284] : memref<1000000x64xf32, #tpu.memory_space<hbm>> -> memref<1x64xf32, #tpu.memory_space<hbm>>
      tpu.enqueue_dma source(%dma_start3A_285 : memref<1x64xf32, #tpu.memory_space<hbm>>) target(%dma_start3A_283 : memref<1x64xf32, #tpu.memory_space<vmem>>) target_semaphore(%arg24 : memref<!tpu.dma_semaphore, #tpu.memory_space<semaphore_mem>>)
      %slice3A_286 = vector.extract_strided_slice %get3A_155 {offsets = [3], sizes = [1], strides = [1]} : vector<16xi32> to vector<1xi32>
      %squeeze3A_287 = vector.extract %slice3A_286[0] : i32 from vector<1xi32>
      %add3A_288 = arith.constant 3 : i32
      %add3A_289 = arith.addi %mul3A_150, %add3A_288 : i32
      %dma_start3A_290 = arith.constant 0 : i32
      %dma_start3A_291 = tpu.memref_slice %arg21[%add3A_289, %dma_start3A_290] : memref<128x64xf32, #tpu.memory_space<vmem>> -> memref<1x64xf32, #tpu.memory_space<vmem>>
      %dma_start3A_292 = arith.constant 0 : i32
      %dma_start3A_293 = tpu.memref_slice %arg7[%squeeze3A_287, %dma_start3A_292] : memref<100x64xf32, #tpu.memory_space<hbm>> -> memref<1x64xf32, #tpu.memory_space<hbm>>
      %dma_start3A_294 = arith.constant 0 : i32
      %dma_start3A_295 = tpu.memref_slice %arg21[%add3A_289, %dma_start3A_294] : memref<128x64xf32, #tpu.memory_space<vmem>> -> memref<1x64xf32, #tpu.memory_space<vmem>>
      %dma_start3A_296 = arith.constant 0 : i32
      %dma_start3A_297 = tpu.memref_slice %arg7[%squeeze3A_287, %dma_start3A_296] : memref<100x64xf32, #tpu.memory_space<hbm>> -> memref<1x64xf32, #tpu.memory_space<hbm>>
      tpu.enqueue_dma source(%dma_start3A_297 : memref<1x64xf32, #tpu.memory_space<hbm>>) target(%dma_start3A_295 : memref<1x64xf32, #tpu.memory_space<vmem>>) target_semaphore(%arg24 : memref<!tpu.dma_semaphore, #tpu.memory_space<semaphore_mem>>)
      %slice3A_298 = vector.extract_strided_slice %get3A_151 {offsets = [4], sizes = [1], strides = [1]} : vector<16xi32> to vector<1xi32>
      %squeeze3A_299 = vector.extract %slice3A_298[0] : i32 from vector<1xi32>
      %add3A_300 = arith.constant 4 : i32
      %add3A_301 = arith.addi %mul3A_150, %add3A_300 : i32
      %dma_start3A_302 = arith.constant 0 : i32
      %dma_start3A_303 = tpu.memref_slice %arg19[%add3A_301, %dma_start3A_302] : memref<128x64xf32, #tpu.memory_space<vmem>> -> memref<1x64xf32, #tpu.memory_space<vmem>>
      %dma_start3A_304 = arith.constant 0 : i32
      %dma_start3A_305 = tpu.memref_slice %arg6[%squeeze3A_299, %dma_start3A_304] : memref<1000000x64xf32, #tpu.memory_space<hbm>> -> memref<1x64xf32, #tpu.memory_space<hbm>>
      %dma_start3A_306 = arith.constant 0 : i32
      %dma_start3A_307 = tpu.memref_slice %arg19[%add3A_301, %dma_start3A_306] : memref<128x64xf32, #tpu.memory_space<vmem>> -> memref<1x64xf32, #tpu.memory_space<vmem>>
      %dma_start3A_308 = arith.constant 0 : i32
      %dma_start3A_309 = tpu.memref_slice %arg6[%squeeze3A_299, %dma_start3A_308] : memref<1000000x64xf32, #tpu.memory_space<hbm>> -> memref<1x64xf32, #tpu.memory_space<hbm>>
      tpu.enqueue_dma source(%dma_start3A_309 : memref<1x64xf32, #tpu.memory_space<hbm>>) target(%dma_start3A_307 : memref<1x64xf32, #tpu.memory_space<vmem>>) target_semaphore(%arg24 : memref<!tpu.dma_semaphore, #tpu.memory_space<semaphore_mem>>)
      %slice3A_310 = vector.extract_strided_slice %get3A_153 {offsets = [4], sizes = [1], strides = [1]} : vector<16xi32> to vector<1xi32>
      %squeeze3A_311 = vector.extract %slice3A_310[0] : i32 from vector<1xi32>
      %add3A_312 = arith.constant 4 : i32
      %add3A_313 = arith.addi %mul3A_150, %add3A_312 : i32
      %dma_start3A_314 = arith.constant 0 : i32
      %dma_start3A_315 = tpu.memref_slice %arg20[%add3A_313, %dma_start3A_314] : memref<128x64xf32, #tpu.memory_space<vmem>> -> memref<1x64xf32, #tpu.memory_space<vmem>>
      %dma_start3A_316 = arith.constant 0 : i32
      %dma_start3A_317 = tpu.memref_slice %arg6[%squeeze3A_311, %dma_start3A_316] : memref<1000000x64xf32, #tpu.memory_space<hbm>> -> memref<1x64xf32, #tpu.memory_space<hbm>>
      %dma_start3A_318 = arith.constant 0 : i32
      %dma_start3A_319 = tpu.memref_slice %arg20[%add3A_313, %dma_start3A_318] : memref<128x64xf32, #tpu.memory_space<vmem>> -> memref<1x64xf32, #tpu.memory_space<vmem>>
      %dma_start3A_320 = arith.constant 0 : i32
      %dma_start3A_321 = tpu.memref_slice %arg6[%squeeze3A_311, %dma_start3A_320] : memref<1000000x64xf32, #tpu.memory_space<hbm>> -> memref<1x64xf32, #tpu.memory_space<hbm>>
      tpu.enqueue_dma source(%dma_start3A_321 : memref<1x64xf32, #tpu.memory_space<hbm>>) target(%dma_start3A_319 : memref<1x64xf32, #tpu.memory_space<vmem>>) target_semaphore(%arg24 : memref<!tpu.dma_semaphore, #tpu.memory_space<semaphore_mem>>)
      %slice3A_322 = vector.extract_strided_slice %get3A_155 {offsets = [4], sizes = [1], strides = [1]} : vector<16xi32> to vector<1xi32>
      %squeeze3A_323 = vector.extract %slice3A_322[0] : i32 from vector<1xi32>
      %add3A_324 = arith.constant 4 : i32
      %add3A_325 = arith.addi %mul3A_150, %add3A_324 : i32
      %dma_start3A_326 = arith.constant 0 : i32
      %dma_start3A_327 = tpu.memref_slice %arg21[%add3A_325, %dma_start3A_326] : memref<128x64xf32, #tpu.memory_space<vmem>> -> memref<1x64xf32, #tpu.memory_space<vmem>>
      %dma_start3A_328 = arith.constant 0 : i32
      %dma_start3A_329 = tpu.memref_slice %arg7[%squeeze3A_323, %dma_start3A_328] : memref<100x64xf32, #tpu.memory_space<hbm>> -> memref<1x64xf32, #tpu.memory_space<hbm>>
      %dma_start3A_330 = arith.constant 0 : i32
      %dma_start3A_331 = tpu.memref_slice %arg21[%add3A_325, %dma_start3A_330] : memref<128x64xf32, #tpu.memory_space<vmem>> -> memref<1x64xf32, #tpu.memory_space<vmem>>
      %dma_start3A_332 = arith.constant 0 : i32
      %dma_start3A_333 = tpu.memref_slice %arg7[%squeeze3A_323, %dma_start3A_332] : memref<100x64xf32, #tpu.memory_space<hbm>> -> memref<1x64xf32, #tpu.memory_space<hbm>>
      tpu.enqueue_dma source(%dma_start3A_333 : memref<1x64xf32, #tpu.memory_space<hbm>>) target(%dma_start3A_331 : memref<1x64xf32, #tpu.memory_space<vmem>>) target_semaphore(%arg24 : memref<!tpu.dma_semaphore, #tpu.memory_space<semaphore_mem>>)
      %slice3A_334 = vector.extract_strided_slice %get3A_151 {offsets = [5], sizes = [1], strides = [1]} : vector<16xi32> to vector<1xi32>
      %squeeze3A_335 = vector.extract %slice3A_334[0] : i32 from vector<1xi32>
      %add3A_336 = arith.constant 5 : i32
      %add3A_337 = arith.addi %mul3A_150, %add3A_336 : i32
      %dma_start3A_338 = arith.constant 0 : i32
      %dma_start3A_339 = tpu.memref_slice %arg19[%add3A_337, %dma_start3A_338] : memref<128x64xf32, #tpu.memory_space<vmem>> -> memref<1x64xf32, #tpu.memory_space<vmem>>
      %dma_start3A_340 = arith.constant 0 : i32
      %dma_start3A_341 = tpu.memref_slice %arg6[%squeeze3A_335, %dma_start3A_340] : memref<1000000x64xf32, #tpu.memory_space<hbm>> -> memref<1x64xf32, #tpu.memory_space<hbm>>
      %dma_start3A_342 = arith.constant 0 : i32
      %dma_start3A_343 = tpu.memref_slice %arg19[%add3A_337, %dma_start3A_342] : memref<128x64xf32, #tpu.memory_space<vmem>> -> memref<1x64xf32, #tpu.memory_space<vmem>>
      %dma_start3A_344 = arith.constant 0 : i32
      %dma_start3A_345 = tpu.memref_slice %arg6[%squeeze3A_335, %dma_start3A_344] : memref<1000000x64xf32, #tpu.memory_space<hbm>> -> memref<1x64xf32, #tpu.memory_space<hbm>>
      tpu.enqueue_dma source(%dma_start3A_345 : memref<1x64xf32, #tpu.memory_space<hbm>>) target(%dma_start3A_343 : memref<1x64xf32, #tpu.memory_space<vmem>>) target_semaphore(%arg24 : memref<!tpu.dma_semaphore, #tpu.memory_space<semaphore_mem>>)
      %slice3A_346 = vector.extract_strided_slice %get3A_153 {offsets = [5], sizes = [1], strides = [1]} : vector<16xi32> to vector<1xi32>
      %squeeze3A_347 = vector.extract %slice3A_346[0] : i32 from vector<1xi32>
      %add3A_348 = arith.constant 5 : i32
      %add3A_349 = arith.addi %mul3A_150, %add3A_348 : i32
      %dma_start3A_350 = arith.constant 0 : i32
      %dma_start3A_351 = tpu.memref_slice %arg20[%add3A_349, %dma_start3A_350] : memref<128x64xf32, #tpu.memory_space<vmem>> -> memref<1x64xf32, #tpu.memory_space<vmem>>
      %dma_start3A_352 = arith.constant 0 : i32
      %dma_start3A_353 = tpu.memref_slice %arg6[%squeeze3A_347, %dma_start3A_352] : memref<1000000x64xf32, #tpu.memory_space<hbm>> -> memref<1x64xf32, #tpu.memory_space<hbm>>
      %dma_start3A_354 = arith.constant 0 : i32
      %dma_start3A_355 = tpu.memref_slice %arg20[%add3A_349, %dma_start3A_354] : memref<128x64xf32, #tpu.memory_space<vmem>> -> memref<1x64xf32, #tpu.memory_space<vmem>>
      %dma_start3A_356 = arith.constant 0 : i32
      %dma_start3A_357 = tpu.memref_slice %arg6[%squeeze3A_347, %dma_start3A_356] : memref<1000000x64xf32, #tpu.memory_space<hbm>> -> memref<1x64xf32, #tpu.memory_space<hbm>>
      tpu.enqueue_dma source(%dma_start3A_357 : memref<1x64xf32, #tpu.memory_space<hbm>>) target(%dma_start3A_355 : memref<1x64xf32, #tpu.memory_space<vmem>>) target_semaphore(%arg24 : memref<!tpu.dma_semaphore, #tpu.memory_space<semaphore_mem>>)
      %slice3A_358 = vector.extract_strided_slice %get3A_155 {offsets = [5], sizes = [1], strides = [1]} : vector<16xi32> to vector<1xi32>
      %squeeze3A_359 = vector.extract %slice3A_358[0] : i32 from vector<1xi32>
      %add3A_360 = arith.constant 5 : i32
      %add3A_361 = arith.addi %mul3A_150, %add3A_360 : i32
      %dma_start3A_362 = arith.constant 0 : i32
      %dma_start3A_363 = tpu.memref_slice %arg21[%add3A_361, %dma_start3A_362] : memref<128x64xf32, #tpu.memory_space<vmem>> -> memref<1x64xf32, #tpu.memory_space<vmem>>
      %dma_start3A_364 = arith.constant 0 : i32
      %dma_start3A_365 = tpu.memref_slice %arg7[%squeeze3A_359, %dma_start3A_364] : memref<100x64xf32, #tpu.memory_space<hbm>> -> memref<1x64xf32, #tpu.memory_space<hbm>>
      %dma_start3A_366 = arith.constant 0 : i32
      %dma_start3A_367 = tpu.memref_slice %arg21[%add3A_361, %dma_start3A_366] : memref<128x64xf32, #tpu.memory_space<vmem>> -> memref<1x64xf32, #tpu.memory_space<vmem>>
      %dma_start3A_368 = arith.constant 0 : i32
      %dma_start3A_369 = tpu.memref_slice %arg7[%squeeze3A_359, %dma_start3A_368] : memref<100x64xf32, #tpu.memory_space<hbm>> -> memref<1x64xf32, #tpu.memory_space<hbm>>
      tpu.enqueue_dma source(%dma_start3A_369 : memref<1x64xf32, #tpu.memory_space<hbm>>) target(%dma_start3A_367 : memref<1x64xf32, #tpu.memory_space<vmem>>) target_semaphore(%arg24 : memref<!tpu.dma_semaphore, #tpu.memory_space<semaphore_mem>>)
      %slice3A_370 = vector.extract_strided_slice %get3A_151 {offsets = [6], sizes = [1], strides = [1]} : vector<16xi32> to vector<1xi32>
      %squeeze3A_371 = vector.extract %slice3A_370[0] : i32 from vector<1xi32>
      %add3A_372 = arith.constant 6 : i32
      %add3A_373 = arith.addi %mul3A_150, %add3A_372 : i32
      %dma_start3A_374 = arith.constant 0 : i32
      %dma_start3A_375 = tpu.memref_slice %arg19[%add3A_373, %dma_start3A_374] : memref<128x64xf32, #tpu.memory_space<vmem>> -> memref<1x64xf32, #tpu.memory_space<vmem>>
      %dma_start3A_376 = arith.constant 0 : i32
      %dma_start3A_377 = tpu.memref_slice %arg6[%squeeze3A_371, %dma_start3A_376] : memref<1000000x64xf32, #tpu.memory_space<hbm>> -> memref<1x64xf32, #tpu.memory_space<hbm>>
      %dma_start3A_378 = arith.constant 0 : i32
      %dma_start3A_379 = tpu.memref_slice %arg19[%add3A_373, %dma_start3A_378] : memref<128x64xf32, #tpu.memory_space<vmem>> -> memref<1x64xf32, #tpu.memory_space<vmem>>
      %dma_start3A_380 = arith.constant 0 : i32
      %dma_start3A_381 = tpu.memref_slice %arg6[%squeeze3A_371, %dma_start3A_380] : memref<1000000x64xf32, #tpu.memory_space<hbm>> -> memref<1x64xf32, #tpu.memory_space<hbm>>
      tpu.enqueue_dma source(%dma_start3A_381 : memref<1x64xf32, #tpu.memory_space<hbm>>) target(%dma_start3A_379 : memref<1x64xf32, #tpu.memory_space<vmem>>) target_semaphore(%arg24 : memref<!tpu.dma_semaphore, #tpu.memory_space<semaphore_mem>>)
      %slice3A_382 = vector.extract_strided_slice %get3A_153 {offsets = [6], sizes = [1], strides = [1]} : vector<16xi32> to vector<1xi32>
      %squeeze3A_383 = vector.extract %slice3A_382[0] : i32 from vector<1xi32>
      %add3A_384 = arith.constant 6 : i32
      %add3A_385 = arith.addi %mul3A_150, %add3A_384 : i32
      %dma_start3A_386 = arith.constant 0 : i32
      %dma_start3A_387 = tpu.memref_slice %arg20[%add3A_385, %dma_start3A_386] : memref<128x64xf32, #tpu.memory_space<vmem>> -> memref<1x64xf32, #tpu.memory_space<vmem>>
      %dma_start3A_388 = arith.constant 0 : i32
      %dma_start3A_389 = tpu.memref_slice %arg6[%squeeze3A_383, %dma_start3A_388] : memref<1000000x64xf32, #tpu.memory_space<hbm>> -> memref<1x64xf32, #tpu.memory_space<hbm>>
      %dma_start3A_390 = arith.constant 0 : i32
      %dma_start3A_391 = tpu.memref_slice %arg20[%add3A_385, %dma_start3A_390] : memref<128x64xf32, #tpu.memory_space<vmem>> -> memref<1x64xf32, #tpu.memory_space<vmem>>
      %dma_start3A_392 = arith.constant 0 : i32
      %dma_start3A_393 = tpu.memref_slice %arg6[%squeeze3A_383, %dma_start3A_392] : memref<1000000x64xf32, #tpu.memory_space<hbm>> -> memref<1x64xf32, #tpu.memory_space<hbm>>
      tpu.enqueue_dma source(%dma_start3A_393 : memref<1x64xf32, #tpu.memory_space<hbm>>) target(%dma_start3A_391 : memref<1x64xf32, #tpu.memory_space<vmem>>) target_semaphore(%arg24 : memref<!tpu.dma_semaphore, #tpu.memory_space<semaphore_mem>>)
      %slice3A_394 = vector.extract_strided_slice %get3A_155 {offsets = [6], sizes = [1], strides = [1]} : vector<16xi32> to vector<1xi32>
      %squeeze3A_395 = vector.extract %slice3A_394[0] : i32 from vector<1xi32>
      %add3A_396 = arith.constant 6 : i32
      %add3A_397 = arith.addi %mul3A_150, %add3A_396 : i32
      %dma_start3A_398 = arith.constant 0 : i32
      %dma_start3A_399 = tpu.memref_slice %arg21[%add3A_397, %dma_start3A_398] : memref<128x64xf32, #tpu.memory_space<vmem>> -> memref<1x64xf32, #tpu.memory_space<vmem>>
      %dma_start3A_400 = arith.constant 0 : i32
      %dma_start3A_401 = tpu.memref_slice %arg7[%squeeze3A_395, %dma_start3A_400] : memref<100x64xf32, #tpu.memory_space<hbm>> -> memref<1x64xf32, #tpu.memory_space<hbm>>
      %dma_start3A_402 = arith.constant 0 : i32
      %dma_start3A_403 = tpu.memref_slice %arg21[%add3A_397, %dma_start3A_402] : memref<128x64xf32, #tpu.memory_space<vmem>> -> memref<1x64xf32, #tpu.memory_space<vmem>>
      %dma_start3A_404 = arith.constant 0 : i32
      %dma_start3A_405 = tpu.memref_slice %arg7[%squeeze3A_395, %dma_start3A_404] : memref<100x64xf32, #tpu.memory_space<hbm>> -> memref<1x64xf32, #tpu.memory_space<hbm>>
      tpu.enqueue_dma source(%dma_start3A_405 : memref<1x64xf32, #tpu.memory_space<hbm>>) target(%dma_start3A_403 : memref<1x64xf32, #tpu.memory_space<vmem>>) target_semaphore(%arg24 : memref<!tpu.dma_semaphore, #tpu.memory_space<semaphore_mem>>)
      %slice3A_406 = vector.extract_strided_slice %get3A_151 {offsets = [7], sizes = [1], strides = [1]} : vector<16xi32> to vector<1xi32>
      %squeeze3A_407 = vector.extract %slice3A_406[0] : i32 from vector<1xi32>
      %add3A_408 = arith.constant 7 : i32
      %add3A_409 = arith.addi %mul3A_150, %add3A_408 : i32
      %dma_start3A_410 = arith.constant 0 : i32
      %dma_start3A_411 = tpu.memref_slice %arg19[%add3A_409, %dma_start3A_410] : memref<128x64xf32, #tpu.memory_space<vmem>> -> memref<1x64xf32, #tpu.memory_space<vmem>>
      %dma_start3A_412 = arith.constant 0 : i32
      %dma_start3A_413 = tpu.memref_slice %arg6[%squeeze3A_407, %dma_start3A_412] : memref<1000000x64xf32, #tpu.memory_space<hbm>> -> memref<1x64xf32, #tpu.memory_space<hbm>>
      %dma_start3A_414 = arith.constant 0 : i32
      %dma_start3A_415 = tpu.memref_slice %arg19[%add3A_409, %dma_start3A_414] : memref<128x64xf32, #tpu.memory_space<vmem>> -> memref<1x64xf32, #tpu.memory_space<vmem>>
      %dma_start3A_416 = arith.constant 0 : i32
      %dma_start3A_417 = tpu.memref_slice %arg6[%squeeze3A_407, %dma_start3A_416] : memref<1000000x64xf32, #tpu.memory_space<hbm>> -> memref<1x64xf32, #tpu.memory_space<hbm>>
      tpu.enqueue_dma source(%dma_start3A_417 : memref<1x64xf32, #tpu.memory_space<hbm>>) target(%dma_start3A_415 : memref<1x64xf32, #tpu.memory_space<vmem>>) target_semaphore(%arg24 : memref<!tpu.dma_semaphore, #tpu.memory_space<semaphore_mem>>)
      %slice3A_418 = vector.extract_strided_slice %get3A_153 {offsets = [7], sizes = [1], strides = [1]} : vector<16xi32> to vector<1xi32>
      %squeeze3A_419 = vector.extract %slice3A_418[0] : i32 from vector<1xi32>
      %add3A_420 = arith.constant 7 : i32
      %add3A_421 = arith.addi %mul3A_150, %add3A_420 : i32
      %dma_start3A_422 = arith.constant 0 : i32
      %dma_start3A_423 = tpu.memref_slice %arg20[%add3A_421, %dma_start3A_422] : memref<128x64xf32, #tpu.memory_space<vmem>> -> memref<1x64xf32, #tpu.memory_space<vmem>>
      %dma_start3A_424 = arith.constant 0 : i32
      %dma_start3A_425 = tpu.memref_slice %arg6[%squeeze3A_419, %dma_start3A_424] : memref<1000000x64xf32, #tpu.memory_space<hbm>> -> memref<1x64xf32, #tpu.memory_space<hbm>>
      %dma_start3A_426 = arith.constant 0 : i32
      %dma_start3A_427 = tpu.memref_slice %arg20[%add3A_421, %dma_start3A_426] : memref<128x64xf32, #tpu.memory_space<vmem>> -> memref<1x64xf32, #tpu.memory_space<vmem>>
      %dma_start3A_428 = arith.constant 0 : i32
      %dma_start3A_429 = tpu.memref_slice %arg6[%squeeze3A_419, %dma_start3A_428] : memref<1000000x64xf32, #tpu.memory_space<hbm>> -> memref<1x64xf32, #tpu.memory_space<hbm>>
      tpu.enqueue_dma source(%dma_start3A_429 : memref<1x64xf32, #tpu.memory_space<hbm>>) target(%dma_start3A_427 : memref<1x64xf32, #tpu.memory_space<vmem>>) target_semaphore(%arg24 : memref<!tpu.dma_semaphore, #tpu.memory_space<semaphore_mem>>)
      %slice3A_430 = vector.extract_strided_slice %get3A_155 {offsets = [7], sizes = [1], strides = [1]} : vector<16xi32> to vector<1xi32>
      %squeeze3A_431 = vector.extract %slice3A_430[0] : i32 from vector<1xi32>
      %add3A_432 = arith.constant 7 : i32
      %add3A_433 = arith.addi %mul3A_150, %add3A_432 : i32
      %dma_start3A_434 = arith.constant 0 : i32
      %dma_start3A_435 = tpu.memref_slice %arg21[%add3A_433, %dma_start3A_434] : memref<128x64xf32, #tpu.memory_space<vmem>> -> memref<1x64xf32, #tpu.memory_space<vmem>>
      %dma_start3A_436 = arith.constant 0 : i32
      %dma_start3A_437 = tpu.memref_slice %arg7[%squeeze3A_431, %dma_start3A_436] : memref<100x64xf32, #tpu.memory_space<hbm>> -> memref<1x64xf32, #tpu.memory_space<hbm>>
      %dma_start3A_438 = arith.constant 0 : i32
      %dma_start3A_439 = tpu.memref_slice %arg21[%add3A_433, %dma_start3A_438] : memref<128x64xf32, #tpu.memory_space<vmem>> -> memref<1x64xf32, #tpu.memory_space<vmem>>
      %dma_start3A_440 = arith.constant 0 : i32
      %dma_start3A_441 = tpu.memref_slice %arg7[%squeeze3A_431, %dma_start3A_440] : memref<100x64xf32, #tpu.memory_space<hbm>> -> memref<1x64xf32, #tpu.memory_space<hbm>>
      tpu.enqueue_dma source(%dma_start3A_441 : memref<1x64xf32, #tpu.memory_space<hbm>>) target(%dma_start3A_439 : memref<1x64xf32, #tpu.memory_space<vmem>>) target_semaphore(%arg24 : memref<!tpu.dma_semaphore, #tpu.memory_space<semaphore_mem>>)
      %slice3A_442 = vector.extract_strided_slice %get3A_151 {offsets = [8], sizes = [1], strides = [1]} : vector<16xi32> to vector<1xi32>
      %squeeze3A_443 = vector.extract %slice3A_442[0] : i32 from vector<1xi32>
      %add3A_444 = arith.constant 8 : i32
      %add3A_445 = arith.addi %mul3A_150, %add3A_444 : i32
      %dma_start3A_446 = arith.constant 0 : i32
      %dma_start3A_447 = tpu.memref_slice %arg19[%add3A_445, %dma_start3A_446] : memref<128x64xf32, #tpu.memory_space<vmem>> -> memref<1x64xf32, #tpu.memory_space<vmem>>
      %dma_start3A_448 = arith.constant 0 : i32
      %dma_start3A_449 = tpu.memref_slice %arg6[%squeeze3A_443, %dma_start3A_448] : memref<1000000x64xf32, #tpu.memory_space<hbm>> -> memref<1x64xf32, #tpu.memory_space<hbm>>
      %dma_start3A_450 = arith.constant 0 : i32
      %dma_start3A_451 = tpu.memref_slice %arg19[%add3A_445, %dma_start3A_450] : memref<128x64xf32, #tpu.memory_space<vmem>> -> memref<1x64xf32, #tpu.memory_space<vmem>>
      %dma_start3A_452 = arith.constant 0 : i32
      %dma_start3A_453 = tpu.memref_slice %arg6[%squeeze3A_443, %dma_start3A_452] : memref<1000000x64xf32, #tpu.memory_space<hbm>> -> memref<1x64xf32, #tpu.memory_space<hbm>>
      tpu.enqueue_dma source(%dma_start3A_453 : memref<1x64xf32, #tpu.memory_space<hbm>>) target(%dma_start3A_451 : memref<1x64xf32, #tpu.memory_space<vmem>>) target_semaphore(%arg24 : memref<!tpu.dma_semaphore, #tpu.memory_space<semaphore_mem>>)
      %slice3A_454 = vector.extract_strided_slice %get3A_153 {offsets = [8], sizes = [1], strides = [1]} : vector<16xi32> to vector<1xi32>
      %squeeze3A_455 = vector.extract %slice3A_454[0] : i32 from vector<1xi32>
      %add3A_456 = arith.constant 8 : i32
      %add3A_457 = arith.addi %mul3A_150, %add3A_456 : i32
      %dma_start3A_458 = arith.constant 0 : i32
      %dma_start3A_459 = tpu.memref_slice %arg20[%add3A_457, %dma_start3A_458] : memref<128x64xf32, #tpu.memory_space<vmem>> -> memref<1x64xf32, #tpu.memory_space<vmem>>
      %dma_start3A_460 = arith.constant 0 : i32
      %dma_start3A_461 = tpu.memref_slice %arg6[%squeeze3A_455, %dma_start3A_460] : memref<1000000x64xf32, #tpu.memory_space<hbm>> -> memref<1x64xf32, #tpu.memory_space<hbm>>
      %dma_start3A_462 = arith.constant 0 : i32
      %dma_start3A_463 = tpu.memref_slice %arg20[%add3A_457, %dma_start3A_462] : memref<128x64xf32, #tpu.memory_space<vmem>> -> memref<1x64xf32, #tpu.memory_space<vmem>>
      %dma_start3A_464 = arith.constant 0 : i32
      %dma_start3A_465 = tpu.memref_slice %arg6[%squeeze3A_455, %dma_start3A_464] : memref<1000000x64xf32, #tpu.memory_space<hbm>> -> memref<1x64xf32, #tpu.memory_space<hbm>>
      tpu.enqueue_dma source(%dma_start3A_465 : memref<1x64xf32, #tpu.memory_space<hbm>>) target(%dma_start3A_463 : memref<1x64xf32, #tpu.memory_space<vmem>>) target_semaphore(%arg24 : memref<!tpu.dma_semaphore, #tpu.memory_space<semaphore_mem>>)
      %slice3A_466 = vector.extract_strided_slice %get3A_155 {offsets = [8], sizes = [1], strides = [1]} : vector<16xi32> to vector<1xi32>
      %squeeze3A_467 = vector.extract %slice3A_466[0] : i32 from vector<1xi32>
      %add3A_468 = arith.constant 8 : i32
      %add3A_469 = arith.addi %mul3A_150, %add3A_468 : i32
      %dma_start3A_470 = arith.constant 0 : i32
      %dma_start3A_471 = tpu.memref_slice %arg21[%add3A_469, %dma_start3A_470] : memref<128x64xf32, #tpu.memory_space<vmem>> -> memref<1x64xf32, #tpu.memory_space<vmem>>
      %dma_start3A_472 = arith.constant 0 : i32
      %dma_start3A_473 = tpu.memref_slice %arg7[%squeeze3A_467, %dma_start3A_472] : memref<100x64xf32, #tpu.memory_space<hbm>> -> memref<1x64xf32, #tpu.memory_space<hbm>>
      %dma_start3A_474 = arith.constant 0 : i32
      %dma_start3A_475 = tpu.memref_slice %arg21[%add3A_469, %dma_start3A_474] : memref<128x64xf32, #tpu.memory_space<vmem>> -> memref<1x64xf32, #tpu.memory_space<vmem>>
      %dma_start3A_476 = arith.constant 0 : i32
      %dma_start3A_477 = tpu.memref_slice %arg7[%squeeze3A_467, %dma_start3A_476] : memref<100x64xf32, #tpu.memory_space<hbm>> -> memref<1x64xf32, #tpu.memory_space<hbm>>
      tpu.enqueue_dma source(%dma_start3A_477 : memref<1x64xf32, #tpu.memory_space<hbm>>) target(%dma_start3A_475 : memref<1x64xf32, #tpu.memory_space<vmem>>) target_semaphore(%arg24 : memref<!tpu.dma_semaphore, #tpu.memory_space<semaphore_mem>>)
      %slice3A_478 = vector.extract_strided_slice %get3A_151 {offsets = [9], sizes = [1], strides = [1]} : vector<16xi32> to vector<1xi32>
      %squeeze3A_479 = vector.extract %slice3A_478[0] : i32 from vector<1xi32>
      %add3A_480 = arith.constant 9 : i32
      %add3A_481 = arith.addi %mul3A_150, %add3A_480 : i32
      %dma_start3A_482 = arith.constant 0 : i32
      %dma_start3A_483 = tpu.memref_slice %arg19[%add3A_481, %dma_start3A_482] : memref<128x64xf32, #tpu.memory_space<vmem>> -> memref<1x64xf32, #tpu.memory_space<vmem>>
      %dma_start3A_484 = arith.constant 0 : i32
      %dma_start3A_485 = tpu.memref_slice %arg6[%squeeze3A_479, %dma_start3A_484] : memref<1000000x64xf32, #tpu.memory_space<hbm>> -> memref<1x64xf32, #tpu.memory_space<hbm>>
      %dma_start3A_486 = arith.constant 0 : i32
      %dma_start3A_487 = tpu.memref_slice %arg19[%add3A_481, %dma_start3A_486] : memref<128x64xf32, #tpu.memory_space<vmem>> -> memref<1x64xf32, #tpu.memory_space<vmem>>
      %dma_start3A_488 = arith.constant 0 : i32
      %dma_start3A_489 = tpu.memref_slice %arg6[%squeeze3A_479, %dma_start3A_488] : memref<1000000x64xf32, #tpu.memory_space<hbm>> -> memref<1x64xf32, #tpu.memory_space<hbm>>
      tpu.enqueue_dma source(%dma_start3A_489 : memref<1x64xf32, #tpu.memory_space<hbm>>) target(%dma_start3A_487 : memref<1x64xf32, #tpu.memory_space<vmem>>) target_semaphore(%arg24 : memref<!tpu.dma_semaphore, #tpu.memory_space<semaphore_mem>>)
      %slice3A_490 = vector.extract_strided_slice %get3A_153 {offsets = [9], sizes = [1], strides = [1]} : vector<16xi32> to vector<1xi32>
      %squeeze3A_491 = vector.extract %slice3A_490[0] : i32 from vector<1xi32>
      %add3A_492 = arith.constant 9 : i32
      %add3A_493 = arith.addi %mul3A_150, %add3A_492 : i32
      %dma_start3A_494 = arith.constant 0 : i32
      %dma_start3A_495 = tpu.memref_slice %arg20[%add3A_493, %dma_start3A_494] : memref<128x64xf32, #tpu.memory_space<vmem>> -> memref<1x64xf32, #tpu.memory_space<vmem>>
      %dma_start3A_496 = arith.constant 0 : i32
      %dma_start3A_497 = tpu.memref_slice %arg6[%squeeze3A_491, %dma_start3A_496] : memref<1000000x64xf32, #tpu.memory_space<hbm>> -> memref<1x64xf32, #tpu.memory_space<hbm>>
      %dma_start3A_498 = arith.constant 0 : i32
      %dma_start3A_499 = tpu.memref_slice %arg20[%add3A_493, %dma_start3A_498] : memref<128x64xf32, #tpu.memory_space<vmem>> -> memref<1x64xf32, #tpu.memory_space<vmem>>
      %dma_start3A_500 = arith.constant 0 : i32
      %dma_start3A_501 = tpu.memref_slice %arg6[%squeeze3A_491, %dma_start3A_500] : memref<1000000x64xf32, #tpu.memory_space<hbm>> -> memref<1x64xf32, #tpu.memory_space<hbm>>
      tpu.enqueue_dma source(%dma_start3A_501 : memref<1x64xf32, #tpu.memory_space<hbm>>) target(%dma_start3A_499 : memref<1x64xf32, #tpu.memory_space<vmem>>) target_semaphore(%arg24 : memref<!tpu.dma_semaphore, #tpu.memory_space<semaphore_mem>>)
      %slice3A_502 = vector.extract_strided_slice %get3A_155 {offsets = [9], sizes = [1], strides = [1]} : vector<16xi32> to vector<1xi32>
      %squeeze3A_503 = vector.extract %slice3A_502[0] : i32 from vector<1xi32>
      %add3A_504 = arith.constant 9 : i32
      %add3A_505 = arith.addi %mul3A_150, %add3A_504 : i32
      %dma_start3A_506 = arith.constant 0 : i32
      %dma_start3A_507 = tpu.memref_slice %arg21[%add3A_505, %dma_start3A_506] : memref<128x64xf32, #tpu.memory_space<vmem>> -> memref<1x64xf32, #tpu.memory_space<vmem>>
      %dma_start3A_508 = arith.constant 0 : i32
      %dma_start3A_509 = tpu.memref_slice %arg7[%squeeze3A_503, %dma_start3A_508] : memref<100x64xf32, #tpu.memory_space<hbm>> -> memref<1x64xf32, #tpu.memory_space<hbm>>
      %dma_start3A_510 = arith.constant 0 : i32
      %dma_start3A_511 = tpu.memref_slice %arg21[%add3A_505, %dma_start3A_510] : memref<128x64xf32, #tpu.memory_space<vmem>> -> memref<1x64xf32, #tpu.memory_space<vmem>>
      %dma_start3A_512 = arith.constant 0 : i32
      %dma_start3A_513 = tpu.memref_slice %arg7[%squeeze3A_503, %dma_start3A_512] : memref<100x64xf32, #tpu.memory_space<hbm>> -> memref<1x64xf32, #tpu.memory_space<hbm>>
      tpu.enqueue_dma source(%dma_start3A_513 : memref<1x64xf32, #tpu.memory_space<hbm>>) target(%dma_start3A_511 : memref<1x64xf32, #tpu.memory_space<vmem>>) target_semaphore(%arg24 : memref<!tpu.dma_semaphore, #tpu.memory_space<semaphore_mem>>)
      %slice3A_514 = vector.extract_strided_slice %get3A_151 {offsets = [10], sizes = [1], strides = [1]} : vector<16xi32> to vector<1xi32>
      %squeeze3A_515 = vector.extract %slice3A_514[0] : i32 from vector<1xi32>
      %add3A_516 = arith.constant 10 : i32
      %add3A_517 = arith.addi %mul3A_150, %add3A_516 : i32
      %dma_start3A_518 = arith.constant 0 : i32
      %dma_start3A_519 = tpu.memref_slice %arg19[%add3A_517, %dma_start3A_518] : memref<128x64xf32, #tpu.memory_space<vmem>> -> memref<1x64xf32, #tpu.memory_space<vmem>>
      %dma_start3A_520 = arith.constant 0 : i32
      %dma_start3A_521 = tpu.memref_slice %arg6[%squeeze3A_515, %dma_start3A_520] : memref<1000000x64xf32, #tpu.memory_space<hbm>> -> memref<1x64xf32, #tpu.memory_space<hbm>>
      %dma_start3A_522 = arith.constant 0 : i32
      %dma_start3A_523 = tpu.memref_slice %arg19[%add3A_517, %dma_start3A_522] : memref<128x64xf32, #tpu.memory_space<vmem>> -> memref<1x64xf32, #tpu.memory_space<vmem>>
      %dma_start3A_524 = arith.constant 0 : i32
      %dma_start3A_525 = tpu.memref_slice %arg6[%squeeze3A_515, %dma_start3A_524] : memref<1000000x64xf32, #tpu.memory_space<hbm>> -> memref<1x64xf32, #tpu.memory_space<hbm>>
      tpu.enqueue_dma source(%dma_start3A_525 : memref<1x64xf32, #tpu.memory_space<hbm>>) target(%dma_start3A_523 : memref<1x64xf32, #tpu.memory_space<vmem>>) target_semaphore(%arg24 : memref<!tpu.dma_semaphore, #tpu.memory_space<semaphore_mem>>)
      %slice3A_526 = vector.extract_strided_slice %get3A_153 {offsets = [10], sizes = [1], strides = [1]} : vector<16xi32> to vector<1xi32>
      %squeeze3A_527 = vector.extract %slice3A_526[0] : i32 from vector<1xi32>
      %add3A_528 = arith.constant 10 : i32
      %add3A_529 = arith.addi %mul3A_150, %add3A_528 : i32
      %dma_start3A_530 = arith.constant 0 : i32
      %dma_start3A_531 = tpu.memref_slice %arg20[%add3A_529, %dma_start3A_530] : memref<128x64xf32, #tpu.memory_space<vmem>> -> memref<1x64xf32, #tpu.memory_space<vmem>>
      %dma_start3A_532 = arith.constant 0 : i32
      %dma_start3A_533 = tpu.memref_slice %arg6[%squeeze3A_527, %dma_start3A_532] : memref<1000000x64xf32, #tpu.memory_space<hbm>> -> memref<1x64xf32, #tpu.memory_space<hbm>>
      %dma_start3A_534 = arith.constant 0 : i32
      %dma_start3A_535 = tpu.memref_slice %arg20[%add3A_529, %dma_start3A_534] : memref<128x64xf32, #tpu.memory_space<vmem>> -> memref<1x64xf32, #tpu.memory_space<vmem>>
      %dma_start3A_536 = arith.constant 0 : i32
      %dma_start3A_537 = tpu.memref_slice %arg6[%squeeze3A_527, %dma_start3A_536] : memref<1000000x64xf32, #tpu.memory_space<hbm>> -> memref<1x64xf32, #tpu.memory_space<hbm>>
      tpu.enqueue_dma source(%dma_start3A_537 : memref<1x64xf32, #tpu.memory_space<hbm>>) target(%dma_start3A_535 : memref<1x64xf32, #tpu.memory_space<vmem>>) target_semaphore(%arg24 : memref<!tpu.dma_semaphore, #tpu.memory_space<semaphore_mem>>)
      %slice3A_538 = vector.extract_strided_slice %get3A_155 {offsets = [10], sizes = [1], strides = [1]} : vector<16xi32> to vector<1xi32>
      %squeeze3A_539 = vector.extract %slice3A_538[0] : i32 from vector<1xi32>
      %add3A_540 = arith.constant 10 : i32
      %add3A_541 = arith.addi %mul3A_150, %add3A_540 : i32
      %dma_start3A_542 = arith.constant 0 : i32
      %dma_start3A_543 = tpu.memref_slice %arg21[%add3A_541, %dma_start3A_542] : memref<128x64xf32, #tpu.memory_space<vmem>> -> memref<1x64xf32, #tpu.memory_space<vmem>>
      %dma_start3A_544 = arith.constant 0 : i32
      %dma_start3A_545 = tpu.memref_slice %arg7[%squeeze3A_539, %dma_start3A_544] : memref<100x64xf32, #tpu.memory_space<hbm>> -> memref<1x64xf32, #tpu.memory_space<hbm>>
      %dma_start3A_546 = arith.constant 0 : i32
      %dma_start3A_547 = tpu.memref_slice %arg21[%add3A_541, %dma_start3A_546] : memref<128x64xf32, #tpu.memory_space<vmem>> -> memref<1x64xf32, #tpu.memory_space<vmem>>
      %dma_start3A_548 = arith.constant 0 : i32
      %dma_start3A_549 = tpu.memref_slice %arg7[%squeeze3A_539, %dma_start3A_548] : memref<100x64xf32, #tpu.memory_space<hbm>> -> memref<1x64xf32, #tpu.memory_space<hbm>>
      tpu.enqueue_dma source(%dma_start3A_549 : memref<1x64xf32, #tpu.memory_space<hbm>>) target(%dma_start3A_547 : memref<1x64xf32, #tpu.memory_space<vmem>>) target_semaphore(%arg24 : memref<!tpu.dma_semaphore, #tpu.memory_space<semaphore_mem>>)
      %slice3A_550 = vector.extract_strided_slice %get3A_151 {offsets = [11], sizes = [1], strides = [1]} : vector<16xi32> to vector<1xi32>
      %squeeze3A_551 = vector.extract %slice3A_550[0] : i32 from vector<1xi32>
      %add3A_552 = arith.constant 11 : i32
      %add3A_553 = arith.addi %mul3A_150, %add3A_552 : i32
      %dma_start3A_554 = arith.constant 0 : i32
      %dma_start3A_555 = tpu.memref_slice %arg19[%add3A_553, %dma_start3A_554] : memref<128x64xf32, #tpu.memory_space<vmem>> -> memref<1x64xf32, #tpu.memory_space<vmem>>
      %dma_start3A_556 = arith.constant 0 : i32
      %dma_start3A_557 = tpu.memref_slice %arg6[%squeeze3A_551, %dma_start3A_556] : memref<1000000x64xf32, #tpu.memory_space<hbm>> -> memref<1x64xf32, #tpu.memory_space<hbm>>
      %dma_start3A_558 = arith.constant 0 : i32
      %dma_start3A_559 = tpu.memref_slice %arg19[%add3A_553, %dma_start3A_558] : memref<128x64xf32, #tpu.memory_space<vmem>> -> memref<1x64xf32, #tpu.memory_space<vmem>>
      %dma_start3A_560 = arith.constant 0 : i32
      %dma_start3A_561 = tpu.memref_slice %arg6[%squeeze3A_551, %dma_start3A_560] : memref<1000000x64xf32, #tpu.memory_space<hbm>> -> memref<1x64xf32, #tpu.memory_space<hbm>>
      tpu.enqueue_dma source(%dma_start3A_561 : memref<1x64xf32, #tpu.memory_space<hbm>>) target(%dma_start3A_559 : memref<1x64xf32, #tpu.memory_space<vmem>>) target_semaphore(%arg24 : memref<!tpu.dma_semaphore, #tpu.memory_space<semaphore_mem>>)
      %slice3A_562 = vector.extract_strided_slice %get3A_153 {offsets = [11], sizes = [1], strides = [1]} : vector<16xi32> to vector<1xi32>
      %squeeze3A_563 = vector.extract %slice3A_562[0] : i32 from vector<1xi32>
      %add3A_564 = arith.constant 11 : i32
      %add3A_565 = arith.addi %mul3A_150, %add3A_564 : i32
      %dma_start3A_566 = arith.constant 0 : i32
      %dma_start3A_567 = tpu.memref_slice %arg20[%add3A_565, %dma_start3A_566] : memref<128x64xf32, #tpu.memory_space<vmem>> -> memref<1x64xf32, #tpu.memory_space<vmem>>
      %dma_start3A_568 = arith.constant 0 : i32
      %dma_start3A_569 = tpu.memref_slice %arg6[%squeeze3A_563, %dma_start3A_568] : memref<1000000x64xf32, #tpu.memory_space<hbm>> -> memref<1x64xf32, #tpu.memory_space<hbm>>
      %dma_start3A_570 = arith.constant 0 : i32
      %dma_start3A_571 = tpu.memref_slice %arg20[%add3A_565, %dma_start3A_570] : memref<128x64xf32, #tpu.memory_space<vmem>> -> memref<1x64xf32, #tpu.memory_space<vmem>>
      %dma_start3A_572 = arith.constant 0 : i32
      %dma_start3A_573 = tpu.memref_slice %arg6[%squeeze3A_563, %dma_start3A_572] : memref<1000000x64xf32, #tpu.memory_space<hbm>> -> memref<1x64xf32, #tpu.memory_space<hbm>>
      tpu.enqueue_dma source(%dma_start3A_573 : memref<1x64xf32, #tpu.memory_space<hbm>>) target(%dma_start3A_571 : memref<1x64xf32, #tpu.memory_space<vmem>>) target_semaphore(%arg24 : memref<!tpu.dma_semaphore, #tpu.memory_space<semaphore_mem>>)
      %slice3A_574 = vector.extract_strided_slice %get3A_155 {offsets = [11], sizes = [1], strides = [1]} : vector<16xi32> to vector<1xi32>
      %squeeze3A_575 = vector.extract %slice3A_574[0] : i32 from vector<1xi32>
      %add3A_576 = arith.constant 11 : i32
      %add3A_577 = arith.addi %mul3A_150, %add3A_576 : i32
      %dma_start3A_578 = arith.constant 0 : i32
      %dma_start3A_579 = tpu.memref_slice %arg21[%add3A_577, %dma_start3A_578] : memref<128x64xf32, #tpu.memory_space<vmem>> -> memref<1x64xf32, #tpu.memory_space<vmem>>
      %dma_start3A_580 = arith.constant 0 : i32
      %dma_start3A_581 = tpu.memref_slice %arg7[%squeeze3A_575, %dma_start3A_580] : memref<100x64xf32, #tpu.memory_space<hbm>> -> memref<1x64xf32, #tpu.memory_space<hbm>>
      %dma_start3A_582 = arith.constant 0 : i32
      %dma_start3A_583 = tpu.memref_slice %arg21[%add3A_577, %dma_start3A_582] : memref<128x64xf32, #tpu.memory_space<vmem>> -> memref<1x64xf32, #tpu.memory_space<vmem>>
      %dma_start3A_584 = arith.constant 0 : i32
      %dma_start3A_585 = tpu.memref_slice %arg7[%squeeze3A_575, %dma_start3A_584] : memref<100x64xf32, #tpu.memory_space<hbm>> -> memref<1x64xf32, #tpu.memory_space<hbm>>
      tpu.enqueue_dma source(%dma_start3A_585 : memref<1x64xf32, #tpu.memory_space<hbm>>) target(%dma_start3A_583 : memref<1x64xf32, #tpu.memory_space<vmem>>) target_semaphore(%arg24 : memref<!tpu.dma_semaphore, #tpu.memory_space<semaphore_mem>>)
      %slice3A_586 = vector.extract_strided_slice %get3A_151 {offsets = [12], sizes = [1], strides = [1]} : vector<16xi32> to vector<1xi32>
      %squeeze3A_587 = vector.extract %slice3A_586[0] : i32 from vector<1xi32>
      %add3A_588 = arith.constant 12 : i32
      %add3A_589 = arith.addi %mul3A_150, %add3A_588 : i32
      %dma_start3A_590 = arith.constant 0 : i32
      %dma_start3A_591 = tpu.memref_slice %arg19[%add3A_589, %dma_start3A_590] : memref<128x64xf32, #tpu.memory_space<vmem>> -> memref<1x64xf32, #tpu.memory_space<vmem>>
      %dma_start3A_592 = arith.constant 0 : i32
      %dma_start3A_593 = tpu.memref_slice %arg6[%squeeze3A_587, %dma_start3A_592] : memref<1000000x64xf32, #tpu.memory_space<hbm>> -> memref<1x64xf32, #tpu.memory_space<hbm>>
      %dma_start3A_594 = arith.constant 0 : i32
      %dma_start3A_595 = tpu.memref_slice %arg19[%add3A_589, %dma_start3A_594] : memref<128x64xf32, #tpu.memory_space<vmem>> -> memref<1x64xf32, #tpu.memory_space<vmem>>
      %dma_start3A_596 = arith.constant 0 : i32
      %dma_start3A_597 = tpu.memref_slice %arg6[%squeeze3A_587, %dma_start3A_596] : memref<1000000x64xf32, #tpu.memory_space<hbm>> -> memref<1x64xf32, #tpu.memory_space<hbm>>
      tpu.enqueue_dma source(%dma_start3A_597 : memref<1x64xf32, #tpu.memory_space<hbm>>) target(%dma_start3A_595 : memref<1x64xf32, #tpu.memory_space<vmem>>) target_semaphore(%arg24 : memref<!tpu.dma_semaphore, #tpu.memory_space<semaphore_mem>>)
      %slice3A_598 = vector.extract_strided_slice %get3A_153 {offsets = [12], sizes = [1], strides = [1]} : vector<16xi32> to vector<1xi32>
      %squeeze3A_599 = vector.extract %slice3A_598[0] : i32 from vector<1xi32>
      %add3A_600 = arith.constant 12 : i32
      %add3A_601 = arith.addi %mul3A_150, %add3A_600 : i32
      %dma_start3A_602 = arith.constant 0 : i32
      %dma_start3A_603 = tpu.memref_slice %arg20[%add3A_601, %dma_start3A_602] : memref<128x64xf32, #tpu.memory_space<vmem>> -> memref<1x64xf32, #tpu.memory_space<vmem>>
      %dma_start3A_604 = arith.constant 0 : i32
      %dma_start3A_605 = tpu.memref_slice %arg6[%squeeze3A_599, %dma_start3A_604] : memref<1000000x64xf32, #tpu.memory_space<hbm>> -> memref<1x64xf32, #tpu.memory_space<hbm>>
      %dma_start3A_606 = arith.constant 0 : i32
      %dma_start3A_607 = tpu.memref_slice %arg20[%add3A_601, %dma_start3A_606] : memref<128x64xf32, #tpu.memory_space<vmem>> -> memref<1x64xf32, #tpu.memory_space<vmem>>
      %dma_start3A_608 = arith.constant 0 : i32
      %dma_start3A_609 = tpu.memref_slice %arg6[%squeeze3A_599, %dma_start3A_608] : memref<1000000x64xf32, #tpu.memory_space<hbm>> -> memref<1x64xf32, #tpu.memory_space<hbm>>
      tpu.enqueue_dma source(%dma_start3A_609 : memref<1x64xf32, #tpu.memory_space<hbm>>) target(%dma_start3A_607 : memref<1x64xf32, #tpu.memory_space<vmem>>) target_semaphore(%arg24 : memref<!tpu.dma_semaphore, #tpu.memory_space<semaphore_mem>>)
      %slice3A_610 = vector.extract_strided_slice %get3A_155 {offsets = [12], sizes = [1], strides = [1]} : vector<16xi32> to vector<1xi32>
      %squeeze3A_611 = vector.extract %slice3A_610[0] : i32 from vector<1xi32>
      %add3A_612 = arith.constant 12 : i32
      %add3A_613 = arith.addi %mul3A_150, %add3A_612 : i32
      %dma_start3A_614 = arith.constant 0 : i32
      %dma_start3A_615 = tpu.memref_slice %arg21[%add3A_613, %dma_start3A_614] : memref<128x64xf32, #tpu.memory_space<vmem>> -> memref<1x64xf32, #tpu.memory_space<vmem>>
      %dma_start3A_616 = arith.constant 0 : i32
      %dma_start3A_617 = tpu.memref_slice %arg7[%squeeze3A_611, %dma_start3A_616] : memref<100x64xf32, #tpu.memory_space<hbm>> -> memref<1x64xf32, #tpu.memory_space<hbm>>
      %dma_start3A_618 = arith.constant 0 : i32
      %dma_start3A_619 = tpu.memref_slice %arg21[%add3A_613, %dma_start3A_618] : memref<128x64xf32, #tpu.memory_space<vmem>> -> memref<1x64xf32, #tpu.memory_space<vmem>>
      %dma_start3A_620 = arith.constant 0 : i32
      %dma_start3A_621 = tpu.memref_slice %arg7[%squeeze3A_611, %dma_start3A_620] : memref<100x64xf32, #tpu.memory_space<hbm>> -> memref<1x64xf32, #tpu.memory_space<hbm>>
      tpu.enqueue_dma source(%dma_start3A_621 : memref<1x64xf32, #tpu.memory_space<hbm>>) target(%dma_start3A_619 : memref<1x64xf32, #tpu.memory_space<vmem>>) target_semaphore(%arg24 : memref<!tpu.dma_semaphore, #tpu.memory_space<semaphore_mem>>)
      %slice3A_622 = vector.extract_strided_slice %get3A_151 {offsets = [13], sizes = [1], strides = [1]} : vector<16xi32> to vector<1xi32>
      %squeeze3A_623 = vector.extract %slice3A_622[0] : i32 from vector<1xi32>
      %add3A_624 = arith.constant 13 : i32
      %add3A_625 = arith.addi %mul3A_150, %add3A_624 : i32
      %dma_start3A_626 = arith.constant 0 : i32
      %dma_start3A_627 = tpu.memref_slice %arg19[%add3A_625, %dma_start3A_626] : memref<128x64xf32, #tpu.memory_space<vmem>> -> memref<1x64xf32, #tpu.memory_space<vmem>>
      %dma_start3A_628 = arith.constant 0 : i32
      %dma_start3A_629 = tpu.memref_slice %arg6[%squeeze3A_623, %dma_start3A_628] : memref<1000000x64xf32, #tpu.memory_space<hbm>> -> memref<1x64xf32, #tpu.memory_space<hbm>>
      %dma_start3A_630 = arith.constant 0 : i32
      %dma_start3A_631 = tpu.memref_slice %arg19[%add3A_625, %dma_start3A_630] : memref<128x64xf32, #tpu.memory_space<vmem>> -> memref<1x64xf32, #tpu.memory_space<vmem>>
      %dma_start3A_632 = arith.constant 0 : i32
      %dma_start3A_633 = tpu.memref_slice %arg6[%squeeze3A_623, %dma_start3A_632] : memref<1000000x64xf32, #tpu.memory_space<hbm>> -> memref<1x64xf32, #tpu.memory_space<hbm>>
      tpu.enqueue_dma source(%dma_start3A_633 : memref<1x64xf32, #tpu.memory_space<hbm>>) target(%dma_start3A_631 : memref<1x64xf32, #tpu.memory_space<vmem>>) target_semaphore(%arg24 : memref<!tpu.dma_semaphore, #tpu.memory_space<semaphore_mem>>)
      %slice3A_634 = vector.extract_strided_slice %get3A_153 {offsets = [13], sizes = [1], strides = [1]} : vector<16xi32> to vector<1xi32>
      %squeeze3A_635 = vector.extract %slice3A_634[0] : i32 from vector<1xi32>
      %add3A_636 = arith.constant 13 : i32
      %add3A_637 = arith.addi %mul3A_150, %add3A_636 : i32
      %dma_start3A_638 = arith.constant 0 : i32
      %dma_start3A_639 = tpu.memref_slice %arg20[%add3A_637, %dma_start3A_638] : memref<128x64xf32, #tpu.memory_space<vmem>> -> memref<1x64xf32, #tpu.memory_space<vmem>>
      %dma_start3A_640 = arith.constant 0 : i32
      %dma_start3A_641 = tpu.memref_slice %arg6[%squeeze3A_635, %dma_start3A_640] : memref<1000000x64xf32, #tpu.memory_space<hbm>> -> memref<1x64xf32, #tpu.memory_space<hbm>>
      %dma_start3A_642 = arith.constant 0 : i32
      %dma_start3A_643 = tpu.memref_slice %arg20[%add3A_637, %dma_start3A_642] : memref<128x64xf32, #tpu.memory_space<vmem>> -> memref<1x64xf32, #tpu.memory_space<vmem>>
      %dma_start3A_644 = arith.constant 0 : i32
      %dma_start3A_645 = tpu.memref_slice %arg6[%squeeze3A_635, %dma_start3A_644] : memref<1000000x64xf32, #tpu.memory_space<hbm>> -> memref<1x64xf32, #tpu.memory_space<hbm>>
      tpu.enqueue_dma source(%dma_start3A_645 : memref<1x64xf32, #tpu.memory_space<hbm>>) target(%dma_start3A_643 : memref<1x64xf32, #tpu.memory_space<vmem>>) target_semaphore(%arg24 : memref<!tpu.dma_semaphore, #tpu.memory_space<semaphore_mem>>)
      %slice3A_646 = vector.extract_strided_slice %get3A_155 {offsets = [13], sizes = [1], strides = [1]} : vector<16xi32> to vector<1xi32>
      %squeeze3A_647 = vector.extract %slice3A_646[0] : i32 from vector<1xi32>
      %add3A_648 = arith.constant 13 : i32
      %add3A_649 = arith.addi %mul3A_150, %add3A_648 : i32
      %dma_start3A_650 = arith.constant 0 : i32
      %dma_start3A_651 = tpu.memref_slice %arg21[%add3A_649, %dma_start3A_650] : memref<128x64xf32, #tpu.memory_space<vmem>> -> memref<1x64xf32, #tpu.memory_space<vmem>>
      %dma_start3A_652 = arith.constant 0 : i32
      %dma_start3A_653 = tpu.memref_slice %arg7[%squeeze3A_647, %dma_start3A_652] : memref<100x64xf32, #tpu.memory_space<hbm>> -> memref<1x64xf32, #tpu.memory_space<hbm>>
      %dma_start3A_654 = arith.constant 0 : i32
      %dma_start3A_655 = tpu.memref_slice %arg21[%add3A_649, %dma_start3A_654] : memref<128x64xf32, #tpu.memory_space<vmem>> -> memref<1x64xf32, #tpu.memory_space<vmem>>
      %dma_start3A_656 = arith.constant 0 : i32
      %dma_start3A_657 = tpu.memref_slice %arg7[%squeeze3A_647, %dma_start3A_656] : memref<100x64xf32, #tpu.memory_space<hbm>> -> memref<1x64xf32, #tpu.memory_space<hbm>>
      tpu.enqueue_dma source(%dma_start3A_657 : memref<1x64xf32, #tpu.memory_space<hbm>>) target(%dma_start3A_655 : memref<1x64xf32, #tpu.memory_space<vmem>>) target_semaphore(%arg24 : memref<!tpu.dma_semaphore, #tpu.memory_space<semaphore_mem>>)
      %slice3A_658 = vector.extract_strided_slice %get3A_151 {offsets = [14], sizes = [1], strides = [1]} : vector<16xi32> to vector<1xi32>
      %squeeze3A_659 = vector.extract %slice3A_658[0] : i32 from vector<1xi32>
      %add3A_660 = arith.constant 14 : i32
      %add3A_661 = arith.addi %mul3A_150, %add3A_660 : i32
      %dma_start3A_662 = arith.constant 0 : i32
      %dma_start3A_663 = tpu.memref_slice %arg19[%add3A_661, %dma_start3A_662] : memref<128x64xf32, #tpu.memory_space<vmem>> -> memref<1x64xf32, #tpu.memory_space<vmem>>
      %dma_start3A_664 = arith.constant 0 : i32
      %dma_start3A_665 = tpu.memref_slice %arg6[%squeeze3A_659, %dma_start3A_664] : memref<1000000x64xf32, #tpu.memory_space<hbm>> -> memref<1x64xf32, #tpu.memory_space<hbm>>
      %dma_start3A_666 = arith.constant 0 : i32
      %dma_start3A_667 = tpu.memref_slice %arg19[%add3A_661, %dma_start3A_666] : memref<128x64xf32, #tpu.memory_space<vmem>> -> memref<1x64xf32, #tpu.memory_space<vmem>>
      %dma_start3A_668 = arith.constant 0 : i32
      %dma_start3A_669 = tpu.memref_slice %arg6[%squeeze3A_659, %dma_start3A_668] : memref<1000000x64xf32, #tpu.memory_space<hbm>> -> memref<1x64xf32, #tpu.memory_space<hbm>>
      tpu.enqueue_dma source(%dma_start3A_669 : memref<1x64xf32, #tpu.memory_space<hbm>>) target(%dma_start3A_667 : memref<1x64xf32, #tpu.memory_space<vmem>>) target_semaphore(%arg24 : memref<!tpu.dma_semaphore, #tpu.memory_space<semaphore_mem>>)
      %slice3A_670 = vector.extract_strided_slice %get3A_153 {offsets = [14], sizes = [1], strides = [1]} : vector<16xi32> to vector<1xi32>
      %squeeze3A_671 = vector.extract %slice3A_670[0] : i32 from vector<1xi32>
      %add3A_672 = arith.constant 14 : i32
      %add3A_673 = arith.addi %mul3A_150, %add3A_672 : i32
      %dma_start3A_674 = arith.constant 0 : i32
      %dma_start3A_675 = tpu.memref_slice %arg20[%add3A_673, %dma_start3A_674] : memref<128x64xf32, #tpu.memory_space<vmem>> -> memref<1x64xf32, #tpu.memory_space<vmem>>
      %dma_start3A_676 = arith.constant 0 : i32
      %dma_start3A_677 = tpu.memref_slice %arg6[%squeeze3A_671, %dma_start3A_676] : memref<1000000x64xf32, #tpu.memory_space<hbm>> -> memref<1x64xf32, #tpu.memory_space<hbm>>
      %dma_start3A_678 = arith.constant 0 : i32
      %dma_start3A_679 = tpu.memref_slice %arg20[%add3A_673, %dma_start3A_678] : memref<128x64xf32, #tpu.memory_space<vmem>> -> memref<1x64xf32, #tpu.memory_space<vmem>>
      %dma_start3A_680 = arith.constant 0 : i32
      %dma_start3A_681 = tpu.memref_slice %arg6[%squeeze3A_671, %dma_start3A_680] : memref<1000000x64xf32, #tpu.memory_space<hbm>> -> memref<1x64xf32, #tpu.memory_space<hbm>>
      tpu.enqueue_dma source(%dma_start3A_681 : memref<1x64xf32, #tpu.memory_space<hbm>>) target(%dma_start3A_679 : memref<1x64xf32, #tpu.memory_space<vmem>>) target_semaphore(%arg24 : memref<!tpu.dma_semaphore, #tpu.memory_space<semaphore_mem>>)
      %slice3A_682 = vector.extract_strided_slice %get3A_155 {offsets = [14], sizes = [1], strides = [1]} : vector<16xi32> to vector<1xi32>
      %squeeze3A_683 = vector.extract %slice3A_682[0] : i32 from vector<1xi32>
      %add3A_684 = arith.constant 14 : i32
      %add3A_685 = arith.addi %mul3A_150, %add3A_684 : i32
      %dma_start3A_686 = arith.constant 0 : i32
      %dma_start3A_687 = tpu.memref_slice %arg21[%add3A_685, %dma_start3A_686] : memref<128x64xf32, #tpu.memory_space<vmem>> -> memref<1x64xf32, #tpu.memory_space<vmem>>
      %dma_start3A_688 = arith.constant 0 : i32
      %dma_start3A_689 = tpu.memref_slice %arg7[%squeeze3A_683, %dma_start3A_688] : memref<100x64xf32, #tpu.memory_space<hbm>> -> memref<1x64xf32, #tpu.memory_space<hbm>>
      %dma_start3A_690 = arith.constant 0 : i32
      %dma_start3A_691 = tpu.memref_slice %arg21[%add3A_685, %dma_start3A_690] : memref<128x64xf32, #tpu.memory_space<vmem>> -> memref<1x64xf32, #tpu.memory_space<vmem>>
      %dma_start3A_692 = arith.constant 0 : i32
      %dma_start3A_693 = tpu.memref_slice %arg7[%squeeze3A_683, %dma_start3A_692] : memref<100x64xf32, #tpu.memory_space<hbm>> -> memref<1x64xf32, #tpu.memory_space<hbm>>
      tpu.enqueue_dma source(%dma_start3A_693 : memref<1x64xf32, #tpu.memory_space<hbm>>) target(%dma_start3A_691 : memref<1x64xf32, #tpu.memory_space<vmem>>) target_semaphore(%arg24 : memref<!tpu.dma_semaphore, #tpu.memory_space<semaphore_mem>>)
      %slice3A_694 = vector.extract_strided_slice %get3A_151 {offsets = [15], sizes = [1], strides = [1]} : vector<16xi32> to vector<1xi32>
      %squeeze3A_695 = vector.extract %slice3A_694[0] : i32 from vector<1xi32>
      %add3A_696 = arith.constant 15 : i32
      %add3A_697 = arith.addi %mul3A_150, %add3A_696 : i32
      %dma_start3A_698 = arith.constant 0 : i32
      %dma_start3A_699 = tpu.memref_slice %arg19[%add3A_697, %dma_start3A_698] : memref<128x64xf32, #tpu.memory_space<vmem>> -> memref<1x64xf32, #tpu.memory_space<vmem>>
      %dma_start3A_700 = arith.constant 0 : i32
      %dma_start3A_701 = tpu.memref_slice %arg6[%squeeze3A_695, %dma_start3A_700] : memref<1000000x64xf32, #tpu.memory_space<hbm>> -> memref<1x64xf32, #tpu.memory_space<hbm>>
      %dma_start3A_702 = arith.constant 0 : i32
      %dma_start3A_703 = tpu.memref_slice %arg19[%add3A_697, %dma_start3A_702] : memref<128x64xf32, #tpu.memory_space<vmem>> -> memref<1x64xf32, #tpu.memory_space<vmem>>
      %dma_start3A_704 = arith.constant 0 : i32
      %dma_start3A_705 = tpu.memref_slice %arg6[%squeeze3A_695, %dma_start3A_704] : memref<1000000x64xf32, #tpu.memory_space<hbm>> -> memref<1x64xf32, #tpu.memory_space<hbm>>
      tpu.enqueue_dma source(%dma_start3A_705 : memref<1x64xf32, #tpu.memory_space<hbm>>) target(%dma_start3A_703 : memref<1x64xf32, #tpu.memory_space<vmem>>) target_semaphore(%arg24 : memref<!tpu.dma_semaphore, #tpu.memory_space<semaphore_mem>>)
      %slice3A_706 = vector.extract_strided_slice %get3A_153 {offsets = [15], sizes = [1], strides = [1]} : vector<16xi32> to vector<1xi32>
      %squeeze3A_707 = vector.extract %slice3A_706[0] : i32 from vector<1xi32>
      %add3A_708 = arith.constant 15 : i32
      %add3A_709 = arith.addi %mul3A_150, %add3A_708 : i32
      %dma_start3A_710 = arith.constant 0 : i32
      %dma_start3A_711 = tpu.memref_slice %arg20[%add3A_709, %dma_start3A_710] : memref<128x64xf32, #tpu.memory_space<vmem>> -> memref<1x64xf32, #tpu.memory_space<vmem>>
      %dma_start3A_712 = arith.constant 0 : i32
      %dma_start3A_713 = tpu.memref_slice %arg6[%squeeze3A_707, %dma_start3A_712] : memref<1000000x64xf32, #tpu.memory_space<hbm>> -> memref<1x64xf32, #tpu.memory_space<hbm>>
      %dma_start3A_714 = arith.constant 0 : i32
      %dma_start3A_715 = tpu.memref_slice %arg20[%add3A_709, %dma_start3A_714] : memref<128x64xf32, #tpu.memory_space<vmem>> -> memref<1x64xf32, #tpu.memory_space<vmem>>
      %dma_start3A_716 = arith.constant 0 : i32
      %dma_start3A_717 = tpu.memref_slice %arg6[%squeeze3A_707, %dma_start3A_716] : memref<1000000x64xf32, #tpu.memory_space<hbm>> -> memref<1x64xf32, #tpu.memory_space<hbm>>
      tpu.enqueue_dma source(%dma_start3A_717 : memref<1x64xf32, #tpu.memory_space<hbm>>) target(%dma_start3A_715 : memref<1x64xf32, #tpu.memory_space<vmem>>) target_semaphore(%arg24 : memref<!tpu.dma_semaphore, #tpu.memory_space<semaphore_mem>>)
      %slice3A_718 = vector.extract_strided_slice %get3A_155 {offsets = [15], sizes = [1], strides = [1]} : vector<16xi32> to vector<1xi32>
      %squeeze3A_719 = vector.extract %slice3A_718[0] : i32 from vector<1xi32>
      %add3A_720 = arith.constant 15 : i32
      %add3A_721 = arith.addi %mul3A_150, %add3A_720 : i32
      %dma_start3A_722 = arith.constant 0 : i32
      %dma_start3A_723 = tpu.memref_slice %arg21[%add3A_721, %dma_start3A_722] : memref<128x64xf32, #tpu.memory_space<vmem>> -> memref<1x64xf32, #tpu.memory_space<vmem>>
      %dma_start3A_724 = arith.constant 0 : i32
      %dma_start3A_725 = tpu.memref_slice %arg7[%squeeze3A_719, %dma_start3A_724] : memref<100x64xf32, #tpu.memory_space<hbm>> -> memref<1x64xf32, #tpu.memory_space<hbm>>
      %dma_start3A_726 = arith.constant 0 : i32
      %dma_start3A_727 = tpu.memref_slice %arg21[%add3A_721, %dma_start3A_726] : memref<128x64xf32, #tpu.memory_space<vmem>> -> memref<1x64xf32, #tpu.memory_space<vmem>>
      %dma_start3A_728 = arith.constant 0 : i32
      %dma_start3A_729 = tpu.memref_slice %arg7[%squeeze3A_719, %dma_start3A_728] : memref<100x64xf32, #tpu.memory_space<hbm>> -> memref<1x64xf32, #tpu.memory_space<hbm>>
      tpu.enqueue_dma source(%dma_start3A_729 : memref<1x64xf32, #tpu.memory_space<hbm>>) target(%dma_start3A_727 : memref<1x64xf32, #tpu.memory_space<vmem>>) target_semaphore(%arg24 : memref<!tpu.dma_semaphore, #tpu.memory_space<semaphore_mem>>)
    }
    %scan3A_129 = arith.constant 8 : i32
    %scan3A_130 = arith.constant 0 : i32
    %scan3A_131 = arith.constant 128 : i32
    %scan3A_132 = arith.addi %scan3A_130, %scan3A_131 : i32
    %scan3A_133 = arith.constant 1 : i32
    scf.for %scan3A_144 = %scan3A_130 to %scan3A_132 step %scan3A_133  : i32 {
      %dma_wait3A_145 = arith.constant 0 : i32
      %dma_wait3A_146 = arith.constant 0 : i32
      %dma_wait3A_147 = tpu.memref_slice %arg16[%dma_wait3A_145, %dma_wait3A_146] : memref<128x64xf32, #tpu.memory_space<vmem>> -> memref<1x64xf32, #tpu.memory_space<vmem>>
      %dma_wait3A_148 = arith.constant 0 : i32
      %dma_wait3A_149 = arith.constant 0 : i32
      %dma_wait3A_150 = tpu.memref_slice %arg6[%dma_wait3A_148, %dma_wait3A_149] : memref<1000000x64xf32, #tpu.memory_space<hbm>> -> memref<1x64xf32, #tpu.memory_space<hbm>>
      %dma_wait3A_151 = arith.constant 0 : i32
      %dma_wait3A_152 = arith.constant 0 : i32
      %dma_wait3A_153 = tpu.memref_slice %arg16[%dma_wait3A_151, %dma_wait3A_152] : memref<128x64xf32, #tpu.memory_space<vmem>> -> memref<1x64xf32, #tpu.memory_space<vmem>>
      %dma_wait3A_154 = arith.constant 0 : i32
      %dma_wait3A_155 = arith.constant 0 : i32
      %dma_wait3A_156 = tpu.memref_slice %arg6[%dma_wait3A_154, %dma_wait3A_155] : memref<1000000x64xf32, #tpu.memory_space<hbm>> -> memref<1x64xf32, #tpu.memory_space<hbm>>
      tpu.wait_dma2 semaphore(%arg23 : memref<!tpu.dma_semaphore, #tpu.memory_space<semaphore_mem>>) src(%dma_wait3A_156 : memref<1x64xf32, #tpu.memory_space<hbm>>) dst(%dma_wait3A_153 : memref<1x64xf32, #tpu.memory_space<vmem>>)
      %dma_wait3A_157 = arith.constant 0 : i32
      %dma_wait3A_158 = arith.constant 0 : i32
      %dma_wait3A_159 = tpu.memref_slice %arg17[%dma_wait3A_157, %dma_wait3A_158] : memref<128x64xf32, #tpu.memory_space<vmem>> -> memref<1x64xf32, #tpu.memory_space<vmem>>
      %dma_wait3A_160 = arith.constant 0 : i32
      %dma_wait3A_161 = arith.constant 0 : i32
      %dma_wait3A_162 = tpu.memref_slice %arg6[%dma_wait3A_160, %dma_wait3A_161] : memref<1000000x64xf32, #tpu.memory_space<hbm>> -> memref<1x64xf32, #tpu.memory_space<hbm>>
      %dma_wait3A_163 = arith.constant 0 : i32
      %dma_wait3A_164 = arith.constant 0 : i32
      %dma_wait3A_165 = tpu.memref_slice %arg17[%dma_wait3A_163, %dma_wait3A_164] : memref<128x64xf32, #tpu.memory_space<vmem>> -> memref<1x64xf32, #tpu.memory_space<vmem>>
      %dma_wait3A_166 = arith.constant 0 : i32
      %dma_wait3A_167 = arith.constant 0 : i32
      %dma_wait3A_168 = tpu.memref_slice %arg6[%dma_wait3A_166, %dma_wait3A_167] : memref<1000000x64xf32, #tpu.memory_space<hbm>> -> memref<1x64xf32, #tpu.memory_space<hbm>>
      tpu.wait_dma2 semaphore(%arg23 : memref<!tpu.dma_semaphore, #tpu.memory_space<semaphore_mem>>) src(%dma_wait3A_168 : memref<1x64xf32, #tpu.memory_space<hbm>>) dst(%dma_wait3A_165 : memref<1x64xf32, #tpu.memory_space<vmem>>)
      %dma_wait3A_169 = arith.constant 0 : i32
      %dma_wait3A_170 = arith.constant 0 : i32
      %dma_wait3A_171 = tpu.memref_slice %arg18[%dma_wait3A_169, %dma_wait3A_170] : memref<128x64xf32, #tpu.memory_space<vmem>> -> memref<1x64xf32, #tpu.memory_space<vmem>>
      %dma_wait3A_172 = arith.constant 0 : i32
      %dma_wait3A_173 = arith.constant 0 : i32
      %dma_wait3A_174 = tpu.memref_slice %arg7[%dma_wait3A_172, %dma_wait3A_173] : memref<100x64xf32, #tpu.memory_space<hbm>> -> memref<1x64xf32, #tpu.memory_space<hbm>>
      %dma_wait3A_175 = arith.constant 0 : i32
      %dma_wait3A_176 = arith.constant 0 : i32
      %dma_wait3A_177 = tpu.memref_slice %arg18[%dma_wait3A_175, %dma_wait3A_176] : memref<128x64xf32, #tpu.memory_space<vmem>> -> memref<1x64xf32, #tpu.memory_space<vmem>>
      %dma_wait3A_178 = arith.constant 0 : i32
      %dma_wait3A_179 = arith.constant 0 : i32
      %dma_wait3A_180 = tpu.memref_slice %arg7[%dma_wait3A_178, %dma_wait3A_179] : memref<100x64xf32, #tpu.memory_space<hbm>> -> memref<1x64xf32, #tpu.memory_space<hbm>>
      tpu.wait_dma2 semaphore(%arg23 : memref<!tpu.dma_semaphore, #tpu.memory_space<semaphore_mem>>) src(%dma_wait3A_180 : memref<1x64xf32, #tpu.memory_space<hbm>>) dst(%dma_wait3A_177 : memref<1x64xf32, #tpu.memory_space<vmem>>)
    }
    %scan3A_134 = arith.constant 128 : i32
    %add3A_135 = arith.constant 256 : i32
    %add3A_136 = arith.addi %mul3A_2, %add3A_135 : i32
    "tpu.region"() ({
      %run_scoped3A = tpu.sem_alloc : memref<!tpu.dma_semaphore, #tpu.memory_space<semaphore_mem>>
      %dma_start3A_144 = arith.constant 0 : i32
      %dma_start3A_145 = tpu.memref_slice %arg9[%add3A_136, %dma_start3A_144] : memref<16384x64xf32, #tpu.memory_space<hbm>> -> memref<128x64xf32, #tpu.memory_space<hbm>>
      %dma_start3A_146 = arith.constant 0 : i32
      %dma_start3A_147 = tpu.memref_slice %arg9[%add3A_136, %dma_start3A_146] : memref<16384x64xf32, #tpu.memory_space<hbm>> -> memref<128x64xf32, #tpu.memory_space<hbm>>
      tpu.enqueue_dma source(%arg16 : memref<128x64xf32, #tpu.memory_space<vmem>>) target(%dma_start3A_147 : memref<128x64xf32, #tpu.memory_space<hbm>>) target_semaphore(%run_scoped3A : memref<!tpu.dma_semaphore, #tpu.memory_space<semaphore_mem>>)
      %dma_wait3A_148 = arith.constant 0 : i32
      %dma_wait3A_149 = tpu.memref_slice %arg9[%add3A_136, %dma_wait3A_148] : memref<16384x64xf32, #tpu.memory_space<hbm>> -> memref<128x64xf32, #tpu.memory_space<hbm>>
      %dma_wait3A_150 = arith.constant 0 : i32
      %dma_wait3A_151 = tpu.memref_slice %arg9[%add3A_136, %dma_wait3A_150] : memref<16384x64xf32, #tpu.memory_space<hbm>> -> memref<128x64xf32, #tpu.memory_space<hbm>>
      tpu.wait_dma2 semaphore(%run_scoped3A : memref<!tpu.dma_semaphore, #tpu.memory_space<semaphore_mem>>) src(%arg16 : memref<128x64xf32, #tpu.memory_space<vmem>>) dst(%dma_wait3A_151 : memref<128x64xf32, #tpu.memory_space<hbm>>)
      tpu.yield
    }) : () -> ()
    "tpu.region"() ({
      %run_scoped3A = tpu.sem_alloc : memref<!tpu.dma_semaphore, #tpu.memory_space<semaphore_mem>>
      %dma_start3A_144 = arith.constant 0 : i32
      %dma_start3A_145 = tpu.memref_slice %arg10[%add3A_136, %dma_start3A_144] : memref<16384x64xf32, #tpu.memory_space<hbm>> -> memref<128x64xf32, #tpu.memory_space<hbm>>
      %dma_start3A_146 = arith.constant 0 : i32
      %dma_start3A_147 = tpu.memref_slice %arg10[%add3A_136, %dma_start3A_146] : memref<16384x64xf32, #tpu.memory_space<hbm>> -> memref<128x64xf32, #tpu.memory_space<hbm>>
      tpu.enqueue_dma source(%arg17 : memref<128x64xf32, #tpu.memory_space<vmem>>) target(%dma_start3A_147 : memref<128x64xf32, #tpu.memory_space<hbm>>) target_semaphore(%run_scoped3A : memref<!tpu.dma_semaphore, #tpu.memory_space<semaphore_mem>>)
      %dma_wait3A_148 = arith.constant 0 : i32
      %dma_wait3A_149 = tpu.memref_slice %arg10[%add3A_136, %dma_wait3A_148] : memref<16384x64xf32, #tpu.memory_space<hbm>> -> memref<128x64xf32, #tpu.memory_space<hbm>>
      %dma_wait3A_150 = arith.constant 0 : i32
      %dma_wait3A_151 = tpu.memref_slice %arg10[%add3A_136, %dma_wait3A_150] : memref<16384x64xf32, #tpu.memory_space<hbm>> -> memref<128x64xf32, #tpu.memory_space<hbm>>
      tpu.wait_dma2 semaphore(%run_scoped3A : memref<!tpu.dma_semaphore, #tpu.memory_space<semaphore_mem>>) src(%arg17 : memref<128x64xf32, #tpu.memory_space<vmem>>) dst(%dma_wait3A_151 : memref<128x64xf32, #tpu.memory_space<hbm>>)
      tpu.yield
    }) : () -> ()
    "tpu.region"() ({
      %run_scoped3A = tpu.sem_alloc : memref<!tpu.dma_semaphore, #tpu.memory_space<semaphore_mem>>
      %dma_start3A_144 = arith.constant 0 : i32
      %dma_start3A_145 = tpu.memref_slice %arg8[%add3A_136, %dma_start3A_144] : memref<16384x64xf32, #tpu.memory_space<hbm>> -> memref<128x64xf32, #tpu.memory_space<hbm>>
      %dma_start3A_146 = arith.constant 0 : i32
      %dma_start3A_147 = tpu.memref_slice %arg8[%add3A_136, %dma_start3A_146] : memref<16384x64xf32, #tpu.memory_space<hbm>> -> memref<128x64xf32, #tpu.memory_space<hbm>>
      tpu.enqueue_dma source(%arg18 : memref<128x64xf32, #tpu.memory_space<vmem>>) target(%dma_start3A_147 : memref<128x64xf32, #tpu.memory_space<hbm>>) target_semaphore(%run_scoped3A : memref<!tpu.dma_semaphore, #tpu.memory_space<semaphore_mem>>)
      %dma_wait3A_148 = arith.constant 0 : i32
      %dma_wait3A_149 = tpu.memref_slice %arg8[%add3A_136, %dma_wait3A_148] : memref<16384x64xf32, #tpu.memory_space<hbm>> -> memref<128x64xf32, #tpu.memory_space<hbm>>
      %dma_wait3A_150 = arith.constant 0 : i32
      %dma_wait3A_151 = tpu.memref_slice %arg8[%add3A_136, %dma_wait3A_150] : memref<16384x64xf32, #tpu.memory_space<hbm>> -> memref<128x64xf32, #tpu.memory_space<hbm>>
      tpu.wait_dma2 semaphore(%run_scoped3A : memref<!tpu.dma_semaphore, #tpu.memory_space<semaphore_mem>>) src(%arg18 : memref<128x64xf32, #tpu.memory_space<vmem>>) dst(%dma_wait3A_151 : memref<128x64xf32, #tpu.memory_space<hbm>>)
      tpu.yield
    }) : () -> ()
    %scan3A_137 = arith.constant 0 : i32
    %scan3A_138 = arith.constant 128 : i32
    %scan3A_139 = arith.addi %scan3A_137, %scan3A_138 : i32
    %scan3A_140 = arith.constant 1 : i32
    scf.for %scan3A_144 = %scan3A_137 to %scan3A_139 step %scan3A_140  : i32 {
      %dma_wait3A_145 = arith.constant 0 : i32
      %dma_wait3A_146 = arith.constant 0 : i32
      %dma_wait3A_147 = tpu.memref_slice %arg19[%dma_wait3A_145, %dma_wait3A_146] : memref<128x64xf32, #tpu.memory_space<vmem>> -> memref<1x64xf32, #tpu.memory_space<vmem>>
      %dma_wait3A_148 = arith.constant 0 : i32
      %dma_wait3A_149 = arith.constant 0 : i32
      %dma_wait3A_150 = tpu.memref_slice %arg6[%dma_wait3A_148, %dma_wait3A_149] : memref<1000000x64xf32, #tpu.memory_space<hbm>> -> memref<1x64xf32, #tpu.memory_space<hbm>>
      %dma_wait3A_151 = arith.constant 0 : i32
      %dma_wait3A_152 = arith.constant 0 : i32
      %dma_wait3A_153 = tpu.memref_slice %arg19[%dma_wait3A_151, %dma_wait3A_152] : memref<128x64xf32, #tpu.memory_space<vmem>> -> memref<1x64xf32, #tpu.memory_space<vmem>>
      %dma_wait3A_154 = arith.constant 0 : i32
      %dma_wait3A_155 = arith.constant 0 : i32
      %dma_wait3A_156 = tpu.memref_slice %arg6[%dma_wait3A_154, %dma_wait3A_155] : memref<1000000x64xf32, #tpu.memory_space<hbm>> -> memref<1x64xf32, #tpu.memory_space<hbm>>
      tpu.wait_dma2 semaphore(%arg24 : memref<!tpu.dma_semaphore, #tpu.memory_space<semaphore_mem>>) src(%dma_wait3A_156 : memref<1x64xf32, #tpu.memory_space<hbm>>) dst(%dma_wait3A_153 : memref<1x64xf32, #tpu.memory_space<vmem>>)
      %dma_wait3A_157 = arith.constant 0 : i32
      %dma_wait3A_158 = arith.constant 0 : i32
      %dma_wait3A_159 = tpu.memref_slice %arg20[%dma_wait3A_157, %dma_wait3A_158] : memref<128x64xf32, #tpu.memory_space<vmem>> -> memref<1x64xf32, #tpu.memory_space<vmem>>
      %dma_wait3A_160 = arith.constant 0 : i32
      %dma_wait3A_161 = arith.constant 0 : i32
      %dma_wait3A_162 = tpu.memref_slice %arg6[%dma_wait3A_160, %dma_wait3A_161] : memref<1000000x64xf32, #tpu.memory_space<hbm>> -> memref<1x64xf32, #tpu.memory_space<hbm>>
      %dma_wait3A_163 = arith.constant 0 : i32
      %dma_wait3A_164 = arith.constant 0 : i32
      %dma_wait3A_165 = tpu.memref_slice %arg20[%dma_wait3A_163, %dma_wait3A_164] : memref<128x64xf32, #tpu.memory_space<vmem>> -> memref<1x64xf32, #tpu.memory_space<vmem>>
      %dma_wait3A_166 = arith.constant 0 : i32
      %dma_wait3A_167 = arith.constant 0 : i32
      %dma_wait3A_168 = tpu.memref_slice %arg6[%dma_wait3A_166, %dma_wait3A_167] : memref<1000000x64xf32, #tpu.memory_space<hbm>> -> memref<1x64xf32, #tpu.memory_space<hbm>>
      tpu.wait_dma2 semaphore(%arg24 : memref<!tpu.dma_semaphore, #tpu.memory_space<semaphore_mem>>) src(%dma_wait3A_168 : memref<1x64xf32, #tpu.memory_space<hbm>>) dst(%dma_wait3A_165 : memref<1x64xf32, #tpu.memory_space<vmem>>)
      %dma_wait3A_169 = arith.constant 0 : i32
      %dma_wait3A_170 = arith.constant 0 : i32
      %dma_wait3A_171 = tpu.memref_slice %arg21[%dma_wait3A_169, %dma_wait3A_170] : memref<128x64xf32, #tpu.memory_space<vmem>> -> memref<1x64xf32, #tpu.memory_space<vmem>>
      %dma_wait3A_172 = arith.constant 0 : i32
      %dma_wait3A_173 = arith.constant 0 : i32
      %dma_wait3A_174 = tpu.memref_slice %arg7[%dma_wait3A_172, %dma_wait3A_173] : memref<100x64xf32, #tpu.memory_space<hbm>> -> memref<1x64xf32, #tpu.memory_space<hbm>>
      %dma_wait3A_175 = arith.constant 0 : i32
      %dma_wait3A_176 = arith.constant 0 : i32
      %dma_wait3A_177 = tpu.memref_slice %arg21[%dma_wait3A_175, %dma_wait3A_176] : memref<128x64xf32, #tpu.memory_space<vmem>> -> memref<1x64xf32, #tpu.memory_space<vmem>>
      %dma_wait3A_178 = arith.constant 0 : i32
      %dma_wait3A_179 = arith.constant 0 : i32
      %dma_wait3A_180 = tpu.memref_slice %arg7[%dma_wait3A_178, %dma_wait3A_179] : memref<100x64xf32, #tpu.memory_space<hbm>> -> memref<1x64xf32, #tpu.memory_space<hbm>>
      tpu.wait_dma2 semaphore(%arg24 : memref<!tpu.dma_semaphore, #tpu.memory_space<semaphore_mem>>) src(%dma_wait3A_180 : memref<1x64xf32, #tpu.memory_space<hbm>>) dst(%dma_wait3A_177 : memref<1x64xf32, #tpu.memory_space<vmem>>)
    }
    %scan3A_141 = arith.constant 128 : i32
    %add3A_142 = arith.constant 384 : i32
    %add3A_143 = arith.addi %mul3A_2, %add3A_142 : i32
    "tpu.region"() ({
      %run_scoped3A = tpu.sem_alloc : memref<!tpu.dma_semaphore, #tpu.memory_space<semaphore_mem>>
      %dma_start3A_144 = arith.constant 0 : i32
      %dma_start3A_145 = tpu.memref_slice %arg9[%add3A_143, %dma_start3A_144] : memref<16384x64xf32, #tpu.memory_space<hbm>> -> memref<128x64xf32, #tpu.memory_space<hbm>>
      %dma_start3A_146 = arith.constant 0 : i32
      %dma_start3A_147 = tpu.memref_slice %arg9[%add3A_143, %dma_start3A_146] : memref<16384x64xf32, #tpu.memory_space<hbm>> -> memref<128x64xf32, #tpu.memory_space<hbm>>
      tpu.enqueue_dma source(%arg19 : memref<128x64xf32, #tpu.memory_space<vmem>>) target(%dma_start3A_147 : memref<128x64xf32, #tpu.memory_space<hbm>>) target_semaphore(%run_scoped3A : memref<!tpu.dma_semaphore, #tpu.memory_space<semaphore_mem>>)
      %dma_wait3A_148 = arith.constant 0 : i32
      %dma_wait3A_149 = tpu.memref_slice %arg9[%add3A_143, %dma_wait3A_148] : memref<16384x64xf32, #tpu.memory_space<hbm>> -> memref<128x64xf32, #tpu.memory_space<hbm>>
      %dma_wait3A_150 = arith.constant 0 : i32
      %dma_wait3A_151 = tpu.memref_slice %arg9[%add3A_143, %dma_wait3A_150] : memref<16384x64xf32, #tpu.memory_space<hbm>> -> memref<128x64xf32, #tpu.memory_space<hbm>>
      tpu.wait_dma2 semaphore(%run_scoped3A : memref<!tpu.dma_semaphore, #tpu.memory_space<semaphore_mem>>) src(%arg19 : memref<128x64xf32, #tpu.memory_space<vmem>>) dst(%dma_wait3A_151 : memref<128x64xf32, #tpu.memory_space<hbm>>)
      tpu.yield
    }) : () -> ()
    "tpu.region"() ({
      %run_scoped3A = tpu.sem_alloc : memref<!tpu.dma_semaphore, #tpu.memory_space<semaphore_mem>>
      %dma_start3A_144 = arith.constant 0 : i32
      %dma_start3A_145 = tpu.memref_slice %arg10[%add3A_143, %dma_start3A_144] : memref<16384x64xf32, #tpu.memory_space<hbm>> -> memref<128x64xf32, #tpu.memory_space<hbm>>
      %dma_start3A_146 = arith.constant 0 : i32
      %dma_start3A_147 = tpu.memref_slice %arg10[%add3A_143, %dma_start3A_146] : memref<16384x64xf32, #tpu.memory_space<hbm>> -> memref<128x64xf32, #tpu.memory_space<hbm>>
      tpu.enqueue_dma source(%arg20 : memref<128x64xf32, #tpu.memory_space<vmem>>) target(%dma_start3A_147 : memref<128x64xf32, #tpu.memory_space<hbm>>) target_semaphore(%run_scoped3A : memref<!tpu.dma_semaphore, #tpu.memory_space<semaphore_mem>>)
      %dma_wait3A_148 = arith.constant 0 : i32
      %dma_wait3A_149 = tpu.memref_slice %arg10[%add3A_143, %dma_wait3A_148] : memref<16384x64xf32, #tpu.memory_space<hbm>> -> memref<128x64xf32, #tpu.memory_space<hbm>>
      %dma_wait3A_150 = arith.constant 0 : i32
      %dma_wait3A_151 = tpu.memref_slice %arg10[%add3A_143, %dma_wait3A_150] : memref<16384x64xf32, #tpu.memory_space<hbm>> -> memref<128x64xf32, #tpu.memory_space<hbm>>
      tpu.wait_dma2 semaphore(%run_scoped3A : memref<!tpu.dma_semaphore, #tpu.memory_space<semaphore_mem>>) src(%arg20 : memref<128x64xf32, #tpu.memory_space<vmem>>) dst(%dma_wait3A_151 : memref<128x64xf32, #tpu.memory_space<hbm>>)
      tpu.yield
    }) : () -> ()
    "tpu.region"() ({
      %run_scoped3A = tpu.sem_alloc : memref<!tpu.dma_semaphore, #tpu.memory_space<semaphore_mem>>
      %dma_start3A_144 = arith.constant 0 : i32
      %dma_start3A_145 = tpu.memref_slice %arg8[%add3A_143, %dma_start3A_144] : memref<16384x64xf32, #tpu.memory_space<hbm>> -> memref<128x64xf32, #tpu.memory_space<hbm>>
      %dma_start3A_146 = arith.constant 0 : i32
      %dma_start3A_147 = tpu.memref_slice %arg8[%add3A_143, %dma_start3A_146] : memref<16384x64xf32, #tpu.memory_space<hbm>> -> memref<128x64xf32, #tpu.memory_space<hbm>>
      tpu.enqueue_dma source(%arg21 : memref<128x64xf32, #tpu.memory_space<vmem>>) target(%dma_start3A_147 : memref<128x64xf32, #tpu.memory_space<hbm>>) target_semaphore(%run_scoped3A : memref<!tpu.dma_semaphore, #tpu.memory_space<semaphore_mem>>)
      %dma_wait3A_148 = arith.constant 0 : i32
      %dma_wait3A_149 = tpu.memref_slice %arg8[%add3A_143, %dma_wait3A_148] : memref<16384x64xf32, #tpu.memory_space<hbm>> -> memref<128x64xf32, #tpu.memory_space<hbm>>
      %dma_wait3A_150 = arith.constant 0 : i32
      %dma_wait3A_151 = tpu.memref_slice %arg8[%add3A_143, %dma_wait3A_150] : memref<16384x64xf32, #tpu.memory_space<hbm>> -> memref<128x64xf32, #tpu.memory_space<hbm>>
      tpu.wait_dma2 semaphore(%run_scoped3A : memref<!tpu.dma_semaphore, #tpu.memory_space<semaphore_mem>>) src(%arg21 : memref<128x64xf32, #tpu.memory_space<vmem>>) dst(%dma_wait3A_151 : memref<128x64xf32, #tpu.memory_space<hbm>>)
      tpu.yield
    }) : () -> ()
    return
  }
}

module attributes {stable_mosaic.version = 14 : i64} {
  func.func @_lambda_(%arg0: i32, %arg1: memref<64x40960xf32, #tpu.memory_space<vmem>>, %arg2: memref<40960x64xf32, #tpu.memory_space<vmem>>) attributes {dimension_semantics = [#tpu.dimension_semantics<arbitrary>], iteration_bounds = array<i64: 25>, scalar_prefetch = 0 : i64, scratch_operands = 0 : i64, tpu.core_type = #tpu.core_type<tc>, window_params = [{transform_indices = @transform_0, window_bounds = array<i64: 64, 40960>}, {transform_indices = @transform_1, window_bounds = array<i64: 40960, 64>}]} {
    %get3A = arith.constant 0 : index
    %get3A_0 = arith.constant 0 : index
    %get3A_1 = vector.load %arg1[%get3A, %get3A_0] : memref<64x40960xf32, #tpu.memory_space<vmem>>, vector<64x40960xf32>
    %transpose3A = tpu.transpose %get3A_1, [1, 0] : vector<64x40960xf32> -> vector<40960x64xf32>
    %swap3A = arith.constant 0 : index
    %swap3A_2 = arith.constant 0 : index
    %swap3A_3 = vector.load %arg2[%swap3A, %swap3A_2] : memref<40960x64xf32, #tpu.memory_space<vmem>>, vector<40960x64xf32>
    tpu.vector_store %arg2[%swap3A, %swap3A_2], %transpose3A {strides = array<i32>} : memref<40960x64xf32, #tpu.memory_space<vmem>>, vector<40960x64xf32>,
    return
  }
  func.func @transform_0(%arg0: i32) -> (i32, i32) {
    %c0_i32 = arith.constant 0 : i32
    %c0_i32_0 = arith.constant 0 : i32
    return %c0_i32, %arg0 : i32, i32
  }
  func.func @transform_1(%arg0: i32) -> (i32, i32) {
    %c0_i32 = arith.constant 0 : i32
    %c0_i32_0 = arith.constant 0 : i32
    return %arg0, %c0_i32 : i32, i32
  }
}

module attributes {stable_mosaic.version = 14 : i64} {
  func.func @_tc_mlp_body(%arg0: i32, %arg1: memref<4096x64xf32, #tpu.memory_space<vmem>>, %arg2: memref<4096x64xf32, #tpu.memory_space<vmem>>, %arg3: memref<4096x64xf32, #tpu.memory_space<vmem>>, %arg4: memref<192x64xf32, #tpu.memory_space<vmem>>, %arg5: memref<1x64xf32, #tpu.memory_space<vmem>>, %arg6: memref<1x64xf32, #tpu.memory_space<vmem>>, %arg7: memref<1x1xf32, #tpu.memory_space<vmem>>, %arg8: memref<64x4096xf32, #tpu.memory_space<vmem>>, %arg9: memref<1x4096xf32, #tpu.memory_space<vmem>>) attributes {dimension_semantics = [#tpu.dimension_semantics<arbitrary>], iteration_bounds = array<i64: 4>, scalar_prefetch = 0 : i64, scratch_operands = 0 : i64, tpu.core_type = #tpu.core_type<tc>, window_params = [{transform_indices = @transform_0, window_bounds = array<i64: 4096, 64>}, {transform_indices = @transform_1, window_bounds = array<i64: 4096, 64>}, {transform_indices = @transform_2, window_bounds = array<i64: 4096, 64>}, {pipeline_mode = #tpu.pipeline_mode<synchronous>, transform_indices = @transform_3, window_bounds = array<i64: 192, 64>}, {pipeline_mode = #tpu.pipeline_mode<synchronous>, transform_indices = @transform_4, window_bounds = array<i64: 1, 64>}, {pipeline_mode = #tpu.pipeline_mode<synchronous>, transform_indices = @transform_5, window_bounds = array<i64: 1, 64>}, {pipeline_mode = #tpu.pipeline_mode<synchronous>, transform_indices = @transform_6, window_bounds = array<i64: 1, 1>}, {transform_indices = @transform_7, window_bounds = array<i64: 64, 4096>}, {transform_indices = @transform_8, window_bounds = array<i64: 1, 4096>}]} {
    %get3A = arith.constant 0 : index
    %get3A_0 = arith.constant 0 : index
    %get3A_1 = vector.load %arg1[%get3A, %get3A_0] : memref<4096x64xf32, #tpu.memory_space<vmem>>, vector<4096x64xf32>
    %get3A_2 = arith.constant 0 : index
    %get3A_3 = arith.constant 0 : index
    %get3A_4 = vector.load %arg2[%get3A_2, %get3A_3] : memref<4096x64xf32, #tpu.memory_space<vmem>>, vector<4096x64xf32>
    %get3A_5 = arith.constant 0 : index
    %get3A_6 = arith.constant 0 : index
    %get3A_7 = vector.load %arg3[%get3A_5, %get3A_6] : memref<4096x64xf32, #tpu.memory_space<vmem>>, vector<4096x64xf32>
    %concatenate3A = tpu.concatenate %get3A_1, %get3A_4, %get3A_7 in 1 : vector<4096x64xf32>, vector<4096x64xf32>, vector<4096x64xf32> -> vector<4096x192xf32>
    %get3A_8 = arith.constant 0 : index
    %get3A_9 = arith.constant 0 : index
    %get3A_10 = vector.load %arg4[%get3A_8, %get3A_9] : memref<192x64xf32, #tpu.memory_space<vmem>>, vector<192x64xf32>
    %dot_general3A = arith.constant dense<0.000000e+00> : vector<4096x64xf32>
    %dot_general3A_11 = tpu.matmul %concatenate3A, %get3A_10, %dot_general3A {dimension_numbers = #tpu.dot_dimension_numbers<[1], [0], [0], [1], [0, 0, 1, 1], [], []>, transpose_lhs_hint = false} : vector<4096x192xf32>, vector<192x64xf32>, vector<4096x64xf32> -> vector<4096x64xf32>
    %get3A_12 = arith.constant 0 : index
    %get3A_13 = arith.constant 0 : index
    %get3A_14 = vector.load %arg5[%get3A_12, %get3A_13] : memref<1x64xf32, #tpu.memory_space<vmem>>, vector<1x64xf32>
    %add3A = vector.broadcast %get3A_14 : vector<1x64xf32> to vector<4096x64xf32>
    %add3A_15 = arith.addf %dot_general3A_11, %add3A : vector<4096x64xf32>
    %tanh3A = math.tanh %add3A_15 : vector<4096x64xf32>
    %transpose3A = tpu.transpose %tanh3A, [1, 0] : vector<4096x64xf32> -> vector<64x4096xf32>
    %swap3A = arith.constant 0 : index
    %swap3A_16 = arith.constant 0 : index
    %swap3A_17 = vector.load %arg8[%swap3A, %swap3A_16] : memref<64x4096xf32, #tpu.memory_space<vmem>>, vector<64x4096xf32>
    tpu.vector_store %arg8[%swap3A, %swap3A_16], %transpose3A {strides = array<i32>} : memref<64x4096xf32, #tpu.memory_space<vmem>>, vector<64x4096xf32>,
    %get3A_18 = arith.constant 0 : index
    %get3A_19 = arith.constant 0 : index
    %get3A_20 = vector.load %arg6[%get3A_18, %get3A_19] : memref<1x64xf32, #tpu.memory_space<vmem>>, vector<1x64xf32>
    %dot_general3A_21 = arith.constant dense<0.000000e+00> : vector<1x4096xf32>
    %dot_general3A_22 = tpu.matmul %get3A_20, %transpose3A, %dot_general3A_21 {dimension_numbers = #tpu.dot_dimension_numbers<[1], [0], [0], [1], [0, 0, 1, 1], [], []>, transpose_lhs_hint = false} : vector<1x64xf32>, vector<64x4096xf32>, vector<1x4096xf32> -> vector<1x4096xf32>
    %get3A_23 = arith.constant 0 : index
    %get3A_24 = arith.constant 0 : index
    %get3A_25 = vector.load %arg7[%get3A_23, %get3A_24] : memref<1x1xf32, #tpu.memory_space<vmem>>, vector<1x1xf32>
    %add3A_26 = vector.broadcast %get3A_25 : vector<1x1xf32> to vector<1x4096xf32>
    %add3A_27 = arith.addf %dot_general3A_22, %add3A_26 : vector<1x4096xf32>
    %logistic3A = arith.negf %add3A_27 : vector<1x4096xf32>
    %logistic3A_28 = math.exp %logistic3A : vector<1x4096xf32>
    %logistic3A_29 = arith.constant 1.000000e+00 : f32
    %logistic3A_30 = vector.broadcast %logistic3A_29 : f32 to vector<1x4096xf32>
    %logistic3A_31 = arith.addf %logistic3A_30, %logistic3A_28 : vector<1x4096xf32>
    %logistic3A_32 = arith.divf %logistic3A_30, %logistic3A_31 : vector<1x4096xf32>
    %swap3A_33 = arith.constant 0 : index
    %swap3A_34 = arith.constant 0 : index
    %swap3A_35 = vector.load %arg9[%swap3A_33, %swap3A_34] : memref<1x4096xf32, #tpu.memory_space<vmem>>, vector<1x4096xf32>
    tpu.vector_store %arg9[%swap3A_33, %swap3A_34], %logistic3A_32 {strides = array<i32>} : memref<1x4096xf32, #tpu.memory_space<vmem>>, vector<1x4096xf32>,
    return
  }
  func.func @transform_0(%arg0: i32) -> (i32, i32) {
    %c0_i32 = arith.constant 0 : i32
    %c0_i32_0 = arith.constant 0 : i32
    return %arg0, %c0_i32 : i32, i32
  }
  func.func @transform_1(%arg0: i32) -> (i32, i32) {
    %c0_i32 = arith.constant 0 : i32
    %c0_i32_0 = arith.constant 0 : i32
    return %arg0, %c0_i32 : i32, i32
  }
  func.func @transform_2(%arg0: i32) -> (i32, i32) {
    %c0_i32 = arith.constant 0 : i32
    %c0_i32_0 = arith.constant 0 : i32
    return %arg0, %c0_i32 : i32, i32
  }
  func.func @transform_3(%arg0: i32) -> (i32, i32) {
    %c0_i32 = arith.constant 0 : i32
    %c0_i32_0 = arith.constant 0 : i32
    %c0_i32_1 = arith.constant 0 : i32
    return %c0_i32, %c0_i32_0 : i32, i32
  }
  func.func @transform_4(%arg0: i32) -> (i32, i32) {
    %c0_i32 = arith.constant 0 : i32
    %c0_i32_0 = arith.constant 0 : i32
    %c0_i32_1 = arith.constant 0 : i32
    return %c0_i32, %c0_i32_0 : i32, i32
  }
  func.func @transform_5(%arg0: i32) -> (i32, i32) {
    %c0_i32 = arith.constant 0 : i32
    %c0_i32_0 = arith.constant 0 : i32
    %c0_i32_1 = arith.constant 0 : i32
    return %c0_i32, %c0_i32_0 : i32, i32
  }
  func.func @transform_6(%arg0: i32) -> (i32, i32) {
    %c0_i32 = arith.constant 0 : i32
    %c0_i32_0 = arith.constant 0 : i32
    %c0_i32_1 = arith.constant 0 : i32
    return %c0_i32, %c0_i32_0 : i32, i32
  }
  func.func @transform_7(%arg0: i32) -> (i32, i32) {
    %c0_i32 = arith.constant 0 : i32
    %c0_i32_0 = arith.constant 0 : i32
    return %c0_i32, %arg0 : i32, i32
  }
  func.func @transform_8(%arg0: i32) -> (i32, i32) {
    %c0_i32 = arith.constant 0 : i32
    %c0_i32_0 = arith.constant 0 : i32
    return %c0_i32, %arg0 : i32, i32
  }
}

</mosaic_0001>

<sc_bundles>
// kernel: kernel.5.cloned.1.call-start
scs
__scs_entry_jumppad:
0x0: {  	(pc) =	sbr.rel $0x88, $3  }
0x1: {  	(tag) =	ssettag $0x0;
	lr =	simm.s32 $0x1  }
0x2: {  	[smem:$0x3F98] =	sst lr;
	_ =	strace $0xD0000000  }
0x3: {  	_ = 	snop  }
0x4: {  	_ = 	snop  }
0x5: {  	_ = 	snop  }
0x6: {  	_ = 	snop  }
0x7: {  	_ = 	snop  }
__scs_overlays_trampoline_lowered:
0x8: {  	[smem:$0x3FA7] =	sst s0  }
0x9: {  	[smem:$0x3FA8] =	sst s1  }
0xa: {  	[smem:$0x3FA9] =	sst s2  }
0xb: {  	[smem:$0x3FAA] =	sst s3  }
0xc: {  	[smem:$0x3FAB] =	sst s4  }
0xd: {  	[smem:$0x3FAC] =	sst s5  }
0xe: {  	[smem:$0x3FAD] =	sst s6  }
0xf: {  	[smem:$0x3FAE] =	sst s7  }
0x10: {  	[smem:$0x3FAF] =	sst s8  }
0x11: {  	[smem:$0x3FB0] =	sst s9;
	s0 =	simm.s32 @!p0 $0x0  }
0x12: {  	s1 =	sld [smem:$0x3F96];
	s0 =	simm.s32 @p0 $0x1  }
0x13: {  	[smem:$0x3FB1] =	sst s0;
	s0 =	simm.s32 @!p1 $0x0  }
0x14: {  	s2 =	sld [smem:$0x3F95];
	s0 =	simm.s32 @p1 $0x1  }
0x15: {  	[smem:$0x3FB2] =	sst s0;
	s0 =	simm.s32 @!p2 $0x0  }
0x16: {  	s3 =	sld [smem:$0x3FDB];
	s0 =	simm.s32 @p2 $0x1  }
0x17: {  	s4 =	simm.s32 $0x1BF5;
	[smem:$0x3FB4] =	sst s0  }
0x18: {  	s0 =	sld [smem:$0x3F97];
	_ =	swait.ge [sflag:s4], $0x0  }
0x19: {  	s7 =	sld [smem:$0x3F98]  }
0x1a: {  	s8 =	sadd.s32 $0xFFFFE003, lr  }
0x1b: {  	s9 =	sadd.s32 $0xFFFFFEF7, lr;
	s5 =	simm.s32 $0xFFFFFFFF;
	p2 =	slt.u32 s8, $0xFFFFF086  }
0x1c: {  	p1 =	slt.u32 s9, $0xF7A;
	s5 =	simm.s32 @!p2 $0x0  }
0x1d: {  	s5 =	simm.s32 @p1 $0x1;
	p0 =	seq.s32 s7, s2  }
0x1e: {  	s7 =	smul.u32 @!p0 $0xF7A, s2;
	p2 =	seq.s32 @!p0 s5, $0x0  }
0x1f: {  	s9 =	smul.u32 $0xF7A, s1;
	s8 =	simm.s32 @!p0 $0x1BF5;
	p2 =	por !p2, p0  }
0x20: {  	[sflag:s8] =	ssyncset.s32 @!p0 $0xFFFFF086;
	s6 =	sadd.s32 @!p0 s3, s7;
	s7 =	simm.s32 @!p0 $0x108  }
0x21: {  	s3 =	sadd.s32 s3, s9;
	s6 =	sadd.s32 @!p0 $0x88, s6;
	s7 =	simm.s32 @p2 $0x1082  }
0x22: {  	[simem:s7], [sflag:s8] =	dma.local @!p0 [hbm:s6], $0xF7A  }
0x23: {  	s9 =	sor.u32 $0xD0000000, s2;
	s6 =	simm.s32 $0x108;
	_ =	swait.ge @!p0 [sflag:s8], $0x0  }
0x24: {  	s3 =	sadd.s32 $0x88, s3;
	s6 =	simm.s32 @!p1 $0x1082;
	[sflag:s4] =	ssyncset.s32 $0xFFFFF086  }
0x25: {  	[simem:s6], [sflag:s4] =	dma.local [hbm:s3], $0xF7A  }
0x26: {  	[smem:$0x3F98] =	sst s1;
	(tag) =	ssettag s2;
	_ =	strace s9  }
0x27: {  	s1 =	sld [smem:$0x3FA8]  }
0x28: {  	s2 =	sld [smem:$0x3FA9]  }
0x29: {  	s4 =	sld [smem:$0x3FAB]  }
0x2a: {  	p0 =	seq.s32 s5, $0x0;
	s5 =	sld [smem:$0x3FAC]  }
0x2b: {  	s6 =	sld [smem:$0x3FAD]  }
0x2c: {  	s7 =	sld [smem:$0x3FAE]  }
0x2d: {  	s3 =	simm.s32 $0x108;
	s8 =	sld [smem:$0x3FAF]  }
0x2e: {  	s3 =	simm.s32 @!p0 $0x1082;
	s9 =	sld [smem:$0x3FB0]  }
0x2f: {  	lr =	sadd.s32 s0, s3;
	s0 =	sld [smem:$0x3FA7]  }
0x30: {  	s3 =	sld [smem:$0x3FAA]  }
0x31: {  	[smem:$0x3FB3] =	sst s10  }
0x32: {  	s10 =	sld [smem:$0x3FB1];
	_ =	sdelay $0x3  }
0x33: {  	p0 =	seq.s32 s10, $0x1;
	s10 =	sld [smem:$0x3FB3];
	_ =	sdelay $0x3  }
0x34: {  	[smem:$0x3FB3] =	sst s10  }
0x35: {  	s10 =	sld [smem:$0x3FB2];
	_ =	sdelay $0x3  }
0x36: {  	p1 =	seq.s32 s10, $0x1;
	s10 =	sld [smem:$0x3FB3];
	_ =	sdelay $0x3  }
0x37: {  	[smem:$0x3FB3] =	sst s10  }
0x38: {  	s10 =	sld [smem:$0x3FB4]  }
0x39: {  	_ = 	snop;
	(pc) =	sbr.ind lr, $3  }
0x3a: {  	_ = 	snop  }
0x3b: {  	_ = 	snop  }
0x3c: {  	p2 =	seq.s32 s10, $0x1;
	s10 =	sld [smem:$0x3FB3]  }
0x3d: {  	_ =	shalt  }
0x3e: {  	_ =	shalt  }
0x3f: {  	_ =	shalt  }
0x40: {  	_ =	shalt  }
0x41: {  	_ =	shalt  }
0x42: {  	_ =	shalt  }
0x43: {  	_ =	shalt  }
0x44: {  	_ =	shalt  }
0x45: {  	_ =	shalt  }
0x46: {  	_ =	shalt  }
0x47: {  	_ =	shalt  }
0x48: {  	_ =	shalt  }
0x49: {  	_ =	shalt  }
0x4a: {  	_ =	shalt  }
0x4b: {  	_ =	shalt  }
0x4c: {  	_ =	shalt  }
0x4d: {  	_ =	shalt  }
0x4e: {  	_ =	shalt  }
0x4f: {  	_ =	shalt  }
0x50: {  	_ =	shalt  }
0x51: {  	_ =	shalt  }
0x52: {  	_ =	shalt  }
0x53: {  	_ =	shalt  }
0x54: {  	_ =	shalt  }
0x55: {  	_ =	shalt  }
0x56: {  	_ =	shalt  }
0x57: {  	_ =	shalt  }
0x58: {  	_ =	shalt  }
0x59: {  	_ =	shalt  }
0x5a: {  	_ =	shalt  }
0x5b: {  	_ =	shalt  }
0x5c: {  	_ =	shalt  }
0x5d: {  	_ =	shalt  }
0x5e: {  	_ =	shalt  }
0x5f: {  	_ =	shalt  }
0x60: {  	_ =	shalt  }
0x61: {  	_ =	shalt  }
0x62: {  	_ =	shalt  }
0x63: {  	_ =	shalt  }
0x64: {  	_ =	shalt  }
0x65: {  	_ =	shalt  }
0x66: {  	_ =	shalt  }
0x67: {  	_ =	shalt  }
0x68: {  	_ =	shalt  }
0x69: {  	_ =	shalt  }
0x6a: {  	_ =	shalt  }
0x6b: {  	_ =	shalt  }
0x6c: {  	_ =	shalt  }
0x6d: {  	_ =	shalt  }
0x6e: {  	_ =	shalt  }
0x6f: {  	_ =	shalt  }
0x70: {  	_ =	shalt  }
0x71: {  	_ =	shalt  }
0x72: {  	_ =	shalt  }
0x73: {  	_ =	shalt  }
0x74: {  	_ =	shalt  }
0x75: {  	_ =	shalt  }
0x76: {  	_ =	shalt  }
0x77: {  	_ =	shalt  }
0x78: {  	_ =	shalt  }
0x79: {  	_ =	shalt  }
0x7a: {  	_ =	shalt  }
0x7b: {  	_ =	shalt  }
0x7c: {  	_ =	shalt  }
0x7d: {  	_ =	shalt  }
0x7e: {  	_ =	shalt  }
0x7f: {  	_ =	shalt  }
0x80: {  	_ =	shalt  }
0x81: {  	_ =	shalt  }
0x82: {  	_ =	shalt  }
0x83: {  	_ =	shalt  }
0x84: {  	_ =	shalt  }
0x85: {  	_ =	shalt  }
0x86: {  	_ =	shalt  }
0x87: {  	_ =	shalt  }
.Lfunc_end0:
.L_simem_size_0:
called_computation_lowered:
.L_overlay_start_0:
0x88: {  	s2 =	sld [smem:$0x3FD9]  }
0x89: {  	s3 =	sld [smem:$0x3FFE];
	_ =	sdelay $0x1  }
0x8a: {  	s1 =	srdreg.scid  }
0x8b: {  	s0 =	sand.u32 $0x1, s1  }
0x8c: {  	s14 =	sshll.u32 s0, $0xA;
	s2 =	sadd.s32 s3, s2  }
0x8d: {  	s2 =	sadd.s32 s2, s14  }
0x8e: {  	[smem:$0x3FBF] =	sst s2  }
0x8f: {  	_ = 	snop  }
0x90: {  	s2 =	sld [smem:$0x3FD0];
	_ =	sdelay $0x1  }
0x91: {  	s15 =	sld [smem:$0x3FC9]  }
0x92: {  	s5 =	simm.s32 $0xA;
	s6 =	simm.s32 $0x10;
	s4 =	sld [smem:$0x3FC7]  }
0x93: {  	[smem:s6], [sflag:s5] =	dma.local [hbm:s2], $0x1  }
0x94: {  	_ =	swait.eq [sflag:s5], $0x1  }
0x95: {  	[sflag:s5] =	ssyncset.done $0x0  }
0x96: {  	s16 =	sld [smem:$0x10];
	[sflag:s5] =	ssyncadd.s32 $0xFFFFFFFF  }
0x97: {  	s17 =	sld [smem:$0x11];
	(tm) =	ssettm $0x1  }
0x98: {  	s18 =	sld [smem:$0x3FFB];
	_ =	sdelay $0x3  }
0x99: {  	_ =	strace s18  }
0x9a: {  	s6 =	sld [smem:$0x3FFC];
	_ =	sdelay $0x3  }
0x9b: {  	_ =	strace s6  }
0x9c: {  	s6 =	sld [smem:$0x3FFD];
	_ =	sdelay $0x3  }
0x9d: {  	_ =	strace s6  }
0x9e: {  	_ =	strace $0x8FFFFFFF  }
0x9f: {  	s19 =	sld [smem:$0x3FDB];
	_ =	sdelay $0x1  }
0xa0: {  	s7 =	simm.s32 $_scs_section_size  }
0xa1: {  	s8 =	simm.s32 $_size__tile_overlayer_lowered;
	s9 =	simm.s32 $_tile_overlayer_lowered  }
0xa2: {  	s22 =	simm.s32 $0x1BFF;
	s21 =	sshll.u32 s9, $0x1;
	s6 =	sadd.s32 s7, s19  }
0xa3: {  	s10 =	simm.s32 $0x0;
	s20 =	sshll.u32 s8, $0x1;
	s8 =	sadd.s32 s21, s6  }
0xa4: {  	[timem:s10], [sflag:s22] =	dma.local [hbm:s8], s20  }
0xa5: {  	_ =	swait.ge [sflag:s22], s20  }
0xa6: {  	s7 =	ssub.s32 $0x0, s20;
	[sflag:s22] =	ssyncset.done $0x0  }
0xa7: {  	[sflag:s22] =	ssyncadd.s32 s7;
	_ =	sdelay $0x1  }
0xa8: {  	s23 =	simm.s32 $0x1B8B  }
0xa9: {  	_ =	swait.ge [sflag:s23], $0x1  }
0xaa: {  	[sflag:s23] =	ssyncset.done $0x0  }
0xab: {  	s25 =	simm.s32 $0x1B8E;
	s24 =	sld [smem:$0x3FFE];
	[sflag:s23] =	ssyncadd.s32 $0xFFFFFFFF  }
0xac: {  	s26 =	simm.s32 $execute0_lowered;
	[smem:$0x3FD2] =	sst s25  }
0xad: {  	s8 =	sshll.u32 s26, $0x1;
	_ =	strace $0x80000046;
	[dreg:$0x1] =	wrdreg $0xFFFFFFFF  }
0xae: {  	s28 =	simm.s32 $_size_execute0_lowered;
	s6 =	sadd.s32 s6, s8;
	[dreg:$0x0] =	wrdreg $0x0  }
0xaf: {  	s8 =	sshll.u32 s28, $0x1;
	[dreg:$0x2] =	wrdreg s6  }
0xb0: {  	[dreg:$0x3] =	wrdreg s8  }
0xb1: {  	[dreg:$0x4] =	wrdreg $0xC0  }
0xb2: {  	_ =	task [dreg:s10], $0x5FFFF  }
0xb3: {  	[dreg:$0x1] =	wrdreg $0xFFFFFFFF  }
0xb4: {  	[dreg:$0x0] =	wrdreg $0x60  }
0xb5: {  	[dreg:$0x2] =	wrdreg s15  }
0xb6: {  	[dreg:$0x3] =	wrdreg s17  }
0xb7: {  	[dreg:$0x4] =	wrdreg s16  }
0xb8: {  	[dreg:$0x5] =	wrdreg s4  }
0xb9: {  	[dreg:$0x6] =	wrdreg s24  }
0xba: {  	[dreg:$0x7] =	wrdreg $0x9  }
0xbb: {  	_ =	task.clear_ibuf [dreg:s10], $0x8FFFF;
	_ =	strace $0x90000046  }
0xbc: {  	s29 =	simm.s32 $0x9;
	_ =	strace $0x80000048  }
0xbd: {  	_ =	swait.ge [sflag:s29], $0x1  }
0xbe: {  	[sflag:s29] =	ssyncadd.s32 $0xFFFFFFFF  }
0xbf: {  	_ =	strace $0x90000048  }
0xc0: {  	_ =	sfence  }
0xc1: {  	s30 =	sld [smem:$0x0];
	_ =	sdelay $0x2  }
0xc2: {  	s31 =	sshll.u32 s1, $0xD;
	s1 =	sshrl.u32 s1, $0x2  }
0xc3: {  	s3 =	sand.u32 $0x4000, s31;
	s1 =	sadd.s32 s1, s30  }
0xc4: {  	s0 =	sor.u32 s3, s0;
	s1 =	sshll.u32 s1, $0x11  }
0xc5: {  	s0 =	sor.u32 s1, s0  }
0xc6: {  	s0 =	sadd.s32 $0x8F2B, s0  }
0xc7: {  	[sflag:s0] =	ssyncadd.remote.s32 $0x1  }
0xc8: {  	_ =	sfence.sel $0xFFFF  }
0xc9: {  	[dreg:$0x0] =	wrdreg $0xFFFFFFFF;
	(pc) =	sbr.abs _section_cstart, $3  }
0xca: {  	[dreg:$0x1] =	wrdreg $0xFFFFFFFF  }
0xcb: {  	_ =	task.clear_ibuf [dreg:s10], $0x2FFFF;
	_ =	strace $0x9FFFFFFF  }
0xcc: {  	(tm) =	ssettm $0x7FFFFFFF  }
0xcd: {  	_ =	shalt  }
tec
execute0_lowered:
.L_overlay_start_1:
0x0: {  	(tag) =	ssettag $0x1  }
0x1: {  	s0 =	rddreg [dreg:$0x1]  }
0x2: {  	s1 =	rddreg [dreg:$0x2]  }
0x3: {  	s3 =	rddreg [dreg:$0x3];
	s7 =	srdreg.scid  }
0x4: {  	s6 =	rddreg [dreg:$0x4];
	s9 =	stileid.u32;
	s7 =	sand.u32 $0x1, s7  }
0x5: {  	s2 =	simm.s32 $0x0;
	s9 =	sshll.u32 s9, $0xA;
	s10 =	sshll.u32 s7, $0x9  }
0x6: {  	[smem:$0x7FF] =	sst s2;
	s4 =	sadd.s32 $0x1600, s6;
	s9 =	sor.u32 s10, s9  }
0x7: {  	s5 =	sadd.s32 $0xF43A00, s6;
	s8 =	sadd.s32 $0xF44200, s6;
	s12 =	sshrl.u32 s9, $0x3  }
0x8: {  	s11 =	sadd.s32 $0xF84200, s6;
	s6 =	sadd.s32 $0xFC4200, s6;
	s0 =	sadd.s32 s0, s12  }
0x9: {  	_ =	strace $0x80000047;
	s1 =	sadd.s32 s1, s12;
	[smem:$0x7EE] =	sst s0  }
0xa: {  	s16 =	sshll.u32 s9, $0x4;
	s17 =	sadd.s32 s3, s12;
	[smem:$0x7EF] =	sst s1  }
0xb: {  	s7 =	ssub.s32 $0x2, s7;
	s18 =	sadd.s32 s11, s16;
	[smem:$0x7F0] =	sst s17  }
0xc: {  	s15 =	sshrl.u32 s7, $0x1;
	s19 =	sadd.s32 s6, s16;
	[smem:$0x7F1] =	sst s18  }
0xd: {  	s7 =	ssub.s32 s7, s15;
	s20 =	sadd.s32 s8, s16;
	[smem:$0x7F2] =	sst s19  }
0xe: {  	s21 =	sor.u32 $0x800, s16;
	s31 =	smax.u32 s7, $0x1;
	[smem:$0x7F3] =	sst s20  }
0xf: {  	s22 =	sadd.s32 s11, s21;
	[smem:$0x7FD] =	sst s31  }
0x10: {  	s23 =	sadd.s32 s6, s21;
	[smem:$0x7F4] =	sst s22  }
0x11: {  	s24 =	sor.u32 $0x1000, s16;
	s1 =	sadd.s32 s8, s21;
	[smem:$0x7F5] =	sst s23  }
0x12: {  	s25 =	sadd.s32 s11, s24;
	[smem:$0x7F6] =	sst s1  }
0x13: {  	s26 =	sadd.s32 s6, s24;
	[smem:$0x7F7] =	sst s25  }
0x14: {  	s0 =	sor.u32 $0x1800, s16;
	s28 =	sadd.s32 s8, s24;
	[smem:$0x7F8] =	sst s26  }
0x15: {  	[smem:$0x7F9] =	sst s28;
	s29 =	sadd.s32 s11, s0  }
0x16: {  	s30 =	sadd.s32 s6, s0;
	[smem:$0x7FA] =	sst s29  }
0x17: {  	s0 =	sadd.s32 s8, s0;
	[smem:$0x7FB] =	sst s30  }
0x18: {  	s3 =	simm.s32 $0x4;
	s1 =	simm.s32 $0x0;
	[smem:$0x7FC] =	sst s0  }
.LBB2_1:
0x19: {  	s0 =	sld [smem:$0x7EE];
	_ =	sdelay $0x1  }
0x1a: {  	[smem:$0x7ED] =	sst s1  }
0x1b: {  	[tilespmem:s2], [sflag:$0x4] =	stream.linear.gather [hbm4b:s0+s2], $0x200, $0x38;
	[tilespmem:$0x18A00] =	vst v63  }
0x1c: {  	_ =	swait.ge [sflag:s3], $0x200  }
0x1d: {  	s24 =	sld [smem:$0x7EF]  }
0x1e: {  	[sflag:s3] =	ssyncset.done $0x0  }
0x1f: {  	s7 =	simm.s32 $0x200;
	[sflag:s3] =	ssyncadd.s32 $0xFFFFFE00  }
0x20: {  	[tilespmem:s7], [sflag:$0x4] =	stream.linear.gather [hbm4b:s24+s2], $0x200, $0x38;
	[tilespmem:$0x18A00] =	vst v63  }
0x21: {  	_ =	swait.ge [sflag:s3], $0x200  }
0x22: {  	s26 =	sld [smem:$0x7F0]  }
0x23: {  	[sflag:s3] =	ssyncset.done $0x0  }
0x24: {  	s25 =	simm.s32 $0x400;
	[sflag:s3] =	ssyncadd.s32 $0xFFFFFE00  }
0x25: {  	[tilespmem:s25], [sflag:$0x4] =	stream.linear.gather [hbm4b:s26+s2], $0x200, $0x38;
	[tilespmem:$0x18A00] =	vst v63  }
0x26: {  	_ =	swait.ge [sflag:s3], $0x200  }
0x27: {  	[sflag:s3] =	ssyncset.done $0x0  }
0x28: {  	[sflag:s3] =	ssyncadd.s32 $0xFFFFFE00  }
0x29: {  	s28 =	simm.s32 $0x600;
	s8 =	simm.s32 $0x80;
	s6 =	rddreg [dreg:$0x0]  }
0x2a: {  	[tilespmem:s28], [sflag:$0x1] =	stream.indirect.gather [hbm4b:s6+s8], $0x1, s2, s8, $0xb8;
	[tilespmem:$0x18A00] =	vst v63  }
0x2b: {  	s29 =	simm.s32 $0x800  }
0x2c: {  	[tilespmem:s29], [sflag:$0x1] =	stream.indirect.gather [hbm4b:s6+s8], $0x1, s7, s8, $0xb8;
	[tilespmem:$0x18A00] =	vst v63  }
0x2d: {  	s30 =	simm.s32 $0x680  }
0x2e: {  	[tilespmem:s30], [sflag:$0x1] =	stream.indirect.gather [hbm4b:s6+s8], $0x1, s8, s8, $0xb8;
	[tilespmem:$0x18A00] =	vst v63  }
0x2f: {  	s31 =	simm.s32 $0x280;
	s9 =	simm.s32 $0x880  }
0x30: {  	[tilespmem:s9], [sflag:$0x1] =	stream.indirect.gather [hbm4b:s6+s8], $0x1, s31, s8, $0xb8;
	[tilespmem:$0x18A00] =	vst v63  }
0x31: {  	s10 =	simm.s32 $0x100;
	s11 =	simm.s32 $0x700  }
0x32: {  	[tilespmem:s11], [sflag:$0x1] =	stream.indirect.gather [hbm4b:s6+s8], $0x1, s10, s8, $0xb8;
	[tilespmem:$0x18A00] =	vst v63  }
0x33: {  	s12 =	simm.s32 $0x300;
	s13 =	simm.s32 $0x900  }
0x34: {  	[tilespmem:s13], [sflag:$0x1] =	stream.indirect.gather [hbm4b:s6+s8], $0x1, s12, s8, $0xb8;
	[tilespmem:$0x18A00] =	vst v63  }
0x35: {  	s14 =	simm.s32 $0x180;
	s15 =	simm.s32 $0x780  }
0x36: {  	[tilespmem:s15], [sflag:$0x1] =	stream.indirect.gather [hbm4b:s6+s8], $0x1, s14, s8, $0xb8;
	[tilespmem:$0x18A00] =	vst v63  }
0x37: {  	s16 =	simm.s32 $0x380;
	s17 =	simm.s32 $0x980;
	s18 =	simm.s32 $0x1  }
0x38: {  	[tilespmem:s17], [sflag:$0x1] =	stream.indirect.gather [hbm4b:s6+s8], $0x1, s16, s8, $0xb8;
	[tilespmem:$0x18A00] =	vst v63  }
0x39: {  	_ =	swait.ge [sflag:s18], $0x80  }
0x3a: {  	[sflag:s18] =	ssyncset.done $0x0  }
0x3b: {  	[sflag:s18] =	ssyncadd.s32 $0xFFFFFF80  }
0x3c: {  	_ =	swait.ge [sflag:s18], $0x80  }
0x3d: {  	[sflag:s18] =	ssyncset.done $0x0  }
0x3e: {  	[sflag:s18] =	ssyncadd.s32 $0xFFFFFF80  }
0x3f: {  	_ =	swait.ge [sflag:s18], $0x80  }
0x40: {  	[sflag:s18] =	ssyncset.done $0x0  }
0x41: {  	[sflag:s18] =	ssyncadd.s32 $0xFFFFFF80  }
0x42: {  	_ =	swait.ge [sflag:s18], $0x80  }
0x43: {  	[sflag:s18] =	ssyncset.done $0x0  }
0x44: {  	[sflag:s18] =	ssyncadd.s32 $0xFFFFFF80  }
0x45: {  	_ =	swait.ge [sflag:s18], $0x80  }
0x46: {  	[sflag:s18] =	ssyncset.done $0x0  }
0x47: {  	[sflag:s18] =	ssyncadd.s32 $0xFFFFFF80  }
0x48: {  	_ =	swait.ge [sflag:s18], $0x80  }
0x49: {  	[sflag:s18] =	ssyncset.done $0x0  }
0x4a: {  	[sflag:s18] =	ssyncadd.s32 $0xFFFFFF80  }
0x4b: {  	_ =	swait.ge [sflag:s18], $0x80  }
0x4c: {  	[sflag:s18] =	ssyncset.done $0x0  }
0x4d: {  	[sflag:s18] =	ssyncadd.s32 $0xFFFFFF80  }
0x4e: {  	_ =	swait.ge [sflag:s18], $0x80  }
0x4f: {  	[sflag:s18] =	ssyncset.done $0x0  }
0x50: {  	[sflag:s18] =	ssyncadd.s32 $0xFFFFFF80  }
0x51: {  	v0 =	vld [tilespmem:s29+$0x0]  }
0x52: {  	v1 =	vld [tilespmem:s28+$0x0];
	_ =	sdelay $0x1  }
0x53: {  	v3 =	vld [tilespmem:s25+$0x0];
	_ =	sdelay $0x1  }
0x54: {  	v0 =	vshll.u32 v0, $0x4  }
0x55: {  	v2 =	vshll.u32 v1, $0x4;
	(v2sf) =	vpush v0, $0x0  }
0x56: {  	(v2sf) =	vpush v2, $0x0  }
0x57: {  	v63 =	vshll.u32 v3, $0x4  }
0x58: {  	(v2sf) =	vpush v63, $0x0;
	_ =	sdelay $0x1  }
0x59: {  	(v2sf) =	vpush v2, $0x1  }
0x5a: {  	(v2sf) =	vpush v0, $0x1  }
0x5b: {  	(v2sf) =	vpush v63, $0x1;
	_ =	sdelay $0x1  }
0x5c: {  	(v2sf) =	vpush v2, $0x2;
	_ =	sdelay $0x1  }
0x5d: {  	s23 =	simm.s32 $0x2000;
	s1 =	simm.s32 $0x5000;
	(v2sf) =	vpush v0, $0x2  }
0x5e: {  	s0 =	simm.s32 $0x0;
	s7 =	simm.s32 $0x4B80;
	s9 =	simm.s32 $0x9000  }
0x5f: {  	s31 =	simm.s32 $0x4A80;
	s10 =	simm.s32 $0xA00;
	s11 =	simm.s32 $0x4A00  }
0x60: {  	s13 =	simm.s32 $0x410;
	s15 =	simm.s32 $0x610;
	s16 =	simm.s32 $0x810  }
0x61: {  	s8 =	simm.s32 $0xB00;
	s6 =	simm.s32 $0x8B80;
	s19 =	spop (v2sf)  }
0x62: {  	s17 =	simm.s32 $0x1100;
	s25 =	simm.s32 $0x8A00;
	s20 =	spop (v2sf)  }
0x63: {  	s29 =	simm.s32 $0xA80;
	(v2sf) =	vpush v63, $0x2;
	s14 =	sand.u32 $0x1FFFFFF0, s19;
	s12 =	sand.u32 $0x1FFFFFF0, s20  }
0x64: {  	s22 =	spop (v2sf);
	s24 =	sadd.s32 s4, s14;
	s21 =	sadd.s32 s4, s12  }
0x65: {  	(v2sf) =	vpush v2, $0x3;
	[tilespmem:s10], [sflag:$0x2] =	stream.linear.gather [hbm4b:s21+s2], $0x80, $0x38;
	[tilespmem:$0x18A00] =	vst v63  }
0x66: {  	(v2sf) =	vpush v0, $0x3;
	s14 =	simm.s32 $0x8A80;
	s26 =	spop (v2sf);
	s10 =	sand.u32 $0x1FFFFFF0, s22  }
0x67: {  	s12 =	sand.u32 $0x1FFFFFF0, s26;
	s28 =	spop (v2sf);
	s22 =	simm.s32 $0x4B00  }
0x68: {  	s10 =	sadd.s32 s5, s10;
	s30 =	sand.u32 $0x1FFFFFF0, s28;
	s3 =	spop (v2sf)  }
0x69: {  	[tilespmem:s11], [sflag:$0x2] =	stream.linear.gather [hbm4b:s24+s2], $0x80, $0x38;
	[tilespmem:$0x18A00] =	vst v63  }
0x6a: {  	(v2sf) =	vpush v63, $0x3;
	s12 =	sadd.s32 s4, s12;
	s11 =	sadd.s32 s4, s30;
	s19 =	spop (v2sf)  }
0x6b: {  	[tilespmem:s25], [sflag:$0x2] =	stream.linear.gather [hbm4b:s10+s2], $0x80, $0x38;
	[tilespmem:$0x18A00] =	vst v63  }
0x6c: {  	(v2sf) =	vpush v2, $0x4;
	s18 =	sand.u32 $0x1FFFFFF0, s3;
	s30 =	simm.s32 $0xB80;
	s20 =	spop (v2sf)  }
0x6d: {  	[tilespmem:s29], [sflag:$0x2] =	stream.linear.gather [hbm4b:s12+s2], $0x80, $0x38;
	[tilespmem:$0x18A00] =	vst v63  }
0x6e: {  	(v2sf) =	vpush v0, $0x4;
	s10 =	simm.s32 $0xC00;
	s21 =	sand.u32 $0x1FFFFFF0, s20;
	s12 =	sand.u32 $0x1FFFFFF0, s19  }
0x6f: {  	[tilespmem:s31], [sflag:$0x2] =	stream.linear.gather [hbm4b:s11+s2], $0x80, $0x38;
	[tilespmem:$0x18A00] =	vst v63  }
0x70: {  	(v2sf) =	vpush v63, $0x4;
	s25 =	simm.s32 $0x8B00;
	s12 =	sadd.s32 s4, s12;
	s11 =	sadd.s32 s5, s18  }
0x71: {  	[tilespmem:s14], [sflag:$0x2] =	stream.linear.gather [hbm4b:s11+s2], $0x80, $0x38;
	[tilespmem:$0x18A00] =	vst v63  }
0x72: {  	s11 =	sadd.s32 s4, s21;
	s14 =	simm.s32 $0x1080;
	s24 =	spop (v2sf)  }
0x73: {  	[tilespmem:s8], [sflag:$0x2] =	stream.linear.gather [hbm4b:s12+s2], $0x80, $0x38;
	[tilespmem:$0x18A00] =	vst v63  }
0x74: {  	s21 =	simm.s32 $0x4C00;
	(v2sf) =	vpush v2, $0x5;
	s26 =	sand.u32 $0x1FFFFFF0, s24;
	s28 =	spop (v2sf)  }
0x75: {  	(v2sf) =	vpush v0, $0x5;
	s8 =	simm.s32 $0xD00;
	s24 =	simm.s32 $0x4C80;
	s29 =	spop (v2sf)  }
0x76: {  	[tilespmem:s22], [sflag:$0x2] =	stream.linear.gather [hbm4b:s11+s2], $0x80, $0x38;
	[tilespmem:$0x18A00] =	vst v63  }
0x77: {  	s12 =	sand.u32 $0x1FFFFFF0, s28;
	s11 =	sadd.s32 s5, s26;
	s31 =	sand.u32 $0x1FFFFFF0, s29  }
0x78: {  	[tilespmem:s25], [sflag:$0x2] =	stream.linear.gather [hbm4b:s11+s2], $0x80, $0x38;
	[tilespmem:$0x18A00] =	vst v63  }
0x79: {  	(v2sf) =	vpush v63, $0x5;
	s12 =	sadd.s32 s4, s12;
	s3 =	spop (v2sf);
	s26 =	simm.s32 $0x8C00  }
0x7a: {  	(v2sf) =	vpush v2, $0x6;
	[tilespmem:s30], [sflag:$0x2] =	stream.linear.gather [hbm4b:s12+s2], $0x80, $0x38;
	[tilespmem:$0x18A00] =	vst v63  }
0x7b: {  	s18 =	sand.u32 $0x1FFFFFF0, s3;
	s19 =	spop (v2sf);
	s11 =	sadd.s32 s4, s31  }
0x7c: {  	(v2sf) =	vpush v0, $0x6;
	[tilespmem:s7], [sflag:$0x2] =	stream.linear.gather [hbm4b:s11+s2], $0x80, $0x38;
	[tilespmem:$0x18A00] =	vst v63  }
0x7d: {  	s20 =	spop (v2sf);
	(v2sf) =	vpush v63, $0x6;
	s11 =	sand.u32 $0x1FFFFFF0, s19;
	s7 =	sadd.s32 s5, s18  }
0x7e: {  	[tilespmem:s6], [sflag:$0x2] =	stream.linear.gather [hbm4b:s7+s2], $0x80, $0x38;
	[tilespmem:$0x18A00] =	vst v63  }
0x7f: {  	s22 =	sand.u32 $0x1FFFFFF0, s20;
	s25 =	spop (v2sf);
	s11 =	sadd.s32 s4, s11  }
0x80: {  	(v2sf) =	vpush v2, $0x7;
	[tilespmem:s10], [sflag:$0x2] =	stream.linear.gather [hbm4b:s11+s2], $0x80, $0x38;
	[tilespmem:$0x18A00] =	vst v63  }
0x81: {  	s31 =	simm.s32 $0xC80;
	s28 =	sand.u32 $0x1FFFFFF0, s25;
	s7 =	sadd.s32 s4, s22  }
0x82: {  	(v2sf) =	vpush v0, $0x7;
	[tilespmem:s21], [sflag:$0x2] =	stream.linear.gather [hbm4b:s7+s2], $0x80, $0x38;
	[tilespmem:$0x18A00] =	vst v63  }
0x83: {  	s12 =	simm.s32 $0x9080;
	s18 =	simm.s32 $0x8C80;
	s29 =	spop (v2sf)  }
0x84: {  	s7 =	sadd.s32 s5, s28;
	s11 =	sand.u32 $0x1FFFFFF0, s29;
	s30 =	spop (v2sf)  }
0x85: {  	[tilespmem:s26], [sflag:$0x2] =	stream.linear.gather [hbm4b:s7+s2], $0x80, $0x38;
	[tilespmem:$0x18A00] =	vst v63  }
0x86: {  	(v2sf) =	vpush v63, $0x7;
	s21 =	simm.s32 $0xD80;
	s3 =	sand.u32 $0x1FFFFFF0, s30;
	s11 =	sadd.s32 s4, s11  }
0x87: {  	[tilespmem:s31], [sflag:$0x2] =	stream.linear.gather [hbm4b:s11+s2], $0x80, $0x38;
	[tilespmem:$0x18A00] =	vst v63  }
0x88: {  	(v2sf) =	vpush v2, $0x8;
	s26 =	simm.s32 $0x8D00;
	s7 =	sadd.s32 s4, s3;
	s11 =	spop (v2sf)  }
0x89: {  	s31 =	simm.s32 $0x8D80;
	s6 =	sand.u32 $0x1FFFFFF0, s11;
	s19 =	spop (v2sf)  }
0x8a: {  	(v2sf) =	vpush v0, $0x8;
	[tilespmem:s24], [sflag:$0x2] =	stream.linear.gather [hbm4b:s7+s2], $0x80, $0x38;
	[tilespmem:$0x18A00] =	vst v63  }
0x8b: {  	s10 =	sand.u32 $0x1FFFFFF0, s19;
	s20 =	spop (v2sf);
	s6 =	sadd.s32 s5, s6  }
0x8c: {  	s24 =	simm.s32 $0x4D00;
	s22 =	sand.u32 $0x1FFFFFF0, s20;
	s25 =	spop (v2sf)  }
0x8d: {  	(v2sf) =	vpush v63, $0x8;
	[tilespmem:s18], [sflag:$0x2] =	stream.linear.gather [hbm4b:s6+s2], $0x80, $0x38;
	[tilespmem:$0x18A00] =	vst v63  }
0x8e: {  	s10 =	sadd.s32 s4, s10;
	s7 =	sadd.s32 s4, s22;
	s28 =	sand.u32 $0x1FFFFFF0, s25  }
0x8f: {  	(v2sf) =	vpush v2, $0x9;
	s29 =	spop (v2sf);
	s18 =	simm.s32 $0x4E00;
	s22 =	simm.s32 $0xE00  }
0x90: {  	[tilespmem:s8], [sflag:$0x2] =	stream.linear.gather [hbm4b:s10+s2], $0x80, $0x38;
	[tilespmem:$0x18A00] =	vst v63  }
0x91: {  	(v2sf) =	vpush v0, $0x9;
	s30 =	spop (v2sf);
	s10 =	sand.u32 $0x1FFFFFF0, s29;
	s8 =	sadd.s32 s5, s28  }
0x92: {  	[tilespmem:s24], [sflag:$0x2] =	stream.linear.gather [hbm4b:s7+s2], $0x80, $0x38;
	[tilespmem:$0x18A00] =	vst v63  }
0x93: {  	s3 =	sand.u32 $0x1FFFFFF0, s30;
	s10 =	sadd.s32 s4, s10;
	s7 =	simm.s32 $0x4F00  }
0x94: {  	[tilespmem:s26], [sflag:$0x2] =	stream.linear.gather [hbm4b:s8+s2], $0x80, $0x38;
	[tilespmem:$0x18A00] =	vst v63  }
0x95: {  	(v2sf) =	vpush v63, $0x9;
	s8 =	sadd.s32 s4, s3;
	s26 =	simm.s32 $0x8E00;
	s11 =	spop (v2sf)  }
0x96: {  	[tilespmem:s21], [sflag:$0x2] =	stream.linear.gather [hbm4b:s10+s2], $0x80, $0x38;
	[tilespmem:$0x18A00] =	vst v63  }
0x97: {  	(v2sf) =	vpush v2, $0xA;
	s10 =	simm.s32 $0x4D80;
	s19 =	sand.u32 $0x1FFFFFF0, s11;
	s20 =	spop (v2sf)  }
0x98: {  	(v2sf) =	vpush v0, $0xA;
	[tilespmem:s10], [sflag:$0x2] =	stream.linear.gather [hbm4b:s8+s2], $0x80, $0x38;
	[tilespmem:$0x18A00] =	vst v63  }
0x99: {  	s11 =	simm.s32 $0x4E80;
	s21 =	spop (v2sf);
	s10 =	sand.u32 $0x1FFFFFF0, s20  }
0x9a: {  	s8 =	sadd.s32 s5, s19;
	s24 =	sand.u32 $0x1FFFFFF0, s21;
	s19 =	simm.s32 $0x8E80  }
0x9b: {  	[tilespmem:s31], [sflag:$0x2] =	stream.linear.gather [hbm4b:s8+s2], $0x80, $0x38;
	[tilespmem:$0x18A00] =	vst v63  }
0x9c: {  	(v2sf) =	vpush v63, $0xA;
	s10 =	sadd.s32 s4, s10;
	s8 =	sadd.s32 s4, s24;
	s25 =	spop (v2sf)  }
0x9d: {  	[tilespmem:s22], [sflag:$0x2] =	stream.linear.gather [hbm4b:s10+s2], $0x80, $0x38;
	[tilespmem:$0x18A00] =	vst v63  }
0x9e: {  	s31 =	simm.s32 $0xE80;
	(v2sf) =	vpush v2, $0xB;
	s28 =	sand.u32 $0x1FFFFFF0, s25;
	s29 =	spop (v2sf)  }
0x9f: {  	(v2sf) =	vpush v0, $0xB;
	[tilespmem:s18], [sflag:$0x2] =	stream.linear.gather [hbm4b:s8+s2], $0x80, $0x38;
	[tilespmem:$0x18A00] =	vst v63  }
0xa0: {  	s10 =	sand.u32 $0x1FFFFFF0, s29;
	s30 =	spop (v2sf);
	s8 =	sadd.s32 s5, s28  }
0xa1: {  	(v2sf) =	vpush v63, $0xB;
	[tilespmem:s26], [sflag:$0x2] =	stream.linear.gather [hbm4b:s8+s2], $0x80, $0x38;
	[tilespmem:$0x18A00] =	vst v63  }
0xa2: {  	s24 =	simm.s32 $0xF00;
	s3 =	sand.u32 $0x1FFFFFF0, s30;
	s10 =	sadd.s32 s4, s10  }
0xa3: {  	(v2sf) =	vpush v2, $0xC;
	[tilespmem:s31], [sflag:$0x2] =	stream.linear.gather [hbm4b:s10+s2], $0x80, $0x38;
	[tilespmem:$0x18A00] =	vst v63  }
0xa4: {  	s29 =	simm.s32 $0x8F80;
	s18 =	spop (v2sf);
	s8 =	sadd.s32 s4, s3  }
0xa5: {  	(v2sf) =	vpush v0, $0xC;
	[tilespmem:s11], [sflag:$0x2] =	stream.linear.gather [hbm4b:s8+s2], $0x80, $0x38;
	[tilespmem:$0x18A00] =	vst v63  }
0xa6: {  	s20 =	sand.u32 $0x1FFFFFF0, s18;
	s18 =	simm.s32 $0xF80;
	s21 =	spop (v2sf)  }
0xa7: {  	s8 =	sadd.s32 s5, s20;
	(v2sf) =	vpush v63, $0xC;
	s10 =	sand.u32 $0x1FFFFFF0, s21;
	s22 =	spop (v2sf)  }
0xa8: {  	[tilespmem:s19], [sflag:$0x2] =	stream.linear.gather [hbm4b:s8+s2], $0x80, $0x38;
	[tilespmem:$0x18A00] =	vst v63  }
0xa9: {  	s26 =	simm.s32 $0x8F00;
	(v2sf) =	vpush v2, $0xD;
	s25 =	sand.u32 $0x1FFFFFF0, s22;
	s10 =	sadd.s32 s4, s10  }
0xaa: {  	[tilespmem:s24], [sflag:$0x2] =	stream.linear.gather [hbm4b:s10+s2], $0x80, $0x38;
	[tilespmem:$0x18A00] =	vst v63  }
0xab: {  	s20 =	simm.s32 $0x4F80;
	s28 =	spop (v2sf);
	s8 =	sadd.s32 s4, s25  }
0xac: {  	[tilespmem:s7], [sflag:$0x2] =	stream.linear.gather [hbm4b:s8+s2], $0x80, $0x38;
	[tilespmem:$0x18A00] =	vst v63  }
0xad: {  	s30 =	sand.u32 $0x1FFFFFF0, s28;
	s25 =	simm.s32 $0x1000;
	s31 =	spop (v2sf);
	(v2sf) =	vpush v0, $0xD  }
0xae: {  	s8 =	sadd.s32 s5, s30;
	s10 =	sand.u32 $0x1FFFFFF0, s31;
	s3 =	spop (v2sf);
	(v2sf) =	vpush v63, $0xD  }
0xaf: {  	[tilespmem:s26], [sflag:$0x2] =	stream.linear.gather [hbm4b:s8+s2], $0x80, $0x38;
	[tilespmem:$0x18A00] =	vst v63  }
0xb0: {  	s19 =	spop (v2sf);
	s10 =	sadd.s32 s4, s10;
	s21 =	sand.u32 $0x1FFFFFF0, s3  }
0xb1: {  	[tilespmem:s18], [sflag:$0x2] =	stream.linear.gather [hbm4b:s10+s2], $0x80, $0x38;
	[tilespmem:$0x18A00] =	vst v63  }
0xb2: {  	s22 =	spop (v2sf);
	s8 =	sand.u32 $0x1FFFFFF0, s19;
	s10 =	sadd.s32 s4, s21  }
0xb3: {  	[tilespmem:s20], [sflag:$0x2] =	stream.linear.gather [hbm4b:s10+s2], $0x80, $0x38;
	[tilespmem:$0x18A00] =	vst v63  }
0xb4: {  	s11 =	sand.u32 $0x1FFFFFF0, s22;
	s24 =	spop (v2sf);
	s8 =	sadd.s32 s5, s8  }
0xb5: {  	[tilespmem:s29], [sflag:$0x2] =	stream.linear.gather [hbm4b:s8+s2], $0x80, $0x38;
	[tilespmem:$0x18A00] =	vst v63  }
0xb6: {  	s28 =	sadd.s32 s4, s11;
	s6 =	sand.u32 $0x1FFFFFF0, s24;
	s26 =	spop (v2sf)  }
0xb7: {  	[tilespmem:s25], [sflag:$0x2] =	stream.linear.gather [hbm4b:s28+s2], $0x80, $0x38;
	[tilespmem:$0x18A00] =	vst v63  }
0xb8: {  	(v2sf) =	vpush v2, $0xE;
	s6 =	sadd.s32 s4, s6;
	s7 =	sand.u32 $0x1FFFFFF0, s26;
	s29 =	spop (v2sf)  }
0xb9: {  	(v2sf) =	vpush v0, $0xE;
	[tilespmem:s1], [sflag:$0x2] =	stream.linear.gather [hbm4b:s6+s2], $0x80, $0x38;
	[tilespmem:$0x18A00] =	vst v63  }
0xba: {  	s19 =	simm.s32 $0x9100;
	(v2sf) =	vpush v63, $0xE;
	s30 =	sand.u32 $0x1FFFFFF0, s29;
	s31 =	sadd.s32 s5, s7  }
0xbb: {  	(v2sf) =	vpush v2, $0xF;
	[tilespmem:s9], [sflag:$0x2] =	stream.linear.gather [hbm4b:s31+s2], $0x80, $0x38;
	[tilespmem:$0x18A00] =	vst v63  }
0xbc: {  	s18 =	simm.s32 $0x5100;
	(v2sf) =	vpush v0, $0xF;
	s7 =	sadd.s32 s4, s30;
	s1 =	spop (v2sf)  }
0xbd: {  	(v2sf) =	vpush v63, $0xF;
	s6 =	simm.s32 $0x5080;
	s9 =	simm.s32 $0x0;
	s8 =	spop (v2sf)  }
.LBB2_2:
0xbe: {  	_ =	sdelay $0x2  }
0xbf: {  	s10 =	sand.u32 $0x1FFFFFF0, s1  }
0xc0: {  	[tilespmem:s14], [sflag:$0x2] =	stream.linear.gather [hbm4b:s7+s9], $0x80, $0x38;
	[tilespmem:$0x18A00] =	vst v63  }
0xc1: {  	s8 =	sand.u32 $0x1FFFFFF0, s8;
	s30 =	sadd.s32 s4, s10  }
0xc2: {  	[tilespmem:s6], [sflag:$0x2] =	stream.linear.gather [hbm4b:s30+s9], $0x80, $0x38;
	[tilespmem:$0x18A00] =	vst v63  }
0xc3: {  	s8 =	sadd.s32 s5, s8  }
0xc4: {  	[tilespmem:s12], [sflag:$0x2] =	stream.linear.gather [hbm4b:s8+s9], $0x80, $0x38;
	[tilespmem:$0x18A00] =	vst v63  }
0xc5: {  	s1 =	smov.u32 s23;
	s11 =	spop (v2sf)  }
0xc6: {  	s30 =	sadd.s32 $0x1180, s0;
	s31 =	sand.u32 $0x1FFFFFF0, s11;
	s3 =	spop (v2sf)  }
0xc7: {  	s11 =	sand.u32 $0x1FFFFFF0, s3;
	s14 =	spop (v2sf);
	s20 =	sadd.s32 s4, s31  }
0xc8: {  	s31 =	sadd.s32 $0x5180, s0;
	s8 =	sand.u32 $0x1FFFFFF0, s14;
	s21 =	spop (v2sf)  }
0xc9: {  	[tilespmem:s17], [sflag:$0x2] =	stream.linear.gather [hbm4b:s20+s9], $0x80, $0x38;
	[tilespmem:$0x18A00] =	vst v63  }
0xca: {  	s22 =	sadd.s32 s4, s11;
	s24 =	sand.u32 $0x1FFFFFF0, s21;
	s25 =	spop (v2sf)  }
0xcb: {  	s26 =	sadd.s32 s5, s8;
	s8 =	sadd.s32 $0x9180, s0;
	s0 =	sshra.s32 s1, $0x2  }
0xcc: {  	[tilespmem:s18], [sflag:$0x2] =	stream.linear.gather [hbm4b:s22+s9], $0x80, $0x38;
	[tilespmem:$0x18A00] =	vst v63  }
0xcd: {  	s28 =	sand.u32 $0x1FFFFFF0, s25;
	s29 =	spop (v2sf);
	s1 =	sadd.s32 $0x5000, s0  }
0xce: {  	s7 =	sadd.s32 s4, s24;
	s12 =	sadd.s32 $0x8B80, s0;
	[dreg:$0x6] =	wrdreg s1  }
0xcf: {  	[tilespmem:s19], [sflag:$0x2] =	stream.linear.gather [hbm4b:s26+s9], $0x80, $0x38;
	[tilespmem:$0x18A00] =	vst v63  }
0xd0: {  	s14 =	sadd.s32 $0x1100, s0;
	s17 =	sadd.s32 $0xD00, s0;
	[smem:$0x7D8] =	sst s12  }
0xd1: {  	[tilespmem:s30], [sflag:$0x2] =	stream.linear.gather [hbm4b:s7+s9], $0x80, $0x38;
	[tilespmem:$0x18A00] =	vst v63  }
0xd2: {  	s10 =	sand.u32 $0x1FFFFFF0, s29;
	s3 =	sadd.s32 s4, s28;
	[smem:$0x7DA] =	sst s14  }
0xd3: {  	[tilespmem:s31], [sflag:$0x2] =	stream.linear.gather [hbm4b:s3+s9], $0x80, $0x38;
	[tilespmem:$0x18A00] =	vst v63  }
0xd4: {  	s18 =	sadd.s32 $0x4C00, s0;
	[smem:$0x7DE] =	sst s17;
	s11 =	sadd.s32 s5, s10  }
0xd5: {  	[tilespmem:s8], [sflag:$0x2] =	stream.linear.gather [hbm4b:s11+s9], $0x80, $0x38;
	[tilespmem:$0x18A00] =	vst v63  }
0xd6: {  	s20 =	sadd.s32 $0x4C80, s0;
	[smem:$0x7D9] =	sst s18;
	v0 =	vld [tilespmem:s16+$0x0]  }
0xd7: {  	s24 =	sadd.s32 $0x9080, s0;
	[smem:$0x7DC] =	sst s20;
	v1 =	vld [tilespmem:s15+$0x0]  }
0xd8: {  	p0 =	sne.s32 s23, $0xE000;
	s25 =	sadd.s32 $0x5100, s0;
	[smem:$0x7DD] =	sst s24;
	v3 =	vld [tilespmem:s13+$0x0]  }
0xd9: {  	s23 =	sadd.s32 $0x2000, s23;
	[smem:$0x7DB] =	sst s25;
	s28 =	sadd.s32 $0x4D00, s0  }
0xda: {  	s22 =	sadd.s32 $0xA00, s0;
	s29 =	sadd.s32 $0x8D80, s0;
	[smem:$0x7DF] =	sst s28  }
0xdb: {  	s21 =	sadd.s32 $0x4A00, s0;
	s12 =	sadd.s32 $0x4E80, s0;
	[smem:$0x7E3] =	sst s29;
	v0 =	vshll.u32 v0, $0x4  }
0xdc: {  	s6 =	sadd.s32 $0x4A80, s0;
	s18 =	sadd.s32 $0x8E80, s0;
	[smem:$0x7E8] =	sst s12;
	v2 =	vshll.u32 v1, $0x4;
	(v2sf) =	vpush v0, $0x0  }
0xdd: {  	s1 =	sadd.s32 $0x4B80, s0;
	s20 =	sadd.s32 $0xE80, s0;
	[smem:$0x7E9] =	sst s18;
	v63 =	vshll.u32 v3, $0x4;
	(v2sf) =	vpush v2, $0x0  }
0xde: {  	s14 =	sadd.s32 $0x1080, s0;
	s25 =	sadd.s32 $0xF00, s0;
	[smem:$0x7E7] =	sst s20;
	(v2sf) =	vpush v63, $0x0  }
0xdf: {  	s24 =	sadd.s32 $0xA80, s0;
	s26 =	sadd.s32 $0xD80, s0;
	[smem:$0x7EA] =	sst s25  }
0xe0: {  	s17 =	sadd.s32 $0x8C00, s0;
	s28 =	sadd.s32 $0x8F80, s0;
	[smem:$0x7E1] =	sst s26;
	(v2sf) =	vpush v2, $0x1  }
0xe1: {  	s19 =	sadd.s32 $0xB00, s0;
	s12 =	sadd.s32 $0x4F80, s0;
	[dreg:$0xe] =	wrdreg s28  }
0xe2: {  	s10 =	sadd.s32 $0xB80, s0;
	s26 =	sadd.s32 $0x8F00, s0;
	[dreg:$0x1f] =	wrdreg s12;
	(v2sf) =	vpush v0, $0x1  }
0xe3: {  	s29 =	sadd.s32 $0x8A00, s0;
	s30 =	sadd.s32 $0x8D00, s0;
	[smem:$0x7EB] =	sst s26;
	(v2sf) =	vpush v63, $0x1  }
0xe4: {  	s20 =	sadd.s32 $0x8B00, s0;
	s26 =	sadd.s32 $0xE00, s0;
	[smem:$0x7E0] =	sst s30  }
0xe5: {  	s18 =	sadd.s32 $0xC80, s0;
	s30 =	sadd.s32 $0x4D80, s0;
	[smem:$0x7E4] =	sst s26;
	(v2sf) =	vpush v2, $0x2  }
0xe6: {  	s25 =	sadd.s32 $0x4B00, s0;
	s3 =	sadd.s32 $0x9000, s0;
	[smem:$0x7E2] =	sst s30  }
0xe7: {  	s7 =	sadd.s32 $0xC00, s0;
	s31 =	sadd.s32 $0x4E00, s0;
	[dreg:$0x7] =	wrdreg s3;
	(v2sf) =	vpush v0, $0x2  }
0xe8: {  	s3 =	sadd.s32 $0x9100, s0;
	[smem:$0x7E5] =	sst s31;
	s31 =	sadd.s32 $0xF80, s0  }
0xe9: {  	s9 =	simm.s32 $0x0;
	s11 =	sadd.s32 $0x8A80, s0;
	s8 =	sadd.s32 $0x4F00, s0;
	(v2sf) =	vpush v63, $0x2  }
0xea: {  	[smem:$0x7EC] =	sst s31;
	s13 =	sadd.s32 $0x10, s13;
	s15 =	sadd.s32 $0x10, s15  }
0xeb: {  	s16 =	sadd.s32 $0x10, s16;
	[dreg:$0x1b] =	wrdreg s8;
	(v2sf) =	vpush v2, $0x3;
	s30 =	spop (v2sf)  }
0xec: {  	s8 =	sadd.s32 $0x8C80, s0;
	s28 =	spop (v2sf);
	s30 =	sand.u32 $0x1FFFFFF0, s30  }
0xed: {  	(v2sf) =	vpush v0, $0x3;
	s12 =	sand.u32 $0x1FFFFFF0, s28;
	s31 =	spop (v2sf);
	s28 =	sadd.s32 $0x8E00, s0  }
0xee: {  	s30 =	sadd.s32 s4, s30;
	s12 =	sadd.s32 s4, s12;
	s31 =	sand.u32 $0x1FFFFFF0, s31  }
0xef: {  	s26 =	spop (v2sf);
	(v2sf) =	vpush v63, $0x3;
	[smem:$0x7E6] =	sst s28;
	s28 =	smov.u32 s13  }
0xf0: {  	[tilespmem:s22], [sflag:$0x2] =	stream.linear.gather [hbm4b:s12+s9], $0x80, $0x38;
	[tilespmem:$0x18A00] =	vst v63  }
0xf1: {  	s26 =	sand.u32 $0x1FFFFFF0, s26;
	s13 =	spop (v2sf);
	(v2sf) =	vpush v2, $0x4;
	s12 =	sld [smem:$0x7DD]  }
0xf2: {  	s13 =	sand.u32 $0x1FFFFFF0, s13;
	s22 =	spop (v2sf);
	s26 =	sadd.s32 s4, s26  }
0xf3: {  	[tilespmem:s21], [sflag:$0x2] =	stream.linear.gather [hbm4b:s30+s9], $0x80, $0x38;
	[tilespmem:$0x18A00] =	vst v63  }
0xf4: {  	(v2sf) =	vpush v0, $0x4;
	s30 =	sadd.s32 s5, s31;
	s21 =	sand.u32 $0x1FFFFFF0, s22;
	s31 =	spop (v2sf)  }
0xf5: {  	(v2sf) =	vpush v63, $0x4;
	[tilespmem:s29], [sflag:$0x2] =	stream.linear.gather [hbm4b:s30+s9], $0x80, $0x38;
	[tilespmem:$0x18A00] =	vst v63  }
0xf6: {  	s22 =	sand.u32 $0x1FFFFFF0, s31;
	s21 =	sadd.s32 s5, s21;
	s29 =	spop (v2sf)  }
0xf7: {  	(v2sf) =	vpush v2, $0x5;
	[tilespmem:s24], [sflag:$0x2] =	stream.linear.gather [hbm4b:s26+s9], $0x80, $0x38;
	[tilespmem:$0x18A00] =	vst v63  }
0xf8: {  	s30 =	sadd.s32 s4, s13;
	s13 =	sand.u32 $0x1FFFFFF0, s29;
	s31 =	spop (v2sf)  }
0xf9: {  	(v2sf) =	vpush v0, $0x5;
	[tilespmem:s6], [sflag:$0x2] =	stream.linear.gather [hbm4b:s30+s9], $0x80, $0x38;
	[tilespmem:$0x18A00] =	vst v63  }
0xfa: {  	s29 =	sadd.s32 s4, s22;
	s24 =	sand.u32 $0x1FFFFFF0, s31;
	s26 =	spop (v2sf)  }
0xfb: {  	(v2sf) =	vpush v63, $0x5;
	[tilespmem:s11], [sflag:$0x2] =	stream.linear.gather [hbm4b:s21+s9], $0x80, $0x38;
	[tilespmem:$0x18A00] =	vst v63  }
0xfc: {  	s24 =	sadd.s32 s5, s24;
	s30 =	sand.u32 $0x1FFFFFF0, s26;
	s31 =	spop (v2sf)  }
0xfd: {  	[tilespmem:s19], [sflag:$0x2] =	stream.linear.gather [hbm4b:s29+s9], $0x80, $0x38;
	[tilespmem:$0x18A00] =	vst v63  }
0xfe: {  	s19 =	sadd.s32 s4, s13;
	s29 =	sadd.s32 s4, s30;
	s22 =	spop (v2sf)  }
0xff: {  	(v2sf) =	vpush v2, $0x6;
	[tilespmem:s25], [sflag:$0x2] =	stream.linear.gather [hbm4b:s19+s9], $0x80, $0x38;
	[tilespmem:$0x18A00] =	vst v63  }
0x100: {  	s13 =	smov.u32 s28;
	s21 =	sand.u32 $0x1FFFFFF0, s31;
	s26 =	spop (v2sf)  }
0x101: {  	[tilespmem:s20], [sflag:$0x2] =	stream.linear.gather [hbm4b:s24+s9], $0x80, $0x38;
	[tilespmem:$0x18A00] =	vst v63  }
0x102: {  	(v2sf) =	vpush v0, $0x6;
	s19 =	smov.u32 s3;
	s25 =	sand.u32 $0x1FFFFFF0, s22;
	s30 =	sand.u32 $0x1FFFFFF0, s26  }
0x103: {  	s31 =	spop (v2sf);
	s20 =	sadd.s32 s4, s21;
	s24 =	sadd.s32 s5, s25  }
0x104: {  	(v2sf) =	vpush v63, $0x6;
	s21 =	sand.u32 $0x1FFFFFF0, s31;
	s22 =	spop (v2sf);
	s30 =	sadd.s32 s4, s30  }
0x105: {  	(v2sf) =	vpush v2, $0x7;
	[tilespmem:s10], [sflag:$0x2] =	stream.linear.gather [hbm4b:s29+s9], $0x80, $0x38;
	[tilespmem:$0x18A00] =	vst v63  }
0x106: {  	s25 =	sand.u32 $0x1FFFFFF0, s22;
	s29 =	sld [smem:$0x7D8];
	s26 =	spop (v2sf)  }
0x107: {  	(v2sf) =	vpush v0, $0x7;
	[tilespmem:s1], [sflag:$0x2] =	stream.linear.gather [hbm4b:s20+s9], $0x80, $0x38;
	[tilespmem:$0x18A00] =	vst v63  }
0x108: {  	s3 =	sadd.s32 s4, s21;
	s21 =	sld [smem:$0x7D9];
	s1 =	spop (v2sf)  }
0x109: {  	(v2sf) =	vpush v63, $0x7;
	[tilespmem:s29], [sflag:$0x2] =	stream.linear.gather [hbm4b:s24+s9], $0x80, $0x38;
	[tilespmem:$0x18A00] =	vst v63  }
0x10a: {  	s22 =	sadd.s32 s5, s25;
	s31 =	sand.u32 $0x1FFFFFF0, s26;
	(v2sf) =	vpush v2, $0x8;
	s20 =	spop (v2sf)  }
0x10b: {  	[tilespmem:s7], [sflag:$0x2] =	stream.linear.gather [hbm4b:s30+s9], $0x80, $0x38;
	[tilespmem:$0x18A00] =	vst v63  }
0x10c: {  	s26 =	sadd.s32 s4, s31;
	s24 =	sand.u32 $0x1FFFFFF0, s20;
	s7 =	sand.u32 $0x1FFFFFF0, s1  }
0x10d: {  	[tilespmem:s21], [sflag:$0x2] =	stream.linear.gather [hbm4b:s3+s9], $0x80, $0x38;
	[tilespmem:$0x18A00] =	vst v63  }
0x10e: {  	(v2sf) =	vpush v0, $0x8;
	s20 =	sld [smem:$0x7DC];
	s30 =	sadd.s32 s4, s7;
	s25 =	spop (v2sf)  }
0x10f: {  	[tilespmem:s17], [sflag:$0x2] =	stream.linear.gather [hbm4b:s22+s9], $0x80, $0x38;
	[tilespmem:$0x18A00] =	vst v63  }
0x110: {  	s21 =	sadd.s32 s5, s24;
	s17 =	sld [smem:$0x7DA];
	s28 =	sand.u32 $0x1FFFFFF0, s25  }
0x111: {  	s29 =	spop (v2sf);
	s25 =	sadd.s32 s4, s28;
	s28 =	sld [smem:$0x7DE]  }
0x112: {  	(v2sf) =	vpush v63, $0x8;
	[tilespmem:s18], [sflag:$0x2] =	stream.linear.gather [hbm4b:s26+s9], $0x80, $0x38;
	[tilespmem:$0x18A00] =	vst v63  }
0x113: {  	s18 =	sld [smem:$0x7DB];
	s31 =	sand.u32 $0x1FFFFFF0, s29;
	s3 =	spop (v2sf)  }
0x114: {  	(v2sf) =	vpush v2, $0x9;
	s22 =	sand.u32 $0x1FFFFFF0, s3;
	s24 =	spop (v2sf);
	s29 =	sadd.s32 s4, s31  }
0x115: {  	(v2sf) =	vpush v0, $0x9;
	[tilespmem:s20], [sflag:$0x2] =	stream.linear.gather [hbm4b:s30+s9], $0x80, $0x38;
	[tilespmem:$0x18A00] =	vst v63  }
0x116: {  	s31 =	sld [smem:$0x7DF];
	s7 =	sand.u32 $0x1FFFFFF0, s24;
	s26 =	spop (v2sf)  }
0x117: {  	(v2sf) =	vpush v63, $0x9;
	[tilespmem:s8], [sflag:$0x2] =	stream.linear.gather [hbm4b:s21+s9], $0x80, $0x38;
	[tilespmem:$0x18A00] =	vst v63  }
0x118: {  	(v2sf) =	vpush v2, $0xA;
	s6 =	sadd.s32 s5, s22;
	s22 =	sadd.s32 s4, s7;
	s30 =	spop (v2sf)  }
0x119: {  	s8 =	sand.u32 $0x1FFFFFF0, s26;
	s21 =	sld [smem:$0x7E0];
	s20 =	spop (v2sf)  }
0x11a: {  	(v2sf) =	vpush v0, $0xA;
	[tilespmem:s28], [sflag:$0x2] =	stream.linear.gather [hbm4b:s25+s9], $0x80, $0x38;
	[tilespmem:$0x18A00] =	vst v63  }
0x11b: {  	s26 =	sld [smem:$0x7E1];
	s11 =	sand.u32 $0x1FFFFFF0, s30;
	s24 =	sand.u32 $0x1FFFFFF0, s20  }
0x11c: {  	(v2sf) =	vpush v63, $0xA;
	[tilespmem:s31], [sflag:$0x2] =	stream.linear.gather [hbm4b:s29+s9], $0x80, $0x38;
	[tilespmem:$0x18A00] =	vst v63  }
0x11d: {  	s25 =	spop (v2sf);
	(v2sf) =	vpush v2, $0xB;
	s28 =	sadd.s32 s4, s8;
	s31 =	sld [smem:$0x7E2]  }
0x11e: {  	[tilespmem:s21], [sflag:$0x2] =	stream.linear.gather [hbm4b:s6+s9], $0x80, $0x38;
	[tilespmem:$0x18A00] =	vst v63  }
0x11f: {  	s29 =	sand.u32 $0x1FFFFFF0, s25;
	s6 =	sadd.s32 s5, s11;
	s21 =	sld [smem:$0x7E3]  }
0x120: {  	[tilespmem:s26], [sflag:$0x2] =	stream.linear.gather [hbm4b:s22+s9], $0x80, $0x38;
	[tilespmem:$0x18A00] =	vst v63  }
0x121: {  	s30 =	spop (v2sf);
	s22 =	sadd.s32 s4, s24;
	s26 =	sld [smem:$0x7E4]  }
0x122: {  	[tilespmem:s31], [sflag:$0x2] =	stream.linear.gather [hbm4b:s28+s9], $0x80, $0x38;
	[tilespmem:$0x18A00] =	vst v63  }
0x123: {  	(v2sf) =	vpush v0, $0xB;
	s11 =	sand.u32 $0x1FFFFFF0, s30;
	s20 =	spop (v2sf);
	s28 =	sadd.s32 s4, s29  }
0x124: {  	s31 =	sld [smem:$0x7E5];
	s24 =	sand.u32 $0x1FFFFFF0, s20;
	s25 =	spop (v2sf)  }
0x125: {  	(v2sf) =	vpush v63, $0xB;
	[tilespmem:s21], [sflag:$0x2] =	stream.linear.gather [hbm4b:s6+s9], $0x80, $0x38;
	[tilespmem:$0x18A00] =	vst v63  }
0x126: {  	s29 =	sand.u32 $0x1FFFFFF0, s25;
	s30 =	spop (v2sf);
	s6 =	sadd.s32 s5, s11  }
0x127: {  	(v2sf) =	vpush v2, $0xC;
	s21 =	sld [smem:$0x7E6];
	s11 =	sand.u32 $0x1FFFFFF0, s30;
	s20 =	spop (v2sf)  }
0x128: {  	[tilespmem:s26], [sflag:$0x2] =	stream.linear.gather [hbm4b:s22+s9], $0x80, $0x38;
	[tilespmem:$0x18A00] =	vst v63  }
0x129: {  	s22 =	sadd.s32 s4, s24;
	s24 =	sand.u32 $0x1FFFFFF0, s20;
	s25 =	spop (v2sf)  }
0x12a: {  	[tilespmem:s31], [sflag:$0x2] =	stream.linear.gather [hbm4b:s28+s9], $0x80, $0x38;
	[tilespmem:$0x18A00] =	vst v63  }
0x12b: {  	(v2sf) =	vpush v0, $0xC;
	s26 =	sld [smem:$0x7E7];
	s28 =	sadd.s32 s4, s29;
	s30 =	spop (v2sf)  }
0x12c: {  	s29 =	sand.u32 $0x1FFFFFF0, s25;
	s31 =	sld [smem:$0x7E8];
	s20 =	spop (v2sf)  }
0x12d: {  	(v2sf) =	vpush v63, $0xC;
	[tilespmem:s21], [sflag:$0x2] =	stream.linear.gather [hbm4b:s6+s9], $0x80, $0x38;
	[tilespmem:$0x18A00] =	vst v63  }
0x12e: {  	s6 =	sadd.s32 s5, s11;
	s11 =	sand.u32 $0x1FFFFFF0, s30;
	s21 =	sld [smem:$0x7E9]  }
0x12f: {  	[tilespmem:s26], [sflag:$0x2] =	stream.linear.gather [hbm4b:s22+s9], $0x80, $0x38;
	[tilespmem:$0x18A00] =	vst v63  }
0x130: {  	s22 =	sadd.s32 s4, s24;
	s24 =	sand.u32 $0x1FFFFFF0, s20;
	s26 =	sld [smem:$0x7EA]  }
0x131: {  	(v2sf) =	vpush v2, $0xD;
	[tilespmem:s31], [sflag:$0x2] =	stream.linear.gather [hbm4b:s28+s9], $0x80, $0x38;
	[tilespmem:$0x18A00] =	vst v63  }
0x132: {  	s28 =	sadd.s32 s4, s29;
	s31 =	rddreg [dreg:$0x1b];
	s25 =	spop (v2sf)  }
0x133: {  	(v2sf) =	vpush v0, $0xD;
	[tilespmem:s21], [sflag:$0x2] =	stream.linear.gather [hbm4b:s6+s9], $0x80, $0x38;
	[tilespmem:$0x18A00] =	vst v63  }
0x134: {  	s29 =	sand.u32 $0x1FFFFFF0, s25;
	s6 =	sadd.s32 s5, s11;
	s30 =	spop (v2sf)  }
0x135: {  	[tilespmem:s26], [sflag:$0x2] =	stream.linear.gather [hbm4b:s22+s9], $0x80, $0x38;
	[tilespmem:$0x18A00] =	vst v63  }
0x136: {  	(v2sf) =	vpush v63, $0xD;
	s21 =	sld [smem:$0x7EB];
	s11 =	sand.u32 $0x1FFFFFF0, s30;
	s20 =	spop (v2sf)  }
0x137: {  	[tilespmem:s31], [sflag:$0x2] =	stream.linear.gather [hbm4b:s28+s9], $0x80, $0x38;
	[tilespmem:$0x18A00] =	vst v63  }
0x138: {  	s22 =	sadd.s32 s4, s24;
	s26 =	sld [smem:$0x7EC];
	s24 =	sand.u32 $0x1FFFFFF0, s20  }
0x139: {  	[tilespmem:s21], [sflag:$0x2] =	stream.linear.gather [hbm4b:s6+s9], $0x80, $0x38;
	[tilespmem:$0x18A00] =	vst v63  }
0x13a: {  	s25 =	spop (v2sf);
	s28 =	sadd.s32 s4, s29;
	s29 =	sadd.s32 $0x1000, s0  }
0x13b: {  	[tilespmem:s26], [sflag:$0x2] =	stream.linear.gather [hbm4b:s22+s9], $0x80, $0x38;
	[tilespmem:$0x18A00] =	vst v63  }
0x13c: {  	s30 =	spop (v2sf);
	s31 =	rddreg [dreg:$0x1f];
	s24 =	sadd.s32 s4, s24  }
0x13d: {  	[tilespmem:s31], [sflag:$0x2] =	stream.linear.gather [hbm4b:s28+s9], $0x80, $0x38;
	[tilespmem:$0x18A00] =	vst v63  }
0x13e: {  	s20 =	sand.u32 $0x1FFFFFF0, s30;
	s6 =	sadd.s32 s5, s11;
	s22 =	rddreg [dreg:$0xe]  }
0x13f: {  	[tilespmem:s22], [sflag:$0x2] =	stream.linear.gather [hbm4b:s6+s9], $0x80, $0x38;
	[tilespmem:$0x18A00] =	vst v63  }
0x140: {  	s25 =	sand.u32 $0x1FFFFFF0, s25;
	s21 =	spop (v2sf);
	s30 =	sadd.s32 s5, s20  }
0x141: {  	(v2sf) =	vpush v2, $0xE;
	[tilespmem:s29], [sflag:$0x2] =	stream.linear.gather [hbm4b:s24+s9], $0x80, $0x38;
	[tilespmem:$0x18A00] =	vst v63  }
.Ltmp0:
0x142: {  	(v2sf) =	vpush v0, $0xE;
	s26 =	sand.u32 $0x1FFFFFF0, s21;
	s1 =	spop (v2sf);
	(pc) =	sbr.rel @p0 .LBB2_2-.Ltmp0, $4  }
0x143: {  	(v2sf) =	vpush v63, $0xE;
	s7 =	sadd.s32 s4, s26;
	s28 =	sadd.s32 s4, s25;
	s29 =	rddreg [dreg:$0x6]  }
0x144: {  	(v2sf) =	vpush v2, $0xF;
	[tilespmem:s29], [sflag:$0x2] =	stream.linear.gather [hbm4b:s28+s9], $0x80, $0x38;
	[tilespmem:$0x18A00] =	vst v63  }
0x145: {  	(v2sf) =	vpush v0, $0xF;
	s31 =	rddreg [dreg:$0x7];
	s6 =	sadd.s32 $0x5080, s0;
	s8 =	spop (v2sf)  }
0x146: {  	(v2sf) =	vpush v63, $0xF;
	[tilespmem:s31], [sflag:$0x2] =	stream.linear.gather [hbm4b:s30+s9], $0x80, $0x38;
	[tilespmem:$0x18A00] =	vst v63  }
0x147: {  	_ =	sdelay $0x2  }
0x148: {  	s1 =	sand.u32 $0x1FFFFFF0, s1  }
0x149: {  	[tilespmem:s14], [sflag:$0x2] =	stream.linear.gather [hbm4b:s7+s9], $0x80, $0x38;
	[tilespmem:$0x18A00] =	vst v63  }
0x14a: {  	s8 =	sand.u32 $0x1FFFFFF0, s8;
	s1 =	sadd.s32 s4, s1  }
0x14b: {  	[tilespmem:s6], [sflag:$0x2] =	stream.linear.gather [hbm4b:s1+s9], $0x80, $0x38;
	[tilespmem:$0x18A00] =	vst v63  }
0x14c: {  	s13 =	sadd.s32 s5, s8  }
0x14d: {  	[tilespmem:s12], [sflag:$0x2] =	stream.linear.gather [hbm4b:s13+s9], $0x80, $0x38;
	[tilespmem:$0x18A00] =	vst v63  }
0x14e: {  	s3 =	spop (v2sf)  }
0x14f: {  	s23 =	sadd.s32 $0x1180, s0;
	s10 =	spop (v2sf);
	s11 =	sand.u32 $0x1FFFFFF0, s3  }
0x150: {  	s14 =	spop (v2sf);
	s15 =	sand.u32 $0x1FFFFFF0, s10;
	s1 =	sadd.s32 s4, s11  }
0x151: {  	[tilespmem:s17], [sflag:$0x2] =	stream.linear.gather [hbm4b:s1+s9], $0x80, $0x38;
	[tilespmem:$0x18A00] =	vst v63  }
0x152: {  	s16 =	spop (v2sf);
	s17 =	sand.u32 $0x1FFFFFF0, s14;
	s3 =	sadd.s32 s4, s15  }
0x153: {  	[tilespmem:s18], [sflag:$0x2] =	stream.linear.gather [hbm4b:s3+s9], $0x80, $0x38;
	[tilespmem:$0x18A00] =	vst v63  }
0x154: {  	s20 =	spop (v2sf);
	s21 =	sand.u32 $0x1FFFFFF0, s16;
	s1 =	sadd.s32 s5, s17  }
0x155: {  	[tilespmem:s19], [sflag:$0x2] =	stream.linear.gather [hbm4b:s1+s9], $0x80, $0x38;
	[tilespmem:$0x18A00] =	vst v63  }
0x156: {  	s6 =	sand.u32 $0x1FFFFFF0, s20;
	s22 =	spop (v2sf);
	s3 =	sadd.s32 s4, s21  }
0x157: {  	[tilespmem:s23], [sflag:$0x2] =	stream.linear.gather [hbm4b:s3+s9], $0x80, $0x38;
	[tilespmem:$0x18A00] =	vst v63  }
0x158: {  	s24 =	sadd.s32 $0x5180, s0;
	s6 =	sadd.s32 s4, s6;
	s1 =	sand.u32 $0x1FFFFFF0, s22  }
0x159: {  	[tilespmem:s24], [sflag:$0x2] =	stream.linear.gather [hbm4b:s6+s9], $0x80, $0x38;
	[tilespmem:$0x18A00] =	vst v63  }
0x15a: {  	s25 =	sadd.s32 $0x9180, s0;
	s26 =	simm.s32 $0x680;
	s1 =	sadd.s32 s5, s1  }
0x15b: {  	[tilespmem:s25], [sflag:$0x2] =	stream.linear.gather [hbm4b:s1+s9], $0x80, $0x38;
	[tilespmem:$0x18A00] =	vst v63  }
0x15c: {  	s28 =	simm.s32 $0x880;
	v0 =	vld [tilespmem:s26+$0x0]  }
0x15d: {  	s30 =	simm.s32 $0x480;
	v1 =	vld [tilespmem:s28+$0x0]  }
0x15e: {  	v3 =	vld [tilespmem:s30+$0x0];
	_ =	sdelay $0x2  }
0x15f: {  	v2 =	vshll.u32 v0, $0x4  }
0x160: {  	v1 =	vshll.u32 v1, $0x4;
	(v2sf) =	vpush v2, $0x0  }
0x161: {  	v63 =	vshll.u32 v3, $0x4;
	(v2sf) =	vpush v1, $0x0  }
0x162: {  	(v2sf) =	vpush v63, $0x0;
	_ =	sdelay $0x1  }
0x163: {  	(v2sf) =	vpush v2, $0x1;
	_ =	sdelay $0x1  }
0x164: {  	(v2sf) =	vpush v1, $0x1;
	_ =	sdelay $0x1  }
0x165: {  	(v2sf) =	vpush v63, $0x1;
	_ =	sdelay $0x1  }
0x166: {  	s0 =	simm.s32 $0x0;
	(v2sf) =	vpush v2, $0x2  }
0x167: {  	s31 =	simm.s32 $0x14A00;
	s7 =	simm.s32 $0xCD80;
	s29 =	simm.s32 $0x490  }
0x168: {  	s8 =	simm.s32 $0x10B80;
	s12 =	simm.s32 $0x14A80;
	s13 =	simm.s32 $0xCB80;
	(v2sf) =	vpush v1, $0x2  }
0x169: {  	s10 =	simm.s32 $0x10A00;
	s15 =	simm.s32 $0xCA00;
	s17 =	simm.s32 $0x690  }
0x16a: {  	s21 =	simm.s32 $0xCA80;
	s3 =	simm.s32 $0x2000;
	s23 =	simm.s32 $0x10A80  }
0x16b: {  	s6 =	simm.s32 $0xCE00;
	s1 =	simm.s32 $0xCE80;
	s11 =	spop (v2sf)  }
0x16c: {  	s9 =	simm.s32 $0x10C80;
	s11 =	sand.u32 $0x1FFFFFF0, s11;
	s16 =	spop (v2sf)  }
0x16d: {  	s26 =	simm.s32 $0x890;
	s11 =	sadd.s32 s4, s11;
	s19 =	spop (v2sf)  }
0x16e: {  	(v2sf) =	vpush v63, $0x2;
	[tilespmem:s15], [sflag:$0x3] =	stream.linear.gather [hbm4b:s11+s2], $0x80, $0x38;
	[tilespmem:$0x18A00] =	vst v63  }
0x16f: {  	(v2sf) =	vpush v2, $0x3;
	s18 =	sand.u32 $0x1FFFFFF0, s16;
	s14 =	sand.u32 $0x1FFFFFF0, s19;
	s15 =	spop (v2sf)  }
0x170: {  	s11 =	sadd.s32 s4, s18;
	s18 =	simm.s32 $0x10B00;
	s20 =	sand.u32 $0x1FFFFFF0, s15  }
0x171: {  	(v2sf) =	vpush v1, $0x3;
	s14 =	sadd.s32 s5, s14;
	s22 =	spop (v2sf);
	s15 =	simm.s32 $0xCB00  }
0x172: {  	(v2sf) =	vpush v63, $0x3;
	[tilespmem:s10], [sflag:$0x3] =	stream.linear.gather [hbm4b:s11+s2], $0x80, $0x38;
	[tilespmem:$0x18A00] =	vst v63  }
0x173: {  	s11 =	simm.s32 $0x14B80;
	s10 =	sadd.s32 s4, s20;
	s25 =	spop (v2sf)  }
0x174: {  	(v2sf) =	vpush v2, $0x4;
	[tilespmem:s31], [sflag:$0x3] =	stream.linear.gather [hbm4b:s14+s2], $0x80, $0x38;
	[tilespmem:$0x18A00] =	vst v63  }
0x175: {  	s24 =	sand.u32 $0x1FFFFFF0, s22;
	s28 =	spop (v2sf);
	s14 =	sand.u32 $0x1FFFFFF0, s25  }
0x176: {  	(v2sf) =	vpush v1, $0x4;
	[tilespmem:s21], [sflag:$0x3] =	stream.linear.gather [hbm4b:s10+s2], $0x80, $0x38;
	[tilespmem:$0x18A00] =	vst v63  }
0x177: {  	s31 =	sand.u32 $0x1FFFFFF0, s28;
	s16 =	spop (v2sf);
	s10 =	sadd.s32 s4, s24  }
0x178: {  	(v2sf) =	vpush v63, $0x4;
	[tilespmem:s23], [sflag:$0x3] =	stream.linear.gather [hbm4b:s10+s2], $0x80, $0x38;
	[tilespmem:$0x18A00] =	vst v63  }
0x179: {  	s25 =	simm.s32 $0x10C00;
	s30 =	sadd.s32 s5, s14;
	s14 =	sadd.s32 s4, s31  }
0x17a: {  	(v2sf) =	vpush v2, $0x5;
	[tilespmem:s12], [sflag:$0x3] =	stream.linear.gather [hbm4b:s30+s2], $0x80, $0x38;
	[tilespmem:$0x18A00] =	vst v63  }
0x17b: {  	s31 =	simm.s32 $0x14C00;
	s21 =	simm.s32 $0x14B00;
	s12 =	sand.u32 $0x1FFFFFF0, s16  }
0x17c: {  	[tilespmem:s15], [sflag:$0x3] =	stream.linear.gather [hbm4b:s14+s2], $0x80, $0x38;
	[tilespmem:$0x18A00] =	vst v63  }
0x17d: {  	s10 =	simm.s32 $0x14E80;
	s12 =	sadd.s32 s4, s12;
	s19 =	spop (v2sf)  }
0x17e: {  	s15 =	simm.s32 $0x10D80;
	s14 =	sand.u32 $0x1FFFFFF0, s19;
	s20 =	spop (v2sf)  }
0x17f: {  	[tilespmem:s18], [sflag:$0x3] =	stream.linear.gather [hbm4b:s12+s2], $0x80, $0x38;
	[tilespmem:$0x18A00] =	vst v63  }
0x180: {  	(v2sf) =	vpush v1, $0x5;
	s19 =	simm.s32 $0xCC00;
	s22 =	sadd.s32 s5, s14;
	s24 =	spop (v2sf)  }
0x181: {  	s23 =	sand.u32 $0x1FFFFFF0, s20;
	s12 =	sand.u32 $0x1FFFFFF0, s24;
	s28 =	spop (v2sf)  }
0x182: {  	[tilespmem:s21], [sflag:$0x3] =	stream.linear.gather [hbm4b:s22+s2], $0x80, $0x38;
	[tilespmem:$0x18A00] =	vst v63  }
0x183: {  	(v2sf) =	vpush v63, $0x5;
	s14 =	sadd.s32 s4, s23;
	s12 =	sadd.s32 s4, s12;
	s30 =	spop (v2sf)  }
0x184: {  	(v2sf) =	vpush v2, $0x6;
	[tilespmem:s13], [sflag:$0x3] =	stream.linear.gather [hbm4b:s14+s2], $0x80, $0x38;
	[tilespmem:$0x18A00] =	vst v63  }
0x185: {  	(v2sf) =	vpush v1, $0x6;
	s18 =	sand.u32 $0x1FFFFFF0, s30;
	s20 =	spop (v2sf);
	s14 =	sand.u32 $0x1FFFFFF0, s28  }
0x186: {  	[tilespmem:s8], [sflag:$0x3] =	stream.linear.gather [hbm4b:s12+s2], $0x80, $0x38;
	[tilespmem:$0x18A00] =	vst v63  }
0x187: {  	(v2sf) =	vpush v63, $0x6;
	s16 =	sadd.s32 s5, s14;
	s14 =	sadd.s32 s4, s18;
	s21 =	spop (v2sf)  }
0x188: {  	[tilespmem:s11], [sflag:$0x3] =	stream.linear.gather [hbm4b:s16+s2], $0x80, $0x38;
	[tilespmem:$0x18A00] =	vst v63  }
0x189: {  	(v2sf) =	vpush v2, $0x7;
	s12 =	sand.u32 $0x1FFFFFF0, s20;
	s22 =	spop (v2sf);
	s8 =	simm.s32 $0x10F00  }
0x18a: {  	[tilespmem:s19], [sflag:$0x3] =	stream.linear.gather [hbm4b:s14+s2], $0x80, $0x38;
	[tilespmem:$0x18A00] =	vst v63  }
0x18b: {  	(v2sf) =	vpush v1, $0x7;
	s20 =	simm.s32 $0xCD00;
	s12 =	sadd.s32 s4, s12;
	s14 =	sand.u32 $0x1FFFFFF0, s21  }
0x18c: {  	[tilespmem:s25], [sflag:$0x3] =	stream.linear.gather [hbm4b:s12+s2], $0x80, $0x38;
	[tilespmem:$0x18A00] =	vst v63  }
0x18d: {  	(v2sf) =	vpush v63, $0x7;
	s24 =	sand.u32 $0x1FFFFFF0, s22;
	s11 =	simm.s32 $0xCF00;
	s23 =	sadd.s32 s5, s14  }
0x18e: {  	[tilespmem:s31], [sflag:$0x3] =	stream.linear.gather [hbm4b:s23+s2], $0x80, $0x38;
	[tilespmem:$0x18A00] =	vst v63  }
0x18f: {  	(v2sf) =	vpush v2, $0x8;
	s16 =	simm.s32 $0x14C80;
	s14 =	sadd.s32 s4, s24;
	s28 =	spop (v2sf)  }
0x190: {  	s24 =	simm.s32 $0x14D00;
	s25 =	simm.s32 $0xCC80;
	s13 =	sand.u32 $0x1FFFFFF0, s28  }
0x191: {  	[tilespmem:s25], [sflag:$0x3] =	stream.linear.gather [hbm4b:s14+s2], $0x80, $0x38;
	[tilespmem:$0x18A00] =	vst v63  }
0x192: {  	s12 =	simm.s32 $0x10D00;
	s30 =	spop (v2sf);
	s13 =	sadd.s32 s4, s13  }
0x193: {  	s14 =	sand.u32 $0x1FFFFFF0, s30;
	s31 =	spop (v2sf);
	(v2sf) =	vpush v1, $0x8;
	s30 =	simm.s32 $0x10E00  }
0x194: {  	s18 =	sadd.s32 s5, s14;
	s19 =	sand.u32 $0x1FFFFFF0, s31;
	s21 =	spop (v2sf)  }
0x195: {  	(v2sf) =	vpush v63, $0x8;
	[tilespmem:s9], [sflag:$0x3] =	stream.linear.gather [hbm4b:s13+s2], $0x80, $0x38;
	[tilespmem:$0x18A00] =	vst v63  }
0x196: {  	s14 =	sadd.s32 s4, s19;
	s9 =	simm.s32 $0x10E80;
	(v2sf) =	vpush v2, $0x9;
	s22 =	spop (v2sf)  }
0x197: {  	[tilespmem:s16], [sflag:$0x3] =	stream.linear.gather [hbm4b:s18+s2], $0x80, $0x38;
	[tilespmem:$0x18A00] =	vst v63  }
0x198: {  	s13 =	sand.u32 $0x1FFFFFF0, s21;
	s19 =	simm.s32 $0x14D80;
	s23 =	spop (v2sf)  }
0x199: {  	[tilespmem:s20], [sflag:$0x3] =	stream.linear.gather [hbm4b:s14+s2], $0x80, $0x38;
	[tilespmem:$0x18A00] =	vst v63  }
0x19a: {  	s13 =	sadd.s32 s4, s13;
	(v2sf) =	vpush v1, $0x9;
	s31 =	spop (v2sf);
	s14 =	sand.u32 $0x1FFFFFF0, s22  }
0x19b: {  	(v2sf) =	vpush v63, $0x9;
	[tilespmem:s12], [sflag:$0x3] =	stream.linear.gather [hbm4b:s13+s2], $0x80, $0x38;
	[tilespmem:$0x18A00] =	vst v63  }
0x19c: {  	s28 =	sand.u32 $0x1FFFFFF0, s23;
	s16 =	spop (v2sf);
	s25 =	sadd.s32 s5, s14  }
0x19d: {  	(v2sf) =	vpush v2, $0xA;
	[tilespmem:s24], [sflag:$0x3] =	stream.linear.gather [hbm4b:s25+s2], $0x80, $0x38;
	[tilespmem:$0x18A00] =	vst v63  }
0x19e: {  	s18 =	spop (v2sf);
	s14 =	sadd.s32 s4, s28;
	s13 =	sand.u32 $0x1FFFFFF0, s31  }
0x19f: {  	[tilespmem:s7], [sflag:$0x3] =	stream.linear.gather [hbm4b:s14+s2], $0x80, $0x38;
	[tilespmem:$0x18A00] =	vst v63  }
0x1a0: {  	s22 =	simm.s32 $0x14E00;
	s13 =	sadd.s32 s4, s13;
	s14 =	sand.u32 $0x1FFFFFF0, s16  }
0x1a1: {  	(v2sf) =	vpush v1, $0xA;
	[tilespmem:s15], [sflag:$0x3] =	stream.linear.gather [hbm4b:s13+s2], $0x80, $0x38;
	[tilespmem:$0x18A00] =	vst v63  }
0x1a2: {  	s21 =	sand.u32 $0x1FFFFFF0, s18;
	s20 =	sadd.s32 s5, s14;
	s23 =	spop (v2sf)  }
0x1a3: {  	(v2sf) =	vpush v63, $0xA;
	[tilespmem:s19], [sflag:$0x3] =	stream.linear.gather [hbm4b:s20+s2], $0x80, $0x38;
	[tilespmem:$0x18A00] =	vst v63  }
0x1a4: {  	s18 =	simm.s32 $0xD080;
	s14 =	sadd.s32 s4, s21;
	s25 =	spop (v2sf)  }
0x1a5: {  	s15 =	simm.s32 $0x11180;
	s24 =	sand.u32 $0x1FFFFFF0, s23;
	s28 =	spop (v2sf)  }
0x1a6: {  	(v2sf) =	vpush v2, $0xB;
	[tilespmem:s6], [sflag:$0x3] =	stream.linear.gather [hbm4b:s14+s2], $0x80, $0x38;
	[tilespmem:$0x18A00] =	vst v63  }
0x1a7: {  	(v2sf) =	vpush v1, $0xB;
	s13 =	sand.u32 $0x1FFFFFF0, s25;
	s6 =	sadd.s32 s4, s24;
	s31 =	sand.u32 $0x1FFFFFF0, s28  }
0x1a8: {  	[tilespmem:s30], [sflag:$0x3] =	stream.linear.gather [hbm4b:s6+s2], $0x80, $0x38;
	[tilespmem:$0x18A00] =	vst v63  }
0x1a9: {  	(v2sf) =	vpush v63, $0xB;
	s24 =	simm.s32 $0x14F00;
	s30 =	sadd.s32 s5, s13;
	s13 =	spop (v2sf)  }
0x1aa: {  	s12 =	sadd.s32 s4, s31;
	s7 =	sand.u32 $0x1FFFFFF0, s13;
	s14 =	spop (v2sf)  }
0x1ab: {  	(v2sf) =	vpush v2, $0xC;
	[tilespmem:s22], [sflag:$0x3] =	stream.linear.gather [hbm4b:s30+s2], $0x80, $0x38;
	[tilespmem:$0x18A00] =	vst v63  }
0x1ac: {  	s6 =	simm.s32 $0x10F80;
	s7 =	sadd.s32 s4, s7;
	s16 =	spop (v2sf)  }
0x1ad: {  	(v2sf) =	vpush v1, $0xC;
	[tilespmem:s1], [sflag:$0x3] =	stream.linear.gather [hbm4b:s12+s2], $0x80, $0x38;
	[tilespmem:$0x18A00] =	vst v63  }
0x1ae: {  	s30 =	simm.s32 $0xCF80;
	s20 =	sand.u32 $0x1FFFFFF0, s16;
	s12 =	sand.u32 $0x1FFFFFF0, s14  }
0x1af: {  	[tilespmem:s9], [sflag:$0x3] =	stream.linear.gather [hbm4b:s7+s2], $0x80, $0x38;
	[tilespmem:$0x18A00] =	vst v63  }
0x1b0: {  	(v2sf) =	vpush v63, $0xC;
	s21 =	spop (v2sf);
	s1 =	simm.s32 $0x11000;
	s19 =	sadd.s32 s5, s12  }
0x1b1: {  	[tilespmem:s10], [sflag:$0x3] =	stream.linear.gather [hbm4b:s19+s2], $0x80, $0x38;
	[tilespmem:$0x18A00] =	vst v63  }
0x1b2: {  	s14 =	simm.s32 $0x15100;
	s22 =	spop (v2sf);
	s10 =	sand.u32 $0x1FFFFFF0, s21  }
0x1b3: {  	s7 =	simm.s32 $0x14F80;
	s9 =	sadd.s32 s4, s20;
	s10 =	sadd.s32 s4, s10  }
0x1b4: {  	(v2sf) =	vpush v2, $0xD;
	[tilespmem:s11], [sflag:$0x3] =	stream.linear.gather [hbm4b:s9+s2], $0x80, $0x38;
	[tilespmem:$0x18A00] =	vst v63  }
0x1b5: {  	s9 =	simm.s32 $0xD000;
	s11 =	sand.u32 $0x1FFFFFF0, s22;
	s23 =	spop (v2sf)  }
0x1b6: {  	(v2sf) =	vpush v1, $0xD;
	s25 =	sadd.s32 s5, s11;
	s28 =	sand.u32 $0x1FFFFFF0, s23;
	s31 =	spop (v2sf)  }
0x1b7: {  	[tilespmem:s8], [sflag:$0x3] =	stream.linear.gather [hbm4b:s10+s2], $0x80, $0x38;
	[tilespmem:$0x18A00] =	vst v63  }
0x1b8: {  	s11 =	sadd.s32 s4, s28;
	s10 =	sand.u32 $0x1FFFFFF0, s31;
	s12 =	spop (v2sf)  }
0x1b9: {  	[tilespmem:s24], [sflag:$0x3] =	stream.linear.gather [hbm4b:s25+s2], $0x80, $0x38;
	[tilespmem:$0x18A00] =	vst v63  }
0x1ba: {  	s28 =	simm.s32 $0x15000;
	s10 =	sadd.s32 s4, s10;
	s13 =	spop (v2sf)  }
0x1bb: {  	[tilespmem:s30], [sflag:$0x3] =	stream.linear.gather [hbm4b:s11+s2], $0x80, $0x38;
	[tilespmem:$0x18A00] =	vst v63  }
0x1bc: {  	s11 =	sand.u32 $0x1FFFFFF0, s12;
	s19 =	sand.u32 $0x1FFFFFF0, s13;
	s20 =	spop (v2sf)  }
0x1bd: {  	s13 =	simm.s32 $0x11080;
	s16 =	sadd.s32 s5, s11;
	s21 =	sadd.s32 s4, s19  }
0x1be: {  	[tilespmem:s6], [sflag:$0x3] =	stream.linear.gather [hbm4b:s10+s2], $0x80, $0x38;
	[tilespmem:$0x18A00] =	vst v63  }
0x1bf: {  	s22 =	sand.u32 $0x1FFFFFF0, s20;
	s23 =	spop (v2sf);
	s11 =	simm.s32 $0xD180  }
0x1c0: {  	(v2sf) =	vpush v63, $0xD;
	[tilespmem:s7], [sflag:$0x3] =	stream.linear.gather [hbm4b:s16+s2], $0x80, $0x38;
	[tilespmem:$0x18A00] =	vst v63  }
0x1c1: {  	(v2sf) =	vpush v2, $0xE;
	s20 =	simm.s32 $0xD100;
	s24 =	sadd.s32 s4, s22;
	s25 =	sand.u32 $0x1FFFFFF0, s23  }
0x1c2: {  	(v2sf) =	vpush v1, $0xE;
	[tilespmem:s9], [sflag:$0x3] =	stream.linear.gather [hbm4b:s21+s2], $0x80, $0x38;
	[tilespmem:$0x18A00] =	vst v63  }
0x1c3: {  	(v2sf) =	vpush v63, $0xE;
	s30 =	sadd.s32 s5, s25;
	s31 =	spop (v2sf);
	s21 =	simm.s32 $0x11100  }
0x1c4: {  	(v2sf) =	vpush v2, $0xF;
	[tilespmem:s1], [sflag:$0x3] =	stream.linear.gather [hbm4b:s24+s2], $0x80, $0x38;
	[tilespmem:$0x18A00] =	vst v63  }
0x1c5: {  	(v2sf) =	vpush v1, $0xF;
	s24 =	simm.s32 $0x15080;
	s1 =	sand.u32 $0x1FFFFFF0, s31;
	s7 =	spop (v2sf)  }
0x1c6: {  	(v2sf) =	vpush v63, $0xF;
	[tilespmem:s28], [sflag:$0x3] =	stream.linear.gather [hbm4b:s30+s2], $0x80, $0x38;
	[tilespmem:$0x18A00] =	vst v63  }
.LBB2_4:
0x1c7: {  	_ =	sdelay $0x3  }
0x1c8: {  	s1 =	sadd.s32 s4, s1;
	s7 =	sand.u32 $0x1FFFFFF0, s7  }
0x1c9: {  	[tilespmem:s18], [sflag:$0x3] =	stream.linear.gather [hbm4b:s1+s2], $0x80, $0x38;
	[tilespmem:$0x18A00] =	vst v63  }
0x1ca: {  	s7 =	sadd.s32 s4, s7  }
0x1cb: {  	[tilespmem:s13], [sflag:$0x3] =	stream.linear.gather [hbm4b:s7+s2], $0x80, $0x38;
	[tilespmem:$0x18A00] =	vst v63  }
0x1cc: {  	s8 =	spop (v2sf)  }
0x1cd: {  	s10 =	sand.u32 $0x1FFFFFF0, s8;
	s12 =	spop (v2sf)  }
0x1ce: {  	s13 =	sadd.s32 s5, s10;
	s16 =	sand.u32 $0x1FFFFFF0, s12;
	s18 =	spop (v2sf)  }
0x1cf: {  	[tilespmem:s24], [sflag:$0x3] =	stream.linear.gather [hbm4b:s13+s2], $0x80, $0x38;
	[tilespmem:$0x18A00] =	vst v63  }
0x1d0: {  	s19 =	sadd.s32 s4, s16;
	s22 =	sand.u32 $0x1FFFFFF0, s18;
	s23 =	spop (v2sf)  }
0x1d1: {  	[tilespmem:s20], [sflag:$0x3] =	stream.linear.gather [hbm4b:s19+s2], $0x80, $0x38;
	[tilespmem:$0x18A00] =	vst v63  }
0x1d2: {  	s24 =	sadd.s32 s4, s22;
	s25 =	sand.u32 $0x1FFFFFF0, s23;
	s28 =	spop (v2sf)  }
0x1d3: {  	[tilespmem:s21], [sflag:$0x3] =	stream.linear.gather [hbm4b:s24+s2], $0x80, $0x38;
	[tilespmem:$0x18A00] =	vst v63  }
0x1d4: {  	s30 =	sadd.s32 s5, s25;
	s31 =	sand.u32 $0x1FFFFFF0, s28;
	s6 =	spop (v2sf)  }
0x1d5: {  	[tilespmem:s14], [sflag:$0x3] =	stream.linear.gather [hbm4b:s30+s2], $0x80, $0x38;
	[tilespmem:$0x18A00] =	vst v63  }
0x1d6: {  	s7 =	sadd.s32 s4, s31;
	s10 =	sand.u32 $0x1FFFFFF0, s6;
	s12 =	spop (v2sf)  }
0x1d7: {  	[tilespmem:s11], [sflag:$0x3] =	stream.linear.gather [hbm4b:s7+s2], $0x80, $0x38;
	[tilespmem:$0x18A00] =	vst v63  }
0x1d8: {  	s13 =	sadd.s32 s4, s10;
	s14 =	sand.u32 $0x1FFFFFF0, s12  }
0x1d9: {  	[tilespmem:s15], [sflag:$0x3] =	stream.linear.gather [hbm4b:s13+s2], $0x80, $0x38;
	[tilespmem:$0x18A00] =	vst v63  }
0x1da: {  	s9 =	smov.u32 s3;
	s0 =	sadd.s32 $0x15180, s0;
	s16 =	sadd.s32 s5, s14  }
0x1db: {  	[tilespmem:s0], [sflag:$0x3] =	stream.linear.gather [hbm4b:s16+s2], $0x80, $0x38;
	[tilespmem:$0x18A00] =	vst v63  }
0x1dc: {  	s0 =	sshra.s32 s9, $0x2  }
0x1dd: {  	s18 =	sadd.s32 $0x10B80, s0  }
0x1de: {  	s19 =	sadd.s32 $0xCD80, s0;
	[smem:$0x7C5] =	sst s18  }
0x1df: {  	s20 =	sadd.s32 $0xCE00, s0;
	[smem:$0x7CE] =	sst s19  }
0x1e0: {  	s21 =	sadd.s32 $0xCE80, s0;
	[smem:$0x7D1] =	sst s20  }
0x1e1: {  	s22 =	sadd.s32 $0x10C80, s0;
	[smem:$0x7D4] =	sst s21  }
0x1e2: {  	p0 =	sne.s32 s3, $0xE000;
	v0 =	vld [tilespmem:s17+$0x0];
	s23 =	sadd.s32 $0x14E80, s0;
	[smem:$0x7C9] =	sst s22  }
0x1e3: {  	s3 =	sadd.s32 $0x2000, s3;
	v1 =	vld [tilespmem:s26+$0x0];
	s24 =	sadd.s32 $0x10C00, s0;
	[dreg:$0x18] =	wrdreg s23  }
0x1e4: {  	v3 =	vld [tilespmem:s29+$0x0];
	s26 =	sadd.s32 $0x10, s26;
	s28 =	sadd.s32 $0x14C00, s0;
	[smem:$0x7C6] =	sst s24  }
0x1e5: {  	s17 =	sadd.s32 $0x10, s17;
	s6 =	sadd.s32 $0xCF00, s0;
	[smem:$0x7C7] =	sst s28  }
0x1e6: {  	s8 =	sadd.s32 $0x14A00, s0;
	s7 =	sadd.s32 $0x10D00, s0;
	[dreg:$0x15] =	wrdreg s6  }
0x1e7: {  	s13 =	sadd.s32 $0xCA00, s0;
	s10 =	sadd.s32 $0x10F00, s0;
	[smem:$0x7CC] =	sst s7;
	v2 =	vshll.u32 v0, $0x4  }
0x1e8: {  	s9 =	sadd.s32 $0x10A00, s0;
	s11 =	sadd.s32 $0x10E80, s0;
	[dreg:$0xf] =	wrdreg s10;
	v1 =	vshll.u32 v1, $0x4;
	(v2sf) =	vpush v2, $0x0  }
0x1e9: {  	s25 =	sadd.s32 $0x14A80, s0;
	s12 =	sadd.s32 $0x14E00, s0;
	[smem:$0x7D5] =	sst s11;
	v63 =	vshll.u32 v3, $0x4;
	(v2sf) =	vpush v1, $0x0  }
0x1ea: {  	s30 =	sadd.s32 $0xCB80, s0;
	s14 =	sadd.s32 $0xCC80, s0;
	[smem:$0x7D3] =	sst s12;
	(v2sf) =	vpush v63, $0x0  }
0x1eb: {  	s31 =	sadd.s32 $0x14B80, s0;
	s15 =	sadd.s32 $0x10D80, s0;
	[smem:$0x7C8] =	sst s14  }
0x1ec: {  	s1 =	sadd.s32 $0x10B00, s0;
	s16 =	sadd.s32 $0x14D80, s0;
	[smem:$0x7CF] =	sst s15;
	(v2sf) =	vpush v2, $0x1  }
0x1ed: {  	s29 =	sadd.s32 $0x10, s29;
	s6 =	sadd.s32 $0x10E00, s0;
	[smem:$0x7D0] =	sst s16  }
0x1ee: {  	s22 =	sadd.s32 $0xCC00, s0;
	s18 =	sadd.s32 $0x14C80, s0;
	[smem:$0x7D2] =	sst s6  }
0x1ef: {  	s28 =	sadd.s32 $0xCA80, s0;
	s19 =	sadd.s32 $0x14D00, s0;
	[smem:$0x7CA] =	sst s18;
	(v2sf) =	vpush v1, $0x1  }
0x1f0: {  	s7 =	sadd.s32 $0xCB00, s0;
	s10 =	sadd.s32 $0x11000, s0;
	[smem:$0x7CD] =	sst s19  }
0x1f1: {  	s15 =	sadd.s32 $0x11180, s0;
	s20 =	sadd.s32 $0x14F80, s0;
	[dreg:$0x8] =	wrdreg s10  }
0x1f2: {  	s14 =	sadd.s32 $0x15100, s0;
	s21 =	sadd.s32 $0xD000, s0;
	[dreg:$0x12] =	wrdreg s20;
	(v2sf) =	vpush v63, $0x1  }
0x1f3: {  	s11 =	sadd.s32 $0xD180, s0;
	s23 =	sadd.s32 $0xCF80, s0;
	[dreg:$0xb] =	wrdreg s21  }
0x1f4: {  	s16 =	sadd.s32 $0x10A80, s0;
	s24 =	sadd.s32 $0x10F80, s0;
	[smem:$0x7D7] =	sst s23;
	(v2sf) =	vpush v2, $0x2  }
0x1f5: {  	s12 =	sadd.s32 $0xCD00, s0;
	s19 =	sadd.s32 $0xD080, s0;
	[dreg:$0x1c] =	wrdreg s24  }
0x1f6: {  	s6 =	sadd.s32 $0x14B00, s0;
	s21 =	sadd.s32 $0x11100, s0;
	[smem:$0x7CB] =	sst s12;
	(v2sf) =	vpush v1, $0x2  }
0x1f7: {  	s20 =	sadd.s32 $0xD100, s0;
	s24 =	sadd.s32 $0x15080, s0;
	s12 =	spop (v2sf)  }
0x1f8: {  	s10 =	smov.u32 s17;
	(v2sf) =	vpush v63, $0x2;
	s23 =	sand.u32 $0x1FFFFFF0, s12;
	s18 =	spop (v2sf)  }
0x1f9: {  	s23 =	sadd.s32 s4, s23;
	s17 =	sand.u32 $0x1FFFFFF0, s18;
	s12 =	spop (v2sf)  }
0x1fa: {  	(v2sf) =	vpush v2, $0x3;
	[tilespmem:s13], [sflag:$0x3] =	stream.linear.gather [hbm4b:s23+s2], $0x80, $0x38;
	[tilespmem:$0x18A00] =	vst v63  }
0x1fb: {  	s18 =	sand.u32 $0x1FFFFFF0, s12;
	s13 =	sadd.s32 $0x11080, s0;
	s12 =	spop (v2sf)  }
0x1fc: {  	(v2sf) =	vpush v1, $0x3;
	s17 =	sadd.s32 s4, s17;
	s23 =	sand.u32 $0x1FFFFFF0, s12;
	s12 =	sadd.s32 $0x14F00, s0  }
0x1fd: {  	[tilespmem:s9], [sflag:$0x3] =	stream.linear.gather [hbm4b:s17+s2], $0x80, $0x38;
	[tilespmem:$0x18A00] =	vst v63  }
0x1fe: {  	(v2sf) =	vpush v63, $0x3;
	[smem:$0x7D6] =	sst s12;
	s17 =	sadd.s32 s5, s18;
	s12 =	spop (v2sf)  }
0x1ff: {  	s18 =	smov.u32 s19;
	(v2sf) =	vpush v2, $0x4;
	s9 =	sadd.s32 s4, s23;
	s23 =	sand.u32 $0x1FFFFFF0, s12  }
0x200: {  	[tilespmem:s8], [sflag:$0x3] =	stream.linear.gather [hbm4b:s17+s2], $0x80, $0x38;
	[tilespmem:$0x18A00] =	vst v63  }
0x201: {  	s19 =	sadd.s32 $0x15000, s0;
	s12 =	spop (v2sf);
	(v2sf) =	vpush v1, $0x4;
	s23 =	sadd.s32 s4, s23  }
0x202: {  	[tilespmem:s28], [sflag:$0x3] =	stream.linear.gather [hbm4b:s9+s2], $0x80, $0x38;
	[tilespmem:$0x18A00] =	vst v63  }
0x203: {  	s17 =	smov.u32 s10;
	s28 =	sand.u32 $0x1FFFFFF0, s12;
	s12 =	spop (v2sf)  }
0x204: {  	[tilespmem:s16], [sflag:$0x3] =	stream.linear.gather [hbm4b:s23+s2], $0x80, $0x38;
	[tilespmem:$0x18A00] =	vst v63  }
0x205: {  	(v2sf) =	vpush v63, $0x4;
	s23 =	sadd.s32 s5, s28;
	s28 =	sand.u32 $0x1FFFFFF0, s12;
	s12 =	spop (v2sf)  }
0x206: {  	[tilespmem:s25], [sflag:$0x3] =	stream.linear.gather [hbm4b:s23+s2], $0x80, $0x38;
	[tilespmem:$0x18A00] =	vst v63  }
0x207: {  	(v2sf) =	vpush v2, $0x5;
	s23 =	sadd.s32 s4, s28;
	s25 =	sand.u32 $0x1FFFFFF0, s12;
	s28 =	spop (v2sf)  }
0x208: {  	[tilespmem:s7], [sflag:$0x3] =	stream.linear.gather [hbm4b:s23+s2], $0x80, $0x38;
	[tilespmem:$0x18A00] =	vst v63  }
0x209: {  	s10 =	sadd.s32 s4, s25;
	s12 =	sand.u32 $0x1FFFFFF0, s28;
	s16 =	spop (v2sf)  }
0x20a: {  	(v2sf) =	vpush v1, $0x5;
	[tilespmem:s1], [sflag:$0x3] =	stream.linear.gather [hbm4b:s10+s2], $0x80, $0x38;
	[tilespmem:$0x18A00] =	vst v63  }
0x20b: {  	s23 =	sadd.s32 s5, s12;
	s25 =	sand.u32 $0x1FFFFFF0, s16;
	s28 =	spop (v2sf)  }
0x20c: {  	(v2sf) =	vpush v63, $0x5;
	[tilespmem:s6], [sflag:$0x3] =	stream.linear.gather [hbm4b:s23+s2], $0x80, $0x38;
	[tilespmem:$0x18A00] =	vst v63  }
0x20d: {  	s7 =	sadd.s32 s4, s25;
	s9 =	sand.u32 $0x1FFFFFF0, s28;
	s10 =	spop (v2sf)  }
0x20e: {  	(v2sf) =	vpush v2, $0x6;
	s25 =	sld [smem:$0x7C5];
	s16 =	sand.u32 $0x1FFFFFF0, s10;
	s23 =	spop (v2sf)  }
0x20f: {  	(v2sf) =	vpush v1, $0x6;
	[tilespmem:s30], [sflag:$0x3] =	stream.linear.gather [hbm4b:s7+s2], $0x80, $0x38;
	[tilespmem:$0x18A00] =	vst v63  }
0x210: {  	s12 =	sadd.s32 s4, s9;
	s28 =	sadd.s32 s5, s16;
	s6 =	spop (v2sf)  }
0x211: {  	(v2sf) =	vpush v63, $0x6;
	[tilespmem:s25], [sflag:$0x3] =	stream.linear.gather [hbm4b:s12+s2], $0x80, $0x38;
	[tilespmem:$0x18A00] =	vst v63  }
0x212: {  	s30 =	sand.u32 $0x1FFFFFF0, s23;
	s23 =	sld [smem:$0x7C6];
	s9 =	sand.u32 $0x1FFFFFF0, s6  }
0x213: {  	[tilespmem:s31], [sflag:$0x3] =	stream.linear.gather [hbm4b:s28+s2], $0x80, $0x38;
	[tilespmem:$0x18A00] =	vst v63  }
0x214: {  	(v2sf) =	vpush v2, $0x7;
	s7 =	sadd.s32 s4, s30;
	s12 =	sadd.s32 s4, s9;
	s10 =	spop (v2sf)  }
0x215: {  	[tilespmem:s22], [sflag:$0x3] =	stream.linear.gather [hbm4b:s7+s2], $0x80, $0x38;
	[tilespmem:$0x18A00] =	vst v63  }
0x216: {  	(v2sf) =	vpush v1, $0x7;
	s16 =	sand.u32 $0x1FFFFFF0, s10;
	s31 =	sld [smem:$0x7C7];
	s22 =	spop (v2sf)  }
0x217: {  	s10 =	sld [smem:$0x7C8];
	s25 =	sadd.s32 s5, s16;
	s28 =	sand.u32 $0x1FFFFFF0, s22  }
0x218: {  	[tilespmem:s23], [sflag:$0x3] =	stream.linear.gather [hbm4b:s12+s2], $0x80, $0x38;
	[tilespmem:$0x18A00] =	vst v63  }
0x219: {  	s7 =	sadd.s32 s4, s28;
	s23 =	sld [smem:$0x7C9];
	s30 =	spop (v2sf)  }
0x21a: {  	(v2sf) =	vpush v63, $0x7;
	[tilespmem:s31], [sflag:$0x3] =	stream.linear.gather [hbm4b:s25+s2], $0x80, $0x38;
	[tilespmem:$0x18A00] =	vst v63  }
0x21b: {  	s8 =	sand.u32 $0x1FFFFFF0, s30;
	s31 =	sld [smem:$0x7CA];
	s9 =	spop (v2sf)  }
0x21c: {  	(v2sf) =	vpush v2, $0x8;
	[tilespmem:s10], [sflag:$0x3] =	stream.linear.gather [hbm4b:s7+s2], $0x80, $0x38;
	[tilespmem:$0x18A00] =	vst v63  }
0x21d: {  	s12 =	sadd.s32 s4, s8;
	s16 =	sand.u32 $0x1FFFFFF0, s9;
	s22 =	spop (v2sf)  }
0x21e: {  	(v2sf) =	vpush v1, $0x8;
	s10 =	sld [smem:$0x7CB];
	s28 =	sand.u32 $0x1FFFFFF0, s22;
	s30 =	spop (v2sf)  }
0x21f: {  	[tilespmem:s23], [sflag:$0x3] =	stream.linear.gather [hbm4b:s12+s2], $0x80, $0x38;
	[tilespmem:$0x18A00] =	vst v63  }
0x220: {  	s25 =	sadd.s32 s5, s16;
	s7 =	sadd.s32 s4, s28;
	s9 =	spop (v2sf)  }
0x221: {  	(v2sf) =	vpush v63, $0x8;
	s8 =	sand.u32 $0x1FFFFFF0, s30;
	s23 =	sld [smem:$0x7CC];
	s16 =	sand.u32 $0x1FFFFFF0, s9  }
0x222: {  	(v2sf) =	vpush v2, $0x9;
	[tilespmem:s31], [sflag:$0x3] =	stream.linear.gather [hbm4b:s25+s2], $0x80, $0x38;
	[tilespmem:$0x18A00] =	vst v63  }
0x223: {  	(v2sf) =	vpush v1, $0x9;
	s12 =	sadd.s32 s4, s8;
	s22 =	spop (v2sf);
	s25 =	sadd.s32 s5, s16  }
0x224: {  	[tilespmem:s10], [sflag:$0x3] =	stream.linear.gather [hbm4b:s7+s2], $0x80, $0x38;
	[tilespmem:$0x18A00] =	vst v63  }
0x225: {  	(v2sf) =	vpush v63, $0x9;
	s28 =	sand.u32 $0x1FFFFFF0, s22;
	s31 =	sld [smem:$0x7CD];
	s30 =	spop (v2sf)  }
0x226: {  	[tilespmem:s23], [sflag:$0x3] =	stream.linear.gather [hbm4b:s12+s2], $0x80, $0x38;
	[tilespmem:$0x18A00] =	vst v63  }
0x227: {  	s7 =	sadd.s32 s4, s28;
	s10 =	sld [smem:$0x7CE];
	s8 =	sand.u32 $0x1FFFFFF0, s30  }
0x228: {  	[tilespmem:s31], [sflag:$0x3] =	stream.linear.gather [hbm4b:s25+s2], $0x80, $0x38;
	[tilespmem:$0x18A00] =	vst v63  }
0x229: {  	(v2sf) =	vpush v2, $0xA;
	s12 =	sadd.s32 s4, s8;
	s23 =	sld [smem:$0x7CF];
	s9 =	spop (v2sf)  }
0x22a: {  	[tilespmem:s10], [sflag:$0x3] =	stream.linear.gather [hbm4b:s7+s2], $0x80, $0x38;
	[tilespmem:$0x18A00] =	vst v63  }
0x22b: {  	(v2sf) =	vpush v1, $0xA;
	s16 =	sand.u32 $0x1FFFFFF0, s9;
	s31 =	sld [smem:$0x7D0];
	s22 =	spop (v2sf)  }
0x22c: {  	[tilespmem:s23], [sflag:$0x3] =	stream.linear.gather [hbm4b:s12+s2], $0x80, $0x38;
	[tilespmem:$0x18A00] =	vst v63  }
0x22d: {  	s25 =	sadd.s32 s5, s16;
	s28 =	sand.u32 $0x1FFFFFF0, s22;
	s30 =	spop (v2sf)  }
0x22e: {  	(v2sf) =	vpush v63, $0xA;
	s10 =	sld [smem:$0x7D1];
	s7 =	sadd.s32 s4, s28;
	s8 =	sand.u32 $0x1FFFFFF0, s30  }
0x22f: {  	[tilespmem:s31], [sflag:$0x3] =	stream.linear.gather [hbm4b:s25+s2], $0x80, $0x38;
	[tilespmem:$0x18A00] =	vst v63  }
0x230: {  	(v2sf) =	vpush v2, $0xB;
	s23 =	sld [smem:$0x7D2];
	s9 =	spop (v2sf);
	s12 =	sadd.s32 s4, s8  }
0x231: {  	s16 =	sand.u32 $0x1FFFFFF0, s9;
	s22 =	spop (v2sf);
	s31 =	sld [smem:$0x7D3]  }
0x232: {  	(v2sf) =	vpush v1, $0xB;
	s25 =	sadd.s32 s5, s16;
	s28 =	sand.u32 $0x1FFFFFF0, s22;
	s30 =	spop (v2sf)  }
0x233: {  	[tilespmem:s10], [sflag:$0x3] =	stream.linear.gather [hbm4b:s7+s2], $0x80, $0x38;
	[tilespmem:$0x18A00] =	vst v63  }
0x234: {  	s7 =	sadd.s32 s4, s28;
	s8 =	sand.u32 $0x1FFFFFF0, s30;
	s9 =	spop (v2sf)  }
0x235: {  	[tilespmem:s23], [sflag:$0x3] =	stream.linear.gather [hbm4b:s12+s2], $0x80, $0x38;
	[tilespmem:$0x18A00] =	vst v63  }
0x236: {  	(v2sf) =	vpush v63, $0xB;
	s10 =	sld [smem:$0x7D4];
	s16 =	sand.u32 $0x1FFFFFF0, s9;
	s12 =	sadd.s32 s4, s8  }
0x237: {  	[tilespmem:s31], [sflag:$0x3] =	stream.linear.gather [hbm4b:s25+s2], $0x80, $0x38;
	[tilespmem:$0x18A00] =	vst v63  }
0x238: {  	(v2sf) =	vpush v2, $0xC;
	s23 =	sld [smem:$0x7D5];
	s22 =	spop (v2sf);
	s25 =	sadd.s32 s5, s16  }
0x239: {  	[tilespmem:s10], [sflag:$0x3] =	stream.linear.gather [hbm4b:s7+s2], $0x80, $0x38;
	[tilespmem:$0x18A00] =	vst v63  }
0x23a: {  	s28 =	sand.u32 $0x1FFFFFF0, s22;
	s31 =	rddreg [dreg:$0x18];
	s30 =	spop (v2sf)  }
0x23b: {  	s7 =	sadd.s32 s4, s28;
	s10 =	rddreg [dreg:$0x15];
	s8 =	sand.u32 $0x1FFFFFF0, s30  }
0x23c: {  	(v2sf) =	vpush v1, $0xC;
	[tilespmem:s23], [sflag:$0x3] =	stream.linear.gather [hbm4b:s12+s2], $0x80, $0x38;
	[tilespmem:$0x18A00] =	vst v63  }
0x23d: {  	s12 =	sadd.s32 s4, s8;
	s23 =	rddreg [dreg:$0xf];
	s9 =	spop (v2sf)  }
0x23e: {  	(v2sf) =	vpush v63, $0xC;
	[tilespmem:s31], [sflag:$0x3] =	stream.linear.gather [hbm4b:s25+s2], $0x80, $0x38;
	[tilespmem:$0x18A00] =	vst v63  }
0x23f: {  	(v2sf) =	vpush v2, $0xD;
	s16 =	sand.u32 $0x1FFFFFF0, s9;
	s31 =	sld [smem:$0x7D6];
	s22 =	spop (v2sf)  }
0x240: {  	[tilespmem:s10], [sflag:$0x3] =	stream.linear.gather [hbm4b:s7+s2], $0x80, $0x38;
	[tilespmem:$0x18A00] =	vst v63  }
0x241: {  	(v2sf) =	vpush v1, $0xD;
	s25 =	sadd.s32 s5, s16;
	s28 =	sand.u32 $0x1FFFFFF0, s22;
	s30 =	spop (v2sf)  }
0x242: {  	[tilespmem:s23], [sflag:$0x3] =	stream.linear.gather [hbm4b:s12+s2], $0x80, $0x38;
	[tilespmem:$0x18A00] =	vst v63  }
0x243: {  	s7 =	sadd.s32 s4, s28;
	s9 =	sand.u32 $0x1FFFFFF0, s30;
	s12 =	sld [smem:$0x7D7]  }
0x244: {  	[tilespmem:s31], [sflag:$0x3] =	stream.linear.gather [hbm4b:s25+s2], $0x80, $0x38;
	[tilespmem:$0x18A00] =	vst v63  }
0x245: {  	s10 =	spop (v2sf);
	s16 =	sadd.s32 s4, s9;
	s9 =	rddreg [dreg:$0x12]  }
0x246: {  	[tilespmem:s12], [sflag:$0x3] =	stream.linear.gather [hbm4b:s7+s2], $0x80, $0x38;
	[tilespmem:$0x18A00] =	vst v63  }
0x247: {  	s22 =	sand.u32 $0x1FFFFFF0, s10;
	s23 =	spop (v2sf);
	s25 =	rddreg [dreg:$0x1c]  }
0x248: {  	[tilespmem:s25], [sflag:$0x3] =	stream.linear.gather [hbm4b:s16+s2], $0x80, $0x38;
	[tilespmem:$0x18A00] =	vst v63  }
0x249: {  	s28 =	sadd.s32 s5, s22;
	s30 =	sand.u32 $0x1FFFFFF0, s23;
	s22 =	rddreg [dreg:$0xb]  }
0x24a: {  	[tilespmem:s9], [sflag:$0x3] =	stream.linear.gather [hbm4b:s28+s2], $0x80, $0x38;
	[tilespmem:$0x18A00] =	vst v63  }
0x24b: {  	(v2sf) =	vpush v63, $0xD;
	s31 =	spop (v2sf);
	s10 =	sadd.s32 s4, s30;
	s30 =	rddreg [dreg:$0x8]  }
0x24c: {  	(v2sf) =	vpush v2, $0xE;
	[tilespmem:s22], [sflag:$0x3] =	stream.linear.gather [hbm4b:s10+s2], $0x80, $0x38;
	[tilespmem:$0x18A00] =	vst v63  }
.Ltmp1:
0x24d: {  	(v2sf) =	vpush v1, $0xE;
	s12 =	sand.u32 $0x1FFFFFF0, s31;
	s16 =	spop (v2sf);
	(pc) =	sbr.rel @p0 .LBB2_4-.Ltmp1, $4  }
0x24e: {  	(v2sf) =	vpush v63, $0xE;
	s23 =	sadd.s32 s4, s12;
	s25 =	sand.u32 $0x1FFFFFF0, s16;
	s28 =	spop (v2sf)  }
0x24f: {  	(v2sf) =	vpush v2, $0xF;
	[tilespmem:s30], [sflag:$0x3] =	stream.linear.gather [hbm4b:s23+s2], $0x80, $0x38;
	[tilespmem:$0x18A00] =	vst v63  }
0x250: {  	(v2sf) =	vpush v1, $0xF;
	s31 =	sadd.s32 s5, s25;
	s1 =	sand.u32 $0x1FFFFFF0, s28;
	s7 =	spop (v2sf)  }
0x251: {  	(v2sf) =	vpush v63, $0xF;
	[tilespmem:s19], [sflag:$0x3] =	stream.linear.gather [hbm4b:s31+s2], $0x80, $0x38;
	[tilespmem:$0x18A00] =	vst v63  }
0x252: {  	_ =	sdelay $0x3  }
0x253: {  	s1 =	sadd.s32 s4, s1;
	s3 =	sand.u32 $0x1FFFFFF0, s7  }
0x254: {  	[tilespmem:s18], [sflag:$0x3] =	stream.linear.gather [hbm4b:s1+s2], $0x80, $0x38;
	[tilespmem:$0x18A00] =	vst v63  }
0x255: {  	s3 =	sadd.s32 s4, s3  }
0x256: {  	[tilespmem:s13], [sflag:$0x3] =	stream.linear.gather [hbm4b:s3+s2], $0x80, $0x38;
	[tilespmem:$0x18A00] =	vst v63  }
0x257: {  	s6 =	spop (v2sf)  }
0x258: {  	s7 =	sand.u32 $0x1FFFFFF0, s6;
	s8 =	spop (v2sf)  }
0x259: {  	s9 =	sadd.s32 s5, s7;
	s10 =	sand.u32 $0x1FFFFFF0, s8;
	s12 =	spop (v2sf)  }
0x25a: {  	[tilespmem:s24], [sflag:$0x3] =	stream.linear.gather [hbm4b:s9+s2], $0x80, $0x38;
	[tilespmem:$0x18A00] =	vst v63  }
0x25b: {  	s13 =	sadd.s32 s4, s10;
	s16 =	sand.u32 $0x1FFFFFF0, s12;
	s17 =	spop (v2sf)  }
0x25c: {  	[tilespmem:s20], [sflag:$0x3] =	stream.linear.gather [hbm4b:s13+s2], $0x80, $0x38;
	[tilespmem:$0x18A00] =	vst v63  }
0x25d: {  	s18 =	sadd.s32 s4, s16;
	s19 =	sand.u32 $0x1FFFFFF0, s17;
	s20 =	spop (v2sf)  }
0x25e: {  	[tilespmem:s21], [sflag:$0x3] =	stream.linear.gather [hbm4b:s18+s2], $0x80, $0x38;
	[tilespmem:$0x18A00] =	vst v63  }
0x25f: {  	s22 =	sadd.s32 s5, s19;
	s23 =	sand.u32 $0x1FFFFFF0, s20;
	s24 =	spop (v2sf)  }
0x260: {  	[tilespmem:s14], [sflag:$0x3] =	stream.linear.gather [hbm4b:s22+s2], $0x80, $0x38;
	[tilespmem:$0x18A00] =	vst v63  }
0x261: {  	s25 =	sadd.s32 s4, s23;
	s26 =	sand.u32 $0x1FFFFFF0, s24;
	s28 =	spop (v2sf)  }
0x262: {  	[tilespmem:s11], [sflag:$0x3] =	stream.linear.gather [hbm4b:s25+s2], $0x80, $0x38;
	[tilespmem:$0x18A00] =	vst v63  }
0x263: {  	s29 =	sadd.s32 s4, s26;
	s30 =	sand.u32 $0x1FFFFFF0, s28  }
0x264: {  	[tilespmem:s15], [sflag:$0x3] =	stream.linear.gather [hbm4b:s29+s2], $0x80, $0x38;
	[tilespmem:$0x18A00] =	vst v63  }
0x265: {  	s0 =	sadd.s32 $0x15180, s0;
	s1 =	simm.s32 $0x2;
	s31 =	sadd.s32 s5, s30  }
0x266: {  	[tilespmem:s0], [sflag:$0x3] =	stream.linear.gather [hbm4b:s31+s2], $0x80, $0x38;
	[tilespmem:$0x18A00] =	vst v63  }
0x267: {  	_ =	swait.ge [sflag:s1], $0x80  }
0x268: {  	[sflag:s1] =	ssyncset.done $0x0  }
0x269: {  	[sflag:s1] =	ssyncadd.s32 $0xFFFFFF80  }
0x26a: {  	_ =	swait.ge [sflag:s1], $0x80  }
0x26b: {  	[sflag:s1] =	ssyncset.done $0x0  }
0x26c: {  	[sflag:s1] =	ssyncadd.s32 $0xFFFFFF80  }
0x26d: {  	_ =	swait.ge [sflag:s1], $0x80  }
0x26e: {  	s0 =	simm.s32 $0x7F;
	[sflag:s1] =	ssyncset.done $0x0  }
.LBB2_6:
0x26f: {  	p0 =	sne.s32 s0, $0x1;
	s0 =	sadd.s32 $0xFFFFFFFF, s0;
	[sflag:s1] =	ssyncadd.s32 $0xFFFFFF80  }
0x270: {  	_ =	swait.ge [sflag:s1], $0x80  }
0x271: {  	[sflag:s1] =	ssyncset.done $0x0  }
0x272: {  	[sflag:s1] =	ssyncadd.s32 $0xFFFFFF80  }
.Ltmp2:
0x273: {  	_ =	swait.ge [sflag:s1], $0x80;
	(pc) =	sbr.rel @p0 .LBB2_6-.Ltmp2, $4  }
0x274: {  	[sflag:s1] =	ssyncset.done $0x0  }
0x275: {  	[sflag:s1] =	ssyncadd.s32 $0xFFFFFF80  }
0x276: {  	_ =	swait.ge [sflag:s1], $0x80  }
0x277: {  	[sflag:s1] =	ssyncset.done $0x0  }
0x278: {  	s8 =	sld [smem:$0x7F1]  }
0x279: {  	[sflag:s1] =	ssyncadd.s32 $0xFFFFFF80  }
0x27a: {  	s0 =	simm.s32 $0x0;
	s3 =	simm.s32 $0xA00;
	s9 =	simm.s32 $0x4  }
0x27b: {  	[hbm4b:s8+s0] =	stream.linear.scatter [tilespmem:s3], [sflag:$0x4], $0x4000, $0x38;
	[tilespmem:$0x18A00] =	vst v63  }
0x27c: {  	_ =	swait.ge [sflag:s9], $0x4000  }
0x27d: {  	s10 =	sld [smem:$0x7F2]  }
0x27e: {  	[sflag:s9] =	ssyncset.done $0x0  }
0x27f: {  	s6 =	simm.s32 $0x4A00;
	[sflag:s9] =	ssyncadd.s32 $0xFFFFC000  }
0x280: {  	[hbm4b:s10+s0] =	stream.linear.scatter [tilespmem:s6], [sflag:$0x4], $0x4000, $0x38;
	[tilespmem:$0x18A00] =	vst v63  }
0x281: {  	_ =	swait.ge [sflag:s9], $0x4000  }
0x282: {  	s11 =	sld [smem:$0x7F3]  }
0x283: {  	[sflag:s9] =	ssyncset.done $0x0  }
0x284: {  	s12 =	simm.s32 $0x8A00;
	[sflag:s9] =	ssyncadd.s32 $0xFFFFC000  }
0x285: {  	[hbm4b:s11+s0] =	stream.linear.scatter [tilespmem:s12], [sflag:$0x4], $0x4000, $0x38;
	[tilespmem:$0x18A00] =	vst v63  }
0x286: {  	_ =	swait.ge [sflag:s9], $0x4000  }
0x287: {  	[sflag:s9] =	ssyncset.done $0x0  }
0x288: {  	s13 =	simm.s32 $0x700;
	[sflag:s9] =	ssyncadd.s32 $0xFFFFC000  }
0x289: {  	s14 =	simm.s32 $0x900;
	v0 =	vld [tilespmem:s13+$0x0]  }
0x28a: {  	s15 =	simm.s32 $0x500;
	v1 =	vld [tilespmem:s14+$0x0]  }
0x28b: {  	v3 =	vld [tilespmem:s15+$0x0];
	_ =	sdelay $0x2  }
0x28c: {  	v2 =	vshll.u32 v0, $0x4  }
0x28d: {  	v1 =	vshll.u32 v1, $0x4;
	(v2sf) =	vpush v2, $0x0  }
0x28e: {  	v63 =	vshll.u32 v3, $0x4;
	(v2sf) =	vpush v1, $0x0  }
0x28f: {  	(v2sf) =	vpush v63, $0x0;
	_ =	sdelay $0x1  }
0x290: {  	(v2sf) =	vpush v2, $0x1;
	_ =	sdelay $0x2  }
0x291: {  	(v2sf) =	vpush v1, $0x1  }
0x292: {  	(v2sf) =	vpush v63, $0x1;
	_ =	sdelay $0x1  }
0x293: {  	s26 =	simm.s32 $0x910;
	(v2sf) =	vpush v2, $0x2  }
0x294: {  	s17 =	simm.s32 $0x710;
	s7 =	simm.s32 $0xD80;
	s16 =	simm.s32 $0xA00  }
0x295: {  	s1 =	simm.s32 $0xE80;
	s21 =	simm.s32 $0xA80;
	s23 =	simm.s32 $0x4A80  }
0x296: {  	s29 =	simm.s32 $0x510;
	s3 =	simm.s32 $0x2000;
	s8 =	simm.s32 $0x4B80  }
0x297: {  	s10 =	simm.s32 $0x4A00;
	s6 =	simm.s32 $0xE00;
	s0 =	simm.s32 $0x0  }
0x298: {  	s12 =	simm.s32 $0x8A80;
	s9 =	simm.s32 $0x8A00;
	s11 =	spop (v2sf)  }
0x299: {  	s13 =	simm.s32 $0xB80;
	(v2sf) =	vpush v1, $0x2;
	s11 =	sand.u32 $0x1FFFFFF0, s11;
	s14 =	spop (v2sf)  }
0x29a: {  	s11 =	sadd.s32 s4, s11;
	s18 =	sand.u32 $0x1FFFFFF0, s14;
	s19 =	spop (v2sf)  }
0x29b: {  	(v2sf) =	vpush v63, $0x2;
	[tilespmem:s16], [sflag:$0x2] =	stream.linear.gather [hbm4b:s11+s2], $0x80, $0x38;
	[tilespmem:$0x18A00] =	vst v63  }
0x29c: {  	(v2sf) =	vpush v2, $0x3;
	s14 =	sand.u32 $0x1FFFFFF0, s19;
	s15 =	spop (v2sf);
	s11 =	sadd.s32 s4, s18  }
0x29d: {  	s18 =	simm.s32 $0x4B00;
	s20 =	sand.u32 $0x1FFFFFF0, s15;
	s14 =	sadd.s32 s5, s14  }
0x29e: {  	(v2sf) =	vpush v1, $0x3;
	[tilespmem:s10], [sflag:$0x2] =	stream.linear.gather [hbm4b:s11+s2], $0x80, $0x38;
	[tilespmem:$0x18A00] =	vst v63  }
0x29f: {  	s22 =	spop (v2sf);
	(v2sf) =	vpush v63, $0x3;
	s15 =	simm.s32 $0xB00;
	s11 =	simm.s32 $0x8B80  }
0x2a0: {  	s10 =	sadd.s32 s4, s20;
	s24 =	sand.u32 $0x1FFFFFF0, s22;
	s25 =	spop (v2sf)  }
0x2a1: {  	(v2sf) =	vpush v2, $0x4;
	[tilespmem:s9], [sflag:$0x2] =	stream.linear.gather [hbm4b:s14+s2], $0x80, $0x38;
	[tilespmem:$0x18A00] =	vst v63  }
0x2a2: {  	s28 =	spop (v2sf);
	s14 =	sand.u32 $0x1FFFFFF0, s25;
	s9 =	simm.s32 $0x4C80  }
0x2a3: {  	(v2sf) =	vpush v1, $0x4;
	[tilespmem:s21], [sflag:$0x2] =	stream.linear.gather [hbm4b:s10+s2], $0x80, $0x38;
	[tilespmem:$0x18A00] =	vst v63  }
0x2a4: {  	s31 =	sand.u32 $0x1FFFFFF0, s28;
	s25 =	simm.s32 $0x4C00;
	s10 =	sadd.s32 s4, s24  }
0x2a5: {  	[tilespmem:s23], [sflag:$0x2] =	stream.linear.gather [hbm4b:s10+s2], $0x80, $0x38;
	[tilespmem:$0x18A00] =	vst v63  }
0x2a6: {  	s30 =	sadd.s32 s5, s14;
	s14 =	sadd.s32 s4, s31;
	s31 =	simm.s32 $0x8C00  }
0x2a7: {  	[tilespmem:s12], [sflag:$0x2] =	stream.linear.gather [hbm4b:s30+s2], $0x80, $0x38;
	[tilespmem:$0x18A00] =	vst v63  }
0x2a8: {  	s21 =	simm.s32 $0x8B00;
	s10 =	simm.s32 $0x8E80;
	s16 =	spop (v2sf)  }
0x2a9: {  	(v2sf) =	vpush v63, $0x4;
	[tilespmem:s15], [sflag:$0x2] =	stream.linear.gather [hbm4b:s14+s2], $0x80, $0x38;
	[tilespmem:$0x18A00] =	vst v63  }
0x2aa: {  	s15 =	simm.s32 $0x4D80;
	s12 =	sand.u32 $0x1FFFFFF0, s16;
	s19 =	spop (v2sf)  }
0x2ab: {  	(v2sf) =	vpush v2, $0x5;
	s12 =	sadd.s32 s4, s12;
	s14 =	sand.u32 $0x1FFFFFF0, s19;
	s20 =	spop (v2sf)  }
0x2ac: {  	(v2sf) =	vpush v1, $0x5;
	[tilespmem:s18], [sflag:$0x2] =	stream.linear.gather [hbm4b:s12+s2], $0x80, $0x38;
	[tilespmem:$0x18A00] =	vst v63  }
0x2ad: {  	s19 =	simm.s32 $0xC00;
	s22 =	sadd.s32 s5, s14;
	s24 =	spop (v2sf)  }
0x2ae: {  	s23 =	sand.u32 $0x1FFFFFF0, s20;
	(v2sf) =	vpush v63, $0x5;
	s12 =	sand.u32 $0x1FFFFFF0, s24;
	s28 =	spop (v2sf)  }
0x2af: {  	(v2sf) =	vpush v2, $0x6;
	[tilespmem:s21], [sflag:$0x2] =	stream.linear.gather [hbm4b:s22+s2], $0x80, $0x38;
	[tilespmem:$0x18A00] =	vst v63  }
0x2b0: {  	s14 =	sadd.s32 s4, s23;
	s12 =	sadd.s32 s4, s12;
	s30 =	spop (v2sf)  }
0x2b1: {  	[tilespmem:s13], [sflag:$0x2] =	stream.linear.gather [hbm4b:s14+s2], $0x80, $0x38;
	[tilespmem:$0x18A00] =	vst v63  }
0x2b2: {  	s18 =	sand.u32 $0x1FFFFFF0, s30;
	s20 =	spop (v2sf);
	s14 =	sand.u32 $0x1FFFFFF0, s28  }
0x2b3: {  	(v2sf) =	vpush v1, $0x6;
	[tilespmem:s8], [sflag:$0x2] =	stream.linear.gather [hbm4b:s12+s2], $0x80, $0x38;
	[tilespmem:$0x18A00] =	vst v63  }
0x2b4: {  	s16 =	sadd.s32 s5, s14;
	s14 =	sadd.s32 s4, s18;
	s12 =	sand.u32 $0x1FFFFFF0, s20  }
0x2b5: {  	(v2sf) =	vpush v63, $0x6;
	[tilespmem:s11], [sflag:$0x2] =	stream.linear.gather [hbm4b:s16+s2], $0x80, $0x38;
	[tilespmem:$0x18A00] =	vst v63  }
0x2b6: {  	s8 =	simm.s32 $0x4F00;
	s20 =	simm.s32 $0xD00;
	s12 =	sadd.s32 s4, s12  }
0x2b7: {  	[tilespmem:s19], [sflag:$0x2] =	stream.linear.gather [hbm4b:s14+s2], $0x80, $0x38;
	[tilespmem:$0x18A00] =	vst v63  }
0x2b8: {  	s11 =	simm.s32 $0xF00;
	s16 =	simm.s32 $0x8C80;
	s21 =	spop (v2sf)  }
0x2b9: {  	(v2sf) =	vpush v2, $0x7;
	[tilespmem:s25], [sflag:$0x2] =	stream.linear.gather [hbm4b:s12+s2], $0x80, $0x38;
	[tilespmem:$0x18A00] =	vst v63  }
0x2ba: {  	s12 =	simm.s32 $0x4D00;
	s14 =	sand.u32 $0x1FFFFFF0, s21;
	s22 =	spop (v2sf)  }
0x2bb: {  	(v2sf) =	vpush v1, $0x7;
	s23 =	sadd.s32 s5, s14;
	s24 =	sand.u32 $0x1FFFFFF0, s22;
	s28 =	spop (v2sf)  }
0x2bc: {  	(v2sf) =	vpush v63, $0x7;
	[tilespmem:s31], [sflag:$0x2] =	stream.linear.gather [hbm4b:s23+s2], $0x80, $0x38;
	[tilespmem:$0x18A00] =	vst v63  }
0x2bd: {  	s25 =	simm.s32 $0xC80;
	s14 =	sadd.s32 s4, s24;
	s30 =	spop (v2sf)  }
0x2be: {  	(v2sf) =	vpush v2, $0x8;
	s13 =	sand.u32 $0x1FFFFFF0, s28;
	s24 =	simm.s32 $0x8D00;
	s31 =	spop (v2sf)  }
0x2bf: {  	[tilespmem:s25], [sflag:$0x2] =	stream.linear.gather [hbm4b:s14+s2], $0x80, $0x38;
	[tilespmem:$0x18A00] =	vst v63  }
0x2c0: {  	s13 =	sadd.s32 s4, s13;
	(v2sf) =	vpush v1, $0x8;
	s14 =	sand.u32 $0x1FFFFFF0, s30;
	s19 =	sand.u32 $0x1FFFFFF0, s31  }
0x2c1: {  	(v2sf) =	vpush v63, $0x8;
	[tilespmem:s9], [sflag:$0x2] =	stream.linear.gather [hbm4b:s13+s2], $0x80, $0x38;
	[tilespmem:$0x18A00] =	vst v63  }
0x2c2: {  	s21 =	spop (v2sf);
	s30 =	simm.s32 $0x4E00;
	s18 =	sadd.s32 s5, s14  }
0x2c3: {  	(v2sf) =	vpush v2, $0x9;
	[tilespmem:s16], [sflag:$0x2] =	stream.linear.gather [hbm4b:s18+s2], $0x80, $0x38;
	[tilespmem:$0x18A00] =	vst v63  }
0x2c4: {  	s14 =	sadd.s32 s4, s19;
	s22 =	spop (v2sf);
	s13 =	sand.u32 $0x1FFFFFF0, s21  }
0x2c5: {  	[tilespmem:s20], [sflag:$0x2] =	stream.linear.gather [hbm4b:s14+s2], $0x80, $0x38;
	[tilespmem:$0x18A00] =	vst v63  }
0x2c6: {  	s19 =	simm.s32 $0x8D80;
	s13 =	sadd.s32 s4, s13;
	s14 =	sand.u32 $0x1FFFFFF0, s22  }
0x2c7: {  	(v2sf) =	vpush v1, $0x9;
	[tilespmem:s12], [sflag:$0x2] =	stream.linear.gather [hbm4b:s13+s2], $0x80, $0x38;
	[tilespmem:$0x18A00] =	vst v63  }
0x2c8: {  	s9 =	simm.s32 $0x4E80;
	s23 =	spop (v2sf);
	s25 =	sadd.s32 s5, s14  }
0x2c9: {  	[tilespmem:s24], [sflag:$0x2] =	stream.linear.gather [hbm4b:s25+s2], $0x80, $0x38;
	[tilespmem:$0x18A00] =	vst v63  }
0x2ca: {  	s28 =	sand.u32 $0x1FFFFFF0, s23;
	s22 =	simm.s32 $0x8E00;
	s31 =	spop (v2sf)  }
0x2cb: {  	s14 =	sadd.s32 s4, s28;
	(v2sf) =	vpush v63, $0x9;
	s13 =	sand.u32 $0x1FFFFFF0, s31;
	s16 =	spop (v2sf)  }
0x2cc: {  	(v2sf) =	vpush v2, $0xA;
	[tilespmem:s7], [sflag:$0x2] =	stream.linear.gather [hbm4b:s14+s2], $0x80, $0x38;
	[tilespmem:$0x18A00] =	vst v63  }
0x2cd: {  	s13 =	sadd.s32 s4, s13;
	s14 =	sand.u32 $0x1FFFFFF0, s16;
	s18 =	spop (v2sf)  }
0x2ce: {  	(v2sf) =	vpush v1, $0xA;
	[tilespmem:s15], [sflag:$0x2] =	stream.linear.gather [hbm4b:s13+s2], $0x80, $0x38;
	[tilespmem:$0x18A00] =	vst v63  }
0x2cf: {  	s20 =	sadd.s32 s5, s14;
	s21 =	sand.u32 $0x1FFFFFF0, s18;
	s23 =	spop (v2sf)  }
0x2d0: {  	s18 =	simm.s32 $0x1080;
	s14 =	sadd.s32 s4, s21;
	s25 =	spop (v2sf)  }
0x2d1: {  	(v2sf) =	vpush v63, $0xA;
	[tilespmem:s19], [sflag:$0x2] =	stream.linear.gather [hbm4b:s20+s2], $0x80, $0x38;
	[tilespmem:$0x18A00] =	vst v63  }
0x2d2: {  	s15 =	simm.s32 $0x5180;
	s24 =	sand.u32 $0x1FFFFFF0, s23;
	s28 =	spop (v2sf)  }
0x2d3: {  	(v2sf) =	vpush v2, $0xB;
	[tilespmem:s6], [sflag:$0x2] =	stream.linear.gather [hbm4b:s14+s2], $0x80, $0x38;
	[tilespmem:$0x18A00] =	vst v63  }
0x2d4: {  	(v2sf) =	vpush v1, $0xB;
	s13 =	sand.u32 $0x1FFFFFF0, s25;
	s31 =	sand.u32 $0x1FFFFFF0, s28;
	s6 =	sadd.s32 s4, s24  }
0x2d5: {  	[tilespmem:s30], [sflag:$0x2] =	stream.linear.gather [hbm4b:s6+s2], $0x80, $0x38;
	[tilespmem:$0x18A00] =	vst v63  }
0x2d6: {  	(v2sf) =	vpush v63, $0xB;
	s12 =	sadd.s32 s4, s31;
	s30 =	sadd.s32 s5, s13;
	s13 =	spop (v2sf)  }
0x2d7: {  	[tilespmem:s22], [sflag:$0x2] =	stream.linear.gather [hbm4b:s30+s2], $0x80, $0x38;
	[tilespmem:$0x18A00] =	vst v63  }
0x2d8: {  	s24 =	simm.s32 $0x8F00;
	(v2sf) =	vpush v2, $0xC;
	s6 =	simm.s32 $0x4F80;
	s7 =	sand.u32 $0x1FFFFFF0, s13  }
0x2d9: {  	[tilespmem:s1], [sflag:$0x2] =	stream.linear.gather [hbm4b:s12+s2], $0x80, $0x38;
	[tilespmem:$0x18A00] =	vst v63  }
0x2da: {  	s7 =	sadd.s32 s4, s7;
	s30 =	simm.s32 $0xF80;
	s14 =	spop (v2sf)  }
0x2db: {  	s1 =	simm.s32 $0x5000;
	s12 =	sand.u32 $0x1FFFFFF0, s14;
	s16 =	spop (v2sf)  }
0x2dc: {  	(v2sf) =	vpush v1, $0xC;
	[tilespmem:s9], [sflag:$0x2] =	stream.linear.gather [hbm4b:s7+s2], $0x80, $0x38;
	[tilespmem:$0x18A00] =	vst v63  }
0x2dd: {  	s14 =	simm.s32 $0x9100;
	s19 =	sadd.s32 s5, s12;
	s21 =	spop (v2sf)  }
0x2de: {  	(v2sf) =	vpush v63, $0xC;
	[tilespmem:s10], [sflag:$0x2] =	stream.linear.gather [hbm4b:s19+s2], $0x80, $0x38;
	[tilespmem:$0x18A00] =	vst v63  }
0x2df: {  	s7 =	simm.s32 $0x8F80;
	s20 =	sand.u32 $0x1FFFFFF0, s16;
	s10 =	sand.u32 $0x1FFFFFF0, s21  }
0x2e0: {  	s9 =	sadd.s32 s4, s20;
	s22 =	spop (v2sf);
	s10 =	sadd.s32 s4, s10  }
0x2e1: {  	(v2sf) =	vpush v2, $0xD;
	[tilespmem:s11], [sflag:$0x2] =	stream.linear.gather [hbm4b:s9+s2], $0x80, $0x38;
	[tilespmem:$0x18A00] =	vst v63  }
0x2e2: {  	s23 =	spop (v2sf);
	s9 =	simm.s32 $0x1000;
	s11 =	sand.u32 $0x1FFFFFF0, s22  }
0x2e3: {  	(v2sf) =	vpush v1, $0xD;
	s28 =	sand.u32 $0x1FFFFFF0, s23;
	s31 =	spop (v2sf);
	s25 =	sadd.s32 s5, s11  }
0x2e4: {  	[tilespmem:s8], [sflag:$0x2] =	stream.linear.gather [hbm4b:s10+s2], $0x80, $0x38;
	[tilespmem:$0x18A00] =	vst v63  }
0x2e5: {  	s11 =	sadd.s32 s4, s28;
	s12 =	spop (v2sf);
	s10 =	sand.u32 $0x1FFFFFF0, s31  }
0x2e6: {  	[tilespmem:s24], [sflag:$0x2] =	stream.linear.gather [hbm4b:s25+s2], $0x80, $0x38;
	[tilespmem:$0x18A00] =	vst v63  }
0x2e7: {  	s28 =	simm.s32 $0x9000;
	s10 =	sadd.s32 s4, s10;
	s13 =	spop (v2sf)  }
0x2e8: {  	[tilespmem:s30], [sflag:$0x2] =	stream.linear.gather [hbm4b:s11+s2], $0x80, $0x38;
	[tilespmem:$0x18A00] =	vst v63  }
0x2e9: {  	s11 =	sand.u32 $0x1FFFFFF0, s12;
	s19 =	sand.u32 $0x1FFFFFF0, s13;
	s13 =	simm.s32 $0x5080  }
0x2ea: {  	[tilespmem:s6], [sflag:$0x2] =	stream.linear.gather [hbm4b:s10+s2], $0x80, $0x38;
	[tilespmem:$0x18A00] =	vst v63  }
0x2eb: {  	s16 =	sadd.s32 s5, s11;
	s21 =	sadd.s32 s4, s19;
	s20 =	spop (v2sf)  }
0x2ec: {  	[tilespmem:s7], [sflag:$0x2] =	stream.linear.gather [hbm4b:s16+s2], $0x80, $0x38;
	[tilespmem:$0x18A00] =	vst v63  }
0x2ed: {  	(v2sf) =	vpush v63, $0xD;
	s11 =	simm.s32 $0x1180;
	s22 =	sand.u32 $0x1FFFFFF0, s20;
	s23 =	spop (v2sf)  }
0x2ee: {  	(v2sf) =	vpush v2, $0xE;
	[tilespmem:s9], [sflag:$0x2] =	stream.linear.gather [hbm4b:s21+s2], $0x80, $0x38;
	[tilespmem:$0x18A00] =	vst v63  }
0x2ef: {  	(v2sf) =	vpush v1, $0xE;
	s20 =	simm.s32 $0x1100;
	s24 =	sadd.s32 s4, s22;
	s25 =	sand.u32 $0x1FFFFFF0, s23  }
0x2f0: {  	s21 =	simm.s32 $0x5100;
	(v2sf) =	vpush v63, $0xE;
	s30 =	sadd.s32 s5, s25;
	s31 =	spop (v2sf)  }
0x2f1: {  	(v2sf) =	vpush v2, $0xF;
	[tilespmem:s1], [sflag:$0x2] =	stream.linear.gather [hbm4b:s24+s2], $0x80, $0x38;
	[tilespmem:$0x18A00] =	vst v63  }
0x2f2: {  	s24 =	simm.s32 $0x9080;
	(v2sf) =	vpush v1, $0xF;
	s1 =	sand.u32 $0x1FFFFFF0, s31;
	s7 =	spop (v2sf)  }
0x2f3: {  	(v2sf) =	vpush v63, $0xF;
	[tilespmem:s28], [sflag:$0x2] =	stream.linear.gather [hbm4b:s30+s2], $0x80, $0x38;
	[tilespmem:$0x18A00] =	vst v63  }
.LBB2_8:
0x2f4: {  	_ =	sdelay $0x3  }
0x2f5: {  	s1 =	sadd.s32 s4, s1;
	s7 =	sand.u32 $0x1FFFFFF0, s7  }
0x2f6: {  	[tilespmem:s18], [sflag:$0x2] =	stream.linear.gather [hbm4b:s1+s2], $0x80, $0x38;
	[tilespmem:$0x18A00] =	vst v63  }
0x2f7: {  	s7 =	sadd.s32 s4, s7  }
0x2f8: {  	[tilespmem:s13], [sflag:$0x2] =	stream.linear.gather [hbm4b:s7+s2], $0x80, $0x38;
	[tilespmem:$0x18A00] =	vst v63  }
0x2f9: {  	s8 =	spop (v2sf)  }
0x2fa: {  	s10 =	sand.u32 $0x1FFFFFF0, s8;
	s12 =	spop (v2sf)  }
0x2fb: {  	s13 =	sadd.s32 s5, s10;
	s16 =	sand.u32 $0x1FFFFFF0, s12;
	s18 =	spop (v2sf)  }
0x2fc: {  	[tilespmem:s24], [sflag:$0x2] =	stream.linear.gather [hbm4b:s13+s2], $0x80, $0x38;
	[tilespmem:$0x18A00] =	vst v63  }
0x2fd: {  	s19 =	sadd.s32 s4, s16;
	s22 =	sand.u32 $0x1FFFFFF0, s18;
	s23 =	spop (v2sf)  }
0x2fe: {  	[tilespmem:s20], [sflag:$0x2] =	stream.linear.gather [hbm4b:s19+s2], $0x80, $0x38;
	[tilespmem:$0x18A00] =	vst v63  }
0x2ff: {  	s24 =	sadd.s32 s4, s22;
	s25 =	sand.u32 $0x1FFFFFF0, s23;
	s28 =	spop (v2sf)  }
0x300: {  	[tilespmem:s21], [sflag:$0x2] =	stream.linear.gather [hbm4b:s24+s2], $0x80, $0x38;
	[tilespmem:$0x18A00] =	vst v63  }
0x301: {  	s30 =	sadd.s32 s5, s25;
	s31 =	sand.u32 $0x1FFFFFF0, s28;
	s6 =	spop (v2sf)  }
0x302: {  	[tilespmem:s14], [sflag:$0x2] =	stream.linear.gather [hbm4b:s30+s2], $0x80, $0x38;
	[tilespmem:$0x18A00] =	vst v63  }
0x303: {  	s7 =	sadd.s32 s4, s31;
	s10 =	sand.u32 $0x1FFFFFF0, s6;
	s12 =	spop (v2sf)  }
0x304: {  	[tilespmem:s11], [sflag:$0x2] =	stream.linear.gather [hbm4b:s7+s2], $0x80, $0x38;
	[tilespmem:$0x18A00] =	vst v63  }
0x305: {  	s13 =	sadd.s32 s4, s10;
	s14 =	sand.u32 $0x1FFFFFF0, s12  }
0x306: {  	[tilespmem:s15], [sflag:$0x2] =	stream.linear.gather [hbm4b:s13+s2], $0x80, $0x38;
	[tilespmem:$0x18A00] =	vst v63  }
0x307: {  	s9 =	smov.u32 s3;
	s0 =	sadd.s32 $0x9180, s0;
	s16 =	sadd.s32 s5, s14  }
0x308: {  	[tilespmem:s0], [sflag:$0x2] =	stream.linear.gather [hbm4b:s16+s2], $0x80, $0x38;
	[tilespmem:$0x18A00] =	vst v63  }
0x309: {  	s0 =	sshra.s32 s9, $0x2  }
0x30a: {  	s18 =	sadd.s32 $0x4B80, s0  }
0x30b: {  	s19 =	sadd.s32 $0xD80, s0;
	[smem:$0x7B2] =	sst s18  }
0x30c: {  	s20 =	sadd.s32 $0xE00, s0;
	[smem:$0x7BB] =	sst s19  }
0x30d: {  	s21 =	sadd.s32 $0xE80, s0;
	[smem:$0x7BE] =	sst s20  }
0x30e: {  	s22 =	sadd.s32 $0x4C80, s0;
	[smem:$0x7C1] =	sst s21  }
0x30f: {  	p0 =	sne.s32 s3, $0xE000;
	v0 =	vld [tilespmem:s17+$0x0];
	s23 =	sadd.s32 $0x8E80, s0;
	[smem:$0x7B6] =	sst s22  }
0x310: {  	s3 =	sadd.s32 $0x2000, s3;
	v1 =	vld [tilespmem:s26+$0x0];
	s24 =	sadd.s32 $0x4C00, s0;
	[dreg:$0x19] =	wrdreg s23  }
0x311: {  	v3 =	vld [tilespmem:s29+$0x0];
	s26 =	sadd.s32 $0x10, s26;
	s28 =	sadd.s32 $0x8C00, s0;
	[smem:$0x7B3] =	sst s24  }
0x312: {  	s17 =	sadd.s32 $0x10, s17;
	s6 =	sadd.s32 $0xF00, s0;
	[smem:$0x7B4] =	sst s28  }
0x313: {  	s8 =	sadd.s32 $0x8A00, s0;
	s7 =	sadd.s32 $0x4D00, s0;
	[dreg:$0x16] =	wrdreg s6  }
0x314: {  	s13 =	sadd.s32 $0xA00, s0;
	s10 =	sadd.s32 $0x4F00, s0;
	[smem:$0x7B9] =	sst s7;
	v2 =	vshll.u32 v0, $0x4  }
0x315: {  	s9 =	sadd.s32 $0x4A00, s0;
	s11 =	sadd.s32 $0x4E80, s0;
	[dreg:$0x10] =	wrdreg s10;
	v1 =	vshll.u32 v1, $0x4;
	(v2sf) =	vpush v2, $0x0  }
0x316: {  	s25 =	sadd.s32 $0x8A80, s0;
	s12 =	sadd.s32 $0x8E00, s0;
	[smem:$0x7C2] =	sst s11;
	v63 =	vshll.u32 v3, $0x4;
	(v2sf) =	vpush v1, $0x0  }
0x317: {  	s30 =	sadd.s32 $0xB80, s0;
	s14 =	sadd.s32 $0xC80, s0;
	[smem:$0x7C0] =	sst s12;
	(v2sf) =	vpush v63, $0x0  }
0x318: {  	s31 =	sadd.s32 $0x8B80, s0;
	s15 =	sadd.s32 $0x4D80, s0;
	[smem:$0x7B5] =	sst s14  }
0x319: {  	s1 =	sadd.s32 $0x4B00, s0;
	s16 =	sadd.s32 $0x8D80, s0;
	[smem:$0x7BC] =	sst s15;
	(v2sf) =	vpush v2, $0x1  }
0x31a: {  	s29 =	sadd.s32 $0x10, s29;
	s6 =	sadd.s32 $0x4E00, s0;
	[smem:$0x7BD] =	sst s16  }
0x31b: {  	s22 =	sadd.s32 $0xC00, s0;
	s18 =	sadd.s32 $0x8C80, s0;
	[smem:$0x7BF] =	sst s6  }
0x31c: {  	s28 =	sadd.s32 $0xA80, s0;
	s19 =	sadd.s32 $0x8D00, s0;
	[smem:$0x7B7] =	sst s18;
	(v2sf) =	vpush v1, $0x1  }
0x31d: {  	s7 =	sadd.s32 $0xB00, s0;
	s10 =	sadd.s32 $0x5000, s0;
	[smem:$0x7BA] =	sst s19  }
0x31e: {  	s15 =	sadd.s32 $0x5180, s0;
	s20 =	sadd.s32 $0x8F80, s0;
	[dreg:$0x9] =	wrdreg s10  }
0x31f: {  	s14 =	sadd.s32 $0x9100, s0;
	s21 =	sadd.s32 $0x1000, s0;
	[dreg:$0x13] =	wrdreg s20;
	(v2sf) =	vpush v63, $0x1  }
0x320: {  	s11 =	sadd.s32 $0x1180, s0;
	s23 =	sadd.s32 $0xF80, s0;
	[dreg:$0xc] =	wrdreg s21  }
0x321: {  	s16 =	sadd.s32 $0x4A80, s0;
	s24 =	sadd.s32 $0x4F80, s0;
	[smem:$0x7C4] =	sst s23;
	(v2sf) =	vpush v2, $0x2  }
0x322: {  	s12 =	sadd.s32 $0xD00, s0;
	s19 =	sadd.s32 $0x1080, s0;
	[dreg:$0x1d] =	wrdreg s24  }
0x323: {  	s6 =	sadd.s32 $0x8B00, s0;
	s21 =	sadd.s32 $0x5100, s0;
	[smem:$0x7B8] =	sst s12;
	(v2sf) =	vpush v1, $0x2  }
0x324: {  	s20 =	sadd.s32 $0x1100, s0;
	s24 =	sadd.s32 $0x9080, s0;
	s12 =	spop (v2sf)  }
0x325: {  	s10 =	smov.u32 s17;
	(v2sf) =	vpush v63, $0x2;
	s23 =	sand.u32 $0x1FFFFFF0, s12;
	s18 =	spop (v2sf)  }
0x326: {  	s23 =	sadd.s32 s4, s23;
	s17 =	sand.u32 $0x1FFFFFF0, s18;
	s12 =	spop (v2sf)  }
0x327: {  	(v2sf) =	vpush v2, $0x3;
	[tilespmem:s13], [sflag:$0x2] =	stream.linear.gather [hbm4b:s23+s2], $0x80, $0x38;
	[tilespmem:$0x18A00] =	vst v63  }
0x328: {  	s18 =	sand.u32 $0x1FFFFFF0, s12;
	s13 =	sadd.s32 $0x5080, s0;
	s12 =	spop (v2sf)  }
0x329: {  	(v2sf) =	vpush v1, $0x3;
	s17 =	sadd.s32 s4, s17;
	s23 =	sand.u32 $0x1FFFFFF0, s12;
	s12 =	sadd.s32 $0x8F00, s0  }
0x32a: {  	[tilespmem:s9], [sflag:$0x2] =	stream.linear.gather [hbm4b:s17+s2], $0x80, $0x38;
	[tilespmem:$0x18A00] =	vst v63  }
0x32b: {  	(v2sf) =	vpush v63, $0x3;
	[smem:$0x7C3] =	sst s12;
	s17 =	sadd.s32 s5, s18;
	s12 =	spop (v2sf)  }
0x32c: {  	s18 =	smov.u32 s19;
	(v2sf) =	vpush v2, $0x4;
	s9 =	sadd.s32 s4, s23;
	s23 =	sand.u32 $0x1FFFFFF0, s12  }
0x32d: {  	[tilespmem:s8], [sflag:$0x2] =	stream.linear.gather [hbm4b:s17+s2], $0x80, $0x38;
	[tilespmem:$0x18A00] =	vst v63  }
0x32e: {  	s19 =	sadd.s32 $0x9000, s0;
	s12 =	spop (v2sf);
	(v2sf) =	vpush v1, $0x4;
	s23 =	sadd.s32 s4, s23  }
0x32f: {  	[tilespmem:s28], [sflag:$0x2] =	stream.linear.gather [hbm4b:s9+s2], $0x80, $0x38;
	[tilespmem:$0x18A00] =	vst v63  }
0x330: {  	s17 =	smov.u32 s10;
	s28 =	sand.u32 $0x1FFFFFF0, s12;
	s12 =	spop (v2sf)  }
0x331: {  	[tilespmem:s16], [sflag:$0x2] =	stream.linear.gather [hbm4b:s23+s2], $0x80, $0x38;
	[tilespmem:$0x18A00] =	vst v63  }
0x332: {  	(v2sf) =	vpush v63, $0x4;
	s23 =	sadd.s32 s5, s28;
	s28 =	sand.u32 $0x1FFFFFF0, s12;
	s12 =	spop (v2sf)  }
0x333: {  	[tilespmem:s25], [sflag:$0x2] =	stream.linear.gather [hbm4b:s23+s2], $0x80, $0x38;
	[tilespmem:$0x18A00] =	vst v63  }
0x334: {  	(v2sf) =	vpush v2, $0x5;
	s23 =	sadd.s32 s4, s28;
	s25 =	sand.u32 $0x1FFFFFF0, s12;
	s28 =	spop (v2sf)  }
0x335: {  	[tilespmem:s7], [sflag:$0x2] =	stream.linear.gather [hbm4b:s23+s2], $0x80, $0x38;
	[tilespmem:$0x18A00] =	vst v63  }
0x336: {  	s10 =	sadd.s32 s4, s25;
	s12 =	sand.u32 $0x1FFFFFF0, s28;
	s16 =	spop (v2sf)  }
0x337: {  	(v2sf) =	vpush v1, $0x5;
	[tilespmem:s1], [sflag:$0x2] =	stream.linear.gather [hbm4b:s10+s2], $0x80, $0x38;
	[tilespmem:$0x18A00] =	vst v63  }
0x338: {  	s23 =	sadd.s32 s5, s12;
	s25 =	sand.u32 $0x1FFFFFF0, s16;
	s28 =	spop (v2sf)  }
0x339: {  	(v2sf) =	vpush v63, $0x5;
	[tilespmem:s6], [sflag:$0x2] =	stream.linear.gather [hbm4b:s23+s2], $0x80, $0x38;
	[tilespmem:$0x18A00] =	vst v63  }
0x33a: {  	s7 =	sadd.s32 s4, s25;
	s9 =	sand.u32 $0x1FFFFFF0, s28;
	s10 =	spop (v2sf)  }
0x33b: {  	(v2sf) =	vpush v2, $0x6;
	s25 =	sld [smem:$0x7B2];
	s16 =	sand.u32 $0x1FFFFFF0, s10;
	s23 =	spop (v2sf)  }
0x33c: {  	(v2sf) =	vpush v1, $0x6;
	[tilespmem:s30], [sflag:$0x2] =	stream.linear.gather [hbm4b:s7+s2], $0x80, $0x38;
	[tilespmem:$0x18A00] =	vst v63  }
0x33d: {  	s12 =	sadd.s32 s4, s9;
	s28 =	sadd.s32 s5, s16;
	s6 =	spop (v2sf)  }
0x33e: {  	(v2sf) =	vpush v63, $0x6;
	[tilespmem:s25], [sflag:$0x2] =	stream.linear.gather [hbm4b:s12+s2], $0x80, $0x38;
	[tilespmem:$0x18A00] =	vst v63  }
0x33f: {  	s30 =	sand.u32 $0x1FFFFFF0, s23;
	s23 =	sld [smem:$0x7B3];
	s9 =	sand.u32 $0x1FFFFFF0, s6  }
0x340: {  	[tilespmem:s31], [sflag:$0x2] =	stream.linear.gather [hbm4b:s28+s2], $0x80, $0x38;
	[tilespmem:$0x18A00] =	vst v63  }
0x341: {  	(v2sf) =	vpush v2, $0x7;
	s7 =	sadd.s32 s4, s30;
	s12 =	sadd.s32 s4, s9;
	s10 =	spop (v2sf)  }
0x342: {  	[tilespmem:s22], [sflag:$0x2] =	stream.linear.gather [hbm4b:s7+s2], $0x80, $0x38;
	[tilespmem:$0x18A00] =	vst v63  }
0x343: {  	(v2sf) =	vpush v1, $0x7;
	s16 =	sand.u32 $0x1FFFFFF0, s10;
	s31 =	sld [smem:$0x7B4];
	s22 =	spop (v2sf)  }
0x344: {  	s10 =	sld [smem:$0x7B5];
	s25 =	sadd.s32 s5, s16;
	s28 =	sand.u32 $0x1FFFFFF0, s22  }
0x345: {  	[tilespmem:s23], [sflag:$0x2] =	stream.linear.gather [hbm4b:s12+s2], $0x80, $0x38;
	[tilespmem:$0x18A00] =	vst v63  }
0x346: {  	s7 =	sadd.s32 s4, s28;
	s23 =	sld [smem:$0x7B6];
	s30 =	spop (v2sf)  }
0x347: {  	(v2sf) =	vpush v63, $0x7;
	[tilespmem:s31], [sflag:$0x2] =	stream.linear.gather [hbm4b:s25+s2], $0x80, $0x38;
	[tilespmem:$0x18A00] =	vst v63  }
0x348: {  	s8 =	sand.u32 $0x1FFFFFF0, s30;
	s31 =	sld [smem:$0x7B7];
	s9 =	spop (v2sf)  }
0x349: {  	(v2sf) =	vpush v2, $0x8;
	[tilespmem:s10], [sflag:$0x2] =	stream.linear.gather [hbm4b:s7+s2], $0x80, $0x38;
	[tilespmem:$0x18A00] =	vst v63  }
0x34a: {  	s12 =	sadd.s32 s4, s8;
	s16 =	sand.u32 $0x1FFFFFF0, s9;
	s22 =	spop (v2sf)  }
0x34b: {  	(v2sf) =	vpush v1, $0x8;
	s10 =	sld [smem:$0x7B8];
	s28 =	sand.u32 $0x1FFFFFF0, s22;
	s30 =	spop (v2sf)  }
0x34c: {  	[tilespmem:s23], [sflag:$0x2] =	stream.linear.gather [hbm4b:s12+s2], $0x80, $0x38;
	[tilespmem:$0x18A00] =	vst v63  }
0x34d: {  	s25 =	sadd.s32 s5, s16;
	s7 =	sadd.s32 s4, s28;
	s9 =	spop (v2sf)  }
0x34e: {  	(v2sf) =	vpush v63, $0x8;
	s8 =	sand.u32 $0x1FFFFFF0, s30;
	s23 =	sld [smem:$0x7B9];
	s16 =	sand.u32 $0x1FFFFFF0, s9  }
0x34f: {  	(v2sf) =	vpush v2, $0x9;
	[tilespmem:s31], [sflag:$0x2] =	stream.linear.gather [hbm4b:s25+s2], $0x80, $0x38;
	[tilespmem:$0x18A00] =	vst v63  }
0x350: {  	(v2sf) =	vpush v1, $0x9;
	s12 =	sadd.s32 s4, s8;
	s22 =	spop (v2sf);
	s25 =	sadd.s32 s5, s16  }
0x351: {  	[tilespmem:s10], [sflag:$0x2] =	stream.linear.gather [hbm4b:s7+s2], $0x80, $0x38;
	[tilespmem:$0x18A00] =	vst v63  }
0x352: {  	(v2sf) =	vpush v63, $0x9;
	s28 =	sand.u32 $0x1FFFFFF0, s22;
	s31 =	sld [smem:$0x7BA];
	s30 =	spop (v2sf)  }
0x353: {  	[tilespmem:s23], [sflag:$0x2] =	stream.linear.gather [hbm4b:s12+s2], $0x80, $0x38;
	[tilespmem:$0x18A00] =	vst v63  }
0x354: {  	s7 =	sadd.s32 s4, s28;
	s10 =	sld [smem:$0x7BB];
	s8 =	sand.u32 $0x1FFFFFF0, s30  }
0x355: {  	[tilespmem:s31], [sflag:$0x2] =	stream.linear.gather [hbm4b:s25+s2], $0x80, $0x38;
	[tilespmem:$0x18A00] =	vst v63  }
0x356: {  	(v2sf) =	vpush v2, $0xA;
	s12 =	sadd.s32 s4, s8;
	s23 =	sld [smem:$0x7BC];
	s9 =	spop (v2sf)  }
0x357: {  	[tilespmem:s10], [sflag:$0x2] =	stream.linear.gather [hbm4b:s7+s2], $0x80, $0x38;
	[tilespmem:$0x18A00] =	vst v63  }
0x358: {  	(v2sf) =	vpush v1, $0xA;
	s16 =	sand.u32 $0x1FFFFFF0, s9;
	s31 =	sld [smem:$0x7BD];
	s22 =	spop (v2sf)  }
0x359: {  	[tilespmem:s23], [sflag:$0x2] =	stream.linear.gather [hbm4b:s12+s2], $0x80, $0x38;
	[tilespmem:$0x18A00] =	vst v63  }
0x35a: {  	s25 =	sadd.s32 s5, s16;
	s28 =	sand.u32 $0x1FFFFFF0, s22;
	s30 =	spop (v2sf)  }
0x35b: {  	(v2sf) =	vpush v63, $0xA;
	s10 =	sld [smem:$0x7BE];
	s7 =	sadd.s32 s4, s28;
	s8 =	sand.u32 $0x1FFFFFF0, s30  }
0x35c: {  	[tilespmem:s31], [sflag:$0x2] =	stream.linear.gather [hbm4b:s25+s2], $0x80, $0x38;
	[tilespmem:$0x18A00] =	vst v63  }
0x35d: {  	(v2sf) =	vpush v2, $0xB;
	s23 =	sld [smem:$0x7BF];
	s9 =	spop (v2sf);
	s12 =	sadd.s32 s4, s8  }
0x35e: {  	s16 =	sand.u32 $0x1FFFFFF0, s9;
	s22 =	spop (v2sf);
	s31 =	sld [smem:$0x7C0]  }
0x35f: {  	(v2sf) =	vpush v1, $0xB;
	s25 =	sadd.s32 s5, s16;
	s28 =	sand.u32 $0x1FFFFFF0, s22;
	s30 =	spop (v2sf)  }
0x360: {  	[tilespmem:s10], [sflag:$0x2] =	stream.linear.gather [hbm4b:s7+s2], $0x80, $0x38;
	[tilespmem:$0x18A00] =	vst v63  }
0x361: {  	s7 =	sadd.s32 s4, s28;
	s8 =	sand.u32 $0x1FFFFFF0, s30;
	s9 =	spop (v2sf)  }
0x362: {  	[tilespmem:s23], [sflag:$0x2] =	stream.linear.gather [hbm4b:s12+s2], $0x80, $0x38;
	[tilespmem:$0x18A00] =	vst v63  }
0x363: {  	(v2sf) =	vpush v63, $0xB;
	s10 =	sld [smem:$0x7C1];
	s16 =	sand.u32 $0x1FFFFFF0, s9;
	s12 =	sadd.s32 s4, s8  }
0x364: {  	[tilespmem:s31], [sflag:$0x2] =	stream.linear.gather [hbm4b:s25+s2], $0x80, $0x38;
	[tilespmem:$0x18A00] =	vst v63  }
0x365: {  	(v2sf) =	vpush v2, $0xC;
	s23 =	sld [smem:$0x7C2];
	s22 =	spop (v2sf);
	s25 =	sadd.s32 s5, s16  }
0x366: {  	[tilespmem:s10], [sflag:$0x2] =	stream.linear.gather [hbm4b:s7+s2], $0x80, $0x38;
	[tilespmem:$0x18A00] =	vst v63  }
0x367: {  	s28 =	sand.u32 $0x1FFFFFF0, s22;
	s31 =	rddreg [dreg:$0x19];
	s30 =	spop (v2sf)  }
0x368: {  	s7 =	sadd.s32 s4, s28;
	s10 =	rddreg [dreg:$0x16];
	s8 =	sand.u32 $0x1FFFFFF0, s30  }
0x369: {  	(v2sf) =	vpush v1, $0xC;
	[tilespmem:s23], [sflag:$0x2] =	stream.linear.gather [hbm4b:s12+s2], $0x80, $0x38;
	[tilespmem:$0x18A00] =	vst v63  }
0x36a: {  	s12 =	sadd.s32 s4, s8;
	s23 =	rddreg [dreg:$0x10];
	s9 =	spop (v2sf)  }
0x36b: {  	(v2sf) =	vpush v63, $0xC;
	[tilespmem:s31], [sflag:$0x2] =	stream.linear.gather [hbm4b:s25+s2], $0x80, $0x38;
	[tilespmem:$0x18A00] =	vst v63  }
0x36c: {  	(v2sf) =	vpush v2, $0xD;
	s16 =	sand.u32 $0x1FFFFFF0, s9;
	s31 =	sld [smem:$0x7C3];
	s22 =	spop (v2sf)  }
0x36d: {  	[tilespmem:s10], [sflag:$0x2] =	stream.linear.gather [hbm4b:s7+s2], $0x80, $0x38;
	[tilespmem:$0x18A00] =	vst v63  }
0x36e: {  	(v2sf) =	vpush v1, $0xD;
	s25 =	sadd.s32 s5, s16;
	s28 =	sand.u32 $0x1FFFFFF0, s22;
	s30 =	spop (v2sf)  }
0x36f: {  	[tilespmem:s23], [sflag:$0x2] =	stream.linear.gather [hbm4b:s12+s2], $0x80, $0x38;
	[tilespmem:$0x18A00] =	vst v63  }
0x370: {  	s7 =	sadd.s32 s4, s28;
	s9 =	sand.u32 $0x1FFFFFF0, s30;
	s12 =	sld [smem:$0x7C4]  }
0x371: {  	[tilespmem:s31], [sflag:$0x2] =	stream.linear.gather [hbm4b:s25+s2], $0x80, $0x38;
	[tilespmem:$0x18A00] =	vst v63  }
0x372: {  	s10 =	spop (v2sf);
	s16 =	sadd.s32 s4, s9;
	s9 =	rddreg [dreg:$0x13]  }
0x373: {  	[tilespmem:s12], [sflag:$0x2] =	stream.linear.gather [hbm4b:s7+s2], $0x80, $0x38;
	[tilespmem:$0x18A00] =	vst v63  }
0x374: {  	s22 =	sand.u32 $0x1FFFFFF0, s10;
	s23 =	spop (v2sf);
	s25 =	rddreg [dreg:$0x1d]  }
0x375: {  	[tilespmem:s25], [sflag:$0x2] =	stream.linear.gather [hbm4b:s16+s2], $0x80, $0x38;
	[tilespmem:$0x18A00] =	vst v63  }
0x376: {  	s28 =	sadd.s32 s5, s22;
	s30 =	sand.u32 $0x1FFFFFF0, s23;
	s22 =	rddreg [dreg:$0xc]  }
0x377: {  	[tilespmem:s9], [sflag:$0x2] =	stream.linear.gather [hbm4b:s28+s2], $0x80, $0x38;
	[tilespmem:$0x18A00] =	vst v63  }
0x378: {  	(v2sf) =	vpush v63, $0xD;
	s31 =	spop (v2sf);
	s10 =	sadd.s32 s4, s30;
	s30 =	rddreg [dreg:$0x9]  }
0x379: {  	(v2sf) =	vpush v2, $0xE;
	[tilespmem:s22], [sflag:$0x2] =	stream.linear.gather [hbm4b:s10+s2], $0x80, $0x38;
	[tilespmem:$0x18A00] =	vst v63  }
.Ltmp3:
0x37a: {  	(v2sf) =	vpush v1, $0xE;
	s12 =	sand.u32 $0x1FFFFFF0, s31;
	s16 =	spop (v2sf);
	(pc) =	sbr.rel @p0 .LBB2_8-.Ltmp3, $4  }
0x37b: {  	(v2sf) =	vpush v63, $0xE;
	s23 =	sadd.s32 s4, s12;
	s25 =	sand.u32 $0x1FFFFFF0, s16;
	s28 =	spop (v2sf)  }
0x37c: {  	(v2sf) =	vpush v2, $0xF;
	[tilespmem:s30], [sflag:$0x2] =	stream.linear.gather [hbm4b:s23+s2], $0x80, $0x38;
	[tilespmem:$0x18A00] =	vst v63  }
0x37d: {  	(v2sf) =	vpush v1, $0xF;
	s31 =	sadd.s32 s5, s25;
	s1 =	sand.u32 $0x1FFFFFF0, s28;
	s7 =	spop (v2sf)  }
0x37e: {  	(v2sf) =	vpush v63, $0xF;
	[tilespmem:s19], [sflag:$0x2] =	stream.linear.gather [hbm4b:s31+s2], $0x80, $0x38;
	[tilespmem:$0x18A00] =	vst v63  }
0x37f: {  	_ =	sdelay $0x3  }
0x380: {  	s1 =	sadd.s32 s4, s1;
	s3 =	sand.u32 $0x1FFFFFF0, s7  }
0x381: {  	[tilespmem:s18], [sflag:$0x2] =	stream.linear.gather [hbm4b:s1+s2], $0x80, $0x38;
	[tilespmem:$0x18A00] =	vst v63  }
0x382: {  	s3 =	sadd.s32 s4, s3  }
0x383: {  	[tilespmem:s13], [sflag:$0x2] =	stream.linear.gather [hbm4b:s3+s2], $0x80, $0x38;
	[tilespmem:$0x18A00] =	vst v63  }
0x384: {  	s6 =	spop (v2sf)  }
0x385: {  	s7 =	sand.u32 $0x1FFFFFF0, s6;
	s8 =	spop (v2sf)  }
0x386: {  	s9 =	sadd.s32 s5, s7;
	s10 =	sand.u32 $0x1FFFFFF0, s8;
	s12 =	spop (v2sf)  }
0x387: {  	[tilespmem:s24], [sflag:$0x2] =	stream.linear.gather [hbm4b:s9+s2], $0x80, $0x38;
	[tilespmem:$0x18A00] =	vst v63  }
0x388: {  	s13 =	sadd.s32 s4, s10;
	s16 =	sand.u32 $0x1FFFFFF0, s12;
	s17 =	spop (v2sf)  }
0x389: {  	[tilespmem:s20], [sflag:$0x2] =	stream.linear.gather [hbm4b:s13+s2], $0x80, $0x38;
	[tilespmem:$0x18A00] =	vst v63  }
0x38a: {  	s18 =	sadd.s32 s4, s16;
	s19 =	sand.u32 $0x1FFFFFF0, s17;
	s20 =	spop (v2sf)  }
0x38b: {  	[tilespmem:s21], [sflag:$0x2] =	stream.linear.gather [hbm4b:s18+s2], $0x80, $0x38;
	[tilespmem:$0x18A00] =	vst v63  }
0x38c: {  	s22 =	sadd.s32 s5, s19;
	s23 =	sand.u32 $0x1FFFFFF0, s20;
	s24 =	spop (v2sf)  }
0x38d: {  	[tilespmem:s14], [sflag:$0x2] =	stream.linear.gather [hbm4b:s22+s2], $0x80, $0x38;
	[tilespmem:$0x18A00] =	vst v63  }
0x38e: {  	s25 =	sadd.s32 s4, s23;
	s26 =	sand.u32 $0x1FFFFFF0, s24;
	s28 =	spop (v2sf)  }
0x38f: {  	[tilespmem:s11], [sflag:$0x2] =	stream.linear.gather [hbm4b:s25+s2], $0x80, $0x38;
	[tilespmem:$0x18A00] =	vst v63  }
0x390: {  	s29 =	sadd.s32 s4, s26;
	s30 =	sand.u32 $0x1FFFFFF0, s28  }
0x391: {  	[tilespmem:s15], [sflag:$0x2] =	stream.linear.gather [hbm4b:s29+s2], $0x80, $0x38;
	[tilespmem:$0x18A00] =	vst v63  }
0x392: {  	s0 =	sadd.s32 $0x9180, s0;
	s1 =	simm.s32 $0x3;
	s31 =	sadd.s32 s5, s30  }
0x393: {  	[tilespmem:s0], [sflag:$0x2] =	stream.linear.gather [hbm4b:s31+s2], $0x80, $0x38;
	[tilespmem:$0x18A00] =	vst v63  }
0x394: {  	_ =	swait.ge [sflag:s1], $0x80  }
0x395: {  	[sflag:s1] =	ssyncset.done $0x0  }
0x396: {  	[sflag:s1] =	ssyncadd.s32 $0xFFFFFF80  }
0x397: {  	_ =	swait.ge [sflag:s1], $0x80  }
0x398: {  	[sflag:s1] =	ssyncset.done $0x0  }
0x399: {  	[sflag:s1] =	ssyncadd.s32 $0xFFFFFF80  }
0x39a: {  	_ =	swait.ge [sflag:s1], $0x80  }
0x39b: {  	s0 =	simm.s32 $0x7F;
	[sflag:s1] =	ssyncset.done $0x0  }
.LBB2_10:
0x39c: {  	p0 =	sne.s32 s0, $0x1;
	s0 =	sadd.s32 $0xFFFFFFFF, s0;
	[sflag:s1] =	ssyncadd.s32 $0xFFFFFF80  }
0x39d: {  	_ =	swait.ge [sflag:s1], $0x80  }
0x39e: {  	[sflag:s1] =	ssyncset.done $0x0  }
0x39f: {  	[sflag:s1] =	ssyncadd.s32 $0xFFFFFF80  }
.Ltmp4:
0x3a0: {  	_ =	swait.ge [sflag:s1], $0x80;
	(pc) =	sbr.rel @p0 .LBB2_10-.Ltmp4, $4  }
0x3a1: {  	[sflag:s1] =	ssyncset.done $0x0  }
0x3a2: {  	[sflag:s1] =	ssyncadd.s32 $0xFFFFFF80  }
0x3a3: {  	_ =	swait.ge [sflag:s1], $0x80  }
0x3a4: {  	[sflag:s1] =	ssyncset.done $0x0  }
0x3a5: {  	s8 =	sld [smem:$0x7F4]  }
0x3a6: {  	[sflag:s1] =	ssyncadd.s32 $0xFFFFFF80  }
0x3a7: {  	s0 =	simm.s32 $0x0;
	s3 =	simm.s32 $0xCA00;
	s9 =	simm.s32 $0x4  }
0x3a8: {  	[hbm4b:s8+s0] =	stream.linear.scatter [tilespmem:s3], [sflag:$0x4], $0x4000, $0x38;
	[tilespmem:$0x18A00] =	vst v63  }
0x3a9: {  	_ =	swait.ge [sflag:s9], $0x4000  }
0x3aa: {  	s10 =	sld [smem:$0x7F5]  }
0x3ab: {  	[sflag:s9] =	ssyncset.done $0x0  }
0x3ac: {  	s6 =	simm.s32 $0x10A00;
	[sflag:s9] =	ssyncadd.s32 $0xFFFFC000  }
0x3ad: {  	[hbm4b:s10+s0] =	stream.linear.scatter [tilespmem:s6], [sflag:$0x4], $0x4000, $0x38;
	[tilespmem:$0x18A00] =	vst v63  }
0x3ae: {  	_ =	swait.ge [sflag:s9], $0x4000  }
0x3af: {  	s11 =	sld [smem:$0x7F6]  }
0x3b0: {  	[sflag:s9] =	ssyncset.done $0x0  }
0x3b1: {  	s12 =	simm.s32 $0x14A00;
	[sflag:s9] =	ssyncadd.s32 $0xFFFFC000  }
0x3b2: {  	[hbm4b:s11+s0] =	stream.linear.scatter [tilespmem:s12], [sflag:$0x4], $0x4000, $0x38;
	[tilespmem:$0x18A00] =	vst v63  }
0x3b3: {  	_ =	swait.ge [sflag:s9], $0x4000  }
0x3b4: {  	[sflag:s9] =	ssyncset.done $0x0  }
0x3b5: {  	s13 =	simm.s32 $0x780;
	[sflag:s9] =	ssyncadd.s32 $0xFFFFC000  }
0x3b6: {  	s14 =	simm.s32 $0x980;
	v0 =	vld [tilespmem:s13+$0x0]  }
0x3b7: {  	s15 =	simm.s32 $0x580;
	v1 =	vld [tilespmem:s14+$0x0]  }
0x3b8: {  	v3 =	vld [tilespmem:s15+$0x0];
	_ =	sdelay $0x2  }
0x3b9: {  	v2 =	vshll.u32 v0, $0x4  }
0x3ba: {  	v1 =	vshll.u32 v1, $0x4;
	(v2sf) =	vpush v2, $0x0  }
0x3bb: {  	v63 =	vshll.u32 v3, $0x4;
	(v2sf) =	vpush v1, $0x0  }
0x3bc: {  	(v2sf) =	vpush v63, $0x0;
	_ =	sdelay $0x1  }
0x3bd: {  	(v2sf) =	vpush v2, $0x1;
	_ =	sdelay $0x2  }
0x3be: {  	(v2sf) =	vpush v1, $0x1  }
0x3bf: {  	(v2sf) =	vpush v63, $0x1;
	_ =	sdelay $0x1  }
0x3c0: {  	s26 =	simm.s32 $0x990;
	(v2sf) =	vpush v2, $0x2  }
0x3c1: {  	s17 =	simm.s32 $0x790;
	s7 =	simm.s32 $0xCD80;
	s16 =	simm.s32 $0xCA00  }
0x3c2: {  	s1 =	simm.s32 $0xCE80;
	s21 =	simm.s32 $0xCA80;
	s23 =	simm.s32 $0x10A80  }
0x3c3: {  	s29 =	simm.s32 $0x590;
	s3 =	simm.s32 $0x2000;
	s8 =	simm.s32 $0x10B80  }
0x3c4: {  	s10 =	simm.s32 $0x10A00;
	s6 =	simm.s32 $0xCE00;
	s0 =	simm.s32 $0x0  }
0x3c5: {  	s12 =	simm.s32 $0x14A80;
	s9 =	simm.s32 $0x14A00;
	s11 =	spop (v2sf)  }
0x3c6: {  	s13 =	simm.s32 $0xCB80;
	(v2sf) =	vpush v1, $0x2;
	s11 =	sand.u32 $0x1FFFFFF0, s11;
	s14 =	spop (v2sf)  }
0x3c7: {  	s11 =	sadd.s32 s4, s11;
	s18 =	sand.u32 $0x1FFFFFF0, s14;
	s19 =	spop (v2sf)  }
0x3c8: {  	(v2sf) =	vpush v63, $0x2;
	[tilespmem:s16], [sflag:$0x3] =	stream.linear.gather [hbm4b:s11+s2], $0x80, $0x38;
	[tilespmem:$0x18A00] =	vst v63  }
0x3c9: {  	(v2sf) =	vpush v2, $0x3;
	s14 =	sand.u32 $0x1FFFFFF0, s19;
	s15 =	spop (v2sf);
	s11 =	sadd.s32 s4, s18  }
0x3ca: {  	s18 =	simm.s32 $0x10B00;
	s20 =	sand.u32 $0x1FFFFFF0, s15;
	s14 =	sadd.s32 s5, s14  }
0x3cb: {  	(v2sf) =	vpush v1, $0x3;
	[tilespmem:s10], [sflag:$0x3] =	stream.linear.gather [hbm4b:s11+s2], $0x80, $0x38;
	[tilespmem:$0x18A00] =	vst v63  }
0x3cc: {  	s22 =	spop (v2sf);
	(v2sf) =	vpush v63, $0x3;
	s15 =	simm.s32 $0xCB00;
	s11 =	simm.s32 $0x14B80  }
0x3cd: {  	s10 =	sadd.s32 s4, s20;
	s24 =	sand.u32 $0x1FFFFFF0, s22;
	s25 =	spop (v2sf)  }
0x3ce: {  	(v2sf) =	vpush v2, $0x4;
	[tilespmem:s9], [sflag:$0x3] =	stream.linear.gather [hbm4b:s14+s2], $0x80, $0x38;
	[tilespmem:$0x18A00] =	vst v63  }
0x3cf: {  	s28 =	spop (v2sf);
	s14 =	sand.u32 $0x1FFFFFF0, s25;
	s9 =	simm.s32 $0x10C80  }
0x3d0: {  	(v2sf) =	vpush v1, $0x4;
	[tilespmem:s21], [sflag:$0x3] =	stream.linear.gather [hbm4b:s10+s2], $0x80, $0x38;
	[tilespmem:$0x18A00] =	vst v63  }
0x3d1: {  	s31 =	sand.u32 $0x1FFFFFF0, s28;
	s25 =	simm.s32 $0x10C00;
	s10 =	sadd.s32 s4, s24  }
0x3d2: {  	[tilespmem:s23], [sflag:$0x3] =	stream.linear.gather [hbm4b:s10+s2], $0x80, $0x38;
	[tilespmem:$0x18A00] =	vst v63  }
0x3d3: {  	s30 =	sadd.s32 s5, s14;
	s14 =	sadd.s32 s4, s31;
	s31 =	simm.s32 $0x14C00  }
0x3d4: {  	[tilespmem:s12], [sflag:$0x3] =	stream.linear.gather [hbm4b:s30+s2], $0x80, $0x38;
	[tilespmem:$0x18A00] =	vst v63  }
0x3d5: {  	s21 =	simm.s32 $0x14B00;
	s10 =	simm.s32 $0x14E80;
	s16 =	spop (v2sf)  }
0x3d6: {  	(v2sf) =	vpush v63, $0x4;
	[tilespmem:s15], [sflag:$0x3] =	stream.linear.gather [hbm4b:s14+s2], $0x80, $0x38;
	[tilespmem:$0x18A00] =	vst v63  }
0x3d7: {  	s15 =	simm.s32 $0x10D80;
	s12 =	sand.u32 $0x1FFFFFF0, s16;
	s19 =	spop (v2sf)  }
0x3d8: {  	(v2sf) =	vpush v2, $0x5;
	s12 =	sadd.s32 s4, s12;
	s14 =	sand.u32 $0x1FFFFFF0, s19;
	s20 =	spop (v2sf)  }
0x3d9: {  	(v2sf) =	vpush v1, $0x5;
	[tilespmem:s18], [sflag:$0x3] =	stream.linear.gather [hbm4b:s12+s2], $0x80, $0x38;
	[tilespmem:$0x18A00] =	vst v63  }
0x3da: {  	s19 =	simm.s32 $0xCC00;
	s22 =	sadd.s32 s5, s14;
	s24 =	spop (v2sf)  }
0x3db: {  	s23 =	sand.u32 $0x1FFFFFF0, s20;
	(v2sf) =	vpush v63, $0x5;
	s12 =	sand.u32 $0x1FFFFFF0, s24;
	s28 =	spop (v2sf)  }
0x3dc: {  	(v2sf) =	vpush v2, $0x6;
	[tilespmem:s21], [sflag:$0x3] =	stream.linear.gather [hbm4b:s22+s2], $0x80, $0x38;
	[tilespmem:$0x18A00] =	vst v63  }
0x3dd: {  	s14 =	sadd.s32 s4, s23;
	s12 =	sadd.s32 s4, s12;
	s30 =	spop (v2sf)  }
0x3de: {  	[tilespmem:s13], [sflag:$0x3] =	stream.linear.gather [hbm4b:s14+s2], $0x80, $0x38;
	[tilespmem:$0x18A00] =	vst v63  }
0x3df: {  	s18 =	sand.u32 $0x1FFFFFF0, s30;
	s20 =	spop (v2sf);
	s14 =	sand.u32 $0x1FFFFFF0, s28  }
0x3e0: {  	(v2sf) =	vpush v1, $0x6;
	[tilespmem:s8], [sflag:$0x3] =	stream.linear.gather [hbm4b:s12+s2], $0x80, $0x38;
	[tilespmem:$0x18A00] =	vst v63  }
0x3e1: {  	s16 =	sadd.s32 s5, s14;
	s14 =	sadd.s32 s4, s18;
	s12 =	sand.u32 $0x1FFFFFF0, s20  }
0x3e2: {  	(v2sf) =	vpush v63, $0x6;
	[tilespmem:s11], [sflag:$0x3] =	stream.linear.gather [hbm4b:s16+s2], $0x80, $0x38;
	[tilespmem:$0x18A00] =	vst v63  }
0x3e3: {  	s8 =	simm.s32 $0x10F00;
	s20 =	simm.s32 $0xCD00;
	s12 =	sadd.s32 s4, s12  }
0x3e4: {  	[tilespmem:s19], [sflag:$0x3] =	stream.linear.gather [hbm4b:s14+s2], $0x80, $0x38;
	[tilespmem:$0x18A00] =	vst v63  }
0x3e5: {  	s11 =	simm.s32 $0xCF00;
	s16 =	simm.s32 $0x14C80;
	s21 =	spop (v2sf)  }
0x3e6: {  	(v2sf) =	vpush v2, $0x7;
	[tilespmem:s25], [sflag:$0x3] =	stream.linear.gather [hbm4b:s12+s2], $0x80, $0x38;
	[tilespmem:$0x18A00] =	vst v63  }
0x3e7: {  	s12 =	simm.s32 $0x10D00;
	s14 =	sand.u32 $0x1FFFFFF0, s21;
	s22 =	spop (v2sf)  }
0x3e8: {  	(v2sf) =	vpush v1, $0x7;
	s23 =	sadd.s32 s5, s14;
	s24 =	sand.u32 $0x1FFFFFF0, s22;
	s28 =	spop (v2sf)  }
0x3e9: {  	(v2sf) =	vpush v63, $0x7;
	[tilespmem:s31], [sflag:$0x3] =	stream.linear.gather [hbm4b:s23+s2], $0x80, $0x38;
	[tilespmem:$0x18A00] =	vst v63  }
0x3ea: {  	s25 =	simm.s32 $0xCC80;
	s14 =	sadd.s32 s4, s24;
	s30 =	spop (v2sf)  }
0x3eb: {  	(v2sf) =	vpush v2, $0x8;
	s13 =	sand.u32 $0x1FFFFFF0, s28;
	s24 =	simm.s32 $0x14D00;
	s31 =	spop (v2sf)  }
0x3ec: {  	[tilespmem:s25], [sflag:$0x3] =	stream.linear.gather [hbm4b:s14+s2], $0x80, $0x38;
	[tilespmem:$0x18A00] =	vst v63  }
0x3ed: {  	s13 =	sadd.s32 s4, s13;
	(v2sf) =	vpush v1, $0x8;
	s14 =	sand.u32 $0x1FFFFFF0, s30;
	s19 =	sand.u32 $0x1FFFFFF0, s31  }
0x3ee: {  	(v2sf) =	vpush v63, $0x8;
	[tilespmem:s9], [sflag:$0x3] =	stream.linear.gather [hbm4b:s13+s2], $0x80, $0x38;
	[tilespmem:$0x18A00] =	vst v63  }
0x3ef: {  	s21 =	spop (v2sf);
	s30 =	simm.s32 $0x10E00;
	s18 =	sadd.s32 s5, s14  }
0x3f0: {  	(v2sf) =	vpush v2, $0x9;
	[tilespmem:s16], [sflag:$0x3] =	stream.linear.gather [hbm4b:s18+s2], $0x80, $0x38;
	[tilespmem:$0x18A00] =	vst v63  }
0x3f1: {  	s14 =	sadd.s32 s4, s19;
	s22 =	spop (v2sf);
	s13 =	sand.u32 $0x1FFFFFF0, s21  }
0x3f2: {  	[tilespmem:s20], [sflag:$0x3] =	stream.linear.gather [hbm4b:s14+s2], $0x80, $0x38;
	[tilespmem:$0x18A00] =	vst v63  }
0x3f3: {  	s19 =	simm.s32 $0x14D80;
	s13 =	sadd.s32 s4, s13;
	s14 =	sand.u32 $0x1FFFFFF0, s22  }
0x3f4: {  	(v2sf) =	vpush v1, $0x9;
	[tilespmem:s12], [sflag:$0x3] =	stream.linear.gather [hbm4b:s13+s2], $0x80, $0x38;
	[tilespmem:$0x18A00] =	vst v63  }
0x3f5: {  	s9 =	simm.s32 $0x10E80;
	s23 =	spop (v2sf);
	s25 =	sadd.s32 s5, s14  }
0x3f6: {  	[tilespmem:s24], [sflag:$0x3] =	stream.linear.gather [hbm4b:s25+s2], $0x80, $0x38;
	[tilespmem:$0x18A00] =	vst v63  }
0x3f7: {  	s28 =	sand.u32 $0x1FFFFFF0, s23;
	s22 =	simm.s32 $0x14E00;
	s31 =	spop (v2sf)  }
0x3f8: {  	s14 =	sadd.s32 s4, s28;
	(v2sf) =	vpush v63, $0x9;
	s13 =	sand.u32 $0x1FFFFFF0, s31;
	s16 =	spop (v2sf)  }
0x3f9: {  	(v2sf) =	vpush v2, $0xA;
	[tilespmem:s7], [sflag:$0x3] =	stream.linear.gather [hbm4b:s14+s2], $0x80, $0x38;
	[tilespmem:$0x18A00] =	vst v63  }
0x3fa: {  	s13 =	sadd.s32 s4, s13;
	s14 =	sand.u32 $0x1FFFFFF0, s16;
	s18 =	spop (v2sf)  }
0x3fb: {  	(v2sf) =	vpush v1, $0xA;
	[tilespmem:s15], [sflag:$0x3] =	stream.linear.gather [hbm4b:s13+s2], $0x80, $0x38;
	[tilespmem:$0x18A00] =	vst v63  }
0x3fc: {  	s20 =	sadd.s32 s5, s14;
	s21 =	sand.u32 $0x1FFFFFF0, s18;
	s23 =	spop (v2sf)  }
0x3fd: {  	s18 =	simm.s32 $0xD080;
	s14 =	sadd.s32 s4, s21;
	s25 =	spop (v2sf)  }
0x3fe: {  	(v2sf) =	vpush v63, $0xA;
	[tilespmem:s19], [sflag:$0x3] =	stream.linear.gather [hbm4b:s20+s2], $0x80, $0x38;
	[tilespmem:$0x18A00] =	vst v63  }
0x3ff: {  	s15 =	simm.s32 $0x11180;
	s24 =	sand.u32 $0x1FFFFFF0, s23;
	s28 =	spop (v2sf)  }
0x400: {  	(v2sf) =	vpush v2, $0xB;
	[tilespmem:s6], [sflag:$0x3] =	stream.linear.gather [hbm4b:s14+s2], $0x80, $0x38;
	[tilespmem:$0x18A00] =	vst v63  }
0x401: {  	(v2sf) =	vpush v1, $0xB;
	s13 =	sand.u32 $0x1FFFFFF0, s25;
	s31 =	sand.u32 $0x1FFFFFF0, s28;
	s6 =	sadd.s32 s4, s24  }
0x402: {  	[tilespmem:s30], [sflag:$0x3] =	stream.linear.gather [hbm4b:s6+s2], $0x80, $0x38;
	[tilespmem:$0x18A00] =	vst v63  }
0x403: {  	(v2sf) =	vpush v63, $0xB;
	s12 =	sadd.s32 s4, s31;
	s30 =	sadd.s32 s5, s13;
	s13 =	spop (v2sf)  }
0x404: {  	[tilespmem:s22], [sflag:$0x3] =	stream.linear.gather [hbm4b:s30+s2], $0x80, $0x38;
	[tilespmem:$0x18A00] =	vst v63  }
0x405: {  	s24 =	simm.s32 $0x14F00;
	(v2sf) =	vpush v2, $0xC;
	s6 =	simm.s32 $0x10F80;
	s7 =	sand.u32 $0x1FFFFFF0, s13  }
0x406: {  	[tilespmem:s1], [sflag:$0x3] =	stream.linear.gather [hbm4b:s12+s2], $0x80, $0x38;
	[tilespmem:$0x18A00] =	vst v63  }
0x407: {  	s7 =	sadd.s32 s4, s7;
	s30 =	simm.s32 $0xCF80;
	s14 =	spop (v2sf)  }
0x408: {  	s1 =	simm.s32 $0x11000;
	s12 =	sand.u32 $0x1FFFFFF0, s14;
	s16 =	spop (v2sf)  }
0x409: {  	(v2sf) =	vpush v1, $0xC;
	[tilespmem:s9], [sflag:$0x3] =	stream.linear.gather [hbm4b:s7+s2], $0x80, $0x38;
	[tilespmem:$0x18A00] =	vst v63  }
0x40a: {  	s14 =	simm.s32 $0x15100;
	s19 =	sadd.s32 s5, s12;
	s21 =	spop (v2sf)  }
0x40b: {  	(v2sf) =	vpush v63, $0xC;
	[tilespmem:s10], [sflag:$0x3] =	stream.linear.gather [hbm4b:s19+s2], $0x80, $0x38;
	[tilespmem:$0x18A00] =	vst v63  }
0x40c: {  	s7 =	simm.s32 $0x14F80;
	s20 =	sand.u32 $0x1FFFFFF0, s16;
	s10 =	sand.u32 $0x1FFFFFF0, s21  }
0x40d: {  	s9 =	sadd.s32 s4, s20;
	s22 =	spop (v2sf);
	s10 =	sadd.s32 s4, s10  }
0x40e: {  	(v2sf) =	vpush v2, $0xD;
	[tilespmem:s11], [sflag:$0x3] =	stream.linear.gather [hbm4b:s9+s2], $0x80, $0x38;
	[tilespmem:$0x18A00] =	vst v63  }
0x40f: {  	s23 =	spop (v2sf);
	s9 =	simm.s32 $0xD000;
	s11 =	sand.u32 $0x1FFFFFF0, s22  }
0x410: {  	(v2sf) =	vpush v1, $0xD;
	s28 =	sand.u32 $0x1FFFFFF0, s23;
	s31 =	spop (v2sf);
	s25 =	sadd.s32 s5, s11  }
0x411: {  	[tilespmem:s8], [sflag:$0x3] =	stream.linear.gather [hbm4b:s10+s2], $0x80, $0x38;
	[tilespmem:$0x18A00] =	vst v63  }
0x412: {  	s11 =	sadd.s32 s4, s28;
	s12 =	spop (v2sf);
	s10 =	sand.u32 $0x1FFFFFF0, s31  }
0x413: {  	[tilespmem:s24], [sflag:$0x3] =	stream.linear.gather [hbm4b:s25+s2], $0x80, $0x38;
	[tilespmem:$0x18A00] =	vst v63  }
0x414: {  	s28 =	simm.s32 $0x15000;
	s10 =	sadd.s32 s4, s10;
	s13 =	spop (v2sf)  }
0x415: {  	[tilespmem:s30], [sflag:$0x3] =	stream.linear.gather [hbm4b:s11+s2], $0x80, $0x38;
	[tilespmem:$0x18A00] =	vst v63  }
0x416: {  	s11 =	sand.u32 $0x1FFFFFF0, s12;
	s19 =	sand.u32 $0x1FFFFFF0, s13;
	s13 =	simm.s32 $0x11080  }
0x417: {  	[tilespmem:s6], [sflag:$0x3] =	stream.linear.gather [hbm4b:s10+s2], $0x80, $0x38;
	[tilespmem:$0x18A00] =	vst v63  }
0x418: {  	s16 =	sadd.s32 s5, s11;
	s21 =	sadd.s32 s4, s19;
	s20 =	spop (v2sf)  }
0x419: {  	[tilespmem:s7], [sflag:$0x3] =	stream.linear.gather [hbm4b:s16+s2], $0x80, $0x38;
	[tilespmem:$0x18A00] =	vst v63  }
0x41a: {  	(v2sf) =	vpush v63, $0xD;
	s11 =	simm.s32 $0xD180;
	s22 =	sand.u32 $0x1FFFFFF0, s20;
	s23 =	spop (v2sf)  }
0x41b: {  	(v2sf) =	vpush v2, $0xE;
	[tilespmem:s9], [sflag:$0x3] =	stream.linear.gather [hbm4b:s21+s2], $0x80, $0x38;
	[tilespmem:$0x18A00] =	vst v63  }
0x41c: {  	(v2sf) =	vpush v1, $0xE;
	s20 =	simm.s32 $0xD100;
	s24 =	sadd.s32 s4, s22;
	s25 =	sand.u32 $0x1FFFFFF0, s23  }
0x41d: {  	s21 =	simm.s32 $0x11100;
	(v2sf) =	vpush v63, $0xE;
	s30 =	sadd.s32 s5, s25;
	s31 =	spop (v2sf)  }
0x41e: {  	(v2sf) =	vpush v2, $0xF;
	[tilespmem:s1], [sflag:$0x3] =	stream.linear.gather [hbm4b:s24+s2], $0x80, $0x38;
	[tilespmem:$0x18A00] =	vst v63  }
0x41f: {  	s24 =	simm.s32 $0x15080;
	(v2sf) =	vpush v1, $0xF;
	s1 =	sand.u32 $0x1FFFFFF0, s31;
	s7 =	spop (v2sf)  }
0x420: {  	(v2sf) =	vpush v63, $0xF;
	[tilespmem:s28], [sflag:$0x3] =	stream.linear.gather [hbm4b:s30+s2], $0x80, $0x38;
	[tilespmem:$0x18A00] =	vst v63  }
.LBB2_12:
0x421: {  	_ =	sdelay $0x3  }
0x422: {  	s1 =	sadd.s32 s4, s1;
	s7 =	sand.u32 $0x1FFFFFF0, s7  }
0x423: {  	[tilespmem:s18], [sflag:$0x3] =	stream.linear.gather [hbm4b:s1+s2], $0x80, $0x38;
	[tilespmem:$0x18A00] =	vst v63  }
0x424: {  	s7 =	sadd.s32 s4, s7  }
0x425: {  	[tilespmem:s13], [sflag:$0x3] =	stream.linear.gather [hbm4b:s7+s2], $0x80, $0x38;
	[tilespmem:$0x18A00] =	vst v63  }
0x426: {  	s8 =	spop (v2sf)  }
0x427: {  	s10 =	sand.u32 $0x1FFFFFF0, s8;
	s12 =	spop (v2sf)  }
0x428: {  	s13 =	sadd.s32 s5, s10;
	s16 =	sand.u32 $0x1FFFFFF0, s12;
	s18 =	spop (v2sf)  }
0x429: {  	[tilespmem:s24], [sflag:$0x3] =	stream.linear.gather [hbm4b:s13+s2], $0x80, $0x38;
	[tilespmem:$0x18A00] =	vst v63  }
0x42a: {  	s19 =	sadd.s32 s4, s16;
	s22 =	sand.u32 $0x1FFFFFF0, s18;
	s23 =	spop (v2sf)  }
0x42b: {  	[tilespmem:s20], [sflag:$0x3] =	stream.linear.gather [hbm4b:s19+s2], $0x80, $0x38;
	[tilespmem:$0x18A00] =	vst v63  }
0x42c: {  	s24 =	sadd.s32 s4, s22;
	s25 =	sand.u32 $0x1FFFFFF0, s23;
	s28 =	spop (v2sf)  }
0x42d: {  	[tilespmem:s21], [sflag:$0x3] =	stream.linear.gather [hbm4b:s24+s2], $0x80, $0x38;
	[tilespmem:$0x18A00] =	vst v63  }
0x42e: {  	s30 =	sadd.s32 s5, s25;
	s31 =	sand.u32 $0x1FFFFFF0, s28;
	s6 =	spop (v2sf)  }
0x42f: {  	[tilespmem:s14], [sflag:$0x3] =	stream.linear.gather [hbm4b:s30+s2], $0x80, $0x38;
	[tilespmem:$0x18A00] =	vst v63  }
0x430: {  	s7 =	sadd.s32 s4, s31;
	s10 =	sand.u32 $0x1FFFFFF0, s6;
	s12 =	spop (v2sf)  }
0x431: {  	[tilespmem:s11], [sflag:$0x3] =	stream.linear.gather [hbm4b:s7+s2], $0x80, $0x38;
	[tilespmem:$0x18A00] =	vst v63  }
0x432: {  	s13 =	sadd.s32 s4, s10;
	s14 =	sand.u32 $0x1FFFFFF0, s12  }
0x433: {  	[tilespmem:s15], [sflag:$0x3] =	stream.linear.gather [hbm4b:s13+s2], $0x80, $0x38;
	[tilespmem:$0x18A00] =	vst v63  }
0x434: {  	s9 =	smov.u32 s3;
	s0 =	sadd.s32 $0x15180, s0;
	s16 =	sadd.s32 s5, s14  }
0x435: {  	[tilespmem:s0], [sflag:$0x3] =	stream.linear.gather [hbm4b:s16+s2], $0x80, $0x38;
	[tilespmem:$0x18A00] =	vst v63  }
0x436: {  	s0 =	sshra.s32 s9, $0x2  }
0x437: {  	s18 =	sadd.s32 $0x10B80, s0  }
0x438: {  	s19 =	sadd.s32 $0xCD80, s0;
	[smem:$0x79F] =	sst s18  }
0x439: {  	s20 =	sadd.s32 $0xCE00, s0;
	[smem:$0x7A8] =	sst s19  }
0x43a: {  	s21 =	sadd.s32 $0xCE80, s0;
	[smem:$0x7AB] =	sst s20  }
0x43b: {  	s22 =	sadd.s32 $0x10C80, s0;
	[smem:$0x7AE] =	sst s21  }
0x43c: {  	p0 =	sne.s32 s3, $0xE000;
	v0 =	vld [tilespmem:s17+$0x0];
	s23 =	sadd.s32 $0x14E80, s0;
	[smem:$0x7A3] =	sst s22  }
0x43d: {  	s3 =	sadd.s32 $0x2000, s3;
	v1 =	vld [tilespmem:s26+$0x0];
	s24 =	sadd.s32 $0x10C00, s0;
	[dreg:$0x1a] =	wrdreg s23  }
0x43e: {  	v3 =	vld [tilespmem:s29+$0x0];
	s26 =	sadd.s32 $0x10, s26;
	s28 =	sadd.s32 $0x14C00, s0;
	[smem:$0x7A0] =	sst s24  }
0x43f: {  	s17 =	sadd.s32 $0x10, s17;
	s6 =	sadd.s32 $0xCF00, s0;
	[smem:$0x7A1] =	sst s28  }
0x440: {  	s8 =	sadd.s32 $0x14A00, s0;
	s7 =	sadd.s32 $0x10D00, s0;
	[dreg:$0x17] =	wrdreg s6  }
0x441: {  	s13 =	sadd.s32 $0xCA00, s0;
	s10 =	sadd.s32 $0x10F00, s0;
	[smem:$0x7A6] =	sst s7;
	v2 =	vshll.u32 v0, $0x4  }
0x442: {  	s9 =	sadd.s32 $0x10A00, s0;
	s11 =	sadd.s32 $0x10E80, s0;
	[dreg:$0x11] =	wrdreg s10;
	v1 =	vshll.u32 v1, $0x4;
	(v2sf) =	vpush v2, $0x0  }
0x443: {  	s25 =	sadd.s32 $0x14A80, s0;
	s12 =	sadd.s32 $0x14E00, s0;
	[smem:$0x7AF] =	sst s11;
	v63 =	vshll.u32 v3, $0x4;
	(v2sf) =	vpush v1, $0x0  }
0x444: {  	s30 =	sadd.s32 $0xCB80, s0;
	s14 =	sadd.s32 $0xCC80, s0;
	[smem:$0x7AD] =	sst s12;
	(v2sf) =	vpush v63, $0x0  }
0x445: {  	s31 =	sadd.s32 $0x14B80, s0;
	s15 =	sadd.s32 $0x10D80, s0;
	[smem:$0x7A2] =	sst s14  }
0x446: {  	s1 =	sadd.s32 $0x10B00, s0;
	s16 =	sadd.s32 $0x14D80, s0;
	[smem:$0x7A9] =	sst s15;
	(v2sf) =	vpush v2, $0x1  }
0x447: {  	s29 =	sadd.s32 $0x10, s29;
	s6 =	sadd.s32 $0x10E00, s0;
	[smem:$0x7AA] =	sst s16  }
0x448: {  	s22 =	sadd.s32 $0xCC00, s0;
	s18 =	sadd.s32 $0x14C80, s0;
	[smem:$0x7AC] =	sst s6  }
0x449: {  	s28 =	sadd.s32 $0xCA80, s0;
	s19 =	sadd.s32 $0x14D00, s0;
	[smem:$0x7A4] =	sst s18;
	(v2sf) =	vpush v1, $0x1  }
0x44a: {  	s7 =	sadd.s32 $0xCB00, s0;
	s10 =	sadd.s32 $0x11000, s0;
	[smem:$0x7A7] =	sst s19  }
0x44b: {  	s15 =	sadd.s32 $0x11180, s0;
	s20 =	sadd.s32 $0x14F80, s0;
	[dreg:$0xa] =	wrdreg s10  }
0x44c: {  	s14 =	sadd.s32 $0x15100, s0;
	s21 =	sadd.s32 $0xD000, s0;
	[dreg:$0x14] =	wrdreg s20;
	(v2sf) =	vpush v63, $0x1  }
0x44d: {  	s11 =	sadd.s32 $0xD180, s0;
	s23 =	sadd.s32 $0xCF80, s0;
	[dreg:$0xd] =	wrdreg s21  }
0x44e: {  	s16 =	sadd.s32 $0x10A80, s0;
	s24 =	sadd.s32 $0x10F80, s0;
	[smem:$0x7B1] =	sst s23;
	(v2sf) =	vpush v2, $0x2  }
0x44f: {  	s12 =	sadd.s32 $0xCD00, s0;
	s19 =	sadd.s32 $0xD080, s0;
	[dreg:$0x1e] =	wrdreg s24  }
0x450: {  	s6 =	sadd.s32 $0x14B00, s0;
	s21 =	sadd.s32 $0x11100, s0;
	[smem:$0x7A5] =	sst s12;
	(v2sf) =	vpush v1, $0x2  }
0x451: {  	s20 =	sadd.s32 $0xD100, s0;
	s24 =	sadd.s32 $0x15080, s0;
	s12 =	spop (v2sf)  }
0x452: {  	s10 =	smov.u32 s17;
	(v2sf) =	vpush v63, $0x2;
	s23 =	sand.u32 $0x1FFFFFF0, s12;
	s18 =	spop (v2sf)  }
0x453: {  	s23 =	sadd.s32 s4, s23;
	s17 =	sand.u32 $0x1FFFFFF0, s18;
	s12 =	spop (v2sf)  }
0x454: {  	(v2sf) =	vpush v2, $0x3;
	[tilespmem:s13], [sflag:$0x3] =	stream.linear.gather [hbm4b:s23+s2], $0x80, $0x38;
	[tilespmem:$0x18A00] =	vst v63  }
0x455: {  	s18 =	sand.u32 $0x1FFFFFF0, s12;
	s13 =	sadd.s32 $0x11080, s0;
	s12 =	spop (v2sf)  }
0x456: {  	(v2sf) =	vpush v1, $0x3;
	s17 =	sadd.s32 s4, s17;
	s23 =	sand.u32 $0x1FFFFFF0, s12;
	s12 =	sadd.s32 $0x14F00, s0  }
0x457: {  	[tilespmem:s9], [sflag:$0x3] =	stream.linear.gather [hbm4b:s17+s2], $0x80, $0x38;
	[tilespmem:$0x18A00] =	vst v63  }
0x458: {  	(v2sf) =	vpush v63, $0x3;
	[smem:$0x7B0] =	sst s12;
	s17 =	sadd.s32 s5, s18;
	s12 =	spop (v2sf)  }
0x459: {  	s18 =	smov.u32 s19;
	(v2sf) =	vpush v2, $0x4;
	s9 =	sadd.s32 s4, s23;
	s23 =	sand.u32 $0x1FFFFFF0, s12  }
0x45a: {  	[tilespmem:s8], [sflag:$0x3] =	stream.linear.gather [hbm4b:s17+s2], $0x80, $0x38;
	[tilespmem:$0x18A00] =	vst v63  }
0x45b: {  	s19 =	sadd.s32 $0x15000, s0;
	s12 =	spop (v2sf);
	(v2sf) =	vpush v1, $0x4;
	s23 =	sadd.s32 s4, s23  }
0x45c: {  	[tilespmem:s28], [sflag:$0x3] =	stream.linear.gather [hbm4b:s9+s2], $0x80, $0x38;
	[tilespmem:$0x18A00] =	vst v63  }
0x45d: {  	s17 =	smov.u32 s10;
	s28 =	sand.u32 $0x1FFFFFF0, s12;
	s12 =	spop (v2sf)  }
0x45e: {  	[tilespmem:s16], [sflag:$0x3] =	stream.linear.gather [hbm4b:s23+s2], $0x80, $0x38;
	[tilespmem:$0x18A00] =	vst v63  }
0x45f: {  	(v2sf) =	vpush v63, $0x4;
	s23 =	sadd.s32 s5, s28;
	s28 =	sand.u32 $0x1FFFFFF0, s12;
	s12 =	spop (v2sf)  }
0x460: {  	[tilespmem:s25], [sflag:$0x3] =	stream.linear.gather [hbm4b:s23+s2], $0x80, $0x38;
	[tilespmem:$0x18A00] =	vst v63  }
0x461: {  	(v2sf) =	vpush v2, $0x5;
	s23 =	sadd.s32 s4, s28;
	s25 =	sand.u32 $0x1FFFFFF0, s12;
	s28 =	spop (v2sf)  }
0x462: {  	[tilespmem:s7], [sflag:$0x3] =	stream.linear.gather [hbm4b:s23+s2], $0x80, $0x38;
	[tilespmem:$0x18A00] =	vst v63  }
0x463: {  	s10 =	sadd.s32 s4, s25;
	s12 =	sand.u32 $0x1FFFFFF0, s28;
	s16 =	spop (v2sf)  }
0x464: {  	(v2sf) =	vpush v1, $0x5;
	[tilespmem:s1], [sflag:$0x3] =	stream.linear.gather [hbm4b:s10+s2], $0x80, $0x38;
	[tilespmem:$0x18A00] =	vst v63  }
0x465: {  	s23 =	sadd.s32 s5, s12;
	s25 =	sand.u32 $0x1FFFFFF0, s16;
	s28 =	spop (v2sf)  }
0x466: {  	(v2sf) =	vpush v63, $0x5;
	[tilespmem:s6], [sflag:$0x3] =	stream.linear.gather [hbm4b:s23+s2], $0x80, $0x38;
	[tilespmem:$0x18A00] =	vst v63  }
0x467: {  	s7 =	sadd.s32 s4, s25;
	s9 =	sand.u32 $0x1FFFFFF0, s28;
	s10 =	spop (v2sf)  }
0x468: {  	(v2sf) =	vpush v2, $0x6;
	s25 =	sld [smem:$0x79F];
	s16 =	sand.u32 $0x1FFFFFF0, s10;
	s23 =	spop (v2sf)  }
0x469: {  	(v2sf) =	vpush v1, $0x6;
	[tilespmem:s30], [sflag:$0x3] =	stream.linear.gather [hbm4b:s7+s2], $0x80, $0x38;
	[tilespmem:$0x18A00] =	vst v63  }
0x46a: {  	s12 =	sadd.s32 s4, s9;
	s28 =	sadd.s32 s5, s16;
	s6 =	spop (v2sf)  }
0x46b: {  	(v2sf) =	vpush v63, $0x6;
	[tilespmem:s25], [sflag:$0x3] =	stream.linear.gather [hbm4b:s12+s2], $0x80, $0x38;
	[tilespmem:$0x18A00] =	vst v63  }
0x46c: {  	s30 =	sand.u32 $0x1FFFFFF0, s23;
	s23 =	sld [smem:$0x7A0];
	s9 =	sand.u32 $0x1FFFFFF0, s6  }
0x46d: {  	[tilespmem:s31], [sflag:$0x3] =	stream.linear.gather [hbm4b:s28+s2], $0x80, $0x38;
	[tilespmem:$0x18A00] =	vst v63  }
0x46e: {  	(v2sf) =	vpush v2, $0x7;
	s7 =	sadd.s32 s4, s30;
	s12 =	sadd.s32 s4, s9;
	s10 =	spop (v2sf)  }
0x46f: {  	[tilespmem:s22], [sflag:$0x3] =	stream.linear.gather [hbm4b:s7+s2], $0x80, $0x38;
	[tilespmem:$0x18A00] =	vst v63  }
0x470: {  	(v2sf) =	vpush v1, $0x7;
	s16 =	sand.u32 $0x1FFFFFF0, s10;
	s31 =	sld [smem:$0x7A1];
	s22 =	spop (v2sf)  }
0x471: {  	s10 =	sld [smem:$0x7A2];
	s25 =	sadd.s32 s5, s16;
	s28 =	sand.u32 $0x1FFFFFF0, s22  }
0x472: {  	[tilespmem:s23], [sflag:$0x3] =	stream.linear.gather [hbm4b:s12+s2], $0x80, $0x38;
	[tilespmem:$0x18A00] =	vst v63  }
0x473: {  	s7 =	sadd.s32 s4, s28;
	s23 =	sld [smem:$0x7A3];
	s30 =	spop (v2sf)  }
0x474: {  	(v2sf) =	vpush v63, $0x7;
	[tilespmem:s31], [sflag:$0x3] =	stream.linear.gather [hbm4b:s25+s2], $0x80, $0x38;
	[tilespmem:$0x18A00] =	vst v63  }
0x475: {  	s8 =	sand.u32 $0x1FFFFFF0, s30;
	s31 =	sld [smem:$0x7A4];
	s9 =	spop (v2sf)  }
0x476: {  	(v2sf) =	vpush v2, $0x8;
	[tilespmem:s10], [sflag:$0x3] =	stream.linear.gather [hbm4b:s7+s2], $0x80, $0x38;
	[tilespmem:$0x18A00] =	vst v63  }
0x477: {  	s12 =	sadd.s32 s4, s8;
	s16 =	sand.u32 $0x1FFFFFF0, s9;
	s22 =	spop (v2sf)  }
0x478: {  	(v2sf) =	vpush v1, $0x8;
	s10 =	sld [smem:$0x7A5];
	s28 =	sand.u32 $0x1FFFFFF0, s22;
	s30 =	spop (v2sf)  }
0x479: {  	[tilespmem:s23], [sflag:$0x3] =	stream.linear.gather [hbm4b:s12+s2], $0x80, $0x38;
	[tilespmem:$0x18A00] =	vst v63  }
0x47a: {  	s25 =	sadd.s32 s5, s16;
	s7 =	sadd.s32 s4, s28;
	s9 =	spop (v2sf)  }
0x47b: {  	(v2sf) =	vpush v63, $0x8;
	s8 =	sand.u32 $0x1FFFFFF0, s30;
	s23 =	sld [smem:$0x7A6];
	s16 =	sand.u32 $0x1FFFFFF0, s9  }
0x47c: {  	(v2sf) =	vpush v2, $0x9;
	[tilespmem:s31], [sflag:$0x3] =	stream.linear.gather [hbm4b:s25+s2], $0x80, $0x38;
	[tilespmem:$0x18A00] =	vst v63  }
0x47d: {  	(v2sf) =	vpush v1, $0x9;
	s12 =	sadd.s32 s4, s8;
	s22 =	spop (v2sf);
	s25 =	sadd.s32 s5, s16  }
0x47e: {  	[tilespmem:s10], [sflag:$0x3] =	stream.linear.gather [hbm4b:s7+s2], $0x80, $0x38;
	[tilespmem:$0x18A00] =	vst v63  }
0x47f: {  	(v2sf) =	vpush v63, $0x9;
	s28 =	sand.u32 $0x1FFFFFF0, s22;
	s31 =	sld [smem:$0x7A7];
	s30 =	spop (v2sf)  }
0x480: {  	[tilespmem:s23], [sflag:$0x3] =	stream.linear.gather [hbm4b:s12+s2], $0x80, $0x38;
	[tilespmem:$0x18A00] =	vst v63  }
0x481: {  	s7 =	sadd.s32 s4, s28;
	s10 =	sld [smem:$0x7A8];
	s8 =	sand.u32 $0x1FFFFFF0, s30  }
0x482: {  	[tilespmem:s31], [sflag:$0x3] =	stream.linear.gather [hbm4b:s25+s2], $0x80, $0x38;
	[tilespmem:$0x18A00] =	vst v63  }
0x483: {  	(v2sf) =	vpush v2, $0xA;
	s12 =	sadd.s32 s4, s8;
	s23 =	sld [smem:$0x7A9];
	s9 =	spop (v2sf)  }
0x484: {  	[tilespmem:s10], [sflag:$0x3] =	stream.linear.gather [hbm4b:s7+s2], $0x80, $0x38;
	[tilespmem:$0x18A00] =	vst v63  }
0x485: {  	(v2sf) =	vpush v1, $0xA;
	s16 =	sand.u32 $0x1FFFFFF0, s9;
	s31 =	sld [smem:$0x7AA];
	s22 =	spop (v2sf)  }
0x486: {  	[tilespmem:s23], [sflag:$0x3] =	stream.linear.gather [hbm4b:s12+s2], $0x80, $0x38;
	[tilespmem:$0x18A00] =	vst v63  }
0x487: {  	s25 =	sadd.s32 s5, s16;
	s28 =	sand.u32 $0x1FFFFFF0, s22;
	s30 =	spop (v2sf)  }
0x488: {  	(v2sf) =	vpush v63, $0xA;
	s10 =	sld [smem:$0x7AB];
	s7 =	sadd.s32 s4, s28;
	s8 =	sand.u32 $0x1FFFFFF0, s30  }
0x489: {  	[tilespmem:s31], [sflag:$0x3] =	stream.linear.gather [hbm4b:s25+s2], $0x80, $0x38;
	[tilespmem:$0x18A00] =	vst v63  }
0x48a: {  	(v2sf) =	vpush v2, $0xB;
	s23 =	sld [smem:$0x7AC];
	s9 =	spop (v2sf);
	s12 =	sadd.s32 s4, s8  }
0x48b: {  	s16 =	sand.u32 $0x1FFFFFF0, s9;
	s22 =	spop (v2sf);
	s31 =	sld [smem:$0x7AD]  }
0x48c: {  	(v2sf) =	vpush v1, $0xB;
	s25 =	sadd.s32 s5, s16;
	s28 =	sand.u32 $0x1FFFFFF0, s22;
	s30 =	spop (v2sf)  }
0x48d: {  	[tilespmem:s10], [sflag:$0x3] =	stream.linear.gather [hbm4b:s7+s2], $0x80, $0x38;
	[tilespmem:$0x18A00] =	vst v63  }
0x48e: {  	s7 =	sadd.s32 s4, s28;
	s8 =	sand.u32 $0x1FFFFFF0, s30;
	s9 =	spop (v2sf)  }
0x48f: {  	[tilespmem:s23], [sflag:$0x3] =	stream.linear.gather [hbm4b:s12+s2], $0x80, $0x38;
	[tilespmem:$0x18A00] =	vst v63  }
0x490: {  	(v2sf) =	vpush v63, $0xB;
	s10 =	sld [smem:$0x7AE];
	s16 =	sand.u32 $0x1FFFFFF0, s9;
	s12 =	sadd.s32 s4, s8  }
0x491: {  	[tilespmem:s31], [sflag:$0x3] =	stream.linear.gather [hbm4b:s25+s2], $0x80, $0x38;
	[tilespmem:$0x18A00] =	vst v63  }
0x492: {  	(v2sf) =	vpush v2, $0xC;
	s23 =	sld [smem:$0x7AF];
	s22 =	spop (v2sf);
	s25 =	sadd.s32 s5, s16  }
0x493: {  	[tilespmem:s10], [sflag:$0x3] =	stream.linear.gather [hbm4b:s7+s2], $0x80, $0x38;
	[tilespmem:$0x18A00] =	vst v63  }
0x494: {  	s28 =	sand.u32 $0x1FFFFFF0, s22;
	s31 =	rddreg [dreg:$0x1a];
	s30 =	spop (v2sf)  }
0x495: {  	s7 =	sadd.s32 s4, s28;
	s10 =	rddreg [dreg:$0x17];
	s8 =	sand.u32 $0x1FFFFFF0, s30  }
0x496: {  	(v2sf) =	vpush v1, $0xC;
	[tilespmem:s23], [sflag:$0x3] =	stream.linear.gather [hbm4b:s12+s2], $0x80, $0x38;
	[tilespmem:$0x18A00] =	vst v63  }
0x497: {  	s12 =	sadd.s32 s4, s8;
	s23 =	rddreg [dreg:$0x11];
	s9 =	spop (v2sf)  }
0x498: {  	(v2sf) =	vpush v63, $0xC;
	[tilespmem:s31], [sflag:$0x3] =	stream.linear.gather [hbm4b:s25+s2], $0x80, $0x38;
	[tilespmem:$0x18A00] =	vst v63  }
0x499: {  	(v2sf) =	vpush v2, $0xD;
	s16 =	sand.u32 $0x1FFFFFF0, s9;
	s31 =	sld [smem:$0x7B0];
	s22 =	spop (v2sf)  }
0x49a: {  	[tilespmem:s10], [sflag:$0x3] =	stream.linear.gather [hbm4b:s7+s2], $0x80, $0x38;
	[tilespmem:$0x18A00] =	vst v63  }
0x49b: {  	(v2sf) =	vpush v1, $0xD;
	s25 =	sadd.s32 s5, s16;
	s28 =	sand.u32 $0x1FFFFFF0, s22;
	s30 =	spop (v2sf)  }
0x49c: {  	[tilespmem:s23], [sflag:$0x3] =	stream.linear.gather [hbm4b:s12+s2], $0x80, $0x38;
	[tilespmem:$0x18A00] =	vst v63  }
0x49d: {  	s7 =	sadd.s32 s4, s28;
	s9 =	sand.u32 $0x1FFFFFF0, s30;
	s12 =	sld [smem:$0x7B1]  }
0x49e: {  	[tilespmem:s31], [sflag:$0x3] =	stream.linear.gather [hbm4b:s25+s2], $0x80, $0x38;
	[tilespmem:$0x18A00] =	vst v63  }
0x49f: {  	s10 =	spop (v2sf);
	s16 =	sadd.s32 s4, s9;
	s9 =	rddreg [dreg:$0x14]  }
0x4a0: {  	[tilespmem:s12], [sflag:$0x3] =	stream.linear.gather [hbm4b:s7+s2], $0x80, $0x38;
	[tilespmem:$0x18A00] =	vst v63  }
0x4a1: {  	s22 =	sand.u32 $0x1FFFFFF0, s10;
	s23 =	spop (v2sf);
	s25 =	rddreg [dreg:$0x1e]  }
0x4a2: {  	[tilespmem:s25], [sflag:$0x3] =	stream.linear.gather [hbm4b:s16+s2], $0x80, $0x38;
	[tilespmem:$0x18A00] =	vst v63  }
0x4a3: {  	s28 =	sadd.s32 s5, s22;
	s30 =	sand.u32 $0x1FFFFFF0, s23;
	s22 =	rddreg [dreg:$0xd]  }
0x4a4: {  	[tilespmem:s9], [sflag:$0x3] =	stream.linear.gather [hbm4b:s28+s2], $0x80, $0x38;
	[tilespmem:$0x18A00] =	vst v63  }
0x4a5: {  	(v2sf) =	vpush v63, $0xD;
	s31 =	spop (v2sf);
	s10 =	sadd.s32 s4, s30;
	s30 =	rddreg [dreg:$0xa]  }
0x4a6: {  	(v2sf) =	vpush v2, $0xE;
	[tilespmem:s22], [sflag:$0x3] =	stream.linear.gather [hbm4b:s10+s2], $0x80, $0x38;
	[tilespmem:$0x18A00] =	vst v63  }
.Ltmp5:
0x4a7: {  	(v2sf) =	vpush v1, $0xE;
	s12 =	sand.u32 $0x1FFFFFF0, s31;
	s16 =	spop (v2sf);
	(pc) =	sbr.rel @p0 .LBB2_12-.Ltmp5, $4  }
0x4a8: {  	(v2sf) =	vpush v63, $0xE;
	s23 =	sadd.s32 s4, s12;
	s25 =	sand.u32 $0x1FFFFFF0, s16;
	s28 =	spop (v2sf)  }
0x4a9: {  	(v2sf) =	vpush v2, $0xF;
	[tilespmem:s30], [sflag:$0x3] =	stream.linear.gather [hbm4b:s23+s2], $0x80, $0x38;
	[tilespmem:$0x18A00] =	vst v63  }
0x4aa: {  	(v2sf) =	vpush v1, $0xF;
	s31 =	sadd.s32 s5, s25;
	s1 =	sand.u32 $0x1FFFFFF0, s28;
	s7 =	spop (v2sf)  }
0x4ab: {  	(v2sf) =	vpush v63, $0xF;
	[tilespmem:s19], [sflag:$0x3] =	stream.linear.gather [hbm4b:s31+s2], $0x80, $0x38;
	[tilespmem:$0x18A00] =	vst v63  }
0x4ac: {  	_ =	sdelay $0x3  }
0x4ad: {  	s1 =	sadd.s32 s4, s1;
	s3 =	sand.u32 $0x1FFFFFF0, s7  }
0x4ae: {  	[tilespmem:s18], [sflag:$0x3] =	stream.linear.gather [hbm4b:s1+s2], $0x80, $0x38;
	[tilespmem:$0x18A00] =	vst v63  }
0x4af: {  	s3 =	sadd.s32 s4, s3  }
0x4b0: {  	[tilespmem:s13], [sflag:$0x3] =	stream.linear.gather [hbm4b:s3+s2], $0x80, $0x38;
	[tilespmem:$0x18A00] =	vst v63  }
0x4b1: {  	s6 =	spop (v2sf)  }
0x4b2: {  	s7 =	sand.u32 $0x1FFFFFF0, s6;
	s8 =	spop (v2sf)  }
0x4b3: {  	s9 =	sadd.s32 s5, s7;
	s10 =	sand.u32 $0x1FFFFFF0, s8;
	s12 =	spop (v2sf)  }
0x4b4: {  	[tilespmem:s24], [sflag:$0x3] =	stream.linear.gather [hbm4b:s9+s2], $0x80, $0x38;
	[tilespmem:$0x18A00] =	vst v63  }
0x4b5: {  	s13 =	sadd.s32 s4, s10;
	s16 =	sand.u32 $0x1FFFFFF0, s12;
	s17 =	spop (v2sf)  }
0x4b6: {  	[tilespmem:s20], [sflag:$0x3] =	stream.linear.gather [hbm4b:s13+s2], $0x80, $0x38;
	[tilespmem:$0x18A00] =	vst v63  }
0x4b7: {  	s18 =	sadd.s32 s4, s16;
	s19 =	sand.u32 $0x1FFFFFF0, s17;
	s20 =	spop (v2sf)  }
0x4b8: {  	[tilespmem:s21], [sflag:$0x3] =	stream.linear.gather [hbm4b:s18+s2], $0x80, $0x38;
	[tilespmem:$0x18A00] =	vst v63  }
0x4b9: {  	s22 =	sadd.s32 s5, s19;
	s23 =	sand.u32 $0x1FFFFFF0, s20;
	s24 =	spop (v2sf)  }
0x4ba: {  	[tilespmem:s14], [sflag:$0x3] =	stream.linear.gather [hbm4b:s22+s2], $0x80, $0x38;
	[tilespmem:$0x18A00] =	vst v63  }
0x4bb: {  	s25 =	sadd.s32 s4, s23;
	s26 =	sand.u32 $0x1FFFFFF0, s24;
	s28 =	spop (v2sf)  }
0x4bc: {  	[tilespmem:s11], [sflag:$0x3] =	stream.linear.gather [hbm4b:s25+s2], $0x80, $0x38;
	[tilespmem:$0x18A00] =	vst v63  }
0x4bd: {  	s29 =	sadd.s32 s4, s26;
	s30 =	sand.u32 $0x1FFFFFF0, s28  }
0x4be: {  	[tilespmem:s15], [sflag:$0x3] =	stream.linear.gather [hbm4b:s29+s2], $0x80, $0x38;
	[tilespmem:$0x18A00] =	vst v63  }
0x4bf: {  	s0 =	sadd.s32 $0x15180, s0;
	s1 =	simm.s32 $0x2;
	s31 =	sadd.s32 s5, s30  }
0x4c0: {  	[tilespmem:s0], [sflag:$0x3] =	stream.linear.gather [hbm4b:s31+s2], $0x80, $0x38;
	[tilespmem:$0x18A00] =	vst v63  }
0x4c1: {  	_ =	swait.ge [sflag:s1], $0x80  }
0x4c2: {  	[sflag:s1] =	ssyncset.done $0x0  }
0x4c3: {  	[sflag:s1] =	ssyncadd.s32 $0xFFFFFF80  }
0x4c4: {  	_ =	swait.ge [sflag:s1], $0x80  }
0x4c5: {  	[sflag:s1] =	ssyncset.done $0x0  }
0x4c6: {  	[sflag:s1] =	ssyncadd.s32 $0xFFFFFF80  }
0x4c7: {  	_ =	swait.ge [sflag:s1], $0x80  }
0x4c8: {  	s0 =	simm.s32 $0x7F;
	[sflag:s1] =	ssyncset.done $0x0  }
.LBB2_14:
0x4c9: {  	p0 =	sne.s32 s0, $0x1;
	s0 =	sadd.s32 $0xFFFFFFFF, s0;
	[sflag:s1] =	ssyncadd.s32 $0xFFFFFF80  }
0x4ca: {  	_ =	swait.ge [sflag:s1], $0x80  }
0x4cb: {  	[sflag:s1] =	ssyncset.done $0x0  }
0x4cc: {  	[sflag:s1] =	ssyncadd.s32 $0xFFFFFF80  }
.Ltmp6:
0x4cd: {  	_ =	swait.ge [sflag:s1], $0x80;
	(pc) =	sbr.rel @p0 .LBB2_14-.Ltmp6, $4  }
0x4ce: {  	[sflag:s1] =	ssyncset.done $0x0  }
0x4cf: {  	[sflag:s1] =	ssyncadd.s32 $0xFFFFFF80  }
0x4d0: {  	_ =	swait.ge [sflag:s1], $0x80  }
0x4d1: {  	[sflag:s1] =	ssyncset.done $0x0  }
0x4d2: {  	s0 =	sld [smem:$0x7F7];
	_ =	sdelay $0x1  }
0x4d3: {  	[sflag:s1] =	ssyncadd.s32 $0xFFFFFF80;
	s26 =	simm.s32 $0xA00;
	s3 =	simm.s32 $0x4  }
0x4d4: {  	[hbm4b:s0+s2] =	stream.linear.scatter [tilespmem:s26], [sflag:$0x4], $0x4000, $0x38;
	[tilespmem:$0x18A00] =	vst v63  }
0x4d5: {  	_ =	swait.ge [sflag:s3], $0x4000  }
0x4d6: {  	s28 =	sld [smem:$0x7F8]  }
0x4d7: {  	[sflag:s3] =	ssyncset.done $0x0  }
0x4d8: {  	s29 =	simm.s32 $0x4A00;
	[sflag:s3] =	ssyncadd.s32 $0xFFFFC000  }
0x4d9: {  	[hbm4b:s28+s2] =	stream.linear.scatter [tilespmem:s29], [sflag:$0x4], $0x4000, $0x38;
	[tilespmem:$0x18A00] =	vst v63  }
0x4da: {  	_ =	swait.ge [sflag:s3], $0x4000  }
0x4db: {  	s30 =	sld [smem:$0x7F9]  }
0x4dc: {  	[sflag:s3] =	ssyncset.done $0x0  }
0x4dd: {  	s31 =	simm.s32 $0x8A00;
	[sflag:s3] =	ssyncadd.s32 $0xFFFFC000  }
0x4de: {  	[hbm4b:s30+s2] =	stream.linear.scatter [tilespmem:s31], [sflag:$0x4], $0x4000, $0x38;
	[tilespmem:$0x18A00] =	vst v63  }
0x4df: {  	_ =	swait.ge [sflag:s3], $0x4000  }
0x4e0: {  	[sflag:s3] =	ssyncset.done $0x0  }
0x4e1: {  	s1 =	simm.s32 $0x3;
	[sflag:s3] =	ssyncadd.s32 $0xFFFFC000  }
0x4e2: {  	_ =	swait.ge [sflag:s1], $0x80  }
0x4e3: {  	[sflag:s1] =	ssyncset.done $0x0  }
0x4e4: {  	[sflag:s1] =	ssyncadd.s32 $0xFFFFFF80  }
0x4e5: {  	_ =	swait.ge [sflag:s1], $0x80  }
0x4e6: {  	[sflag:s1] =	ssyncset.done $0x0  }
0x4e7: {  	[sflag:s1] =	ssyncadd.s32 $0xFFFFFF80  }
0x4e8: {  	_ =	swait.ge [sflag:s1], $0x80  }
0x4e9: {  	s0 =	simm.s32 $0x7F;
	[sflag:s1] =	ssyncset.done $0x0  }
.LBB2_16:
0x4ea: {  	p0 =	sne.s32 s0, $0x1;
	s0 =	sadd.s32 $0xFFFFFFFF, s0;
	[sflag:s1] =	ssyncadd.s32 $0xFFFFFF80  }
0x4eb: {  	_ =	swait.ge [sflag:s1], $0x80  }
0x4ec: {  	[sflag:s1] =	ssyncset.done $0x0  }
0x4ed: {  	[sflag:s1] =	ssyncadd.s32 $0xFFFFFF80  }
.Ltmp7:
0x4ee: {  	_ =	swait.ge [sflag:s1], $0x80;
	(pc) =	sbr.rel @p0 .LBB2_16-.Ltmp7, $4  }
0x4ef: {  	[sflag:s1] =	ssyncset.done $0x0  }
0x4f0: {  	[sflag:s1] =	ssyncadd.s32 $0xFFFFFF80  }
0x4f1: {  	_ =	swait.ge [sflag:s1], $0x80  }
0x4f2: {  	[sflag:s1] =	ssyncset.done $0x0  }
0x4f3: {  	s0 =	sld [smem:$0x7FA];
	_ =	sdelay $0x1  }
0x4f4: {  	[sflag:s1] =	ssyncadd.s32 $0xFFFFFF80;
	s24 =	simm.s32 $0xCA00  }
0x4f5: {  	[hbm4b:s0+s2] =	stream.linear.scatter [tilespmem:s24], [sflag:$0x4], $0x4000, $0x38;
	[tilespmem:$0x18A00] =	vst v63  }
0x4f6: {  	_ =	swait.ge [sflag:s3], $0x4000  }
0x4f7: {  	s25 =	sld [smem:$0x7FB]  }
0x4f8: {  	[sflag:s3] =	ssyncset.done $0x0  }
0x4f9: {  	s26 =	simm.s32 $0x10A00;
	[sflag:s3] =	ssyncadd.s32 $0xFFFFC000  }
0x4fa: {  	[hbm4b:s25+s2] =	stream.linear.scatter [tilespmem:s26], [sflag:$0x4], $0x4000, $0x38;
	[tilespmem:$0x18A00] =	vst v63  }
0x4fb: {  	_ =	swait.ge [sflag:s3], $0x4000  }
0x4fc: {  	s28 =	sld [smem:$0x7FC]  }
0x4fd: {  	[sflag:s3] =	ssyncset.done $0x0  }
0x4fe: {  	s29 =	simm.s32 $0x14A00;
	[sflag:s3] =	ssyncadd.s32 $0xFFFFC000  }
0x4ff: {  	[hbm4b:s28+s2] =	stream.linear.scatter [tilespmem:s29], [sflag:$0x4], $0x4000, $0x38;
	[tilespmem:$0x18A00] =	vst v63  }
0x500: {  	_ =	swait.ge [sflag:s3], $0x4000  }
0x501: {  	s30 =	sld [smem:$0x7ED]  }
0x502: {  	s31 =	sld [smem:$0x7FD];
	_ =	sdelay $0x1  }
0x503: {  	s1 =	sadd.s32 $0x1, s30  }
0x504: {  	p0 =	sne.s32 s1, s31  }
.Ltmp8:
0x505: {  	_ = 	snop;
	(pc) =	sbr.rel @p0 .LBB2_1-.Ltmp8, $3  }
0x506: {  	_ =	sdelay $0x1  }
0x507: {  	[sflag:s3] =	ssyncset.done $0x0  }
0x508: {  	[sflag:s3] =	ssyncadd.s32 $0xFFFFC000  }
0x509: {  	_ =	sfence.sel $0x180000  }
0x50a: {  	[bflag:$0x0] =	sbarrier.arrive $0xFFFF  }
0x50b: {  	_ =	strace $0x90000047  }
0x50c: {  	s0 =	stileid.u32;
	[bflag:$0x2] =	sbarrier.arrive $0xFFFF  }
0x50d: {  	p0 =	sne.s32 s0, $0x0;
	s0 =	rddreg [dreg:$0x5]  }
0x50e: {  	s0 =	sadd.s32 @!p0 $0x100000, s0  }
0x50f: {  	[sflag:s0] =	ssyncadd.tile.s32 @!p0 $0x1;
	_ =	shalt  }
.Lfunc_end2:
_tile_overlayer_lowered:
.L_overlay_start_2:
0x510: {  	(tag) =	ssettag $0x2  }
0x511: {  	s0 =	rddreg [dreg:$0x0];
	s2 =	stileid.u32  }
0x512: {  	s1 =	rddreg [dreg:$0x1];
	p0 =	sne.s32 s2, $0x0  }
0x513: {  	s3 =	rddreg [dreg:$0x2];
	[bflag:$0x3] =	sbarrier.arrive $0xFFFF;
	s2 =	simm.s32 @!p0 $0x1C04  }
0x514: {  	[timem:s3], [sflag:s2] =	dma.local @!p0 [hbm:s0], s1  }
0x515: {  	s0 =	simm.s32 @!p0 $0x4  }
0x516: {  	_ =	swait.ge @!p0 [sflag:s0], s1  }
0x517: {  	s1 =	ssub.s32 @!p0 $0x0, s1;
	[sflag:s0] =	ssyncset.done @!p0 $0x0  }
0x518: {  	[sflag:s0] =	ssyncadd.s32 @!p0 s1  }
0x519: {  	[bflag:$0x3] =	sbarrier.arrive $0xFFFF  }
0x51a: {  	_ =	shalt  }

</sc_bundles>
